<compile_context>
chip_gen: v7x
topology: tpu7x:2x2x1
jax: 0.10.2.dev20260603
libtpu: 0.0.44.dev20260713+nightly
codegen_flags: <defaults>
</compile_context>

<pallas_src>
import functools

import jax
import jax.numpy as jnp
from jax import lax
from jax.experimental import pallas as pl
from jax.experimental.pallas import tpu as pltpu
from jax.experimental.pallas import tpu_sc as plsc

EPS = 1e-5
F32 = jnp.float32
CH = 128
NCORES = 2
NSUB = 16
NTILES = NCORES * NSUB



def _build_sc_ones_scatter(n_pad, d, ncht, cpt):
    rpt = n_pad // NSUB
    grp = cpt // 2

    @functools.partial(
        pl.kernel,
        out_type=jax.ShapeDtypeStruct((NCORES * n_pad, d), F32),
        mesh=plsc.VectorSubcoreMesh(core_axis_name="c", subcore_axis_name="s"),
        scratch_types=[
            pltpu.VMEM((grp, CH), jnp.int32),
            pltpu.VMEM((CH, d), F32),
            pltpu.VMEM_SHARED((n_pad, d), F32),
            pltpu.SemaphoreType.DMA,
        ],
    )
    def sc_ones(col_hbm, out_hbm, idx_col, ones_v, agg_sh, ssem):
        c = lax.axis_index("c")
        s = lax.axis_index("s")
        tile = c * NSUB + s
        chunk0 = tile * cpt

        def fill(val):
            vv = jnp.full((16,), val, F32)

            def body(r, carry):
                for q in range(d // 16):
                    ones_v[r, pl.ds(q * 16, 16)] = vv
                return carry

            lax.fori_loop(0, CH, body, 0)

        fill(0.0)
        base = s * rpt
        for off in range(0, rpt - CH + 1, CH):
            pltpu.sync_copy(ones_v, agg_sh.at[pl.ds(base + off, CH)])
        if rpt % CH:
            pltpu.sync_copy(ones_v, agg_sh.at[pl.ds(base + rpt - CH, CH)])
        fill(1.0)
        plsc.subcore_barrier()

        def s_start(j):
            pltpu.async_copy(ones_v, agg_sh.at[idx_col.at[j]],
                             ssem, add=True)

        def s_wait():
            pltpu.make_async_copy(ones_v,
                                  agg_sh.at[idx_col.at[0]], ssem).wait()

        for g in range(2):
            pltpu.sync_copy(
                col_hbm.at[pl.ds(chunk0 + g * grp, grp)], idx_col)
            s_start(0)
            s_start(1)

            def chunk_body(j, carry):
                s_start(j + 2)
                s_wait()
                return carry

            lax.fori_loop(0, grp - 2, chunk_body, 0)
            s_wait()
            s_wait()

        plsc.subcore_barrier()
        pltpu.sync_copy(agg_sh.at[pl.ds(base, rpt)],
                        out_hbm.at[pl.ds(c * n_pad + base, rpt)])

    return sc_ones


def _build_sc_scatter(n_pad, d, ncht, cpt):
    rpt = n_pad // NSUB
    grp = cpt // 2

    @functools.partial(
        pl.kernel,
        out_type=jax.ShapeDtypeStruct((NCORES * n_pad, d), F32),
        mesh=plsc.VectorSubcoreMesh(core_axis_name="c", subcore_axis_name="s"),
        scratch_types=[
            pltpu.VMEM((grp, CH), jnp.int32),
            pltpu.VMEM((grp, CH), jnp.int32),
            pltpu.VMEM((2, CH, d), F32),
            pltpu.VMEM_SHARED((n_pad, d), F32),
            pltpu.SemaphoreType.DMA,
            pltpu.SemaphoreType.DMA,
        ],
    )
    def sc_scatter(xs_hbm, row_hbm, col_hbm, out_hbm,
                   idx_row, idx_col, rows_v, agg_sh, gsem, ssem):
        c = lax.axis_index("c")
        s = lax.axis_index("s")
        tile = c * NSUB + s
        chunk0 = tile * cpt

        zv = jnp.zeros((16,), F32)

        def fill_zero(r, carry):
            for q in range(d // 16):
                rows_v[0, r, pl.ds(q * 16, 16)] = zv
            return carry

        lax.fori_loop(0, CH, fill_zero, 0)

        base = s * rpt
        for off in range(0, rpt - CH + 1, CH):
            pltpu.sync_copy(rows_v.at[0], agg_sh.at[pl.ds(base + off, CH)])
        if rpt % CH:
            pltpu.sync_copy(rows_v.at[0], agg_sh.at[pl.ds(base + rpt - CH, CH)])
        plsc.subcore_barrier()

        def g_start(j, b):
            pltpu.async_copy(xs_hbm.at[idx_row.at[j]], rows_v.at[b], gsem)

        def g_wait():
            pltpu.make_async_copy(xs_hbm.at[idx_row.at[0]],
                                  rows_v.at[0], gsem).wait()

        def s_start(j, b):
            pltpu.async_copy(rows_v.at[b], agg_sh.at[idx_col.at[j]],
                             ssem, add=True)

        def s_wait():
            pltpu.make_async_copy(rows_v.at[0],
                                  agg_sh.at[idx_col.at[0]], ssem).wait()

        for g in range(2):
            pltpu.sync_copy(
                row_hbm.at[pl.ds(chunk0 + g * grp, grp)], idx_row)
            pltpu.sync_copy(
                col_hbm.at[pl.ds(chunk0 + g * grp, grp)], idx_col)

            g_start(0, 0)

            def chunk_body(j, carry):
                b = lax.rem(j, 2)

                @pl.when(j > 0)
                def _():
                    s_wait()

                @pl.when(j + 1 < grp)
                def _():
                    g_start(j + 1, 1 - b)

                g_wait()
                s_start(j, b)
                return carry

            lax.fori_loop(0, grp, chunk_body, 0)
            s_wait()

        plsc.subcore_barrier()
        pltpu.sync_copy(agg_sh.at[pl.ds(base, rpt)],
                        out_hbm.at[pl.ds(c * n_pad + base, rpt)])

    return sc_scatter



def _tc_h0_body(x_ref, win_ref, bin_ref, h_ref):
    h_ref[...] = jnp.dot(x_ref[...], win_ref[...], preferred_element_type=F32,
                         precision=lax.Precision.DEFAULT) + bin_ref[...]


def _tc_xs0_body(degp_ref, h_ref, w0_ref, xs_ref, dis_ref):
    n = h_ref.shape[0]
    n_pad = degp_ref.shape[0] // 2
    deg = degp_ref[:n, 0:1] + degp_ref[n_pad:n_pad + n, 0:1] + 1.0
    dis = lax.rsqrt(deg)
    xs_ref[...] = jnp.dot(h_ref[...], w0_ref[...], preferred_element_type=F32,
                          precision=lax.Precision.DEFAULT) * dis
    dis_ref[...] = dis


def _combined_s(sp_ref, n):
    n_pad = sp_ref.shape[0] // 2
    return sp_ref[:n, :] + sp_ref[n_pad:n_pad + n, :]


def _bn_relu_res(sp_ref, xs_ref, h_ref, dis, bcv_ref, gam_ref, bet_ref):
    n = h_ref.shape[0]
    agg = dis * (_combined_s(sp_ref, n) + xs_ref[...]) + bcv_ref[...]
    mean = jnp.mean(agg, axis=0, keepdims=True)
    ctr = agg - mean
    var = jnp.mean(ctr * ctr, axis=0, keepdims=True)
    hn = gam_ref[...] * ctr * lax.rsqrt(var + EPS) + bet_ref[...]
    hn = jnp.maximum(hn, 0.0)
    return h_ref[...] + hn


def _tc_mid_body(sp_ref, xs_ref, h_ref, dis_ref, bcv_ref, gam_ref, bet_ref,
                 wn_ref, hout_ref, xsn_ref):
    dis = dis_ref[...]
    h_new = _bn_relu_res(sp_ref, xs_ref, h_ref, dis, bcv_ref, gam_ref,
                         bet_ref)
    hout_ref[...] = h_new
    xsn_ref[...] = jnp.dot(h_new, wn_ref[...], preferred_element_type=F32,
                           precision=lax.Precision.DEFAULT) * dis


def _tc_final_body(sp_ref, xs_ref, h_ref, dis_ref, bcv_ref, gam_ref, bet_ref,
                   wout_ref, bout_ref, y_ref):
    h_new = _bn_relu_res(sp_ref, xs_ref, h_ref, dis_ref[...], bcv_ref,
                         gam_ref, bet_ref)
    y_ref[...] = jnp.dot(h_new, wout_ref[...], preferred_element_type=F32,
                         precision=lax.Precision.DEFAULT) + bout_ref[...]



def kernel(x, edge_index, W_in, b_in, W_conv, b_conv, gamma, beta,
           W_out, b_out):
    n, _ = x.shape
    d = W_in.shape[1]
    num_layers = W_conv.shape[0]
    e = edge_index.shape[1]

    n_pad = ((n + 64 + 63) // 64) * 64
    cpt = ((-(-e // (CH * NTILES)) + 15) // 16) * 16
    e_pad = cpt * CH * NTILES
    ncht = e_pad // CH

    pad = e_pad - e
    prow = (jnp.arange(pad, dtype=jnp.int32) * 97) % n
    pcol = n + (jnp.arange(pad, dtype=jnp.int32) % (n_pad - n))
    row_p = jnp.concatenate([edge_index[0], prow]).reshape(ncht, CH)
    col_p = jnp.concatenate([edge_index[1], pcol]).reshape(ncht, CH)

    sc_ones = _build_sc_ones_scatter(n_pad, d, ncht, cpt)
    sc_scatter = _build_sc_scatter(n_pad, d, ncht, cpt)

    degp = sc_ones(col_p)

    b_in2 = b_in.reshape(1, d)
    b_out2 = b_out.reshape(1, d)

    h = pl.pallas_call(
        _tc_h0_body,
        out_shape=jax.ShapeDtypeStruct((n, d), F32),
    )(x, W_in, b_in2)
    xs, dis = pl.pallas_call(
        _tc_xs0_body,
        out_shape=[
            jax.ShapeDtypeStruct((n, d), F32),
            jax.ShapeDtypeStruct((n, 1), F32),
        ],
    )(degp, h, W_conv[0])

    for i in range(num_layers):
        sp = sc_scatter(xs, row_p, col_p)
        bcv = b_conv[i].reshape(1, d)
        gam = gamma[i].reshape(1, d)
        bet = beta[i].reshape(1, d)
        cp = pltpu.CompilerParams(vmem_limit_bytes=64 * 1024 * 1024)
        if i < num_layers - 1:
            h, xs = pl.pallas_call(
                _tc_mid_body,
                out_shape=[
                    jax.ShapeDtypeStruct((n, d), F32),
                    jax.ShapeDtypeStruct((n, d), F32),
                ],
                compiler_params=cp,
            )(sp, xs, h, dis, bcv, gam, bet, W_conv[i + 1])
        else:
            out = pl.pallas_call(
                _tc_final_body,
                out_shape=jax.ShapeDtypeStruct((n, d), F32),
                compiler_params=cp,
            )(sp, xs, h, dis, bcv, gam, bet, W_out, b_out2)
    return out

# --- scband reference (transcript-rebuilt; emitter-appended) ---
"""Pipeline reference for scband-mol-gnet-72335839199972 (READ-ONLY COPY).

The authoritative reference and input builder live on the scoring server;
editing this copy changes nothing except your own understanding.
"""

import jax, jax.numpy as jnp
import numpy as np

N = 10000
E = 320000
D_IN = 128
D = 128
L = 5
EPS = 1e-5


def setup_inputs(seed: int = 0):
    key = jax.random.key(seed)
    ks = jax.random.split(key, 6)
    x = jax.random.normal(ks[0], (N, D_IN), dtype=jnp.float32)
    edge_index = jax.random.randint(ks[1], (2, E), 0, N, dtype=jnp.int32)
    s = 1.0 / np.sqrt(D)
    W_in = jax.random.normal(ks[2], (D_IN, D), dtype=jnp.float32) * s
    b_in = jnp.zeros((D,), dtype=jnp.float32)
    W_conv = jax.random.normal(ks[3], (L, D, D), dtype=jnp.float32) * s
    b_conv = jnp.zeros((L, D), dtype=jnp.float32)
    gamma = jnp.ones((L, D), dtype=jnp.float32)
    beta = jnp.zeros((L, D), dtype=jnp.float32)
    W_out = jax.random.normal(ks[4], (D, D), dtype=jnp.float32) * s
    b_out = jnp.zeros((D,), dtype=jnp.float32)
    return {"x": x, "edge_index": edge_index, "W_in": W_in, "b_in": b_in,
            "W_conv": W_conv, "b_conv": b_conv, "gamma": gamma, "beta": beta,
            "W_out": W_out, "b_out": b_out}


def reference(x, edge_index, W_in, b_in, W_conv, b_conv, gamma, beta, W_out, b_out):
    n = x.shape[0]
    # GCNConv normalization with self-loops (computed once; shared across layers)
    loops = jnp.arange(n, dtype=edge_index.dtype)
    row = jnp.concatenate([edge_index[0], loops])
    col = jnp.concatenate([edge_index[1], loops])
    deg = jnp.zeros((n,), dtype=jnp.float32).at[col].add(1.0)
    dis = jnp.where(deg > 0, 1.0 / jnp.sqrt(deg), 0.0)
    norm = dis[row] * dis[col]

    h = x @ W_in + b_in
    for i in range(L):
        # GCNConv: D^{-1/2}(A+I)D^{-1/2} X W + b
        xw = h @ W_conv[i]
        msg = xw[row] * norm[:, None]
        agg = jnp.zeros((n, xw.shape[1]), dtype=xw.dtype).at[col].add(msg)
        agg = agg + b_conv[i]
        # BatchNorm1d (training mode: batch statistics, biased variance)
        mean = agg.mean(axis=0)
        var = agg.var(axis=0)
        hn = gamma[i] * (agg - mean) / jnp.sqrt(var + EPS) + beta[i]
        hn = jax.nn.relu(hn)
        h = h + hn  # residual
    return h @ W_out + b_out

if __name__ == "__main__":
    import jax
    _d = setup_inputs()
    print(jax.jit(kernel)(*tuple(_d.values())))

</pallas_src>

<mosaic_0001>
#map = affine_map<(d0, d1) -> (0, 0)>
module attributes {stable_mosaic.version = 14 : i64} {
  func.func @sc_ones(%arg0: i32, %arg1: i32, %arg2: memref<2560x128xi32, #tpu.memory_space<hbm>>, %arg3: memref<20224x128xf32, #tpu.memory_space<hbm>>, %arg4: memref<40x128xi32, #tpu.memory_space<vmem>>, %arg5: memref<128x128xf32, #tpu.memory_space<vmem>>, %arg6: memref<10112x128xf32, #tpu.memory_space<vmem_shared>>, %arg7: memref<!tpu.dma_semaphore, #tpu.memory_space<semaphore_mem>>) attributes {dimension_semantics = [#tpu.dimension_semantics<core_parallel>, #tpu.dimension_semantics<subcore_parallel>], iteration_bounds = array<i64: 2, 16>, scalar_prefetch = 0 : i64, scratch_operands = 4 : i64, tpu.core_type = #tpu.core_type<sc_vector_subcore>, window_params = [{transform_indices = #map}, {transform_indices = #map}]} {
    %mul3A = arith.constant 16 : i32
    %mul3A_0 = arith.muli %arg0, %mul3A : i32
    %add3A = arith.addi %mul3A_0, %arg1 : i32
    %mul3A_1 = arith.constant 80 : i32
    %mul3A_2 = arith.muli %add3A, %mul3A_1 : i32
    %broadcast_in_dim3A = arith.constant 0.000000e+00 : f32
    %broadcast_in_dim3A_3 = vector.broadcast %broadcast_in_dim3A : f32 to vector<16xf32>
    %scan3A = arith.constant 0 : i32
    %scan3A_4 = arith.constant 0 : i32
    %scan3A_5 = arith.constant 128 : i32
    %scan3A_6 = arith.addi %scan3A_4, %scan3A_5 : i32
    %scan3A_7 = arith.constant 1 : i32
    scf.for %scan3A_104 = %scan3A_4 to %scan3A_6 step %scan3A_7  : i32 {
      %swap3A = arith.index_cast %scan3A_104 : i32 to index
      %swap3A_105 = arith.constant 0 : index
      %swap3A_106 = tpu.vector_load %arg5[%swap3A, %swap3A_105] {strides = array<i32>} : memref<128x128xf32, #tpu.memory_space<vmem>>, vector<1x16xf32>,
      %swap3A_107 = vector.shape_cast %swap3A_106 : vector<1x16xf32> to vector<16xf32>
      %swap3A_108 = vector.shape_cast %broadcast_in_dim3A_3 : vector<16xf32> to vector<1x16xf32>
      tpu.vector_store %arg5[%swap3A, %swap3A_105], %swap3A_108 {strides = array<i32>} : memref<128x128xf32, #tpu.memory_space<vmem>>, vector<1x16xf32>,
      %swap3A_109 = arith.index_cast %scan3A_104 : i32 to index
      %swap3A_110 = arith.constant 16 : index
      %swap3A_111 = tpu.vector_load %arg5[%swap3A_109, %swap3A_110] {strides = array<i32>} : memref<128x128xf32, #tpu.memory_space<vmem>>, vector<1x16xf32>,
      %swap3A_112 = vector.shape_cast %swap3A_111 : vector<1x16xf32> to vector<16xf32>
      %swap3A_113 = vector.shape_cast %broadcast_in_dim3A_3 : vector<16xf32> to vector<1x16xf32>
      tpu.vector_store %arg5[%swap3A_109, %swap3A_110], %swap3A_113 {strides = array<i32>} : memref<128x128xf32, #tpu.memory_space<vmem>>, vector<1x16xf32>,
      %swap3A_114 = arith.index_cast %scan3A_104 : i32 to index
      %swap3A_115 = arith.constant 32 : index
      %swap3A_116 = tpu.vector_load %arg5[%swap3A_114, %swap3A_115] {strides = array<i32>} : memref<128x128xf32, #tpu.memory_space<vmem>>, vector<1x16xf32>,
      %swap3A_117 = vector.shape_cast %swap3A_116 : vector<1x16xf32> to vector<16xf32>
      %swap3A_118 = vector.shape_cast %broadcast_in_dim3A_3 : vector<16xf32> to vector<1x16xf32>
      tpu.vector_store %arg5[%swap3A_114, %swap3A_115], %swap3A_118 {strides = array<i32>} : memref<128x128xf32, #tpu.memory_space<vmem>>, vector<1x16xf32>,
      %swap3A_119 = arith.index_cast %scan3A_104 : i32 to index
      %swap3A_120 = arith.constant 48 : index
      %swap3A_121 = tpu.vector_load %arg5[%swap3A_119, %swap3A_120] {strides = array<i32>} : memref<128x128xf32, #tpu.memory_space<vmem>>, vector<1x16xf32>,
      %swap3A_122 = vector.shape_cast %swap3A_121 : vector<1x16xf32> to vector<16xf32>
      %swap3A_123 = vector.shape_cast %broadcast_in_dim3A_3 : vector<16xf32> to vector<1x16xf32>
      tpu.vector_store %arg5[%swap3A_119, %swap3A_120], %swap3A_123 {strides = array<i32>} : memref<128x128xf32, #tpu.memory_space<vmem>>, vector<1x16xf32>,
      %swap3A_124 = arith.index_cast %scan3A_104 : i32 to index
      %swap3A_125 = arith.constant 64 : index
      %swap3A_126 = tpu.vector_load %arg5[%swap3A_124, %swap3A_125] {strides = array<i32>} : memref<128x128xf32, #tpu.memory_space<vmem>>, vector<1x16xf32>,
      %swap3A_127 = vector.shape_cast %swap3A_126 : vector<1x16xf32> to vector<16xf32>
      %swap3A_128 = vector.shape_cast %broadcast_in_dim3A_3 : vector<16xf32> to vector<1x16xf32>
      tpu.vector_store %arg5[%swap3A_124, %swap3A_125], %swap3A_128 {strides = array<i32>} : memref<128x128xf32, #tpu.memory_space<vmem>>, vector<1x16xf32>,
      %swap3A_129 = arith.index_cast %scan3A_104 : i32 to index
      %swap3A_130 = arith.constant 80 : index
      %swap3A_131 = tpu.vector_load %arg5[%swap3A_129, %swap3A_130] {strides = array<i32>} : memref<128x128xf32, #tpu.memory_space<vmem>>, vector<1x16xf32>,
      %swap3A_132 = vector.shape_cast %swap3A_131 : vector<1x16xf32> to vector<16xf32>
      %swap3A_133 = vector.shape_cast %broadcast_in_dim3A_3 : vector<16xf32> to vector<1x16xf32>
      tpu.vector_store %arg5[%swap3A_129, %swap3A_130], %swap3A_133 {strides = array<i32>} : memref<128x128xf32, #tpu.memory_space<vmem>>, vector<1x16xf32>,
      %swap3A_134 = arith.index_cast %scan3A_104 : i32 to index
      %swap3A_135 = arith.constant 96 : index
      %swap3A_136 = tpu.vector_load %arg5[%swap3A_134, %swap3A_135] {strides = array<i32>} : memref<128x128xf32, #tpu.memory_space<vmem>>, vector<1x16xf32>,
      %swap3A_137 = vector.shape_cast %swap3A_136 : vector<1x16xf32> to vector<16xf32>
      %swap3A_138 = vector.shape_cast %broadcast_in_dim3A_3 : vector<16xf32> to vector<1x16xf32>
      tpu.vector_store %arg5[%swap3A_134, %swap3A_135], %swap3A_138 {strides = array<i32>} : memref<128x128xf32, #tpu.memory_space<vmem>>, vector<1x16xf32>,
      %swap3A_139 = arith.index_cast %scan3A_104 : i32 to index
      %swap3A_140 = arith.constant 112 : index
      %swap3A_141 = tpu.vector_load %arg5[%swap3A_139, %swap3A_140] {strides = array<i32>} : memref<128x128xf32, #tpu.memory_space<vmem>>, vector<1x16xf32>,
      %swap3A_142 = vector.shape_cast %swap3A_141 : vector<1x16xf32> to vector<16xf32>
      %swap3A_143 = vector.shape_cast %broadcast_in_dim3A_3 : vector<16xf32> to vector<1x16xf32>
      tpu.vector_store %arg5[%swap3A_139, %swap3A_140], %swap3A_143 {strides = array<i32>} : memref<128x128xf32, #tpu.memory_space<vmem>>, vector<1x16xf32>,
    }
    %scan3A_8 = arith.constant 128 : i32
    %mul3A_9 = arith.constant 632 : i32
    %mul3A_10 = arith.muli %arg1, %mul3A_9 : i32
    %add3A_11 = arith.constant 0 : i32
    %add3A_12 = arith.addi %mul3A_10, %add3A_11 : i32
    "tpu.region"() ({
      %run_scoped3A = tpu.sem_alloc : memref<!tpu.dma_semaphore, #tpu.memory_space<semaphore_mem>>
      %dma_start3A_104 = arith.constant 0 : i32
      %dma_start3A_105 = tpu.memref_slice %arg6[%add3A_12, %dma_start3A_104] : memref<10112x128xf32, #tpu.memory_space<vmem_shared>> -> memref<128x128xf32, #tpu.memory_space<vmem_shared>>
      %dma_start3A_106 = arith.constant 0 : i32
      %dma_start3A_107 = tpu.memref_slice %arg6[%add3A_12, %dma_start3A_106] : memref<10112x128xf32, #tpu.memory_space<vmem_shared>> -> memref<128x128xf32, #tpu.memory_space<vmem_shared>>
      tpu.enqueue_dma source(%arg5 : memref<128x128xf32, #tpu.memory_space<vmem>>) target(%dma_start3A_107 : memref<128x128xf32, #tpu.memory_space<vmem_shared>>) target_semaphore(%run_scoped3A : memref<!tpu.dma_semaphore, #tpu.memory_space<semaphore_mem>>)
      %dma_wait3A_108 = arith.constant 0 : i32
      %dma_wait3A_109 = tpu.memref_slice %arg6[%add3A_12, %dma_wait3A_108] : memref<10112x128xf32, #tpu.memory_space<vmem_shared>> -> memref<128x128xf32, #tpu.memory_space<vmem_shared>>
      %dma_wait3A_110 = arith.constant 0 : i32
      %dma_wait3A_111 = tpu.memref_slice %arg6[%add3A_12, %dma_wait3A_110] : memref<10112x128xf32, #tpu.memory_space<vmem_shared>> -> memref<128x128xf32, #tpu.memory_space<vmem_shared>>
      tpu.wait_dma2 semaphore(%run_scoped3A : memref<!tpu.dma_semaphore, #tpu.memory_space<semaphore_mem>>) src(%arg5 : memref<128x128xf32, #tpu.memory_space<vmem>>) dst(%dma_wait3A_111 : memref<128x128xf32, #tpu.memory_space<vmem_shared>>)
      tpu.yield
    }) : () -> ()
    %add3A_13 = arith.constant 128 : i32
    %add3A_14 = arith.addi %mul3A_10, %add3A_13 : i32
    "tpu.region"() ({
      %run_scoped3A = tpu.sem_alloc : memref<!tpu.dma_semaphore, #tpu.memory_space<semaphore_mem>>
      %dma_start3A_104 = arith.constant 0 : i32
      %dma_start3A_105 = tpu.memref_slice %arg6[%add3A_14, %dma_start3A_104] : memref<10112x128xf32, #tpu.memory_space<vmem_shared>> -> memref<128x128xf32, #tpu.memory_space<vmem_shared>>
      %dma_start3A_106 = arith.constant 0 : i32
      %dma_start3A_107 = tpu.memref_slice %arg6[%add3A_14, %dma_start3A_106] : memref<10112x128xf32, #tpu.memory_space<vmem_shared>> -> memref<128x128xf32, #tpu.memory_space<vmem_shared>>
      tpu.enqueue_dma source(%arg5 : memref<128x128xf32, #tpu.memory_space<vmem>>) target(%dma_start3A_107 : memref<128x128xf32, #tpu.memory_space<vmem_shared>>) target_semaphore(%run_scoped3A : memref<!tpu.dma_semaphore, #tpu.memory_space<semaphore_mem>>)
      %dma_wait3A_108 = arith.constant 0 : i32
      %dma_wait3A_109 = tpu.memref_slice %arg6[%add3A_14, %dma_wait3A_108] : memref<10112x128xf32, #tpu.memory_space<vmem_shared>> -> memref<128x128xf32, #tpu.memory_space<vmem_shared>>
      %dma_wait3A_110 = arith.constant 0 : i32
      %dma_wait3A_111 = tpu.memref_slice %arg6[%add3A_14, %dma_wait3A_110] : memref<10112x128xf32, #tpu.memory_space<vmem_shared>> -> memref<128x128xf32, #tpu.memory_space<vmem_shared>>
      tpu.wait_dma2 semaphore(%run_scoped3A : memref<!tpu.dma_semaphore, #tpu.memory_space<semaphore_mem>>) src(%arg5 : memref<128x128xf32, #tpu.memory_space<vmem>>) dst(%dma_wait3A_111 : memref<128x128xf32, #tpu.memory_space<vmem_shared>>)
      tpu.yield
    }) : () -> ()
    %add3A_15 = arith.constant 256 : i32
    %add3A_16 = arith.addi %mul3A_10, %add3A_15 : i32
    "tpu.region"() ({
      %run_scoped3A = tpu.sem_alloc : memref<!tpu.dma_semaphore, #tpu.memory_space<semaphore_mem>>
      %dma_start3A_104 = arith.constant 0 : i32
      %dma_start3A_105 = tpu.memref_slice %arg6[%add3A_16, %dma_start3A_104] : memref<10112x128xf32, #tpu.memory_space<vmem_shared>> -> memref<128x128xf32, #tpu.memory_space<vmem_shared>>
      %dma_start3A_106 = arith.constant 0 : i32
      %dma_start3A_107 = tpu.memref_slice %arg6[%add3A_16, %dma_start3A_106] : memref<10112x128xf32, #tpu.memory_space<vmem_shared>> -> memref<128x128xf32, #tpu.memory_space<vmem_shared>>
      tpu.enqueue_dma source(%arg5 : memref<128x128xf32, #tpu.memory_space<vmem>>) target(%dma_start3A_107 : memref<128x128xf32, #tpu.memory_space<vmem_shared>>) target_semaphore(%run_scoped3A : memref<!tpu.dma_semaphore, #tpu.memory_space<semaphore_mem>>)
      %dma_wait3A_108 = arith.constant 0 : i32
      %dma_wait3A_109 = tpu.memref_slice %arg6[%add3A_16, %dma_wait3A_108] : memref<10112x128xf32, #tpu.memory_space<vmem_shared>> -> memref<128x128xf32, #tpu.memory_space<vmem_shared>>
      %dma_wait3A_110 = arith.constant 0 : i32
      %dma_wait3A_111 = tpu.memref_slice %arg6[%add3A_16, %dma_wait3A_110] : memref<10112x128xf32, #tpu.memory_space<vmem_shared>> -> memref<128x128xf32, #tpu.memory_space<vmem_shared>>
      tpu.wait_dma2 semaphore(%run_scoped3A : memref<!tpu.dma_semaphore, #tpu.memory_space<semaphore_mem>>) src(%arg5 : memref<128x128xf32, #tpu.memory_space<vmem>>) dst(%dma_wait3A_111 : memref<128x128xf32, #tpu.memory_space<vmem_shared>>)
      tpu.yield
    }) : () -> ()
    %add3A_17 = arith.constant 384 : i32
    %add3A_18 = arith.addi %mul3A_10, %add3A_17 : i32
    "tpu.region"() ({
      %run_scoped3A = tpu.sem_alloc : memref<!tpu.dma_semaphore, #tpu.memory_space<semaphore_mem>>
      %dma_start3A_104 = arith.constant 0 : i32
      %dma_start3A_105 = tpu.memref_slice %arg6[%add3A_18, %dma_start3A_104] : memref<10112x128xf32, #tpu.memory_space<vmem_shared>> -> memref<128x128xf32, #tpu.memory_space<vmem_shared>>
      %dma_start3A_106 = arith.constant 0 : i32
      %dma_start3A_107 = tpu.memref_slice %arg6[%add3A_18, %dma_start3A_106] : memref<10112x128xf32, #tpu.memory_space<vmem_shared>> -> memref<128x128xf32, #tpu.memory_space<vmem_shared>>
      tpu.enqueue_dma source(%arg5 : memref<128x128xf32, #tpu.memory_space<vmem>>) target(%dma_start3A_107 : memref<128x128xf32, #tpu.memory_space<vmem_shared>>) target_semaphore(%run_scoped3A : memref<!tpu.dma_semaphore, #tpu.memory_space<semaphore_mem>>)
      %dma_wait3A_108 = arith.constant 0 : i32
      %dma_wait3A_109 = tpu.memref_slice %arg6[%add3A_18, %dma_wait3A_108] : memref<10112x128xf32, #tpu.memory_space<vmem_shared>> -> memref<128x128xf32, #tpu.memory_space<vmem_shared>>
      %dma_wait3A_110 = arith.constant 0 : i32
      %dma_wait3A_111 = tpu.memref_slice %arg6[%add3A_18, %dma_wait3A_110] : memref<10112x128xf32, #tpu.memory_space<vmem_shared>> -> memref<128x128xf32, #tpu.memory_space<vmem_shared>>
      tpu.wait_dma2 semaphore(%run_scoped3A : memref<!tpu.dma_semaphore, #tpu.memory_space<semaphore_mem>>) src(%arg5 : memref<128x128xf32, #tpu.memory_space<vmem>>) dst(%dma_wait3A_111 : memref<128x128xf32, #tpu.memory_space<vmem_shared>>)
      tpu.yield
    }) : () -> ()
    %add3A_19 = arith.constant 632 : i32
    %add3A_20 = arith.addi %mul3A_10, %add3A_19 : i32
    %sub3A = arith.constant 128 : i32
    %sub3A_21 = arith.subi %add3A_20, %sub3A : i32
    "tpu.region"() ({
      %run_scoped3A = tpu.sem_alloc : memref<!tpu.dma_semaphore, #tpu.memory_space<semaphore_mem>>
      %dma_start3A_104 = arith.constant 0 : i32
      %dma_start3A_105 = tpu.memref_slice %arg6[%sub3A_21, %dma_start3A_104] : memref<10112x128xf32, #tpu.memory_space<vmem_shared>> -> memref<128x128xf32, #tpu.memory_space<vmem_shared>>
      %dma_start3A_106 = arith.constant 0 : i32
      %dma_start3A_107 = tpu.memref_slice %arg6[%sub3A_21, %dma_start3A_106] : memref<10112x128xf32, #tpu.memory_space<vmem_shared>> -> memref<128x128xf32, #tpu.memory_space<vmem_shared>>
      tpu.enqueue_dma source(%arg5 : memref<128x128xf32, #tpu.memory_space<vmem>>) target(%dma_start3A_107 : memref<128x128xf32, #tpu.memory_space<vmem_shared>>) target_semaphore(%run_scoped3A : memref<!tpu.dma_semaphore, #tpu.memory_space<semaphore_mem>>)
      %dma_wait3A_108 = arith.constant 0 : i32
      %dma_wait3A_109 = tpu.memref_slice %arg6[%sub3A_21, %dma_wait3A_108] : memref<10112x128xf32, #tpu.memory_space<vmem_shared>> -> memref<128x128xf32, #tpu.memory_space<vmem_shared>>
      %dma_wait3A_110 = arith.constant 0 : i32
      %dma_wait3A_111 = tpu.memref_slice %arg6[%sub3A_21, %dma_wait3A_110] : memref<10112x128xf32, #tpu.memory_space<vmem_shared>> -> memref<128x128xf32, #tpu.memory_space<vmem_shared>>
      tpu.wait_dma2 semaphore(%run_scoped3A : memref<!tpu.dma_semaphore, #tpu.memory_space<semaphore_mem>>) src(%arg5 : memref<128x128xf32, #tpu.memory_space<vmem>>) dst(%dma_wait3A_111 : memref<128x128xf32, #tpu.memory_space<vmem_shared>>)
      tpu.yield
    }) : () -> ()
    %broadcast_in_dim3A_22 = arith.constant 1.000000e+00 : f32
    %broadcast_in_dim3A_23 = vector.broadcast %broadcast_in_dim3A_22 : f32 to vector<16xf32>
    %scan3A_24 = arith.constant 0 : i32
    %scan3A_25 = arith.constant 0 : i32
    %scan3A_26 = arith.constant 128 : i32
    %scan3A_27 = arith.addi %scan3A_25, %scan3A_26 : i32
    %scan3A_28 = arith.constant 1 : i32
    scf.for %scan3A_104 = %scan3A_25 to %scan3A_27 step %scan3A_28  : i32 {
      %swap3A = arith.index_cast %scan3A_104 : i32 to index
      %swap3A_105 = arith.constant 0 : index
      %swap3A_106 = tpu.vector_load %arg5[%swap3A, %swap3A_105] {strides = array<i32>} : memref<128x128xf32, #tpu.memory_space<vmem>>, vector<1x16xf32>,
      %swap3A_107 = vector.shape_cast %swap3A_106 : vector<1x16xf32> to vector<16xf32>
      %swap3A_108 = vector.shape_cast %broadcast_in_dim3A_23 : vector<16xf32> to vector<1x16xf32>
      tpu.vector_store %arg5[%swap3A, %swap3A_105], %swap3A_108 {strides = array<i32>} : memref<128x128xf32, #tpu.memory_space<vmem>>, vector<1x16xf32>,
      %swap3A_109 = arith.index_cast %scan3A_104 : i32 to index
      %swap3A_110 = arith.constant 16 : index
      %swap3A_111 = tpu.vector_load %arg5[%swap3A_109, %swap3A_110] {strides = array<i32>} : memref<128x128xf32, #tpu.memory_space<vmem>>, vector<1x16xf32>,
      %swap3A_112 = vector.shape_cast %swap3A_111 : vector<1x16xf32> to vector<16xf32>
      %swap3A_113 = vector.shape_cast %broadcast_in_dim3A_23 : vector<16xf32> to vector<1x16xf32>
      tpu.vector_store %arg5[%swap3A_109, %swap3A_110], %swap3A_113 {strides = array<i32>} : memref<128x128xf32, #tpu.memory_space<vmem>>, vector<1x16xf32>,
      %swap3A_114 = arith.index_cast %scan3A_104 : i32 to index
      %swap3A_115 = arith.constant 32 : index
      %swap3A_116 = tpu.vector_load %arg5[%swap3A_114, %swap3A_115] {strides = array<i32>} : memref<128x128xf32, #tpu.memory_space<vmem>>, vector<1x16xf32>,
      %swap3A_117 = vector.shape_cast %swap3A_116 : vector<1x16xf32> to vector<16xf32>
      %swap3A_118 = vector.shape_cast %broadcast_in_dim3A_23 : vector<16xf32> to vector<1x16xf32>
      tpu.vector_store %arg5[%swap3A_114, %swap3A_115], %swap3A_118 {strides = array<i32>} : memref<128x128xf32, #tpu.memory_space<vmem>>, vector<1x16xf32>,
      %swap3A_119 = arith.index_cast %scan3A_104 : i32 to index
      %swap3A_120 = arith.constant 48 : index
      %swap3A_121 = tpu.vector_load %arg5[%swap3A_119, %swap3A_120] {strides = array<i32>} : memref<128x128xf32, #tpu.memory_space<vmem>>, vector<1x16xf32>,
      %swap3A_122 = vector.shape_cast %swap3A_121 : vector<1x16xf32> to vector<16xf32>
      %swap3A_123 = vector.shape_cast %broadcast_in_dim3A_23 : vector<16xf32> to vector<1x16xf32>
      tpu.vector_store %arg5[%swap3A_119, %swap3A_120], %swap3A_123 {strides = array<i32>} : memref<128x128xf32, #tpu.memory_space<vmem>>, vector<1x16xf32>,
      %swap3A_124 = arith.index_cast %scan3A_104 : i32 to index
      %swap3A_125 = arith.constant 64 : index
      %swap3A_126 = tpu.vector_load %arg5[%swap3A_124, %swap3A_125] {strides = array<i32>} : memref<128x128xf32, #tpu.memory_space<vmem>>, vector<1x16xf32>,
      %swap3A_127 = vector.shape_cast %swap3A_126 : vector<1x16xf32> to vector<16xf32>
      %swap3A_128 = vector.shape_cast %broadcast_in_dim3A_23 : vector<16xf32> to vector<1x16xf32>
      tpu.vector_store %arg5[%swap3A_124, %swap3A_125], %swap3A_128 {strides = array<i32>} : memref<128x128xf32, #tpu.memory_space<vmem>>, vector<1x16xf32>,
      %swap3A_129 = arith.index_cast %scan3A_104 : i32 to index
      %swap3A_130 = arith.constant 80 : index
      %swap3A_131 = tpu.vector_load %arg5[%swap3A_129, %swap3A_130] {strides = array<i32>} : memref<128x128xf32, #tpu.memory_space<vmem>>, vector<1x16xf32>,
      %swap3A_132 = vector.shape_cast %swap3A_131 : vector<1x16xf32> to vector<16xf32>
      %swap3A_133 = vector.shape_cast %broadcast_in_dim3A_23 : vector<16xf32> to vector<1x16xf32>
      tpu.vector_store %arg5[%swap3A_129, %swap3A_130], %swap3A_133 {strides = array<i32>} : memref<128x128xf32, #tpu.memory_space<vmem>>, vector<1x16xf32>,
      %swap3A_134 = arith.index_cast %scan3A_104 : i32 to index
      %swap3A_135 = arith.constant 96 : index
      %swap3A_136 = tpu.vector_load %arg5[%swap3A_134, %swap3A_135] {strides = array<i32>} : memref<128x128xf32, #tpu.memory_space<vmem>>, vector<1x16xf32>,
      %swap3A_137 = vector.shape_cast %swap3A_136 : vector<1x16xf32> to vector<16xf32>
      %swap3A_138 = vector.shape_cast %broadcast_in_dim3A_23 : vector<16xf32> to vector<1x16xf32>
      tpu.vector_store %arg5[%swap3A_134, %swap3A_135], %swap3A_138 {strides = array<i32>} : memref<128x128xf32, #tpu.memory_space<vmem>>, vector<1x16xf32>,
      %swap3A_139 = arith.index_cast %scan3A_104 : i32 to index
      %swap3A_140 = arith.constant 112 : index
      %swap3A_141 = tpu.vector_load %arg5[%swap3A_139, %swap3A_140] {strides = array<i32>} : memref<128x128xf32, #tpu.memory_space<vmem>>, vector<1x16xf32>,
      %swap3A_142 = vector.shape_cast %swap3A_141 : vector<1x16xf32> to vector<16xf32>
      %swap3A_143 = vector.shape_cast %broadcast_in_dim3A_23 : vector<16xf32> to vector<1x16xf32>
      tpu.vector_store %arg5[%swap3A_139, %swap3A_140], %swap3A_143 {strides = array<i32>} : memref<128x128xf32, #tpu.memory_space<vmem>>, vector<1x16xf32>,
    }
    %scan3A_29 = arith.constant 128 : i32
    %barrier3A = arith.constant 0 : index
    tpu.barrier barrier_id(%barrier3A)
    %add3A_30 = arith.constant 0 : i32
    %add3A_31 = arith.addi %mul3A_2, %add3A_30 : i32
    "tpu.region"() ({
      %run_scoped3A = tpu.sem_alloc : memref<!tpu.dma_semaphore, #tpu.memory_space<semaphore_mem>>
      %dma_start3A_104 = arith.constant 0 : i32
      %dma_start3A_105 = tpu.memref_slice %arg2[%add3A_31, %dma_start3A_104] : memref<2560x128xi32, #tpu.memory_space<hbm>> -> memref<40x128xi32, #tpu.memory_space<hbm>>
      %dma_start3A_106 = arith.constant 0 : i32
      %dma_start3A_107 = tpu.memref_slice %arg2[%add3A_31, %dma_start3A_106] : memref<2560x128xi32, #tpu.memory_space<hbm>> -> memref<40x128xi32, #tpu.memory_space<hbm>>
      tpu.enqueue_dma source(%dma_start3A_107 : memref<40x128xi32, #tpu.memory_space<hbm>>) target(%arg4 : memref<40x128xi32, #tpu.memory_space<vmem>>) target_semaphore(%run_scoped3A : memref<!tpu.dma_semaphore, #tpu.memory_space<semaphore_mem>>)
      %dma_wait3A_108 = arith.constant 0 : i32
      %dma_wait3A_109 = tpu.memref_slice %arg2[%add3A_31, %dma_wait3A_108] : memref<2560x128xi32, #tpu.memory_space<hbm>> -> memref<40x128xi32, #tpu.memory_space<hbm>>
      %dma_wait3A_110 = arith.constant 0 : i32
      %dma_wait3A_111 = tpu.memref_slice %arg2[%add3A_31, %dma_wait3A_110] : memref<2560x128xi32, #tpu.memory_space<hbm>> -> memref<40x128xi32, #tpu.memory_space<hbm>>
      tpu.wait_dma2 semaphore(%run_scoped3A : memref<!tpu.dma_semaphore, #tpu.memory_space<semaphore_mem>>) src(%dma_wait3A_111 : memref<40x128xi32, #tpu.memory_space<hbm>>) dst(%arg4 : memref<40x128xi32, #tpu.memory_space<vmem>>)
      tpu.yield
    }) : () -> ()
    %dma_start3A = arith.constant 0 : i32
    %dma_start3A_32 = arith.constant 0 : i32
    %dma_start3A_33 = tpu.memref_slice %arg4[%dma_start3A, %dma_start3A_32] : memref<40x128xi32, #tpu.memory_space<vmem>> -> memref<1x128xi32, #tpu.memory_space<vmem>>
    %dma_start3A_34 = tpu.memref_squeeze %dma_start3A_33 : memref<1x128xi32, #tpu.memory_space<vmem>> -> memref<128xi32, #tpu.memory_space<vmem>>
    %dma_start3A_35 = arith.constant 0 : i32
    %dma_start3A_36 = arith.constant 0 : i32
    %dma_start3A_37 = tpu.memref_slice %arg6[%dma_start3A_35, %dma_start3A_36] : memref<10112x128xf32, #tpu.memory_space<vmem_shared>> -> memref<10112x128xf32, #tpu.memory_space<vmem_shared>>
    tpu.enqueue_indirect_dma source(%arg5 : memref<128x128xf32, #tpu.memory_space<vmem>>) target(%dma_start3A_37 : memref<10112x128xf32, #tpu.memory_space<vmem_shared>>) offsets(%dma_start3A_34 : memref<128xi32, #tpu.memory_space<vmem>>) semaphore(%arg7 : memref<!tpu.dma_semaphore, #tpu.memory_space<semaphore_mem>>) {add = true}
    %dma_start3A_38 = arith.constant 1 : i32
    %dma_start3A_39 = arith.constant 0 : i32
    %dma_start3A_40 = tpu.memref_slice %arg4[%dma_start3A_38, %dma_start3A_39] : memref<40x128xi32, #tpu.memory_space<vmem>> -> memref<1x128xi32, #tpu.memory_space<vmem>>
    %dma_start3A_41 = tpu.memref_squeeze %dma_start3A_40 : memref<1x128xi32, #tpu.memory_space<vmem>> -> memref<128xi32, #tpu.memory_space<vmem>>
    %dma_start3A_42 = arith.constant 0 : i32
    %dma_start3A_43 = arith.constant 0 : i32
    %dma_start3A_44 = tpu.memref_slice %arg6[%dma_start3A_42, %dma_start3A_43] : memref<10112x128xf32, #tpu.memory_space<vmem_shared>> -> memref<10112x128xf32, #tpu.memory_space<vmem_shared>>
    tpu.enqueue_indirect_dma source(%arg5 : memref<128x128xf32, #tpu.memory_space<vmem>>) target(%dma_start3A_44 : memref<10112x128xf32, #tpu.memory_space<vmem_shared>>) offsets(%dma_start3A_41 : memref<128xi32, #tpu.memory_space<vmem>>) semaphore(%arg7 : memref<!tpu.dma_semaphore, #tpu.memory_space<semaphore_mem>>) {add = true}
    %scan3A_45 = arith.constant 0 : i32
    %scan3A_46 = arith.constant 0 : i32
    %scan3A_47 = arith.constant 38 : i32
    %scan3A_48 = arith.addi %scan3A_46, %scan3A_47 : i32
    %scan3A_49 = arith.constant 1 : i32
    scf.for %scan3A_104 = %scan3A_46 to %scan3A_48 step %scan3A_49  : i32 {
      %add3A_105 = arith.constant 2 : i32
      %add3A_106 = arith.addi %scan3A_104, %add3A_105 : i32
      %dma_start3A_107 = arith.constant 0 : i32
      %dma_start3A_108 = tpu.memref_slice %arg4[%add3A_106, %dma_start3A_107] : memref<40x128xi32, #tpu.memory_space<vmem>> -> memref<1x128xi32, #tpu.memory_space<vmem>>
      %dma_start3A_109 = tpu.memref_squeeze %dma_start3A_108 : memref<1x128xi32, #tpu.memory_space<vmem>> -> memref<128xi32, #tpu.memory_space<vmem>>
      %dma_start3A_110 = arith.constant 0 : i32
      %dma_start3A_111 = arith.constant 0 : i32
      %dma_start3A_112 = tpu.memref_slice %arg6[%dma_start3A_110, %dma_start3A_111] : memref<10112x128xf32, #tpu.memory_space<vmem_shared>> -> memref<10112x128xf32, #tpu.memory_space<vmem_shared>>
      tpu.enqueue_indirect_dma source(%arg5 : memref<128x128xf32, #tpu.memory_space<vmem>>) target(%dma_start3A_112 : memref<10112x128xf32, #tpu.memory_space<vmem_shared>>) offsets(%dma_start3A_109 : memref<128xi32, #tpu.memory_space<vmem>>) semaphore(%arg7 : memref<!tpu.dma_semaphore, #tpu.memory_space<semaphore_mem>>) {add = true}
      %dma_wait3A_113 = arith.constant 0 : i32
      %dma_wait3A_114 = arith.constant 0 : i32
      %dma_wait3A_115 = tpu.memref_slice %arg4[%dma_wait3A_113, %dma_wait3A_114] : memref<40x128xi32, #tpu.memory_space<vmem>> -> memref<1x128xi32, #tpu.memory_space<vmem>>
      %dma_wait3A_116 = tpu.memref_squeeze %dma_wait3A_115 : memref<1x128xi32, #tpu.memory_space<vmem>> -> memref<128xi32, #tpu.memory_space<vmem>>
      %dma_wait3A_117 = arith.constant 0 : i32
      %dma_wait3A_118 = arith.constant 0 : i32
      %dma_wait3A_119 = tpu.memref_slice %arg6[%dma_wait3A_117, %dma_wait3A_118] : memref<10112x128xf32, #tpu.memory_space<vmem_shared>> -> memref<10112x128xf32, #tpu.memory_space<vmem_shared>>
      tpu.wait_indirect_dma semaphore(%arg7 : memref<!tpu.dma_semaphore, #tpu.memory_space<semaphore_mem>>) src(%arg5 : memref<128x128xf32, #tpu.memory_space<vmem>>) dst(%dma_wait3A_119 : memref<10112x128xf32, #tpu.memory_space<vmem_shared>>)
    }
    %scan3A_50 = arith.constant 38 : i32
    %dma_wait3A = arith.constant 0 : i32
    %dma_wait3A_51 = arith.constant 0 : i32
    %dma_wait3A_52 = tpu.memref_slice %arg4[%dma_wait3A, %dma_wait3A_51] : memref<40x128xi32, #tpu.memory_space<vmem>> -> memref<1x128xi32, #tpu.memory_space<vmem>>
    %dma_wait3A_53 = tpu.memref_squeeze %dma_wait3A_52 : memref<1x128xi32, #tpu.memory_space<vmem>> -> memref<128xi32, #tpu.memory_space<vmem>>
    %dma_wait3A_54 = arith.constant 0 : i32
    %dma_wait3A_55 = arith.constant 0 : i32
    %dma_wait3A_56 = tpu.memref_slice %arg6[%dma_wait3A_54, %dma_wait3A_55] : memref<10112x128xf32, #tpu.memory_space<vmem_shared>> -> memref<10112x128xf32, #tpu.memory_space<vmem_shared>>
    tpu.wait_indirect_dma semaphore(%arg7 : memref<!tpu.dma_semaphore, #tpu.memory_space<semaphore_mem>>) src(%arg5 : memref<128x128xf32, #tpu.memory_space<vmem>>) dst(%dma_wait3A_56 : memref<10112x128xf32, #tpu.memory_space<vmem_shared>>)
    %dma_wait3A_57 = arith.constant 0 : i32
    %dma_wait3A_58 = arith.constant 0 : i32
    %dma_wait3A_59 = tpu.memref_slice %arg4[%dma_wait3A_57, %dma_wait3A_58] : memref<40x128xi32, #tpu.memory_space<vmem>> -> memref<1x128xi32, #tpu.memory_space<vmem>>
    %dma_wait3A_60 = tpu.memref_squeeze %dma_wait3A_59 : memref<1x128xi32, #tpu.memory_space<vmem>> -> memref<128xi32, #tpu.memory_space<vmem>>
    %dma_wait3A_61 = arith.constant 0 : i32
    %dma_wait3A_62 = arith.constant 0 : i32
    %dma_wait3A_63 = tpu.memref_slice %arg6[%dma_wait3A_61, %dma_wait3A_62] : memref<10112x128xf32, #tpu.memory_space<vmem_shared>> -> memref<10112x128xf32, #tpu.memory_space<vmem_shared>>
    tpu.wait_indirect_dma semaphore(%arg7 : memref<!tpu.dma_semaphore, #tpu.memory_space<semaphore_mem>>) src(%arg5 : memref<128x128xf32, #tpu.memory_space<vmem>>) dst(%dma_wait3A_63 : memref<10112x128xf32, #tpu.memory_space<vmem_shared>>)
    %add3A_64 = arith.constant 40 : i32
    %add3A_65 = arith.addi %mul3A_2, %add3A_64 : i32
    "tpu.region"() ({
      %run_scoped3A = tpu.sem_alloc : memref<!tpu.dma_semaphore, #tpu.memory_space<semaphore_mem>>
      %dma_start3A_104 = arith.constant 0 : i32
      %dma_start3A_105 = tpu.memref_slice %arg2[%add3A_65, %dma_start3A_104] : memref<2560x128xi32, #tpu.memory_space<hbm>> -> memref<40x128xi32, #tpu.memory_space<hbm>>
      %dma_start3A_106 = arith.constant 0 : i32
      %dma_start3A_107 = tpu.memref_slice %arg2[%add3A_65, %dma_start3A_106] : memref<2560x128xi32, #tpu.memory_space<hbm>> -> memref<40x128xi32, #tpu.memory_space<hbm>>
      tpu.enqueue_dma source(%dma_start3A_107 : memref<40x128xi32, #tpu.memory_space<hbm>>) target(%arg4 : memref<40x128xi32, #tpu.memory_space<vmem>>) target_semaphore(%run_scoped3A : memref<!tpu.dma_semaphore, #tpu.memory_space<semaphore_mem>>)
      %dma_wait3A_108 = arith.constant 0 : i32
      %dma_wait3A_109 = tpu.memref_slice %arg2[%add3A_65, %dma_wait3A_108] : memref<2560x128xi32, #tpu.memory_space<hbm>> -> memref<40x128xi32, #tpu.memory_space<hbm>>
      %dma_wait3A_110 = arith.constant 0 : i32
      %dma_wait3A_111 = tpu.memref_slice %arg2[%add3A_65, %dma_wait3A_110] : memref<2560x128xi32, #tpu.memory_space<hbm>> -> memref<40x128xi32, #tpu.memory_space<hbm>>
      tpu.wait_dma2 semaphore(%run_scoped3A : memref<!tpu.dma_semaphore, #tpu.memory_space<semaphore_mem>>) src(%dma_wait3A_111 : memref<40x128xi32, #tpu.memory_space<hbm>>) dst(%arg4 : memref<40x128xi32, #tpu.memory_space<vmem>>)
      tpu.yield
    }) : () -> ()
    %dma_start3A_66 = arith.constant 0 : i32
    %dma_start3A_67 = arith.constant 0 : i32
    %dma_start3A_68 = tpu.memref_slice %arg4[%dma_start3A_66, %dma_start3A_67] : memref<40x128xi32, #tpu.memory_space<vmem>> -> memref<1x128xi32, #tpu.memory_space<vmem>>
    %dma_start3A_69 = tpu.memref_squeeze %dma_start3A_68 : memref<1x128xi32, #tpu.memory_space<vmem>> -> memref<128xi32, #tpu.memory_space<vmem>>
    %dma_start3A_70 = arith.constant 0 : i32
    %dma_start3A_71 = arith.constant 0 : i32
    %dma_start3A_72 = tpu.memref_slice %arg6[%dma_start3A_70, %dma_start3A_71] : memref<10112x128xf32, #tpu.memory_space<vmem_shared>> -> memref<10112x128xf32, #tpu.memory_space<vmem_shared>>
    tpu.enqueue_indirect_dma source(%arg5 : memref<128x128xf32, #tpu.memory_space<vmem>>) target(%dma_start3A_72 : memref<10112x128xf32, #tpu.memory_space<vmem_shared>>) offsets(%dma_start3A_69 : memref<128xi32, #tpu.memory_space<vmem>>) semaphore(%arg7 : memref<!tpu.dma_semaphore, #tpu.memory_space<semaphore_mem>>) {add = true}
    %dma_start3A_73 = arith.constant 1 : i32
    %dma_start3A_74 = arith.constant 0 : i32
    %dma_start3A_75 = tpu.memref_slice %arg4[%dma_start3A_73, %dma_start3A_74] : memref<40x128xi32, #tpu.memory_space<vmem>> -> memref<1x128xi32, #tpu.memory_space<vmem>>
    %dma_start3A_76 = tpu.memref_squeeze %dma_start3A_75 : memref<1x128xi32, #tpu.memory_space<vmem>> -> memref<128xi32, #tpu.memory_space<vmem>>
    %dma_start3A_77 = arith.constant 0 : i32
    %dma_start3A_78 = arith.constant 0 : i32
    %dma_start3A_79 = tpu.memref_slice %arg6[%dma_start3A_77, %dma_start3A_78] : memref<10112x128xf32, #tpu.memory_space<vmem_shared>> -> memref<10112x128xf32, #tpu.memory_space<vmem_shared>>
    tpu.enqueue_indirect_dma source(%arg5 : memref<128x128xf32, #tpu.memory_space<vmem>>) target(%dma_start3A_79 : memref<10112x128xf32, #tpu.memory_space<vmem_shared>>) offsets(%dma_start3A_76 : memref<128xi32, #tpu.memory_space<vmem>>) semaphore(%arg7 : memref<!tpu.dma_semaphore, #tpu.memory_space<semaphore_mem>>) {add = true}
    %scan3A_80 = arith.constant 0 : i32
    %scan3A_81 = arith.constant 0 : i32
    %scan3A_82 = arith.constant 38 : i32
    %scan3A_83 = arith.addi %scan3A_81, %scan3A_82 : i32
    %scan3A_84 = arith.constant 1 : i32
    scf.for %scan3A_104 = %scan3A_81 to %scan3A_83 step %scan3A_84  : i32 {
      %add3A_105 = arith.constant 2 : i32
      %add3A_106 = arith.addi %scan3A_104, %add3A_105 : i32
      %dma_start3A_107 = arith.constant 0 : i32
      %dma_start3A_108 = tpu.memref_slice %arg4[%add3A_106, %dma_start3A_107] : memref<40x128xi32, #tpu.memory_space<vmem>> -> memref<1x128xi32, #tpu.memory_space<vmem>>
      %dma_start3A_109 = tpu.memref_squeeze %dma_start3A_108 : memref<1x128xi32, #tpu.memory_space<vmem>> -> memref<128xi32, #tpu.memory_space<vmem>>
      %dma_start3A_110 = arith.constant 0 : i32
      %dma_start3A_111 = arith.constant 0 : i32
      %dma_start3A_112 = tpu.memref_slice %arg6[%dma_start3A_110, %dma_start3A_111] : memref<10112x128xf32, #tpu.memory_space<vmem_shared>> -> memref<10112x128xf32, #tpu.memory_space<vmem_shared>>
      tpu.enqueue_indirect_dma source(%arg5 : memref<128x128xf32, #tpu.memory_space<vmem>>) target(%dma_start3A_112 : memref<10112x128xf32, #tpu.memory_space<vmem_shared>>) offsets(%dma_start3A_109 : memref<128xi32, #tpu.memory_space<vmem>>) semaphore(%arg7 : memref<!tpu.dma_semaphore, #tpu.memory_space<semaphore_mem>>) {add = true}
      %dma_wait3A_113 = arith.constant 0 : i32
      %dma_wait3A_114 = arith.constant 0 : i32
      %dma_wait3A_115 = tpu.memref_slice %arg4[%dma_wait3A_113, %dma_wait3A_114] : memref<40x128xi32, #tpu.memory_space<vmem>> -> memref<1x128xi32, #tpu.memory_space<vmem>>
      %dma_wait3A_116 = tpu.memref_squeeze %dma_wait3A_115 : memref<1x128xi32, #tpu.memory_space<vmem>> -> memref<128xi32, #tpu.memory_space<vmem>>
      %dma_wait3A_117 = arith.constant 0 : i32
      %dma_wait3A_118 = arith.constant 0 : i32
      %dma_wait3A_119 = tpu.memref_slice %arg6[%dma_wait3A_117, %dma_wait3A_118] : memref<10112x128xf32, #tpu.memory_space<vmem_shared>> -> memref<10112x128xf32, #tpu.memory_space<vmem_shared>>
      tpu.wait_indirect_dma semaphore(%arg7 : memref<!tpu.dma_semaphore, #tpu.memory_space<semaphore_mem>>) src(%arg5 : memref<128x128xf32, #tpu.memory_space<vmem>>) dst(%dma_wait3A_119 : memref<10112x128xf32, #tpu.memory_space<vmem_shared>>)
    }
    %scan3A_85 = arith.constant 38 : i32
    %dma_wait3A_86 = arith.constant 0 : i32
    %dma_wait3A_87 = arith.constant 0 : i32
    %dma_wait3A_88 = tpu.memref_slice %arg4[%dma_wait3A_86, %dma_wait3A_87] : memref<40x128xi32, #tpu.memory_space<vmem>> -> memref<1x128xi32, #tpu.memory_space<vmem>>
    %dma_wait3A_89 = tpu.memref_squeeze %dma_wait3A_88 : memref<1x128xi32, #tpu.memory_space<vmem>> -> memref<128xi32, #tpu.memory_space<vmem>>
    %dma_wait3A_90 = arith.constant 0 : i32
    %dma_wait3A_91 = arith.constant 0 : i32
    %dma_wait3A_92 = tpu.memref_slice %arg6[%dma_wait3A_90, %dma_wait3A_91] : memref<10112x128xf32, #tpu.memory_space<vmem_shared>> -> memref<10112x128xf32, #tpu.memory_space<vmem_shared>>
    tpu.wait_indirect_dma semaphore(%arg7 : memref<!tpu.dma_semaphore, #tpu.memory_space<semaphore_mem>>) src(%arg5 : memref<128x128xf32, #tpu.memory_space<vmem>>) dst(%dma_wait3A_92 : memref<10112x128xf32, #tpu.memory_space<vmem_shared>>)
    %dma_wait3A_93 = arith.constant 0 : i32
    %dma_wait3A_94 = arith.constant 0 : i32
    %dma_wait3A_95 = tpu.memref_slice %arg4[%dma_wait3A_93, %dma_wait3A_94] : memref<40x128xi32, #tpu.memory_space<vmem>> -> memref<1x128xi32, #tpu.memory_space<vmem>>
    %dma_wait3A_96 = tpu.memref_squeeze %dma_wait3A_95 : memref<1x128xi32, #tpu.memory_space<vmem>> -> memref<128xi32, #tpu.memory_space<vmem>>
    %dma_wait3A_97 = arith.constant 0 : i32
    %dma_wait3A_98 = arith.constant 0 : i32
    %dma_wait3A_99 = tpu.memref_slice %arg6[%dma_wait3A_97, %dma_wait3A_98] : memref<10112x128xf32, #tpu.memory_space<vmem_shared>> -> memref<10112x128xf32, #tpu.memory_space<vmem_shared>>
    tpu.wait_indirect_dma semaphore(%arg7 : memref<!tpu.dma_semaphore, #tpu.memory_space<semaphore_mem>>) src(%arg5 : memref<128x128xf32, #tpu.memory_space<vmem>>) dst(%dma_wait3A_99 : memref<10112x128xf32, #tpu.memory_space<vmem_shared>>)
    %barrier3A_100 = arith.constant 0 : index
    tpu.barrier barrier_id(%barrier3A_100)
    %mul3A_101 = arith.constant 10112 : i32
    %mul3A_102 = arith.muli %arg0, %mul3A_101 : i32
    %add3A_103 = arith.addi %mul3A_102, %mul3A_10 : i32
    "tpu.region"() ({
      %run_scoped3A = tpu.sem_alloc : memref<!tpu.dma_semaphore, #tpu.memory_space<semaphore_mem>>
      %dma_start3A_104 = arith.constant 0 : i32
      %dma_start3A_105 = tpu.memref_slice %arg3[%add3A_103, %dma_start3A_104] : memref<20224x128xf32, #tpu.memory_space<hbm>> -> memref<632x128xf32, #tpu.memory_space<hbm>>
      %dma_start3A_106 = arith.constant 0 : i32
      %dma_start3A_107 = tpu.memref_slice %arg6[%mul3A_10, %dma_start3A_106] : memref<10112x128xf32, #tpu.memory_space<vmem_shared>> -> memref<632x128xf32, #tpu.memory_space<vmem_shared>>
      tpu.enqueue_dma source(%dma_start3A_107 : memref<632x128xf32, #tpu.memory_space<vmem_shared>>) target(%dma_start3A_105 : memref<632x128xf32, #tpu.memory_space<hbm>>) target_semaphore(%run_scoped3A : memref<!tpu.dma_semaphore, #tpu.memory_space<semaphore_mem>>)
      %dma_wait3A_108 = arith.constant 0 : i32
      %dma_wait3A_109 = tpu.memref_slice %arg3[%add3A_103, %dma_wait3A_108] : memref<20224x128xf32, #tpu.memory_space<hbm>> -> memref<632x128xf32, #tpu.memory_space<hbm>>
      %dma_wait3A_110 = arith.constant 0 : i32
      %dma_wait3A_111 = tpu.memref_slice %arg6[%mul3A_10, %dma_wait3A_110] : memref<10112x128xf32, #tpu.memory_space<vmem_shared>> -> memref<632x128xf32, #tpu.memory_space<vmem_shared>>
      tpu.wait_dma2 semaphore(%run_scoped3A : memref<!tpu.dma_semaphore, #tpu.memory_space<semaphore_mem>>) src(%dma_wait3A_111 : memref<632x128xf32, #tpu.memory_space<vmem_shared>>) dst(%dma_wait3A_109 : memref<632x128xf32, #tpu.memory_space<hbm>>)
      tpu.yield
    }) : () -> ()
    return
  }
}

#map = affine_map<(d0, d1) -> (0, 0)>
module attributes {stable_mosaic.version = 14 : i64} {
  func.func @sc_scatter(%arg0: i32, %arg1: i32, %arg2: memref<10000x128xf32, #tpu.memory_space<hbm>>, %arg3: memref<2560x128xi32, #tpu.memory_space<hbm>>, %arg4: memref<2560x128xi32, #tpu.memory_space<hbm>>, %arg5: memref<20224x128xf32, #tpu.memory_space<hbm>>, %arg6: memref<40x128xi32, #tpu.memory_space<vmem>>, %arg7: memref<40x128xi32, #tpu.memory_space<vmem>>, %arg8: memref<2x128x128xf32, #tpu.memory_space<vmem>>, %arg9: memref<10112x128xf32, #tpu.memory_space<vmem_shared>>, %arg10: memref<!tpu.dma_semaphore, #tpu.memory_space<semaphore_mem>>, %arg11: memref<!tpu.dma_semaphore, #tpu.memory_space<semaphore_mem>>) attributes {dimension_semantics = [#tpu.dimension_semantics<core_parallel>, #tpu.dimension_semantics<subcore_parallel>], iteration_bounds = array<i64: 2, 16>, scalar_prefetch = 0 : i64, scratch_operands = 6 : i64, tpu.core_type = #tpu.core_type<sc_vector_subcore>, window_params = [{transform_indices = #map}, {transform_indices = #map}, {transform_indices = #map}, {transform_indices = #map}]} {
    %mul3A = arith.constant 16 : i32
    %mul3A_0 = arith.muli %arg0, %mul3A : i32
    %add3A = arith.addi %mul3A_0, %arg1 : i32
    %mul3A_1 = arith.constant 80 : i32
    %mul3A_2 = arith.muli %add3A, %mul3A_1 : i32
    %broadcast_in_dim3A = arith.constant 0.000000e+00 : f32
    %broadcast_in_dim3A_3 = vector.broadcast %broadcast_in_dim3A : f32 to vector<16xf32>
    %scan3A = arith.constant 0 : i32
    %scan3A_4 = arith.constant 0 : i32
    %scan3A_5 = arith.constant 128 : i32
    %scan3A_6 = arith.addi %scan3A_4, %scan3A_5 : i32
    %scan3A_7 = arith.constant 1 : i32
    scf.for %scan3A_96 = %scan3A_4 to %scan3A_6 step %scan3A_7  : i32 {
      %swap3A = arith.constant 0 : i32
      %swap3A_97 = arith.index_cast %swap3A : i32 to index
      %swap3A_98 = arith.index_cast %scan3A_96 : i32 to index
      %swap3A_99 = arith.constant 0 : index
      %swap3A_100 = tpu.vector_load %arg8[%swap3A_97, %swap3A_98, %swap3A_99] {strides = array<i32>} : memref<2x128x128xf32, #tpu.memory_space<vmem>>, vector<1x1x16xf32>,
      %swap3A_101 = vector.shape_cast %swap3A_100 : vector<1x1x16xf32> to vector<16xf32>
      %swap3A_102 = vector.shape_cast %broadcast_in_dim3A_3 : vector<16xf32> to vector<1x1x16xf32>
      tpu.vector_store %arg8[%swap3A_97, %swap3A_98, %swap3A_99], %swap3A_102 {strides = array<i32>} : memref<2x128x128xf32, #tpu.memory_space<vmem>>, vector<1x1x16xf32>,
      %swap3A_103 = arith.constant 0 : i32
      %swap3A_104 = arith.index_cast %swap3A_103 : i32 to index
      %swap3A_105 = arith.index_cast %scan3A_96 : i32 to index
      %swap3A_106 = arith.constant 16 : index
      %swap3A_107 = tpu.vector_load %arg8[%swap3A_104, %swap3A_105, %swap3A_106] {strides = array<i32>} : memref<2x128x128xf32, #tpu.memory_space<vmem>>, vector<1x1x16xf32>,
      %swap3A_108 = vector.shape_cast %swap3A_107 : vector<1x1x16xf32> to vector<16xf32>
      %swap3A_109 = vector.shape_cast %broadcast_in_dim3A_3 : vector<16xf32> to vector<1x1x16xf32>
      tpu.vector_store %arg8[%swap3A_104, %swap3A_105, %swap3A_106], %swap3A_109 {strides = array<i32>} : memref<2x128x128xf32, #tpu.memory_space<vmem>>, vector<1x1x16xf32>,
      %swap3A_110 = arith.constant 0 : i32
      %swap3A_111 = arith.index_cast %swap3A_110 : i32 to index
      %swap3A_112 = arith.index_cast %scan3A_96 : i32 to index
      %swap3A_113 = arith.constant 32 : index
      %swap3A_114 = tpu.vector_load %arg8[%swap3A_111, %swap3A_112, %swap3A_113] {strides = array<i32>} : memref<2x128x128xf32, #tpu.memory_space<vmem>>, vector<1x1x16xf32>,
      %swap3A_115 = vector.shape_cast %swap3A_114 : vector<1x1x16xf32> to vector<16xf32>
      %swap3A_116 = vector.shape_cast %broadcast_in_dim3A_3 : vector<16xf32> to vector<1x1x16xf32>
      tpu.vector_store %arg8[%swap3A_111, %swap3A_112, %swap3A_113], %swap3A_116 {strides = array<i32>} : memref<2x128x128xf32, #tpu.memory_space<vmem>>, vector<1x1x16xf32>,
      %swap3A_117 = arith.constant 0 : i32
      %swap3A_118 = arith.index_cast %swap3A_117 : i32 to index
      %swap3A_119 = arith.index_cast %scan3A_96 : i32 to index
      %swap3A_120 = arith.constant 48 : index
      %swap3A_121 = tpu.vector_load %arg8[%swap3A_118, %swap3A_119, %swap3A_120] {strides = array<i32>} : memref<2x128x128xf32, #tpu.memory_space<vmem>>, vector<1x1x16xf32>,
      %swap3A_122 = vector.shape_cast %swap3A_121 : vector<1x1x16xf32> to vector<16xf32>
      %swap3A_123 = vector.shape_cast %broadcast_in_dim3A_3 : vector<16xf32> to vector<1x1x16xf32>
      tpu.vector_store %arg8[%swap3A_118, %swap3A_119, %swap3A_120], %swap3A_123 {strides = array<i32>} : memref<2x128x128xf32, #tpu.memory_space<vmem>>, vector<1x1x16xf32>,
      %swap3A_124 = arith.constant 0 : i32
      %swap3A_125 = arith.index_cast %swap3A_124 : i32 to index
      %swap3A_126 = arith.index_cast %scan3A_96 : i32 to index
      %swap3A_127 = arith.constant 64 : index
      %swap3A_128 = tpu.vector_load %arg8[%swap3A_125, %swap3A_126, %swap3A_127] {strides = array<i32>} : memref<2x128x128xf32, #tpu.memory_space<vmem>>, vector<1x1x16xf32>,
      %swap3A_129 = vector.shape_cast %swap3A_128 : vector<1x1x16xf32> to vector<16xf32>
      %swap3A_130 = vector.shape_cast %broadcast_in_dim3A_3 : vector<16xf32> to vector<1x1x16xf32>
      tpu.vector_store %arg8[%swap3A_125, %swap3A_126, %swap3A_127], %swap3A_130 {strides = array<i32>} : memref<2x128x128xf32, #tpu.memory_space<vmem>>, vector<1x1x16xf32>,
      %swap3A_131 = arith.constant 0 : i32
      %swap3A_132 = arith.index_cast %swap3A_131 : i32 to index
      %swap3A_133 = arith.index_cast %scan3A_96 : i32 to index
      %swap3A_134 = arith.constant 80 : index
      %swap3A_135 = tpu.vector_load %arg8[%swap3A_132, %swap3A_133, %swap3A_134] {strides = array<i32>} : memref<2x128x128xf32, #tpu.memory_space<vmem>>, vector<1x1x16xf32>,
      %swap3A_136 = vector.shape_cast %swap3A_135 : vector<1x1x16xf32> to vector<16xf32>
      %swap3A_137 = vector.shape_cast %broadcast_in_dim3A_3 : vector<16xf32> to vector<1x1x16xf32>
      tpu.vector_store %arg8[%swap3A_132, %swap3A_133, %swap3A_134], %swap3A_137 {strides = array<i32>} : memref<2x128x128xf32, #tpu.memory_space<vmem>>, vector<1x1x16xf32>,
      %swap3A_138 = arith.constant 0 : i32
      %swap3A_139 = arith.index_cast %swap3A_138 : i32 to index
      %swap3A_140 = arith.index_cast %scan3A_96 : i32 to index
      %swap3A_141 = arith.constant 96 : index
      %swap3A_142 = tpu.vector_load %arg8[%swap3A_139, %swap3A_140, %swap3A_141] {strides = array<i32>} : memref<2x128x128xf32, #tpu.memory_space<vmem>>, vector<1x1x16xf32>,
      %swap3A_143 = vector.shape_cast %swap3A_142 : vector<1x1x16xf32> to vector<16xf32>
      %swap3A_144 = vector.shape_cast %broadcast_in_dim3A_3 : vector<16xf32> to vector<1x1x16xf32>
      tpu.vector_store %arg8[%swap3A_139, %swap3A_140, %swap3A_141], %swap3A_144 {strides = array<i32>} : memref<2x128x128xf32, #tpu.memory_space<vmem>>, vector<1x1x16xf32>,
      %swap3A_145 = arith.constant 0 : i32
      %swap3A_146 = arith.index_cast %swap3A_145 : i32 to index
      %swap3A_147 = arith.index_cast %scan3A_96 : i32 to index
      %swap3A_148 = arith.constant 112 : index
      %swap3A_149 = tpu.vector_load %arg8[%swap3A_146, %swap3A_147, %swap3A_148] {strides = array<i32>} : memref<2x128x128xf32, #tpu.memory_space<vmem>>, vector<1x1x16xf32>,
      %swap3A_150 = vector.shape_cast %swap3A_149 : vector<1x1x16xf32> to vector<16xf32>
      %swap3A_151 = vector.shape_cast %broadcast_in_dim3A_3 : vector<16xf32> to vector<1x1x16xf32>
      tpu.vector_store %arg8[%swap3A_146, %swap3A_147, %swap3A_148], %swap3A_151 {strides = array<i32>} : memref<2x128x128xf32, #tpu.memory_space<vmem>>, vector<1x1x16xf32>,
    }
    %scan3A_8 = arith.constant 128 : i32
    %mul3A_9 = arith.constant 632 : i32
    %mul3A_10 = arith.muli %arg1, %mul3A_9 : i32
    %add3A_11 = arith.constant 0 : i32
    %add3A_12 = arith.addi %mul3A_10, %add3A_11 : i32
    %run_scoped3A = arith.constant 0 : i32
    "tpu.region"() ({
      %run_scoped3A_96 = tpu.sem_alloc : memref<!tpu.dma_semaphore, #tpu.memory_space<semaphore_mem>>
      %dma_start3A_97 = arith.constant 0 : i32
      %dma_start3A_98 = arith.constant 0 : i32
      %dma_start3A_99 = tpu.memref_slice %arg8[%run_scoped3A, %dma_start3A_97, %dma_start3A_98] : memref<2x128x128xf32, #tpu.memory_space<vmem>> -> memref<1x128x128xf32, #tpu.memory_space<vmem>>
      %dma_start3A_100 = tpu.memref_squeeze %dma_start3A_99 : memref<1x128x128xf32, #tpu.memory_space<vmem>> -> memref<128x128xf32, #tpu.memory_space<vmem>>
      %dma_start3A_101 = arith.constant 0 : i32
      %dma_start3A_102 = tpu.memref_slice %arg9[%add3A_12, %dma_start3A_101] : memref<10112x128xf32, #tpu.memory_space<vmem_shared>> -> memref<128x128xf32, #tpu.memory_space<vmem_shared>>
      %dma_start3A_103 = arith.constant 0 : i32
      %dma_start3A_104 = tpu.memref_slice %arg9[%add3A_12, %dma_start3A_103] : memref<10112x128xf32, #tpu.memory_space<vmem_shared>> -> memref<128x128xf32, #tpu.memory_space<vmem_shared>>
      %dma_start3A_105 = arith.constant 0 : i32
      %dma_start3A_106 = arith.constant 0 : i32
      %dma_start3A_107 = tpu.memref_slice %arg8[%run_scoped3A, %dma_start3A_105, %dma_start3A_106] : memref<2x128x128xf32, #tpu.memory_space<vmem>> -> memref<1x128x128xf32, #tpu.memory_space<vmem>>
      %dma_start3A_108 = tpu.memref_squeeze %dma_start3A_107 : memref<1x128x128xf32, #tpu.memory_space<vmem>> -> memref<128x128xf32, #tpu.memory_space<vmem>>
      tpu.enqueue_dma source(%dma_start3A_108 : memref<128x128xf32, #tpu.memory_space<vmem>>) target(%dma_start3A_104 : memref<128x128xf32, #tpu.memory_space<vmem_shared>>) target_semaphore(%run_scoped3A_96 : memref<!tpu.dma_semaphore, #tpu.memory_space<semaphore_mem>>)
      %dma_wait3A_109 = arith.constant 0 : i32
      %dma_wait3A_110 = arith.constant 0 : i32
      %dma_wait3A_111 = tpu.memref_slice %arg8[%run_scoped3A, %dma_wait3A_109, %dma_wait3A_110] : memref<2x128x128xf32, #tpu.memory_space<vmem>> -> memref<1x128x128xf32, #tpu.memory_space<vmem>>
      %dma_wait3A_112 = tpu.memref_squeeze %dma_wait3A_111 : memref<1x128x128xf32, #tpu.memory_space<vmem>> -> memref<128x128xf32, #tpu.memory_space<vmem>>
      %dma_wait3A_113 = arith.constant 0 : i32
      %dma_wait3A_114 = tpu.memref_slice %arg9[%add3A_12, %dma_wait3A_113] : memref<10112x128xf32, #tpu.memory_space<vmem_shared>> -> memref<128x128xf32, #tpu.memory_space<vmem_shared>>
      %dma_wait3A_115 = arith.constant 0 : i32
      %dma_wait3A_116 = tpu.memref_slice %arg9[%add3A_12, %dma_wait3A_115] : memref<10112x128xf32, #tpu.memory_space<vmem_shared>> -> memref<128x128xf32, #tpu.memory_space<vmem_shared>>
      %dma_wait3A_117 = arith.constant 0 : i32
      %dma_wait3A_118 = arith.constant 0 : i32
      %dma_wait3A_119 = tpu.memref_slice %arg8[%run_scoped3A, %dma_wait3A_117, %dma_wait3A_118] : memref<2x128x128xf32, #tpu.memory_space<vmem>> -> memref<1x128x128xf32, #tpu.memory_space<vmem>>
      %dma_wait3A_120 = tpu.memref_squeeze %dma_wait3A_119 : memref<1x128x128xf32, #tpu.memory_space<vmem>> -> memref<128x128xf32, #tpu.memory_space<vmem>>
      tpu.wait_dma2 semaphore(%run_scoped3A_96 : memref<!tpu.dma_semaphore, #tpu.memory_space<semaphore_mem>>) src(%dma_wait3A_120 : memref<128x128xf32, #tpu.memory_space<vmem>>) dst(%dma_wait3A_116 : memref<128x128xf32, #tpu.memory_space<vmem_shared>>)
      tpu.yield
    }) : () -> ()
    %add3A_13 = arith.constant 128 : i32
    %add3A_14 = arith.addi %mul3A_10, %add3A_13 : i32
    %run_scoped3A_15 = arith.constant 0 : i32
    "tpu.region"() ({
      %run_scoped3A_96 = tpu.sem_alloc : memref<!tpu.dma_semaphore, #tpu.memory_space<semaphore_mem>>
      %dma_start3A_97 = arith.constant 0 : i32
      %dma_start3A_98 = arith.constant 0 : i32
      %dma_start3A_99 = tpu.memref_slice %arg8[%run_scoped3A_15, %dma_start3A_97, %dma_start3A_98] : memref<2x128x128xf32, #tpu.memory_space<vmem>> -> memref<1x128x128xf32, #tpu.memory_space<vmem>>
      %dma_start3A_100 = tpu.memref_squeeze %dma_start3A_99 : memref<1x128x128xf32, #tpu.memory_space<vmem>> -> memref<128x128xf32, #tpu.memory_space<vmem>>
      %dma_start3A_101 = arith.constant 0 : i32
      %dma_start3A_102 = tpu.memref_slice %arg9[%add3A_14, %dma_start3A_101] : memref<10112x128xf32, #tpu.memory_space<vmem_shared>> -> memref<128x128xf32, #tpu.memory_space<vmem_shared>>
      %dma_start3A_103 = arith.constant 0 : i32
      %dma_start3A_104 = tpu.memref_slice %arg9[%add3A_14, %dma_start3A_103] : memref<10112x128xf32, #tpu.memory_space<vmem_shared>> -> memref<128x128xf32, #tpu.memory_space<vmem_shared>>
      %dma_start3A_105 = arith.constant 0 : i32
      %dma_start3A_106 = arith.constant 0 : i32
      %dma_start3A_107 = tpu.memref_slice %arg8[%run_scoped3A_15, %dma_start3A_105, %dma_start3A_106] : memref<2x128x128xf32, #tpu.memory_space<vmem>> -> memref<1x128x128xf32, #tpu.memory_space<vmem>>
      %dma_start3A_108 = tpu.memref_squeeze %dma_start3A_107 : memref<1x128x128xf32, #tpu.memory_space<vmem>> -> memref<128x128xf32, #tpu.memory_space<vmem>>
      tpu.enqueue_dma source(%dma_start3A_108 : memref<128x128xf32, #tpu.memory_space<vmem>>) target(%dma_start3A_104 : memref<128x128xf32, #tpu.memory_space<vmem_shared>>) target_semaphore(%run_scoped3A_96 : memref<!tpu.dma_semaphore, #tpu.memory_space<semaphore_mem>>)
      %dma_wait3A_109 = arith.constant 0 : i32
      %dma_wait3A_110 = arith.constant 0 : i32
      %dma_wait3A_111 = tpu.memref_slice %arg8[%run_scoped3A_15, %dma_wait3A_109, %dma_wait3A_110] : memref<2x128x128xf32, #tpu.memory_space<vmem>> -> memref<1x128x128xf32, #tpu.memory_space<vmem>>
      %dma_wait3A_112 = tpu.memref_squeeze %dma_wait3A_111 : memref<1x128x128xf32, #tpu.memory_space<vmem>> -> memref<128x128xf32, #tpu.memory_space<vmem>>
      %dma_wait3A_113 = arith.constant 0 : i32
      %dma_wait3A_114 = tpu.memref_slice %arg9[%add3A_14, %dma_wait3A_113] : memref<10112x128xf32, #tpu.memory_space<vmem_shared>> -> memref<128x128xf32, #tpu.memory_space<vmem_shared>>
      %dma_wait3A_115 = arith.constant 0 : i32
      %dma_wait3A_116 = tpu.memref_slice %arg9[%add3A_14, %dma_wait3A_115] : memref<10112x128xf32, #tpu.memory_space<vmem_shared>> -> memref<128x128xf32, #tpu.memory_space<vmem_shared>>
      %dma_wait3A_117 = arith.constant 0 : i32
      %dma_wait3A_118 = arith.constant 0 : i32
      %dma_wait3A_119 = tpu.memref_slice %arg8[%run_scoped3A_15, %dma_wait3A_117, %dma_wait3A_118] : memref<2x128x128xf32, #tpu.memory_space<vmem>> -> memref<1x128x128xf32, #tpu.memory_space<vmem>>
      %dma_wait3A_120 = tpu.memref_squeeze %dma_wait3A_119 : memref<1x128x128xf32, #tpu.memory_space<vmem>> -> memref<128x128xf32, #tpu.memory_space<vmem>>
      tpu.wait_dma2 semaphore(%run_scoped3A_96 : memref<!tpu.dma_semaphore, #tpu.memory_space<semaphore_mem>>) src(%dma_wait3A_120 : memref<128x128xf32, #tpu.memory_space<vmem>>) dst(%dma_wait3A_116 : memref<128x128xf32, #tpu.memory_space<vmem_shared>>)
      tpu.yield
    }) : () -> ()
    %add3A_16 = arith.constant 256 : i32
    %add3A_17 = arith.addi %mul3A_10, %add3A_16 : i32
    %run_scoped3A_18 = arith.constant 0 : i32
    "tpu.region"() ({
      %run_scoped3A_96 = tpu.sem_alloc : memref<!tpu.dma_semaphore, #tpu.memory_space<semaphore_mem>>
      %dma_start3A_97 = arith.constant 0 : i32
      %dma_start3A_98 = arith.constant 0 : i32
      %dma_start3A_99 = tpu.memref_slice %arg8[%run_scoped3A_18, %dma_start3A_97, %dma_start3A_98] : memref<2x128x128xf32, #tpu.memory_space<vmem>> -> memref<1x128x128xf32, #tpu.memory_space<vmem>>
      %dma_start3A_100 = tpu.memref_squeeze %dma_start3A_99 : memref<1x128x128xf32, #tpu.memory_space<vmem>> -> memref<128x128xf32, #tpu.memory_space<vmem>>
      %dma_start3A_101 = arith.constant 0 : i32
      %dma_start3A_102 = tpu.memref_slice %arg9[%add3A_17, %dma_start3A_101] : memref<10112x128xf32, #tpu.memory_space<vmem_shared>> -> memref<128x128xf32, #tpu.memory_space<vmem_shared>>
      %dma_start3A_103 = arith.constant 0 : i32
      %dma_start3A_104 = tpu.memref_slice %arg9[%add3A_17, %dma_start3A_103] : memref<10112x128xf32, #tpu.memory_space<vmem_shared>> -> memref<128x128xf32, #tpu.memory_space<vmem_shared>>
      %dma_start3A_105 = arith.constant 0 : i32
      %dma_start3A_106 = arith.constant 0 : i32
      %dma_start3A_107 = tpu.memref_slice %arg8[%run_scoped3A_18, %dma_start3A_105, %dma_start3A_106] : memref<2x128x128xf32, #tpu.memory_space<vmem>> -> memref<1x128x128xf32, #tpu.memory_space<vmem>>
      %dma_start3A_108 = tpu.memref_squeeze %dma_start3A_107 : memref<1x128x128xf32, #tpu.memory_space<vmem>> -> memref<128x128xf32, #tpu.memory_space<vmem>>
      tpu.enqueue_dma source(%dma_start3A_108 : memref<128x128xf32, #tpu.memory_space<vmem>>) target(%dma_start3A_104 : memref<128x128xf32, #tpu.memory_space<vmem_shared>>) target_semaphore(%run_scoped3A_96 : memref<!tpu.dma_semaphore, #tpu.memory_space<semaphore_mem>>)
      %dma_wait3A_109 = arith.constant 0 : i32
      %dma_wait3A_110 = arith.constant 0 : i32
      %dma_wait3A_111 = tpu.memref_slice %arg8[%run_scoped3A_18, %dma_wait3A_109, %dma_wait3A_110] : memref<2x128x128xf32, #tpu.memory_space<vmem>> -> memref<1x128x128xf32, #tpu.memory_space<vmem>>
      %dma_wait3A_112 = tpu.memref_squeeze %dma_wait3A_111 : memref<1x128x128xf32, #tpu.memory_space<vmem>> -> memref<128x128xf32, #tpu.memory_space<vmem>>
      %dma_wait3A_113 = arith.constant 0 : i32
      %dma_wait3A_114 = tpu.memref_slice %arg9[%add3A_17, %dma_wait3A_113] : memref<10112x128xf32, #tpu.memory_space<vmem_shared>> -> memref<128x128xf32, #tpu.memory_space<vmem_shared>>
      %dma_wait3A_115 = arith.constant 0 : i32
      %dma_wait3A_116 = tpu.memref_slice %arg9[%add3A_17, %dma_wait3A_115] : memref<10112x128xf32, #tpu.memory_space<vmem_shared>> -> memref<128x128xf32, #tpu.memory_space<vmem_shared>>
      %dma_wait3A_117 = arith.constant 0 : i32
      %dma_wait3A_118 = arith.constant 0 : i32
      %dma_wait3A_119 = tpu.memref_slice %arg8[%run_scoped3A_18, %dma_wait3A_117, %dma_wait3A_118] : memref<2x128x128xf32, #tpu.memory_space<vmem>> -> memref<1x128x128xf32, #tpu.memory_space<vmem>>
      %dma_wait3A_120 = tpu.memref_squeeze %dma_wait3A_119 : memref<1x128x128xf32, #tpu.memory_space<vmem>> -> memref<128x128xf32, #tpu.memory_space<vmem>>
      tpu.wait_dma2 semaphore(%run_scoped3A_96 : memref<!tpu.dma_semaphore, #tpu.memory_space<semaphore_mem>>) src(%dma_wait3A_120 : memref<128x128xf32, #tpu.memory_space<vmem>>) dst(%dma_wait3A_116 : memref<128x128xf32, #tpu.memory_space<vmem_shared>>)
      tpu.yield
    }) : () -> ()
    %add3A_19 = arith.constant 384 : i32
    %add3A_20 = arith.addi %mul3A_10, %add3A_19 : i32
    %run_scoped3A_21 = arith.constant 0 : i32
    "tpu.region"() ({
      %run_scoped3A_96 = tpu.sem_alloc : memref<!tpu.dma_semaphore, #tpu.memory_space<semaphore_mem>>
      %dma_start3A_97 = arith.constant 0 : i32
      %dma_start3A_98 = arith.constant 0 : i32
      %dma_start3A_99 = tpu.memref_slice %arg8[%run_scoped3A_21, %dma_start3A_97, %dma_start3A_98] : memref<2x128x128xf32, #tpu.memory_space<vmem>> -> memref<1x128x128xf32, #tpu.memory_space<vmem>>
      %dma_start3A_100 = tpu.memref_squeeze %dma_start3A_99 : memref<1x128x128xf32, #tpu.memory_space<vmem>> -> memref<128x128xf32, #tpu.memory_space<vmem>>
      %dma_start3A_101 = arith.constant 0 : i32
      %dma_start3A_102 = tpu.memref_slice %arg9[%add3A_20, %dma_start3A_101] : memref<10112x128xf32, #tpu.memory_space<vmem_shared>> -> memref<128x128xf32, #tpu.memory_space<vmem_shared>>
      %dma_start3A_103 = arith.constant 0 : i32
      %dma_start3A_104 = tpu.memref_slice %arg9[%add3A_20, %dma_start3A_103] : memref<10112x128xf32, #tpu.memory_space<vmem_shared>> -> memref<128x128xf32, #tpu.memory_space<vmem_shared>>
      %dma_start3A_105 = arith.constant 0 : i32
      %dma_start3A_106 = arith.constant 0 : i32
      %dma_start3A_107 = tpu.memref_slice %arg8[%run_scoped3A_21, %dma_start3A_105, %dma_start3A_106] : memref<2x128x128xf32, #tpu.memory_space<vmem>> -> memref<1x128x128xf32, #tpu.memory_space<vmem>>
      %dma_start3A_108 = tpu.memref_squeeze %dma_start3A_107 : memref<1x128x128xf32, #tpu.memory_space<vmem>> -> memref<128x128xf32, #tpu.memory_space<vmem>>
      tpu.enqueue_dma source(%dma_start3A_108 : memref<128x128xf32, #tpu.memory_space<vmem>>) target(%dma_start3A_104 : memref<128x128xf32, #tpu.memory_space<vmem_shared>>) target_semaphore(%run_scoped3A_96 : memref<!tpu.dma_semaphore, #tpu.memory_space<semaphore_mem>>)
      %dma_wait3A_109 = arith.constant 0 : i32
      %dma_wait3A_110 = arith.constant 0 : i32
      %dma_wait3A_111 = tpu.memref_slice %arg8[%run_scoped3A_21, %dma_wait3A_109, %dma_wait3A_110] : memref<2x128x128xf32, #tpu.memory_space<vmem>> -> memref<1x128x128xf32, #tpu.memory_space<vmem>>
      %dma_wait3A_112 = tpu.memref_squeeze %dma_wait3A_111 : memref<1x128x128xf32, #tpu.memory_space<vmem>> -> memref<128x128xf32, #tpu.memory_space<vmem>>
      %dma_wait3A_113 = arith.constant 0 : i32
      %dma_wait3A_114 = tpu.memref_slice %arg9[%add3A_20, %dma_wait3A_113] : memref<10112x128xf32, #tpu.memory_space<vmem_shared>> -> memref<128x128xf32, #tpu.memory_space<vmem_shared>>
      %dma_wait3A_115 = arith.constant 0 : i32
      %dma_wait3A_116 = tpu.memref_slice %arg9[%add3A_20, %dma_wait3A_115] : memref<10112x128xf32, #tpu.memory_space<vmem_shared>> -> memref<128x128xf32, #tpu.memory_space<vmem_shared>>
      %dma_wait3A_117 = arith.constant 0 : i32
      %dma_wait3A_118 = arith.constant 0 : i32
      %dma_wait3A_119 = tpu.memref_slice %arg8[%run_scoped3A_21, %dma_wait3A_117, %dma_wait3A_118] : memref<2x128x128xf32, #tpu.memory_space<vmem>> -> memref<1x128x128xf32, #tpu.memory_space<vmem>>
      %dma_wait3A_120 = tpu.memref_squeeze %dma_wait3A_119 : memref<1x128x128xf32, #tpu.memory_space<vmem>> -> memref<128x128xf32, #tpu.memory_space<vmem>>
      tpu.wait_dma2 semaphore(%run_scoped3A_96 : memref<!tpu.dma_semaphore, #tpu.memory_space<semaphore_mem>>) src(%dma_wait3A_120 : memref<128x128xf32, #tpu.memory_space<vmem>>) dst(%dma_wait3A_116 : memref<128x128xf32, #tpu.memory_space<vmem_shared>>)
      tpu.yield
    }) : () -> ()
    %add3A_22 = arith.constant 632 : i32
    %add3A_23 = arith.addi %mul3A_10, %add3A_22 : i32
    %sub3A = arith.constant 128 : i32
    %sub3A_24 = arith.subi %add3A_23, %sub3A : i32
    %run_scoped3A_25 = arith.constant 0 : i32
    "tpu.region"() ({
      %run_scoped3A_96 = tpu.sem_alloc : memref<!tpu.dma_semaphore, #tpu.memory_space<semaphore_mem>>
      %dma_start3A_97 = arith.constant 0 : i32
      %dma_start3A_98 = arith.constant 0 : i32
      %dma_start3A_99 = tpu.memref_slice %arg8[%run_scoped3A_25, %dma_start3A_97, %dma_start3A_98] : memref<2x128x128xf32, #tpu.memory_space<vmem>> -> memref<1x128x128xf32, #tpu.memory_space<vmem>>
      %dma_start3A_100 = tpu.memref_squeeze %dma_start3A_99 : memref<1x128x128xf32, #tpu.memory_space<vmem>> -> memref<128x128xf32, #tpu.memory_space<vmem>>
      %dma_start3A_101 = arith.constant 0 : i32
      %dma_start3A_102 = tpu.memref_slice %arg9[%sub3A_24, %dma_start3A_101] : memref<10112x128xf32, #tpu.memory_space<vmem_shared>> -> memref<128x128xf32, #tpu.memory_space<vmem_shared>>
      %dma_start3A_103 = arith.constant 0 : i32
      %dma_start3A_104 = tpu.memref_slice %arg9[%sub3A_24, %dma_start3A_103] : memref<10112x128xf32, #tpu.memory_space<vmem_shared>> -> memref<128x128xf32, #tpu.memory_space<vmem_shared>>
      %dma_start3A_105 = arith.constant 0 : i32
      %dma_start3A_106 = arith.constant 0 : i32
      %dma_start3A_107 = tpu.memref_slice %arg8[%run_scoped3A_25, %dma_start3A_105, %dma_start3A_106] : memref<2x128x128xf32, #tpu.memory_space<vmem>> -> memref<1x128x128xf32, #tpu.memory_space<vmem>>
      %dma_start3A_108 = tpu.memref_squeeze %dma_start3A_107 : memref<1x128x128xf32, #tpu.memory_space<vmem>> -> memref<128x128xf32, #tpu.memory_space<vmem>>
      tpu.enqueue_dma source(%dma_start3A_108 : memref<128x128xf32, #tpu.memory_space<vmem>>) target(%dma_start3A_104 : memref<128x128xf32, #tpu.memory_space<vmem_shared>>) target_semaphore(%run_scoped3A_96 : memref<!tpu.dma_semaphore, #tpu.memory_space<semaphore_mem>>)
      %dma_wait3A_109 = arith.constant 0 : i32
      %dma_wait3A_110 = arith.constant 0 : i32
      %dma_wait3A_111 = tpu.memref_slice %arg8[%run_scoped3A_25, %dma_wait3A_109, %dma_wait3A_110] : memref<2x128x128xf32, #tpu.memory_space<vmem>> -> memref<1x128x128xf32, #tpu.memory_space<vmem>>
      %dma_wait3A_112 = tpu.memref_squeeze %dma_wait3A_111 : memref<1x128x128xf32, #tpu.memory_space<vmem>> -> memref<128x128xf32, #tpu.memory_space<vmem>>
      %dma_wait3A_113 = arith.constant 0 : i32
      %dma_wait3A_114 = tpu.memref_slice %arg9[%sub3A_24, %dma_wait3A_113] : memref<10112x128xf32, #tpu.memory_space<vmem_shared>> -> memref<128x128xf32, #tpu.memory_space<vmem_shared>>
      %dma_wait3A_115 = arith.constant 0 : i32
      %dma_wait3A_116 = tpu.memref_slice %arg9[%sub3A_24, %dma_wait3A_115] : memref<10112x128xf32, #tpu.memory_space<vmem_shared>> -> memref<128x128xf32, #tpu.memory_space<vmem_shared>>
      %dma_wait3A_117 = arith.constant 0 : i32
      %dma_wait3A_118 = arith.constant 0 : i32
      %dma_wait3A_119 = tpu.memref_slice %arg8[%run_scoped3A_25, %dma_wait3A_117, %dma_wait3A_118] : memref<2x128x128xf32, #tpu.memory_space<vmem>> -> memref<1x128x128xf32, #tpu.memory_space<vmem>>
      %dma_wait3A_120 = tpu.memref_squeeze %dma_wait3A_119 : memref<1x128x128xf32, #tpu.memory_space<vmem>> -> memref<128x128xf32, #tpu.memory_space<vmem>>
      tpu.wait_dma2 semaphore(%run_scoped3A_96 : memref<!tpu.dma_semaphore, #tpu.memory_space<semaphore_mem>>) src(%dma_wait3A_120 : memref<128x128xf32, #tpu.memory_space<vmem>>) dst(%dma_wait3A_116 : memref<128x128xf32, #tpu.memory_space<vmem_shared>>)
      tpu.yield
    }) : () -> ()
    %barrier3A = arith.constant 0 : index
    tpu.barrier barrier_id(%barrier3A)
    %add3A_26 = arith.constant 0 : i32
    %add3A_27 = arith.addi %mul3A_2, %add3A_26 : i32
    "tpu.region"() ({
      %run_scoped3A_96 = tpu.sem_alloc : memref<!tpu.dma_semaphore, #tpu.memory_space<semaphore_mem>>
      %dma_start3A_97 = arith.constant 0 : i32
      %dma_start3A_98 = tpu.memref_slice %arg3[%add3A_27, %dma_start3A_97] : memref<2560x128xi32, #tpu.memory_space<hbm>> -> memref<40x128xi32, #tpu.memory_space<hbm>>
      %dma_start3A_99 = arith.constant 0 : i32
      %dma_start3A_100 = tpu.memref_slice %arg3[%add3A_27, %dma_start3A_99] : memref<2560x128xi32, #tpu.memory_space<hbm>> -> memref<40x128xi32, #tpu.memory_space<hbm>>
      tpu.enqueue_dma source(%dma_start3A_100 : memref<40x128xi32, #tpu.memory_space<hbm>>) target(%arg6 : memref<40x128xi32, #tpu.memory_space<vmem>>) target_semaphore(%run_scoped3A_96 : memref<!tpu.dma_semaphore, #tpu.memory_space<semaphore_mem>>)
      %dma_wait3A_101 = arith.constant 0 : i32
      %dma_wait3A_102 = tpu.memref_slice %arg3[%add3A_27, %dma_wait3A_101] : memref<2560x128xi32, #tpu.memory_space<hbm>> -> memref<40x128xi32, #tpu.memory_space<hbm>>
      %dma_wait3A_103 = arith.constant 0 : i32
      %dma_wait3A_104 = tpu.memref_slice %arg3[%add3A_27, %dma_wait3A_103] : memref<2560x128xi32, #tpu.memory_space<hbm>> -> memref<40x128xi32, #tpu.memory_space<hbm>>
      tpu.wait_dma2 semaphore(%run_scoped3A_96 : memref<!tpu.dma_semaphore, #tpu.memory_space<semaphore_mem>>) src(%dma_wait3A_104 : memref<40x128xi32, #tpu.memory_space<hbm>>) dst(%arg6 : memref<40x128xi32, #tpu.memory_space<vmem>>)
      tpu.yield
    }) : () -> ()
    %add3A_28 = arith.constant 0 : i32
    %add3A_29 = arith.addi %mul3A_2, %add3A_28 : i32
    "tpu.region"() ({
      %run_scoped3A_96 = tpu.sem_alloc : memref<!tpu.dma_semaphore, #tpu.memory_space<semaphore_mem>>
      %dma_start3A_97 = arith.constant 0 : i32
      %dma_start3A_98 = tpu.memref_slice %arg4[%add3A_29, %dma_start3A_97] : memref<2560x128xi32, #tpu.memory_space<hbm>> -> memref<40x128xi32, #tpu.memory_space<hbm>>
      %dma_start3A_99 = arith.constant 0 : i32
      %dma_start3A_100 = tpu.memref_slice %arg4[%add3A_29, %dma_start3A_99] : memref<2560x128xi32, #tpu.memory_space<hbm>> -> memref<40x128xi32, #tpu.memory_space<hbm>>
      tpu.enqueue_dma source(%dma_start3A_100 : memref<40x128xi32, #tpu.memory_space<hbm>>) target(%arg7 : memref<40x128xi32, #tpu.memory_space<vmem>>) target_semaphore(%run_scoped3A_96 : memref<!tpu.dma_semaphore, #tpu.memory_space<semaphore_mem>>)
      %dma_wait3A_101 = arith.constant 0 : i32
      %dma_wait3A_102 = tpu.memref_slice %arg4[%add3A_29, %dma_wait3A_101] : memref<2560x128xi32, #tpu.memory_space<hbm>> -> memref<40x128xi32, #tpu.memory_space<hbm>>
      %dma_wait3A_103 = arith.constant 0 : i32
      %dma_wait3A_104 = tpu.memref_slice %arg4[%add3A_29, %dma_wait3A_103] : memref<2560x128xi32, #tpu.memory_space<hbm>> -> memref<40x128xi32, #tpu.memory_space<hbm>>
      tpu.wait_dma2 semaphore(%run_scoped3A_96 : memref<!tpu.dma_semaphore, #tpu.memory_space<semaphore_mem>>) src(%dma_wait3A_104 : memref<40x128xi32, #tpu.memory_space<hbm>>) dst(%arg7 : memref<40x128xi32, #tpu.memory_space<vmem>>)
      tpu.yield
    }) : () -> ()
    %dma_start3A = arith.constant 0 : i32
    %dma_start3A_30 = arith.constant 0 : i32
    %dma_start3A_31 = arith.constant 0 : i32
    %dma_start3A_32 = arith.constant 0 : i32
    %dma_start3A_33 = tpu.memref_slice %arg8[%dma_start3A_30, %dma_start3A_31, %dma_start3A_32] : memref<2x128x128xf32, #tpu.memory_space<vmem>> -> memref<1x128x128xf32, #tpu.memory_space<vmem>>
    %dma_start3A_34 = tpu.memref_squeeze %dma_start3A_33 : memref<1x128x128xf32, #tpu.memory_space<vmem>> -> memref<128x128xf32, #tpu.memory_space<vmem>>
    %dma_start3A_35 = arith.constant 0 : i32
    %dma_start3A_36 = tpu.memref_slice %arg6[%dma_start3A, %dma_start3A_35] : memref<40x128xi32, #tpu.memory_space<vmem>> -> memref<1x128xi32, #tpu.memory_space<vmem>>
    %dma_start3A_37 = tpu.memref_squeeze %dma_start3A_36 : memref<1x128xi32, #tpu.memory_space<vmem>> -> memref<128xi32, #tpu.memory_space<vmem>>
    %dma_start3A_38 = arith.constant 0 : i32
    %dma_start3A_39 = arith.constant 0 : i32
    %dma_start3A_40 = tpu.memref_slice %arg2[%dma_start3A_38, %dma_start3A_39] : memref<10000x128xf32, #tpu.memory_space<hbm>> -> memref<10000x128xf32, #tpu.memory_space<hbm>>
    tpu.enqueue_indirect_dma source(%dma_start3A_40 : memref<10000x128xf32, #tpu.memory_space<hbm>>) target(%dma_start3A_34 : memref<128x128xf32, #tpu.memory_space<vmem>>) offsets(%dma_start3A_37 : memref<128xi32, #tpu.memory_space<vmem>>) semaphore(%arg10 : memref<!tpu.dma_semaphore, #tpu.memory_space<semaphore_mem>>)
    %scan3A_41 = arith.constant 0 : i32
    %scan3A_42 = arith.constant 0 : i32
    %scan3A_43 = arith.constant 40 : i32
    %scan3A_44 = arith.addi %scan3A_42, %scan3A_43 : i32
    %scan3A_45 = arith.constant 1 : i32
    scf.for %scan3A_96 = %scan3A_42 to %scan3A_44 step %scan3A_45  : i32 {
      %rem3A = arith.constant 2 : i32
      %rem3A_97 = arith.remsi %scan3A_96, %rem3A : i32
      %gt3A = arith.constant 0 : i32
      %gt3A_98 = arith.cmpi sgt, %scan3A_96, %gt3A : i32
      %convert_element_type3A = arith.extui %gt3A_98 : i1 to i32
      %cond3A = arith.constant 0 : i32
      %cond3A_99 = arith.cmpi ne, %convert_element_type3A, %cond3A : i32
      scf.if %cond3A_99 {
        %dma_wait3A_128 = arith.constant 0 : i32
        %dma_wait3A_129 = arith.constant 0 : i32
        %dma_wait3A_130 = arith.constant 0 : i32
        %dma_wait3A_131 = arith.constant 0 : i32
        %dma_wait3A_132 = tpu.memref_slice %arg8[%dma_wait3A_128, %dma_wait3A_130, %dma_wait3A_131] : memref<2x128x128xf32, #tpu.memory_space<vmem>> -> memref<1x128x128xf32, #tpu.memory_space<vmem>>
        %dma_wait3A_133 = tpu.memref_squeeze %dma_wait3A_132 : memref<1x128x128xf32, #tpu.memory_space<vmem>> -> memref<128x128xf32, #tpu.memory_space<vmem>>
        %dma_wait3A_134 = arith.constant 0 : i32
        %dma_wait3A_135 = tpu.memref_slice %arg7[%dma_wait3A_129, %dma_wait3A_134] : memref<40x128xi32, #tpu.memory_space<vmem>> -> memref<1x128xi32, #tpu.memory_space<vmem>>
        %dma_wait3A_136 = tpu.memref_squeeze %dma_wait3A_135 : memref<1x128xi32, #tpu.memory_space<vmem>> -> memref<128xi32, #tpu.memory_space<vmem>>
        %dma_wait3A_137 = arith.constant 0 : i32
        %dma_wait3A_138 = arith.constant 0 : i32
        %dma_wait3A_139 = tpu.memref_slice %arg9[%dma_wait3A_137, %dma_wait3A_138] : memref<10112x128xf32, #tpu.memory_space<vmem_shared>> -> memref<10112x128xf32, #tpu.memory_space<vmem_shared>>
        tpu.wait_indirect_dma semaphore(%arg11 : memref<!tpu.dma_semaphore, #tpu.memory_space<semaphore_mem>>) src(%dma_wait3A_133 : memref<128x128xf32, #tpu.memory_space<vmem>>) dst(%dma_wait3A_139 : memref<10112x128xf32, #tpu.memory_space<vmem_shared>>)
      } else {
      }
      %add3A_100 = arith.constant 1 : i32
      %add3A_101 = arith.addi %scan3A_96, %add3A_100 : i32
      %lt3A = arith.constant 40 : i32
      %lt3A_102 = arith.cmpi slt, %add3A_101, %lt3A : i32
      %convert_element_type3A_103 = arith.extui %lt3A_102 : i1 to i32
      %cond3A_104 = arith.constant 0 : i32
      %cond3A_105 = arith.cmpi ne, %convert_element_type3A_103, %cond3A_104 : i32
      scf.if %cond3A_105 {
        %add3A_128 = arith.constant 1 : i32
        %add3A_129 = arith.addi %scan3A_96, %add3A_128 : i32
        %sub3A_130 = arith.constant 1 : i32
        %sub3A_131 = arith.subi %sub3A_130, %rem3A_97 : i32
        %dma_start3A_132 = arith.constant 0 : i32
        %dma_start3A_133 = arith.constant 0 : i32
        %dma_start3A_134 = tpu.memref_slice %arg8[%sub3A_131, %dma_start3A_132, %dma_start3A_133] : memref<2x128x128xf32, #tpu.memory_space<vmem>> -> memref<1x128x128xf32, #tpu.memory_space<vmem>>
        %dma_start3A_135 = tpu.memref_squeeze %dma_start3A_134 : memref<1x128x128xf32, #tpu.memory_space<vmem>> -> memref<128x128xf32, #tpu.memory_space<vmem>>
        %dma_start3A_136 = arith.constant 0 : i32
        %dma_start3A_137 = tpu.memref_slice %arg6[%add3A_129, %dma_start3A_136] : memref<40x128xi32, #tpu.memory_space<vmem>> -> memref<1x128xi32, #tpu.memory_space<vmem>>
        %dma_start3A_138 = tpu.memref_squeeze %dma_start3A_137 : memref<1x128xi32, #tpu.memory_space<vmem>> -> memref<128xi32, #tpu.memory_space<vmem>>
        %dma_start3A_139 = arith.constant 0 : i32
        %dma_start3A_140 = arith.constant 0 : i32
        %dma_start3A_141 = tpu.memref_slice %arg2[%dma_start3A_139, %dma_start3A_140] : memref<10000x128xf32, #tpu.memory_space<hbm>> -> memref<10000x128xf32, #tpu.memory_space<hbm>>
        tpu.enqueue_indirect_dma source(%dma_start3A_141 : memref<10000x128xf32, #tpu.memory_space<hbm>>) target(%dma_start3A_135 : memref<128x128xf32, #tpu.memory_space<vmem>>) offsets(%dma_start3A_138 : memref<128xi32, #tpu.memory_space<vmem>>) semaphore(%arg10 : memref<!tpu.dma_semaphore, #tpu.memory_space<semaphore_mem>>)
      } else {
      }
      %dma_wait3A_106 = arith.constant 0 : i32
      %dma_wait3A_107 = arith.constant 0 : i32
      %dma_wait3A_108 = arith.constant 0 : i32
      %dma_wait3A_109 = arith.constant 0 : i32
      %dma_wait3A_110 = tpu.memref_slice %arg8[%dma_wait3A_107, %dma_wait3A_108, %dma_wait3A_109] : memref<2x128x128xf32, #tpu.memory_space<vmem>> -> memref<1x128x128xf32, #tpu.memory_space<vmem>>
      %dma_wait3A_111 = tpu.memref_squeeze %dma_wait3A_110 : memref<1x128x128xf32, #tpu.memory_space<vmem>> -> memref<128x128xf32, #tpu.memory_space<vmem>>
      %dma_wait3A_112 = arith.constant 0 : i32
      %dma_wait3A_113 = tpu.memref_slice %arg6[%dma_wait3A_106, %dma_wait3A_112] : memref<40x128xi32, #tpu.memory_space<vmem>> -> memref<1x128xi32, #tpu.memory_space<vmem>>
      %dma_wait3A_114 = tpu.memref_squeeze %dma_wait3A_113 : memref<1x128xi32, #tpu.memory_space<vmem>> -> memref<128xi32, #tpu.memory_space<vmem>>
      %dma_wait3A_115 = arith.constant 0 : i32
      %dma_wait3A_116 = arith.constant 0 : i32
      %dma_wait3A_117 = tpu.memref_slice %arg2[%dma_wait3A_115, %dma_wait3A_116] : memref<10000x128xf32, #tpu.memory_space<hbm>> -> memref<10000x128xf32, #tpu.memory_space<hbm>>
      tpu.wait_indirect_dma semaphore(%arg10 : memref<!tpu.dma_semaphore, #tpu.memory_space<semaphore_mem>>) src(%dma_wait3A_117 : memref<10000x128xf32, #tpu.memory_space<hbm>>) dst(%dma_wait3A_111 : memref<128x128xf32, #tpu.memory_space<vmem>>)
      %dma_start3A_118 = arith.constant 0 : i32
      %dma_start3A_119 = arith.constant 0 : i32
      %dma_start3A_120 = tpu.memref_slice %arg8[%rem3A_97, %dma_start3A_118, %dma_start3A_119] : memref<2x128x128xf32, #tpu.memory_space<vmem>> -> memref<1x128x128xf32, #tpu.memory_space<vmem>>
      %dma_start3A_121 = tpu.memref_squeeze %dma_start3A_120 : memref<1x128x128xf32, #tpu.memory_space<vmem>> -> memref<128x128xf32, #tpu.memory_space<vmem>>
      %dma_start3A_122 = arith.constant 0 : i32
      %dma_start3A_123 = tpu.memref_slice %arg7[%scan3A_96, %dma_start3A_122] : memref<40x128xi32, #tpu.memory_space<vmem>> -> memref<1x128xi32, #tpu.memory_space<vmem>>
      %dma_start3A_124 = tpu.memref_squeeze %dma_start3A_123 : memref<1x128xi32, #tpu.memory_space<vmem>> -> memref<128xi32, #tpu.memory_space<vmem>>
      %dma_start3A_125 = arith.constant 0 : i32
      %dma_start3A_126 = arith.constant 0 : i32
      %dma_start3A_127 = tpu.memref_slice %arg9[%dma_start3A_125, %dma_start3A_126] : memref<10112x128xf32, #tpu.memory_space<vmem_shared>> -> memref<10112x128xf32, #tpu.memory_space<vmem_shared>>
      tpu.enqueue_indirect_dma source(%dma_start3A_121 : memref<128x128xf32, #tpu.memory_space<vmem>>) target(%dma_start3A_127 : memref<10112x128xf32, #tpu.memory_space<vmem_shared>>) offsets(%dma_start3A_124 : memref<128xi32, #tpu.memory_space<vmem>>) semaphore(%arg11 : memref<!tpu.dma_semaphore, #tpu.memory_space<semaphore_mem>>) {add = true}
    }
    %scan3A_46 = arith.constant 40 : i32
    %dma_wait3A = arith.constant 0 : i32
    %dma_wait3A_47 = arith.constant 0 : i32
    %dma_wait3A_48 = arith.constant 0 : i32
    %dma_wait3A_49 = arith.constant 0 : i32
    %dma_wait3A_50 = tpu.memref_slice %arg8[%dma_wait3A, %dma_wait3A_48, %dma_wait3A_49] : memref<2x128x128xf32, #tpu.memory_space<vmem>> -> memref<1x128x128xf32, #tpu.memory_space<vmem>>
    %dma_wait3A_51 = tpu.memref_squeeze %dma_wait3A_50 : memref<1x128x128xf32, #tpu.memory_space<vmem>> -> memref<128x128xf32, #tpu.memory_space<vmem>>
    %dma_wait3A_52 = arith.constant 0 : i32
    %dma_wait3A_53 = tpu.memref_slice %arg7[%dma_wait3A_47, %dma_wait3A_52] : memref<40x128xi32, #tpu.memory_space<vmem>> -> memref<1x128xi32, #tpu.memory_space<vmem>>
    %dma_wait3A_54 = tpu.memref_squeeze %dma_wait3A_53 : memref<1x128xi32, #tpu.memory_space<vmem>> -> memref<128xi32, #tpu.memory_space<vmem>>
    %dma_wait3A_55 = arith.constant 0 : i32
    %dma_wait3A_56 = arith.constant 0 : i32
    %dma_wait3A_57 = tpu.memref_slice %arg9[%dma_wait3A_55, %dma_wait3A_56] : memref<10112x128xf32, #tpu.memory_space<vmem_shared>> -> memref<10112x128xf32, #tpu.memory_space<vmem_shared>>
    tpu.wait_indirect_dma semaphore(%arg11 : memref<!tpu.dma_semaphore, #tpu.memory_space<semaphore_mem>>) src(%dma_wait3A_51 : memref<128x128xf32, #tpu.memory_space<vmem>>) dst(%dma_wait3A_57 : memref<10112x128xf32, #tpu.memory_space<vmem_shared>>)
    %add3A_58 = arith.constant 40 : i32
    %add3A_59 = arith.addi %mul3A_2, %add3A_58 : i32
    "tpu.region"() ({
      %run_scoped3A_96 = tpu.sem_alloc : memref<!tpu.dma_semaphore, #tpu.memory_space<semaphore_mem>>
      %dma_start3A_97 = arith.constant 0 : i32
      %dma_start3A_98 = tpu.memref_slice %arg3[%add3A_59, %dma_start3A_97] : memref<2560x128xi32, #tpu.memory_space<hbm>> -> memref<40x128xi32, #tpu.memory_space<hbm>>
      %dma_start3A_99 = arith.constant 0 : i32
      %dma_start3A_100 = tpu.memref_slice %arg3[%add3A_59, %dma_start3A_99] : memref<2560x128xi32, #tpu.memory_space<hbm>> -> memref<40x128xi32, #tpu.memory_space<hbm>>
      tpu.enqueue_dma source(%dma_start3A_100 : memref<40x128xi32, #tpu.memory_space<hbm>>) target(%arg6 : memref<40x128xi32, #tpu.memory_space<vmem>>) target_semaphore(%run_scoped3A_96 : memref<!tpu.dma_semaphore, #tpu.memory_space<semaphore_mem>>)
      %dma_wait3A_101 = arith.constant 0 : i32
      %dma_wait3A_102 = tpu.memref_slice %arg3[%add3A_59, %dma_wait3A_101] : memref<2560x128xi32, #tpu.memory_space<hbm>> -> memref<40x128xi32, #tpu.memory_space<hbm>>
      %dma_wait3A_103 = arith.constant 0 : i32
      %dma_wait3A_104 = tpu.memref_slice %arg3[%add3A_59, %dma_wait3A_103] : memref<2560x128xi32, #tpu.memory_space<hbm>> -> memref<40x128xi32, #tpu.memory_space<hbm>>
      tpu.wait_dma2 semaphore(%run_scoped3A_96 : memref<!tpu.dma_semaphore, #tpu.memory_space<semaphore_mem>>) src(%dma_wait3A_104 : memref<40x128xi32, #tpu.memory_space<hbm>>) dst(%arg6 : memref<40x128xi32, #tpu.memory_space<vmem>>)
      tpu.yield
    }) : () -> ()
    %add3A_60 = arith.constant 40 : i32
    %add3A_61 = arith.addi %mul3A_2, %add3A_60 : i32
    "tpu.region"() ({
      %run_scoped3A_96 = tpu.sem_alloc : memref<!tpu.dma_semaphore, #tpu.memory_space<semaphore_mem>>
      %dma_start3A_97 = arith.constant 0 : i32
      %dma_start3A_98 = tpu.memref_slice %arg4[%add3A_61, %dma_start3A_97] : memref<2560x128xi32, #tpu.memory_space<hbm>> -> memref<40x128xi32, #tpu.memory_space<hbm>>
      %dma_start3A_99 = arith.constant 0 : i32
      %dma_start3A_100 = tpu.memref_slice %arg4[%add3A_61, %dma_start3A_99] : memref<2560x128xi32, #tpu.memory_space<hbm>> -> memref<40x128xi32, #tpu.memory_space<hbm>>
      tpu.enqueue_dma source(%dma_start3A_100 : memref<40x128xi32, #tpu.memory_space<hbm>>) target(%arg7 : memref<40x128xi32, #tpu.memory_space<vmem>>) target_semaphore(%run_scoped3A_96 : memref<!tpu.dma_semaphore, #tpu.memory_space<semaphore_mem>>)
      %dma_wait3A_101 = arith.constant 0 : i32
      %dma_wait3A_102 = tpu.memref_slice %arg4[%add3A_61, %dma_wait3A_101] : memref<2560x128xi32, #tpu.memory_space<hbm>> -> memref<40x128xi32, #tpu.memory_space<hbm>>
      %dma_wait3A_103 = arith.constant 0 : i32
      %dma_wait3A_104 = tpu.memref_slice %arg4[%add3A_61, %dma_wait3A_103] : memref<2560x128xi32, #tpu.memory_space<hbm>> -> memref<40x128xi32, #tpu.memory_space<hbm>>
      tpu.wait_dma2 semaphore(%run_scoped3A_96 : memref<!tpu.dma_semaphore, #tpu.memory_space<semaphore_mem>>) src(%dma_wait3A_104 : memref<40x128xi32, #tpu.memory_space<hbm>>) dst(%arg7 : memref<40x128xi32, #tpu.memory_space<vmem>>)
      tpu.yield
    }) : () -> ()
    %dma_start3A_62 = arith.constant 0 : i32
    %dma_start3A_63 = arith.constant 0 : i32
    %dma_start3A_64 = arith.constant 0 : i32
    %dma_start3A_65 = arith.constant 0 : i32
    %dma_start3A_66 = tpu.memref_slice %arg8[%dma_start3A_63, %dma_start3A_64, %dma_start3A_65] : memref<2x128x128xf32, #tpu.memory_space<vmem>> -> memref<1x128x128xf32, #tpu.memory_space<vmem>>
    %dma_start3A_67 = tpu.memref_squeeze %dma_start3A_66 : memref<1x128x128xf32, #tpu.memory_space<vmem>> -> memref<128x128xf32, #tpu.memory_space<vmem>>
    %dma_start3A_68 = arith.constant 0 : i32
    %dma_start3A_69 = tpu.memref_slice %arg6[%dma_start3A_62, %dma_start3A_68] : memref<40x128xi32, #tpu.memory_space<vmem>> -> memref<1x128xi32, #tpu.memory_space<vmem>>
    %dma_start3A_70 = tpu.memref_squeeze %dma_start3A_69 : memref<1x128xi32, #tpu.memory_space<vmem>> -> memref<128xi32, #tpu.memory_space<vmem>>
    %dma_start3A_71 = arith.constant 0 : i32
    %dma_start3A_72 = arith.constant 0 : i32
    %dma_start3A_73 = tpu.memref_slice %arg2[%dma_start3A_71, %dma_start3A_72] : memref<10000x128xf32, #tpu.memory_space<hbm>> -> memref<10000x128xf32, #tpu.memory_space<hbm>>
    tpu.enqueue_indirect_dma source(%dma_start3A_73 : memref<10000x128xf32, #tpu.memory_space<hbm>>) target(%dma_start3A_67 : memref<128x128xf32, #tpu.memory_space<vmem>>) offsets(%dma_start3A_70 : memref<128xi32, #tpu.memory_space<vmem>>) semaphore(%arg10 : memref<!tpu.dma_semaphore, #tpu.memory_space<semaphore_mem>>)
    %scan3A_74 = arith.constant 0 : i32
    %scan3A_75 = arith.constant 0 : i32
    %scan3A_76 = arith.constant 40 : i32
    %scan3A_77 = arith.addi %scan3A_75, %scan3A_76 : i32
    %scan3A_78 = arith.constant 1 : i32
    scf.for %scan3A_96 = %scan3A_75 to %scan3A_77 step %scan3A_78  : i32 {
      %rem3A = arith.constant 2 : i32
      %rem3A_97 = arith.remsi %scan3A_96, %rem3A : i32
      %gt3A = arith.constant 0 : i32
      %gt3A_98 = arith.cmpi sgt, %scan3A_96, %gt3A : i32
      %convert_element_type3A = arith.extui %gt3A_98 : i1 to i32
      %cond3A = arith.constant 0 : i32
      %cond3A_99 = arith.cmpi ne, %convert_element_type3A, %cond3A : i32
      scf.if %cond3A_99 {
        %dma_wait3A_128 = arith.constant 0 : i32
        %dma_wait3A_129 = arith.constant 0 : i32
        %dma_wait3A_130 = arith.constant 0 : i32
        %dma_wait3A_131 = arith.constant 0 : i32
        %dma_wait3A_132 = tpu.memref_slice %arg8[%dma_wait3A_128, %dma_wait3A_130, %dma_wait3A_131] : memref<2x128x128xf32, #tpu.memory_space<vmem>> -> memref<1x128x128xf32, #tpu.memory_space<vmem>>
        %dma_wait3A_133 = tpu.memref_squeeze %dma_wait3A_132 : memref<1x128x128xf32, #tpu.memory_space<vmem>> -> memref<128x128xf32, #tpu.memory_space<vmem>>
        %dma_wait3A_134 = arith.constant 0 : i32
        %dma_wait3A_135 = tpu.memref_slice %arg7[%dma_wait3A_129, %dma_wait3A_134] : memref<40x128xi32, #tpu.memory_space<vmem>> -> memref<1x128xi32, #tpu.memory_space<vmem>>
        %dma_wait3A_136 = tpu.memref_squeeze %dma_wait3A_135 : memref<1x128xi32, #tpu.memory_space<vmem>> -> memref<128xi32, #tpu.memory_space<vmem>>
        %dma_wait3A_137 = arith.constant 0 : i32
        %dma_wait3A_138 = arith.constant 0 : i32
        %dma_wait3A_139 = tpu.memref_slice %arg9[%dma_wait3A_137, %dma_wait3A_138] : memref<10112x128xf32, #tpu.memory_space<vmem_shared>> -> memref<10112x128xf32, #tpu.memory_space<vmem_shared>>
        tpu.wait_indirect_dma semaphore(%arg11 : memref<!tpu.dma_semaphore, #tpu.memory_space<semaphore_mem>>) src(%dma_wait3A_133 : memref<128x128xf32, #tpu.memory_space<vmem>>) dst(%dma_wait3A_139 : memref<10112x128xf32, #tpu.memory_space<vmem_shared>>)
      } else {
      }
      %add3A_100 = arith.constant 1 : i32
      %add3A_101 = arith.addi %scan3A_96, %add3A_100 : i32
      %lt3A = arith.constant 40 : i32
      %lt3A_102 = arith.cmpi slt, %add3A_101, %lt3A : i32
      %convert_element_type3A_103 = arith.extui %lt3A_102 : i1 to i32
      %cond3A_104 = arith.constant 0 : i32
      %cond3A_105 = arith.cmpi ne, %convert_element_type3A_103, %cond3A_104 : i32
      scf.if %cond3A_105 {
        %add3A_128 = arith.constant 1 : i32
        %add3A_129 = arith.addi %scan3A_96, %add3A_128 : i32
        %sub3A_130 = arith.constant 1 : i32
        %sub3A_131 = arith.subi %sub3A_130, %rem3A_97 : i32
        %dma_start3A_132 = arith.constant 0 : i32
        %dma_start3A_133 = arith.constant 0 : i32
        %dma_start3A_134 = tpu.memref_slice %arg8[%sub3A_131, %dma_start3A_132, %dma_start3A_133] : memref<2x128x128xf32, #tpu.memory_space<vmem>> -> memref<1x128x128xf32, #tpu.memory_space<vmem>>
        %dma_start3A_135 = tpu.memref_squeeze %dma_start3A_134 : memref<1x128x128xf32, #tpu.memory_space<vmem>> -> memref<128x128xf32, #tpu.memory_space<vmem>>
        %dma_start3A_136 = arith.constant 0 : i32
        %dma_start3A_137 = tpu.memref_slice %arg6[%add3A_129, %dma_start3A_136] : memref<40x128xi32, #tpu.memory_space<vmem>> -> memref<1x128xi32, #tpu.memory_space<vmem>>
        %dma_start3A_138 = tpu.memref_squeeze %dma_start3A_137 : memref<1x128xi32, #tpu.memory_space<vmem>> -> memref<128xi32, #tpu.memory_space<vmem>>
        %dma_start3A_139 = arith.constant 0 : i32
        %dma_start3A_140 = arith.constant 0 : i32
        %dma_start3A_141 = tpu.memref_slice %arg2[%dma_start3A_139, %dma_start3A_140] : memref<10000x128xf32, #tpu.memory_space<hbm>> -> memref<10000x128xf32, #tpu.memory_space<hbm>>
        tpu.enqueue_indirect_dma source(%dma_start3A_141 : memref<10000x128xf32, #tpu.memory_space<hbm>>) target(%dma_start3A_135 : memref<128x128xf32, #tpu.memory_space<vmem>>) offsets(%dma_start3A_138 : memref<128xi32, #tpu.memory_space<vmem>>) semaphore(%arg10 : memref<!tpu.dma_semaphore, #tpu.memory_space<semaphore_mem>>)
      } else {
      }
      %dma_wait3A_106 = arith.constant 0 : i32
      %dma_wait3A_107 = arith.constant 0 : i32
      %dma_wait3A_108 = arith.constant 0 : i32
      %dma_wait3A_109 = arith.constant 0 : i32
      %dma_wait3A_110 = tpu.memref_slice %arg8[%dma_wait3A_107, %dma_wait3A_108, %dma_wait3A_109] : memref<2x128x128xf32, #tpu.memory_space<vmem>> -> memref<1x128x128xf32, #tpu.memory_space<vmem>>
      %dma_wait3A_111 = tpu.memref_squeeze %dma_wait3A_110 : memref<1x128x128xf32, #tpu.memory_space<vmem>> -> memref<128x128xf32, #tpu.memory_space<vmem>>
      %dma_wait3A_112 = arith.constant 0 : i32
      %dma_wait3A_113 = tpu.memref_slice %arg6[%dma_wait3A_106, %dma_wait3A_112] : memref<40x128xi32, #tpu.memory_space<vmem>> -> memref<1x128xi32, #tpu.memory_space<vmem>>
      %dma_wait3A_114 = tpu.memref_squeeze %dma_wait3A_113 : memref<1x128xi32, #tpu.memory_space<vmem>> -> memref<128xi32, #tpu.memory_space<vmem>>
      %dma_wait3A_115 = arith.constant 0 : i32
      %dma_wait3A_116 = arith.constant 0 : i32
      %dma_wait3A_117 = tpu.memref_slice %arg2[%dma_wait3A_115, %dma_wait3A_116] : memref<10000x128xf32, #tpu.memory_space<hbm>> -> memref<10000x128xf32, #tpu.memory_space<hbm>>
      tpu.wait_indirect_dma semaphore(%arg10 : memref<!tpu.dma_semaphore, #tpu.memory_space<semaphore_mem>>) src(%dma_wait3A_117 : memref<10000x128xf32, #tpu.memory_space<hbm>>) dst(%dma_wait3A_111 : memref<128x128xf32, #tpu.memory_space<vmem>>)
      %dma_start3A_118 = arith.constant 0 : i32
      %dma_start3A_119 = arith.constant 0 : i32
      %dma_start3A_120 = tpu.memref_slice %arg8[%rem3A_97, %dma_start3A_118, %dma_start3A_119] : memref<2x128x128xf32, #tpu.memory_space<vmem>> -> memref<1x128x128xf32, #tpu.memory_space<vmem>>
      %dma_start3A_121 = tpu.memref_squeeze %dma_start3A_120 : memref<1x128x128xf32, #tpu.memory_space<vmem>> -> memref<128x128xf32, #tpu.memory_space<vmem>>
      %dma_start3A_122 = arith.constant 0 : i32
      %dma_start3A_123 = tpu.memref_slice %arg7[%scan3A_96, %dma_start3A_122] : memref<40x128xi32, #tpu.memory_space<vmem>> -> memref<1x128xi32, #tpu.memory_space<vmem>>
      %dma_start3A_124 = tpu.memref_squeeze %dma_start3A_123 : memref<1x128xi32, #tpu.memory_space<vmem>> -> memref<128xi32, #tpu.memory_space<vmem>>
      %dma_start3A_125 = arith.constant 0 : i32
      %dma_start3A_126 = arith.constant 0 : i32
      %dma_start3A_127 = tpu.memref_slice %arg9[%dma_start3A_125, %dma_start3A_126] : memref<10112x128xf32, #tpu.memory_space<vmem_shared>> -> memref<10112x128xf32, #tpu.memory_space<vmem_shared>>
      tpu.enqueue_indirect_dma source(%dma_start3A_121 : memref<128x128xf32, #tpu.memory_space<vmem>>) target(%dma_start3A_127 : memref<10112x128xf32, #tpu.memory_space<vmem_shared>>) offsets(%dma_start3A_124 : memref<128xi32, #tpu.memory_space<vmem>>) semaphore(%arg11 : memref<!tpu.dma_semaphore, #tpu.memory_space<semaphore_mem>>) {add = true}
    }
    %scan3A_79 = arith.constant 40 : i32
    %dma_wait3A_80 = arith.constant 0 : i32
    %dma_wait3A_81 = arith.constant 0 : i32
    %dma_wait3A_82 = arith.constant 0 : i32
    %dma_wait3A_83 = arith.constant 0 : i32
    %dma_wait3A_84 = tpu.memref_slice %arg8[%dma_wait3A_80, %dma_wait3A_82, %dma_wait3A_83] : memref<2x128x128xf32, #tpu.memory_space<vmem>> -> memref<1x128x128xf32, #tpu.memory_space<vmem>>
    %dma_wait3A_85 = tpu.memref_squeeze %dma_wait3A_84 : memref<1x128x128xf32, #tpu.memory_space<vmem>> -> memref<128x128xf32, #tpu.memory_space<vmem>>
    %dma_wait3A_86 = arith.constant 0 : i32
    %dma_wait3A_87 = tpu.memref_slice %arg7[%dma_wait3A_81, %dma_wait3A_86] : memref<40x128xi32, #tpu.memory_space<vmem>> -> memref<1x128xi32, #tpu.memory_space<vmem>>
    %dma_wait3A_88 = tpu.memref_squeeze %dma_wait3A_87 : memref<1x128xi32, #tpu.memory_space<vmem>> -> memref<128xi32, #tpu.memory_space<vmem>>
    %dma_wait3A_89 = arith.constant 0 : i32
    %dma_wait3A_90 = arith.constant 0 : i32
    %dma_wait3A_91 = tpu.memref_slice %arg9[%dma_wait3A_89, %dma_wait3A_90] : memref<10112x128xf32, #tpu.memory_space<vmem_shared>> -> memref<10112x128xf32, #tpu.memory_space<vmem_shared>>
    tpu.wait_indirect_dma semaphore(%arg11 : memref<!tpu.dma_semaphore, #tpu.memory_space<semaphore_mem>>) src(%dma_wait3A_85 : memref<128x128xf32, #tpu.memory_space<vmem>>) dst(%dma_wait3A_91 : memref<10112x128xf32, #tpu.memory_space<vmem_shared>>)
    %barrier3A_92 = arith.constant 0 : index
    tpu.barrier barrier_id(%barrier3A_92)
    %mul3A_93 = arith.constant 10112 : i32
    %mul3A_94 = arith.muli %arg0, %mul3A_93 : i32
    %add3A_95 = arith.addi %mul3A_94, %mul3A_10 : i32
    "tpu.region"() ({
      %run_scoped3A_96 = tpu.sem_alloc : memref<!tpu.dma_semaphore, #tpu.memory_space<semaphore_mem>>
      %dma_start3A_97 = arith.constant 0 : i32
      %dma_start3A_98 = tpu.memref_slice %arg5[%add3A_95, %dma_start3A_97] : memref<20224x128xf32, #tpu.memory_space<hbm>> -> memref<632x128xf32, #tpu.memory_space<hbm>>
      %dma_start3A_99 = arith.constant 0 : i32
      %dma_start3A_100 = tpu.memref_slice %arg9[%mul3A_10, %dma_start3A_99] : memref<10112x128xf32, #tpu.memory_space<vmem_shared>> -> memref<632x128xf32, #tpu.memory_space<vmem_shared>>
      tpu.enqueue_dma source(%dma_start3A_100 : memref<632x128xf32, #tpu.memory_space<vmem_shared>>) target(%dma_start3A_98 : memref<632x128xf32, #tpu.memory_space<hbm>>) target_semaphore(%run_scoped3A_96 : memref<!tpu.dma_semaphore, #tpu.memory_space<semaphore_mem>>)
      %dma_wait3A_101 = arith.constant 0 : i32
      %dma_wait3A_102 = tpu.memref_slice %arg5[%add3A_95, %dma_wait3A_101] : memref<20224x128xf32, #tpu.memory_space<hbm>> -> memref<632x128xf32, #tpu.memory_space<hbm>>
      %dma_wait3A_103 = arith.constant 0 : i32
      %dma_wait3A_104 = tpu.memref_slice %arg9[%mul3A_10, %dma_wait3A_103] : memref<10112x128xf32, #tpu.memory_space<vmem_shared>> -> memref<632x128xf32, #tpu.memory_space<vmem_shared>>
      tpu.wait_dma2 semaphore(%run_scoped3A_96 : memref<!tpu.dma_semaphore, #tpu.memory_space<semaphore_mem>>) src(%dma_wait3A_104 : memref<632x128xf32, #tpu.memory_space<vmem_shared>>) dst(%dma_wait3A_102 : memref<632x128xf32, #tpu.memory_space<hbm>>)
      tpu.yield
    }) : () -> ()
    return
  }
}

#map = affine_map<(d0, d1) -> (0, 0)>
module attributes {stable_mosaic.version = 14 : i64} {
  func.func @sc_scatter(%arg0: i32, %arg1: i32, %arg2: memref<10000x128xf32, #tpu.memory_space<hbm>>, %arg3: memref<2560x128xi32, #tpu.memory_space<hbm>>, %arg4: memref<2560x128xi32, #tpu.memory_space<hbm>>, %arg5: memref<20224x128xf32, #tpu.memory_space<hbm>>, %arg6: memref<40x128xi32, #tpu.memory_space<vmem>>, %arg7: memref<40x128xi32, #tpu.memory_space<vmem>>, %arg8: memref<2x128x128xf32, #tpu.memory_space<vmem>>, %arg9: memref<10112x128xf32, #tpu.memory_space<vmem_shared>>, %arg10: memref<!tpu.dma_semaphore, #tpu.memory_space<semaphore_mem>>, %arg11: memref<!tpu.dma_semaphore, #tpu.memory_space<semaphore_mem>>) attributes {dimension_semantics = [#tpu.dimension_semantics<core_parallel>, #tpu.dimension_semantics<subcore_parallel>], iteration_bounds = array<i64: 2, 16>, scalar_prefetch = 0 : i64, scratch_operands = 6 : i64, tpu.core_type = #tpu.core_type<sc_vector_subcore>, window_params = [{transform_indices = #map}, {transform_indices = #map}, {transform_indices = #map}, {transform_indices = #map}]} {
    %mul3A = arith.constant 16 : i32
    %mul3A_0 = arith.muli %arg0, %mul3A : i32
    %add3A = arith.addi %mul3A_0, %arg1 : i32
    %mul3A_1 = arith.constant 80 : i32
    %mul3A_2 = arith.muli %add3A, %mul3A_1 : i32
    %broadcast_in_dim3A = arith.constant 0.000000e+00 : f32
    %broadcast_in_dim3A_3 = vector.broadcast %broadcast_in_dim3A : f32 to vector<16xf32>
    %scan3A = arith.constant 0 : i32
    %scan3A_4 = arith.constant 0 : i32
    %scan3A_5 = arith.constant 128 : i32
    %scan3A_6 = arith.addi %scan3A_4, %scan3A_5 : i32
    %scan3A_7 = arith.constant 1 : i32
    scf.for %scan3A_96 = %scan3A_4 to %scan3A_6 step %scan3A_7  : i32 {
      %swap3A = arith.constant 0 : i32
      %swap3A_97 = arith.index_cast %swap3A : i32 to index
      %swap3A_98 = arith.index_cast %scan3A_96 : i32 to index
      %swap3A_99 = arith.constant 0 : index
      %swap3A_100 = tpu.vector_load %arg8[%swap3A_97, %swap3A_98, %swap3A_99] {strides = array<i32>} : memref<2x128x128xf32, #tpu.memory_space<vmem>>, vector<1x1x16xf32>,
      %swap3A_101 = vector.shape_cast %swap3A_100 : vector<1x1x16xf32> to vector<16xf32>
      %swap3A_102 = vector.shape_cast %broadcast_in_dim3A_3 : vector<16xf32> to vector<1x1x16xf32>
      tpu.vector_store %arg8[%swap3A_97, %swap3A_98, %swap3A_99], %swap3A_102 {strides = array<i32>} : memref<2x128x128xf32, #tpu.memory_space<vmem>>, vector<1x1x16xf32>,
      %swap3A_103 = arith.constant 0 : i32
      %swap3A_104 = arith.index_cast %swap3A_103 : i32 to index
      %swap3A_105 = arith.index_cast %scan3A_96 : i32 to index
      %swap3A_106 = arith.constant 16 : index
      %swap3A_107 = tpu.vector_load %arg8[%swap3A_104, %swap3A_105, %swap3A_106] {strides = array<i32>} : memref<2x128x128xf32, #tpu.memory_space<vmem>>, vector<1x1x16xf32>,
      %swap3A_108 = vector.shape_cast %swap3A_107 : vector<1x1x16xf32> to vector<16xf32>
      %swap3A_109 = vector.shape_cast %broadcast_in_dim3A_3 : vector<16xf32> to vector<1x1x16xf32>
      tpu.vector_store %arg8[%swap3A_104, %swap3A_105, %swap3A_106], %swap3A_109 {strides = array<i32>} : memref<2x128x128xf32, #tpu.memory_space<vmem>>, vector<1x1x16xf32>,
      %swap3A_110 = arith.constant 0 : i32
      %swap3A_111 = arith.index_cast %swap3A_110 : i32 to index
      %swap3A_112 = arith.index_cast %scan3A_96 : i32 to index
      %swap3A_113 = arith.constant 32 : index
      %swap3A_114 = tpu.vector_load %arg8[%swap3A_111, %swap3A_112, %swap3A_113] {strides = array<i32>} : memref<2x128x128xf32, #tpu.memory_space<vmem>>, vector<1x1x16xf32>,
      %swap3A_115 = vector.shape_cast %swap3A_114 : vector<1x1x16xf32> to vector<16xf32>
      %swap3A_116 = vector.shape_cast %broadcast_in_dim3A_3 : vector<16xf32> to vector<1x1x16xf32>
      tpu.vector_store %arg8[%swap3A_111, %swap3A_112, %swap3A_113], %swap3A_116 {strides = array<i32>} : memref<2x128x128xf32, #tpu.memory_space<vmem>>, vector<1x1x16xf32>,
      %swap3A_117 = arith.constant 0 : i32
      %swap3A_118 = arith.index_cast %swap3A_117 : i32 to index
      %swap3A_119 = arith.index_cast %scan3A_96 : i32 to index
      %swap3A_120 = arith.constant 48 : index
      %swap3A_121 = tpu.vector_load %arg8[%swap3A_118, %swap3A_119, %swap3A_120] {strides = array<i32>} : memref<2x128x128xf32, #tpu.memory_space<vmem>>, vector<1x1x16xf32>,
      %swap3A_122 = vector.shape_cast %swap3A_121 : vector<1x1x16xf32> to vector<16xf32>
      %swap3A_123 = vector.shape_cast %broadcast_in_dim3A_3 : vector<16xf32> to vector<1x1x16xf32>
      tpu.vector_store %arg8[%swap3A_118, %swap3A_119, %swap3A_120], %swap3A_123 {strides = array<i32>} : memref<2x128x128xf32, #tpu.memory_space<vmem>>, vector<1x1x16xf32>,
      %swap3A_124 = arith.constant 0 : i32
      %swap3A_125 = arith.index_cast %swap3A_124 : i32 to index
      %swap3A_126 = arith.index_cast %scan3A_96 : i32 to index
      %swap3A_127 = arith.constant 64 : index
      %swap3A_128 = tpu.vector_load %arg8[%swap3A_125, %swap3A_126, %swap3A_127] {strides = array<i32>} : memref<2x128x128xf32, #tpu.memory_space<vmem>>, vector<1x1x16xf32>,
      %swap3A_129 = vector.shape_cast %swap3A_128 : vector<1x1x16xf32> to vector<16xf32>
      %swap3A_130 = vector.shape_cast %broadcast_in_dim3A_3 : vector<16xf32> to vector<1x1x16xf32>
      tpu.vector_store %arg8[%swap3A_125, %swap3A_126, %swap3A_127], %swap3A_130 {strides = array<i32>} : memref<2x128x128xf32, #tpu.memory_space<vmem>>, vector<1x1x16xf32>,
      %swap3A_131 = arith.constant 0 : i32
      %swap3A_132 = arith.index_cast %swap3A_131 : i32 to index
      %swap3A_133 = arith.index_cast %scan3A_96 : i32 to index
      %swap3A_134 = arith.constant 80 : index
      %swap3A_135 = tpu.vector_load %arg8[%swap3A_132, %swap3A_133, %swap3A_134] {strides = array<i32>} : memref<2x128x128xf32, #tpu.memory_space<vmem>>, vector<1x1x16xf32>,
      %swap3A_136 = vector.shape_cast %swap3A_135 : vector<1x1x16xf32> to vector<16xf32>
      %swap3A_137 = vector.shape_cast %broadcast_in_dim3A_3 : vector<16xf32> to vector<1x1x16xf32>
      tpu.vector_store %arg8[%swap3A_132, %swap3A_133, %swap3A_134], %swap3A_137 {strides = array<i32>} : memref<2x128x128xf32, #tpu.memory_space<vmem>>, vector<1x1x16xf32>,
      %swap3A_138 = arith.constant 0 : i32
      %swap3A_139 = arith.index_cast %swap3A_138 : i32 to index
      %swap3A_140 = arith.index_cast %scan3A_96 : i32 to index
      %swap3A_141 = arith.constant 96 : index
      %swap3A_142 = tpu.vector_load %arg8[%swap3A_139, %swap3A_140, %swap3A_141] {strides = array<i32>} : memref<2x128x128xf32, #tpu.memory_space<vmem>>, vector<1x1x16xf32>,
      %swap3A_143 = vector.shape_cast %swap3A_142 : vector<1x1x16xf32> to vector<16xf32>
      %swap3A_144 = vector.shape_cast %broadcast_in_dim3A_3 : vector<16xf32> to vector<1x1x16xf32>
      tpu.vector_store %arg8[%swap3A_139, %swap3A_140, %swap3A_141], %swap3A_144 {strides = array<i32>} : memref<2x128x128xf32, #tpu.memory_space<vmem>>, vector<1x1x16xf32>,
      %swap3A_145 = arith.constant 0 : i32
      %swap3A_146 = arith.index_cast %swap3A_145 : i32 to index
      %swap3A_147 = arith.index_cast %scan3A_96 : i32 to index
      %swap3A_148 = arith.constant 112 : index
      %swap3A_149 = tpu.vector_load %arg8[%swap3A_146, %swap3A_147, %swap3A_148] {strides = array<i32>} : memref<2x128x128xf32, #tpu.memory_space<vmem>>, vector<1x1x16xf32>,
      %swap3A_150 = vector.shape_cast %swap3A_149 : vector<1x1x16xf32> to vector<16xf32>
      %swap3A_151 = vector.shape_cast %broadcast_in_dim3A_3 : vector<16xf32> to vector<1x1x16xf32>
      tpu.vector_store %arg8[%swap3A_146, %swap3A_147, %swap3A_148], %swap3A_151 {strides = array<i32>} : memref<2x128x128xf32, #tpu.memory_space<vmem>>, vector<1x1x16xf32>,
    }
    %scan3A_8 = arith.constant 128 : i32
    %mul3A_9 = arith.constant 632 : i32
    %mul3A_10 = arith.muli %arg1, %mul3A_9 : i32
    %add3A_11 = arith.constant 0 : i32
    %add3A_12 = arith.addi %mul3A_10, %add3A_11 : i32
    %run_scoped3A = arith.constant 0 : i32
    "tpu.region"() ({
      %run_scoped3A_96 = tpu.sem_alloc : memref<!tpu.dma_semaphore, #tpu.memory_space<semaphore_mem>>
      %dma_start3A_97 = arith.constant 0 : i32
      %dma_start3A_98 = arith.constant 0 : i32
      %dma_start3A_99 = tpu.memref_slice %arg8[%run_scoped3A, %dma_start3A_97, %dma_start3A_98] : memref<2x128x128xf32, #tpu.memory_space<vmem>> -> memref<1x128x128xf32, #tpu.memory_space<vmem>>
      %dma_start3A_100 = tpu.memref_squeeze %dma_start3A_99 : memref<1x128x128xf32, #tpu.memory_space<vmem>> -> memref<128x128xf32, #tpu.memory_space<vmem>>
      %dma_start3A_101 = arith.constant 0 : i32
      %dma_start3A_102 = tpu.memref_slice %arg9[%add3A_12, %dma_start3A_101] : memref<10112x128xf32, #tpu.memory_space<vmem_shared>> -> memref<128x128xf32, #tpu.memory_space<vmem_shared>>
      %dma_start3A_103 = arith.constant 0 : i32
      %dma_start3A_104 = tpu.memref_slice %arg9[%add3A_12, %dma_start3A_103] : memref<10112x128xf32, #tpu.memory_space<vmem_shared>> -> memref<128x128xf32, #tpu.memory_space<vmem_shared>>
      %dma_start3A_105 = arith.constant 0 : i32
      %dma_start3A_106 = arith.constant 0 : i32
      %dma_start3A_107 = tpu.memref_slice %arg8[%run_scoped3A, %dma_start3A_105, %dma_start3A_106] : memref<2x128x128xf32, #tpu.memory_space<vmem>> -> memref<1x128x128xf32, #tpu.memory_space<vmem>>
      %dma_start3A_108 = tpu.memref_squeeze %dma_start3A_107 : memref<1x128x128xf32, #tpu.memory_space<vmem>> -> memref<128x128xf32, #tpu.memory_space<vmem>>
      tpu.enqueue_dma source(%dma_start3A_108 : memref<128x128xf32, #tpu.memory_space<vmem>>) target(%dma_start3A_104 : memref<128x128xf32, #tpu.memory_space<vmem_shared>>) target_semaphore(%run_scoped3A_96 : memref<!tpu.dma_semaphore, #tpu.memory_space<semaphore_mem>>)
      %dma_wait3A_109 = arith.constant 0 : i32
      %dma_wait3A_110 = arith.constant 0 : i32
      %dma_wait3A_111 = tpu.memref_slice %arg8[%run_scoped3A, %dma_wait3A_109, %dma_wait3A_110] : memref<2x128x128xf32, #tpu.memory_space<vmem>> -> memref<1x128x128xf32, #tpu.memory_space<vmem>>
      %dma_wait3A_112 = tpu.memref_squeeze %dma_wait3A_111 : memref<1x128x128xf32, #tpu.memory_space<vmem>> -> memref<128x128xf32, #tpu.memory_space<vmem>>
      %dma_wait3A_113 = arith.constant 0 : i32
      %dma_wait3A_114 = tpu.memref_slice %arg9[%add3A_12, %dma_wait3A_113] : memref<10112x128xf32, #tpu.memory_space<vmem_shared>> -> memref<128x128xf32, #tpu.memory_space<vmem_shared>>
      %dma_wait3A_115 = arith.constant 0 : i32
      %dma_wait3A_116 = tpu.memref_slice %arg9[%add3A_12, %dma_wait3A_115] : memref<10112x128xf32, #tpu.memory_space<vmem_shared>> -> memref<128x128xf32, #tpu.memory_space<vmem_shared>>
      %dma_wait3A_117 = arith.constant 0 : i32
      %dma_wait3A_118 = arith.constant 0 : i32
      %dma_wait3A_119 = tpu.memref_slice %arg8[%run_scoped3A, %dma_wait3A_117, %dma_wait3A_118] : memref<2x128x128xf32, #tpu.memory_space<vmem>> -> memref<1x128x128xf32, #tpu.memory_space<vmem>>
      %dma_wait3A_120 = tpu.memref_squeeze %dma_wait3A_119 : memref<1x128x128xf32, #tpu.memory_space<vmem>> -> memref<128x128xf32, #tpu.memory_space<vmem>>
      tpu.wait_dma2 semaphore(%run_scoped3A_96 : memref<!tpu.dma_semaphore, #tpu.memory_space<semaphore_mem>>) src(%dma_wait3A_120 : memref<128x128xf32, #tpu.memory_space<vmem>>) dst(%dma_wait3A_116 : memref<128x128xf32, #tpu.memory_space<vmem_shared>>)
      tpu.yield
    }) : () -> ()
    %add3A_13 = arith.constant 128 : i32
    %add3A_14 = arith.addi %mul3A_10, %add3A_13 : i32
    %run_scoped3A_15 = arith.constant 0 : i32
    "tpu.region"() ({
      %run_scoped3A_96 = tpu.sem_alloc : memref<!tpu.dma_semaphore, #tpu.memory_space<semaphore_mem>>
      %dma_start3A_97 = arith.constant 0 : i32
      %dma_start3A_98 = arith.constant 0 : i32
      %dma_start3A_99 = tpu.memref_slice %arg8[%run_scoped3A_15, %dma_start3A_97, %dma_start3A_98] : memref<2x128x128xf32, #tpu.memory_space<vmem>> -> memref<1x128x128xf32, #tpu.memory_space<vmem>>
      %dma_start3A_100 = tpu.memref_squeeze %dma_start3A_99 : memref<1x128x128xf32, #tpu.memory_space<vmem>> -> memref<128x128xf32, #tpu.memory_space<vmem>>
      %dma_start3A_101 = arith.constant 0 : i32
      %dma_start3A_102 = tpu.memref_slice %arg9[%add3A_14, %dma_start3A_101] : memref<10112x128xf32, #tpu.memory_space<vmem_shared>> -> memref<128x128xf32, #tpu.memory_space<vmem_shared>>
      %dma_start3A_103 = arith.constant 0 : i32
      %dma_start3A_104 = tpu.memref_slice %arg9[%add3A_14, %dma_start3A_103] : memref<10112x128xf32, #tpu.memory_space<vmem_shared>> -> memref<128x128xf32, #tpu.memory_space<vmem_shared>>
      %dma_start3A_105 = arith.constant 0 : i32
      %dma_start3A_106 = arith.constant 0 : i32
      %dma_start3A_107 = tpu.memref_slice %arg8[%run_scoped3A_15, %dma_start3A_105, %dma_start3A_106] : memref<2x128x128xf32, #tpu.memory_space<vmem>> -> memref<1x128x128xf32, #tpu.memory_space<vmem>>
      %dma_start3A_108 = tpu.memref_squeeze %dma_start3A_107 : memref<1x128x128xf32, #tpu.memory_space<vmem>> -> memref<128x128xf32, #tpu.memory_space<vmem>>
      tpu.enqueue_dma source(%dma_start3A_108 : memref<128x128xf32, #tpu.memory_space<vmem>>) target(%dma_start3A_104 : memref<128x128xf32, #tpu.memory_space<vmem_shared>>) target_semaphore(%run_scoped3A_96 : memref<!tpu.dma_semaphore, #tpu.memory_space<semaphore_mem>>)
      %dma_wait3A_109 = arith.constant 0 : i32
      %dma_wait3A_110 = arith.constant 0 : i32
      %dma_wait3A_111 = tpu.memref_slice %arg8[%run_scoped3A_15, %dma_wait3A_109, %dma_wait3A_110] : memref<2x128x128xf32, #tpu.memory_space<vmem>> -> memref<1x128x128xf32, #tpu.memory_space<vmem>>
      %dma_wait3A_112 = tpu.memref_squeeze %dma_wait3A_111 : memref<1x128x128xf32, #tpu.memory_space<vmem>> -> memref<128x128xf32, #tpu.memory_space<vmem>>
      %dma_wait3A_113 = arith.constant 0 : i32
      %dma_wait3A_114 = tpu.memref_slice %arg9[%add3A_14, %dma_wait3A_113] : memref<10112x128xf32, #tpu.memory_space<vmem_shared>> -> memref<128x128xf32, #tpu.memory_space<vmem_shared>>
      %dma_wait3A_115 = arith.constant 0 : i32
      %dma_wait3A_116 = tpu.memref_slice %arg9[%add3A_14, %dma_wait3A_115] : memref<10112x128xf32, #tpu.memory_space<vmem_shared>> -> memref<128x128xf32, #tpu.memory_space<vmem_shared>>
      %dma_wait3A_117 = arith.constant 0 : i32
      %dma_wait3A_118 = arith.constant 0 : i32
      %dma_wait3A_119 = tpu.memref_slice %arg8[%run_scoped3A_15, %dma_wait3A_117, %dma_wait3A_118] : memref<2x128x128xf32, #tpu.memory_space<vmem>> -> memref<1x128x128xf32, #tpu.memory_space<vmem>>
      %dma_wait3A_120 = tpu.memref_squeeze %dma_wait3A_119 : memref<1x128x128xf32, #tpu.memory_space<vmem>> -> memref<128x128xf32, #tpu.memory_space<vmem>>
      tpu.wait_dma2 semaphore(%run_scoped3A_96 : memref<!tpu.dma_semaphore, #tpu.memory_space<semaphore_mem>>) src(%dma_wait3A_120 : memref<128x128xf32, #tpu.memory_space<vmem>>) dst(%dma_wait3A_116 : memref<128x128xf32, #tpu.memory_space<vmem_shared>>)
      tpu.yield
    }) : () -> ()
    %add3A_16 = arith.constant 256 : i32
    %add3A_17 = arith.addi %mul3A_10, %add3A_16 : i32
    %run_scoped3A_18 = arith.constant 0 : i32
    "tpu.region"() ({
      %run_scoped3A_96 = tpu.sem_alloc : memref<!tpu.dma_semaphore, #tpu.memory_space<semaphore_mem>>
      %dma_start3A_97 = arith.constant 0 : i32
      %dma_start3A_98 = arith.constant 0 : i32
      %dma_start3A_99 = tpu.memref_slice %arg8[%run_scoped3A_18, %dma_start3A_97, %dma_start3A_98] : memref<2x128x128xf32, #tpu.memory_space<vmem>> -> memref<1x128x128xf32, #tpu.memory_space<vmem>>
      %dma_start3A_100 = tpu.memref_squeeze %dma_start3A_99 : memref<1x128x128xf32, #tpu.memory_space<vmem>> -> memref<128x128xf32, #tpu.memory_space<vmem>>
      %dma_start3A_101 = arith.constant 0 : i32
      %dma_start3A_102 = tpu.memref_slice %arg9[%add3A_17, %dma_start3A_101] : memref<10112x128xf32, #tpu.memory_space<vmem_shared>> -> memref<128x128xf32, #tpu.memory_space<vmem_shared>>
      %dma_start3A_103 = arith.constant 0 : i32
      %dma_start3A_104 = tpu.memref_slice %arg9[%add3A_17, %dma_start3A_103] : memref<10112x128xf32, #tpu.memory_space<vmem_shared>> -> memref<128x128xf32, #tpu.memory_space<vmem_shared>>
      %dma_start3A_105 = arith.constant 0 : i32
      %dma_start3A_106 = arith.constant 0 : i32
      %dma_start3A_107 = tpu.memref_slice %arg8[%run_scoped3A_18, %dma_start3A_105, %dma_start3A_106] : memref<2x128x128xf32, #tpu.memory_space<vmem>> -> memref<1x128x128xf32, #tpu.memory_space<vmem>>
      %dma_start3A_108 = tpu.memref_squeeze %dma_start3A_107 : memref<1x128x128xf32, #tpu.memory_space<vmem>> -> memref<128x128xf32, #tpu.memory_space<vmem>>
      tpu.enqueue_dma source(%dma_start3A_108 : memref<128x128xf32, #tpu.memory_space<vmem>>) target(%dma_start3A_104 : memref<128x128xf32, #tpu.memory_space<vmem_shared>>) target_semaphore(%run_scoped3A_96 : memref<!tpu.dma_semaphore, #tpu.memory_space<semaphore_mem>>)
      %dma_wait3A_109 = arith.constant 0 : i32
      %dma_wait3A_110 = arith.constant 0 : i32
      %dma_wait3A_111 = tpu.memref_slice %arg8[%run_scoped3A_18, %dma_wait3A_109, %dma_wait3A_110] : memref<2x128x128xf32, #tpu.memory_space<vmem>> -> memref<1x128x128xf32, #tpu.memory_space<vmem>>
      %dma_wait3A_112 = tpu.memref_squeeze %dma_wait3A_111 : memref<1x128x128xf32, #tpu.memory_space<vmem>> -> memref<128x128xf32, #tpu.memory_space<vmem>>
      %dma_wait3A_113 = arith.constant 0 : i32
      %dma_wait3A_114 = tpu.memref_slice %arg9[%add3A_17, %dma_wait3A_113] : memref<10112x128xf32, #tpu.memory_space<vmem_shared>> -> memref<128x128xf32, #tpu.memory_space<vmem_shared>>
      %dma_wait3A_115 = arith.constant 0 : i32
      %dma_wait3A_116 = tpu.memref_slice %arg9[%add3A_17, %dma_wait3A_115] : memref<10112x128xf32, #tpu.memory_space<vmem_shared>> -> memref<128x128xf32, #tpu.memory_space<vmem_shared>>
      %dma_wait3A_117 = arith.constant 0 : i32
      %dma_wait3A_118 = arith.constant 0 : i32
      %dma_wait3A_119 = tpu.memref_slice %arg8[%run_scoped3A_18, %dma_wait3A_117, %dma_wait3A_118] : memref<2x128x128xf32, #tpu.memory_space<vmem>> -> memref<1x128x128xf32, #tpu.memory_space<vmem>>
      %dma_wait3A_120 = tpu.memref_squeeze %dma_wait3A_119 : memref<1x128x128xf32, #tpu.memory_space<vmem>> -> memref<128x128xf32, #tpu.memory_space<vmem>>
      tpu.wait_dma2 semaphore(%run_scoped3A_96 : memref<!tpu.dma_semaphore, #tpu.memory_space<semaphore_mem>>) src(%dma_wait3A_120 : memref<128x128xf32, #tpu.memory_space<vmem>>) dst(%dma_wait3A_116 : memref<128x128xf32, #tpu.memory_space<vmem_shared>>)
      tpu.yield
    }) : () -> ()
    %add3A_19 = arith.constant 384 : i32
    %add3A_20 = arith.addi %mul3A_10, %add3A_19 : i32
    %run_scoped3A_21 = arith.constant 0 : i32
    "tpu.region"() ({
      %run_scoped3A_96 = tpu.sem_alloc : memref<!tpu.dma_semaphore, #tpu.memory_space<semaphore_mem>>
      %dma_start3A_97 = arith.constant 0 : i32
      %dma_start3A_98 = arith.constant 0 : i32
      %dma_start3A_99 = tpu.memref_slice %arg8[%run_scoped3A_21, %dma_start3A_97, %dma_start3A_98] : memref<2x128x128xf32, #tpu.memory_space<vmem>> -> memref<1x128x128xf32, #tpu.memory_space<vmem>>
      %dma_start3A_100 = tpu.memref_squeeze %dma_start3A_99 : memref<1x128x128xf32, #tpu.memory_space<vmem>> -> memref<128x128xf32, #tpu.memory_space<vmem>>
      %dma_start3A_101 = arith.constant 0 : i32
      %dma_start3A_102 = tpu.memref_slice %arg9[%add3A_20, %dma_start3A_101] : memref<10112x128xf32, #tpu.memory_space<vmem_shared>> -> memref<128x128xf32, #tpu.memory_space<vmem_shared>>
      %dma_start3A_103 = arith.constant 0 : i32
      %dma_start3A_104 = tpu.memref_slice %arg9[%add3A_20, %dma_start3A_103] : memref<10112x128xf32, #tpu.memory_space<vmem_shared>> -> memref<128x128xf32, #tpu.memory_space<vmem_shared>>
      %dma_start3A_105 = arith.constant 0 : i32
      %dma_start3A_106 = arith.constant 0 : i32
      %dma_start3A_107 = tpu.memref_slice %arg8[%run_scoped3A_21, %dma_start3A_105, %dma_start3A_106] : memref<2x128x128xf32, #tpu.memory_space<vmem>> -> memref<1x128x128xf32, #tpu.memory_space<vmem>>
      %dma_start3A_108 = tpu.memref_squeeze %dma_start3A_107 : memref<1x128x128xf32, #tpu.memory_space<vmem>> -> memref<128x128xf32, #tpu.memory_space<vmem>>
      tpu.enqueue_dma source(%dma_start3A_108 : memref<128x128xf32, #tpu.memory_space<vmem>>) target(%dma_start3A_104 : memref<128x128xf32, #tpu.memory_space<vmem_shared>>) target_semaphore(%run_scoped3A_96 : memref<!tpu.dma_semaphore, #tpu.memory_space<semaphore_mem>>)
      %dma_wait3A_109 = arith.constant 0 : i32
      %dma_wait3A_110 = arith.constant 0 : i32
      %dma_wait3A_111 = tpu.memref_slice %arg8[%run_scoped3A_21, %dma_wait3A_109, %dma_wait3A_110] : memref<2x128x128xf32, #tpu.memory_space<vmem>> -> memref<1x128x128xf32, #tpu.memory_space<vmem>>
      %dma_wait3A_112 = tpu.memref_squeeze %dma_wait3A_111 : memref<1x128x128xf32, #tpu.memory_space<vmem>> -> memref<128x128xf32, #tpu.memory_space<vmem>>
      %dma_wait3A_113 = arith.constant 0 : i32
      %dma_wait3A_114 = tpu.memref_slice %arg9[%add3A_20, %dma_wait3A_113] : memref<10112x128xf32, #tpu.memory_space<vmem_shared>> -> memref<128x128xf32, #tpu.memory_space<vmem_shared>>
      %dma_wait3A_115 = arith.constant 0 : i32
      %dma_wait3A_116 = tpu.memref_slice %arg9[%add3A_20, %dma_wait3A_115] : memref<10112x128xf32, #tpu.memory_space<vmem_shared>> -> memref<128x128xf32, #tpu.memory_space<vmem_shared>>
      %dma_wait3A_117 = arith.constant 0 : i32
      %dma_wait3A_118 = arith.constant 0 : i32
      %dma_wait3A_119 = tpu.memref_slice %arg8[%run_scoped3A_21, %dma_wait3A_117, %dma_wait3A_118] : memref<2x128x128xf32, #tpu.memory_space<vmem>> -> memref<1x128x128xf32, #tpu.memory_space<vmem>>
      %dma_wait3A_120 = tpu.memref_squeeze %dma_wait3A_119 : memref<1x128x128xf32, #tpu.memory_space<vmem>> -> memref<128x128xf32, #tpu.memory_space<vmem>>
      tpu.wait_dma2 semaphore(%run_scoped3A_96 : memref<!tpu.dma_semaphore, #tpu.memory_space<semaphore_mem>>) src(%dma_wait3A_120 : memref<128x128xf32, #tpu.memory_space<vmem>>) dst(%dma_wait3A_116 : memref<128x128xf32, #tpu.memory_space<vmem_shared>>)
      tpu.yield
    }) : () -> ()
    %add3A_22 = arith.constant 632 : i32
    %add3A_23 = arith.addi %mul3A_10, %add3A_22 : i32
    %sub3A = arith.constant 128 : i32
    %sub3A_24 = arith.subi %add3A_23, %sub3A : i32
    %run_scoped3A_25 = arith.constant 0 : i32
    "tpu.region"() ({
      %run_scoped3A_96 = tpu.sem_alloc : memref<!tpu.dma_semaphore, #tpu.memory_space<semaphore_mem>>
      %dma_start3A_97 = arith.constant 0 : i32
      %dma_start3A_98 = arith.constant 0 : i32
      %dma_start3A_99 = tpu.memref_slice %arg8[%run_scoped3A_25, %dma_start3A_97, %dma_start3A_98] : memref<2x128x128xf32, #tpu.memory_space<vmem>> -> memref<1x128x128xf32, #tpu.memory_space<vmem>>
      %dma_start3A_100 = tpu.memref_squeeze %dma_start3A_99 : memref<1x128x128xf32, #tpu.memory_space<vmem>> -> memref<128x128xf32, #tpu.memory_space<vmem>>
      %dma_start3A_101 = arith.constant 0 : i32
      %dma_start3A_102 = tpu.memref_slice %arg9[%sub3A_24, %dma_start3A_101] : memref<10112x128xf32, #tpu.memory_space<vmem_shared>> -> memref<128x128xf32, #tpu.memory_space<vmem_shared>>
      %dma_start3A_103 = arith.constant 0 : i32
      %dma_start3A_104 = tpu.memref_slice %arg9[%sub3A_24, %dma_start3A_103] : memref<10112x128xf32, #tpu.memory_space<vmem_shared>> -> memref<128x128xf32, #tpu.memory_space<vmem_shared>>
      %dma_start3A_105 = arith.constant 0 : i32
      %dma_start3A_106 = arith.constant 0 : i32
      %dma_start3A_107 = tpu.memref_slice %arg8[%run_scoped3A_25, %dma_start3A_105, %dma_start3A_106] : memref<2x128x128xf32, #tpu.memory_space<vmem>> -> memref<1x128x128xf32, #tpu.memory_space<vmem>>
      %dma_start3A_108 = tpu.memref_squeeze %dma_start3A_107 : memref<1x128x128xf32, #tpu.memory_space<vmem>> -> memref<128x128xf32, #tpu.memory_space<vmem>>
      tpu.enqueue_dma source(%dma_start3A_108 : memref<128x128xf32, #tpu.memory_space<vmem>>) target(%dma_start3A_104 : memref<128x128xf32, #tpu.memory_space<vmem_shared>>) target_semaphore(%run_scoped3A_96 : memref<!tpu.dma_semaphore, #tpu.memory_space<semaphore_mem>>)
      %dma_wait3A_109 = arith.constant 0 : i32
      %dma_wait3A_110 = arith.constant 0 : i32
      %dma_wait3A_111 = tpu.memref_slice %arg8[%run_scoped3A_25, %dma_wait3A_109, %dma_wait3A_110] : memref<2x128x128xf32, #tpu.memory_space<vmem>> -> memref<1x128x128xf32, #tpu.memory_space<vmem>>
      %dma_wait3A_112 = tpu.memref_squeeze %dma_wait3A_111 : memref<1x128x128xf32, #tpu.memory_space<vmem>> -> memref<128x128xf32, #tpu.memory_space<vmem>>
      %dma_wait3A_113 = arith.constant 0 : i32
      %dma_wait3A_114 = tpu.memref_slice %arg9[%sub3A_24, %dma_wait3A_113] : memref<10112x128xf32, #tpu.memory_space<vmem_shared>> -> memref<128x128xf32, #tpu.memory_space<vmem_shared>>
      %dma_wait3A_115 = arith.constant 0 : i32
      %dma_wait3A_116 = tpu.memref_slice %arg9[%sub3A_24, %dma_wait3A_115] : memref<10112x128xf32, #tpu.memory_space<vmem_shared>> -> memref<128x128xf32, #tpu.memory_space<vmem_shared>>
      %dma_wait3A_117 = arith.constant 0 : i32
      %dma_wait3A_118 = arith.constant 0 : i32
      %dma_wait3A_119 = tpu.memref_slice %arg8[%run_scoped3A_25, %dma_wait3A_117, %dma_wait3A_118] : memref<2x128x128xf32, #tpu.memory_space<vmem>> -> memref<1x128x128xf32, #tpu.memory_space<vmem>>
      %dma_wait3A_120 = tpu.memref_squeeze %dma_wait3A_119 : memref<1x128x128xf32, #tpu.memory_space<vmem>> -> memref<128x128xf32, #tpu.memory_space<vmem>>
      tpu.wait_dma2 semaphore(%run_scoped3A_96 : memref<!tpu.dma_semaphore, #tpu.memory_space<semaphore_mem>>) src(%dma_wait3A_120 : memref<128x128xf32, #tpu.memory_space<vmem>>) dst(%dma_wait3A_116 : memref<128x128xf32, #tpu.memory_space<vmem_shared>>)
      tpu.yield
    }) : () -> ()
    %barrier3A = arith.constant 0 : index
    tpu.barrier barrier_id(%barrier3A)
    %add3A_26 = arith.constant 0 : i32
    %add3A_27 = arith.addi %mul3A_2, %add3A_26 : i32
    "tpu.region"() ({
      %run_scoped3A_96 = tpu.sem_alloc : memref<!tpu.dma_semaphore, #tpu.memory_space<semaphore_mem>>
      %dma_start3A_97 = arith.constant 0 : i32
      %dma_start3A_98 = tpu.memref_slice %arg3[%add3A_27, %dma_start3A_97] : memref<2560x128xi32, #tpu.memory_space<hbm>> -> memref<40x128xi32, #tpu.memory_space<hbm>>
      %dma_start3A_99 = arith.constant 0 : i32
      %dma_start3A_100 = tpu.memref_slice %arg3[%add3A_27, %dma_start3A_99] : memref<2560x128xi32, #tpu.memory_space<hbm>> -> memref<40x128xi32, #tpu.memory_space<hbm>>
      tpu.enqueue_dma source(%dma_start3A_100 : memref<40x128xi32, #tpu.memory_space<hbm>>) target(%arg6 : memref<40x128xi32, #tpu.memory_space<vmem>>) target_semaphore(%run_scoped3A_96 : memref<!tpu.dma_semaphore, #tpu.memory_space<semaphore_mem>>)
      %dma_wait3A_101 = arith.constant 0 : i32
      %dma_wait3A_102 = tpu.memref_slice %arg3[%add3A_27, %dma_wait3A_101] : memref<2560x128xi32, #tpu.memory_space<hbm>> -> memref<40x128xi32, #tpu.memory_space<hbm>>
      %dma_wait3A_103 = arith.constant 0 : i32
      %dma_wait3A_104 = tpu.memref_slice %arg3[%add3A_27, %dma_wait3A_103] : memref<2560x128xi32, #tpu.memory_space<hbm>> -> memref<40x128xi32, #tpu.memory_space<hbm>>
      tpu.wait_dma2 semaphore(%run_scoped3A_96 : memref<!tpu.dma_semaphore, #tpu.memory_space<semaphore_mem>>) src(%dma_wait3A_104 : memref<40x128xi32, #tpu.memory_space<hbm>>) dst(%arg6 : memref<40x128xi32, #tpu.memory_space<vmem>>)
      tpu.yield
    }) : () -> ()
    %add3A_28 = arith.constant 0 : i32
    %add3A_29 = arith.addi %mul3A_2, %add3A_28 : i32
    "tpu.region"() ({
      %run_scoped3A_96 = tpu.sem_alloc : memref<!tpu.dma_semaphore, #tpu.memory_space<semaphore_mem>>
      %dma_start3A_97 = arith.constant 0 : i32
      %dma_start3A_98 = tpu.memref_slice %arg4[%add3A_29, %dma_start3A_97] : memref<2560x128xi32, #tpu.memory_space<hbm>> -> memref<40x128xi32, #tpu.memory_space<hbm>>
      %dma_start3A_99 = arith.constant 0 : i32
      %dma_start3A_100 = tpu.memref_slice %arg4[%add3A_29, %dma_start3A_99] : memref<2560x128xi32, #tpu.memory_space<hbm>> -> memref<40x128xi32, #tpu.memory_space<hbm>>
      tpu.enqueue_dma source(%dma_start3A_100 : memref<40x128xi32, #tpu.memory_space<hbm>>) target(%arg7 : memref<40x128xi32, #tpu.memory_space<vmem>>) target_semaphore(%run_scoped3A_96 : memref<!tpu.dma_semaphore, #tpu.memory_space<semaphore_mem>>)
      %dma_wait3A_101 = arith.constant 0 : i32
      %dma_wait3A_102 = tpu.memref_slice %arg4[%add3A_29, %dma_wait3A_101] : memref<2560x128xi32, #tpu.memory_space<hbm>> -> memref<40x128xi32, #tpu.memory_space<hbm>>
      %dma_wait3A_103 = arith.constant 0 : i32
      %dma_wait3A_104 = tpu.memref_slice %arg4[%add3A_29, %dma_wait3A_103] : memref<2560x128xi32, #tpu.memory_space<hbm>> -> memref<40x128xi32, #tpu.memory_space<hbm>>
      tpu.wait_dma2 semaphore(%run_scoped3A_96 : memref<!tpu.dma_semaphore, #tpu.memory_space<semaphore_mem>>) src(%dma_wait3A_104 : memref<40x128xi32, #tpu.memory_space<hbm>>) dst(%arg7 : memref<40x128xi32, #tpu.memory_space<vmem>>)
      tpu.yield
    }) : () -> ()
    %dma_start3A = arith.constant 0 : i32
    %dma_start3A_30 = arith.constant 0 : i32
    %dma_start3A_31 = arith.constant 0 : i32
    %dma_start3A_32 = arith.constant 0 : i32
    %dma_start3A_33 = tpu.memref_slice %arg8[%dma_start3A_30, %dma_start3A_31, %dma_start3A_32] : memref<2x128x128xf32, #tpu.memory_space<vmem>> -> memref<1x128x128xf32, #tpu.memory_space<vmem>>
    %dma_start3A_34 = tpu.memref_squeeze %dma_start3A_33 : memref<1x128x128xf32, #tpu.memory_space<vmem>> -> memref<128x128xf32, #tpu.memory_space<vmem>>
    %dma_start3A_35 = arith.constant 0 : i32
    %dma_start3A_36 = tpu.memref_slice %arg6[%dma_start3A, %dma_start3A_35] : memref<40x128xi32, #tpu.memory_space<vmem>> -> memref<1x128xi32, #tpu.memory_space<vmem>>
    %dma_start3A_37 = tpu.memref_squeeze %dma_start3A_36 : memref<1x128xi32, #tpu.memory_space<vmem>> -> memref<128xi32, #tpu.memory_space<vmem>>
    %dma_start3A_38 = arith.constant 0 : i32
    %dma_start3A_39 = arith.constant 0 : i32
    %dma_start3A_40 = tpu.memref_slice %arg2[%dma_start3A_38, %dma_start3A_39] : memref<10000x128xf32, #tpu.memory_space<hbm>> -> memref<10000x128xf32, #tpu.memory_space<hbm>>
    tpu.enqueue_indirect_dma source(%dma_start3A_40 : memref<10000x128xf32, #tpu.memory_space<hbm>>) target(%dma_start3A_34 : memref<128x128xf32, #tpu.memory_space<vmem>>) offsets(%dma_start3A_37 : memref<128xi32, #tpu.memory_space<vmem>>) semaphore(%arg10 : memref<!tpu.dma_semaphore, #tpu.memory_space<semaphore_mem>>)
    %scan3A_41 = arith.constant 0 : i32
    %scan3A_42 = arith.constant 0 : i32
    %scan3A_43 = arith.constant 40 : i32
    %scan3A_44 = arith.addi %scan3A_42, %scan3A_43 : i32
    %scan3A_45 = arith.constant 1 : i32
    scf.for %scan3A_96 = %scan3A_42 to %scan3A_44 step %scan3A_45  : i32 {
      %rem3A = arith.constant 2 : i32
      %rem3A_97 = arith.remsi %scan3A_96, %rem3A : i32
      %gt3A = arith.constant 0 : i32
      %gt3A_98 = arith.cmpi sgt, %scan3A_96, %gt3A : i32
      %convert_element_type3A = arith.extui %gt3A_98 : i1 to i32
      %cond3A = arith.constant 0 : i32
      %cond3A_99 = arith.cmpi ne, %convert_element_type3A, %cond3A : i32
      scf.if %cond3A_99 {
        %dma_wait3A_128 = arith.constant 0 : i32
        %dma_wait3A_129 = arith.constant 0 : i32
        %dma_wait3A_130 = arith.constant 0 : i32
        %dma_wait3A_131 = arith.constant 0 : i32
        %dma_wait3A_132 = tpu.memref_slice %arg8[%dma_wait3A_128, %dma_wait3A_130, %dma_wait3A_131] : memref<2x128x128xf32, #tpu.memory_space<vmem>> -> memref<1x128x128xf32, #tpu.memory_space<vmem>>
        %dma_wait3A_133 = tpu.memref_squeeze %dma_wait3A_132 : memref<1x128x128xf32, #tpu.memory_space<vmem>> -> memref<128x128xf32, #tpu.memory_space<vmem>>
        %dma_wait3A_134 = arith.constant 0 : i32
        %dma_wait3A_135 = tpu.memref_slice %arg7[%dma_wait3A_129, %dma_wait3A_134] : memref<40x128xi32, #tpu.memory_space<vmem>> -> memref<1x128xi32, #tpu.memory_space<vmem>>
        %dma_wait3A_136 = tpu.memref_squeeze %dma_wait3A_135 : memref<1x128xi32, #tpu.memory_space<vmem>> -> memref<128xi32, #tpu.memory_space<vmem>>
        %dma_wait3A_137 = arith.constant 0 : i32
        %dma_wait3A_138 = arith.constant 0 : i32
        %dma_wait3A_139 = tpu.memref_slice %arg9[%dma_wait3A_137, %dma_wait3A_138] : memref<10112x128xf32, #tpu.memory_space<vmem_shared>> -> memref<10112x128xf32, #tpu.memory_space<vmem_shared>>
        tpu.wait_indirect_dma semaphore(%arg11 : memref<!tpu.dma_semaphore, #tpu.memory_space<semaphore_mem>>) src(%dma_wait3A_133 : memref<128x128xf32, #tpu.memory_space<vmem>>) dst(%dma_wait3A_139 : memref<10112x128xf32, #tpu.memory_space<vmem_shared>>)
      } else {
      }
      %add3A_100 = arith.constant 1 : i32
      %add3A_101 = arith.addi %scan3A_96, %add3A_100 : i32
      %lt3A = arith.constant 40 : i32
      %lt3A_102 = arith.cmpi slt, %add3A_101, %lt3A : i32
      %convert_element_type3A_103 = arith.extui %lt3A_102 : i1 to i32
      %cond3A_104 = arith.constant 0 : i32
      %cond3A_105 = arith.cmpi ne, %convert_element_type3A_103, %cond3A_104 : i32
      scf.if %cond3A_105 {
        %add3A_128 = arith.constant 1 : i32
        %add3A_129 = arith.addi %scan3A_96, %add3A_128 : i32
        %sub3A_130 = arith.constant 1 : i32
        %sub3A_131 = arith.subi %sub3A_130, %rem3A_97 : i32
        %dma_start3A_132 = arith.constant 0 : i32
        %dma_start3A_133 = arith.constant 0 : i32
        %dma_start3A_134 = tpu.memref_slice %arg8[%sub3A_131, %dma_start3A_132, %dma_start3A_133] : memref<2x128x128xf32, #tpu.memory_space<vmem>> -> memref<1x128x128xf32, #tpu.memory_space<vmem>>
        %dma_start3A_135 = tpu.memref_squeeze %dma_start3A_134 : memref<1x128x128xf32, #tpu.memory_space<vmem>> -> memref<128x128xf32, #tpu.memory_space<vmem>>
        %dma_start3A_136 = arith.constant 0 : i32
        %dma_start3A_137 = tpu.memref_slice %arg6[%add3A_129, %dma_start3A_136] : memref<40x128xi32, #tpu.memory_space<vmem>> -> memref<1x128xi32, #tpu.memory_space<vmem>>
        %dma_start3A_138 = tpu.memref_squeeze %dma_start3A_137 : memref<1x128xi32, #tpu.memory_space<vmem>> -> memref<128xi32, #tpu.memory_space<vmem>>
        %dma_start3A_139 = arith.constant 0 : i32
        %dma_start3A_140 = arith.constant 0 : i32
        %dma_start3A_141 = tpu.memref_slice %arg2[%dma_start3A_139, %dma_start3A_140] : memref<10000x128xf32, #tpu.memory_space<hbm>> -> memref<10000x128xf32, #tpu.memory_space<hbm>>
        tpu.enqueue_indirect_dma source(%dma_start3A_141 : memref<10000x128xf32, #tpu.memory_space<hbm>>) target(%dma_start3A_135 : memref<128x128xf32, #tpu.memory_space<vmem>>) offsets(%dma_start3A_138 : memref<128xi32, #tpu.memory_space<vmem>>) semaphore(%arg10 : memref<!tpu.dma_semaphore, #tpu.memory_space<semaphore_mem>>)
      } else {
      }
      %dma_wait3A_106 = arith.constant 0 : i32
      %dma_wait3A_107 = arith.constant 0 : i32
      %dma_wait3A_108 = arith.constant 0 : i32
      %dma_wait3A_109 = arith.constant 0 : i32
      %dma_wait3A_110 = tpu.memref_slice %arg8[%dma_wait3A_107, %dma_wait3A_108, %dma_wait3A_109] : memref<2x128x128xf32, #tpu.memory_space<vmem>> -> memref<1x128x128xf32, #tpu.memory_space<vmem>>
      %dma_wait3A_111 = tpu.memref_squeeze %dma_wait3A_110 : memref<1x128x128xf32, #tpu.memory_space<vmem>> -> memref<128x128xf32, #tpu.memory_space<vmem>>
      %dma_wait3A_112 = arith.constant 0 : i32
      %dma_wait3A_113 = tpu.memref_slice %arg6[%dma_wait3A_106, %dma_wait3A_112] : memref<40x128xi32, #tpu.memory_space<vmem>> -> memref<1x128xi32, #tpu.memory_space<vmem>>
      %dma_wait3A_114 = tpu.memref_squeeze %dma_wait3A_113 : memref<1x128xi32, #tpu.memory_space<vmem>> -> memref<128xi32, #tpu.memory_space<vmem>>
      %dma_wait3A_115 = arith.constant 0 : i32
      %dma_wait3A_116 = arith.constant 0 : i32
      %dma_wait3A_117 = tpu.memref_slice %arg2[%dma_wait3A_115, %dma_wait3A_116] : memref<10000x128xf32, #tpu.memory_space<hbm>> -> memref<10000x128xf32, #tpu.memory_space<hbm>>
      tpu.wait_indirect_dma semaphore(%arg10 : memref<!tpu.dma_semaphore, #tpu.memory_space<semaphore_mem>>) src(%dma_wait3A_117 : memref<10000x128xf32, #tpu.memory_space<hbm>>) dst(%dma_wait3A_111 : memref<128x128xf32, #tpu.memory_space<vmem>>)
      %dma_start3A_118 = arith.constant 0 : i32
      %dma_start3A_119 = arith.constant 0 : i32
      %dma_start3A_120 = tpu.memref_slice %arg8[%rem3A_97, %dma_start3A_118, %dma_start3A_119] : memref<2x128x128xf32, #tpu.memory_space<vmem>> -> memref<1x128x128xf32, #tpu.memory_space<vmem>>
      %dma_start3A_121 = tpu.memref_squeeze %dma_start3A_120 : memref<1x128x128xf32, #tpu.memory_space<vmem>> -> memref<128x128xf32, #tpu.memory_space<vmem>>
      %dma_start3A_122 = arith.constant 0 : i32
      %dma_start3A_123 = tpu.memref_slice %arg7[%scan3A_96, %dma_start3A_122] : memref<40x128xi32, #tpu.memory_space<vmem>> -> memref<1x128xi32, #tpu.memory_space<vmem>>
      %dma_start3A_124 = tpu.memref_squeeze %dma_start3A_123 : memref<1x128xi32, #tpu.memory_space<vmem>> -> memref<128xi32, #tpu.memory_space<vmem>>
      %dma_start3A_125 = arith.constant 0 : i32
      %dma_start3A_126 = arith.constant 0 : i32
      %dma_start3A_127 = tpu.memref_slice %arg9[%dma_start3A_125, %dma_start3A_126] : memref<10112x128xf32, #tpu.memory_space<vmem_shared>> -> memref<10112x128xf32, #tpu.memory_space<vmem_shared>>
      tpu.enqueue_indirect_dma source(%dma_start3A_121 : memref<128x128xf32, #tpu.memory_space<vmem>>) target(%dma_start3A_127 : memref<10112x128xf32, #tpu.memory_space<vmem_shared>>) offsets(%dma_start3A_124 : memref<128xi32, #tpu.memory_space<vmem>>) semaphore(%arg11 : memref<!tpu.dma_semaphore, #tpu.memory_space<semaphore_mem>>) {add = true}
    }
    %scan3A_46 = arith.constant 40 : i32
    %dma_wait3A = arith.constant 0 : i32
    %dma_wait3A_47 = arith.constant 0 : i32
    %dma_wait3A_48 = arith.constant 0 : i32
    %dma_wait3A_49 = arith.constant 0 : i32
    %dma_wait3A_50 = tpu.memref_slice %arg8[%dma_wait3A, %dma_wait3A_48, %dma_wait3A_49] : memref<2x128x128xf32, #tpu.memory_space<vmem>> -> memref<1x128x128xf32, #tpu.memory_space<vmem>>
    %dma_wait3A_51 = tpu.memref_squeeze %dma_wait3A_50 : memref<1x128x128xf32, #tpu.memory_space<vmem>> -> memref<128x128xf32, #tpu.memory_space<vmem>>
    %dma_wait3A_52 = arith.constant 0 : i32
    %dma_wait3A_53 = tpu.memref_slice %arg7[%dma_wait3A_47, %dma_wait3A_52] : memref<40x128xi32, #tpu.memory_space<vmem>> -> memref<1x128xi32, #tpu.memory_space<vmem>>
    %dma_wait3A_54 = tpu.memref_squeeze %dma_wait3A_53 : memref<1x128xi32, #tpu.memory_space<vmem>> -> memref<128xi32, #tpu.memory_space<vmem>>
    %dma_wait3A_55 = arith.constant 0 : i32
    %dma_wait3A_56 = arith.constant 0 : i32
    %dma_wait3A_57 = tpu.memref_slice %arg9[%dma_wait3A_55, %dma_wait3A_56] : memref<10112x128xf32, #tpu.memory_space<vmem_shared>> -> memref<10112x128xf32, #tpu.memory_space<vmem_shared>>
    tpu.wait_indirect_dma semaphore(%arg11 : memref<!tpu.dma_semaphore, #tpu.memory_space<semaphore_mem>>) src(%dma_wait3A_51 : memref<128x128xf32, #tpu.memory_space<vmem>>) dst(%dma_wait3A_57 : memref<10112x128xf32, #tpu.memory_space<vmem_shared>>)
    %add3A_58 = arith.constant 40 : i32
    %add3A_59 = arith.addi %mul3A_2, %add3A_58 : i32
    "tpu.region"() ({
      %run_scoped3A_96 = tpu.sem_alloc : memref<!tpu.dma_semaphore, #tpu.memory_space<semaphore_mem>>
      %dma_start3A_97 = arith.constant 0 : i32
      %dma_start3A_98 = tpu.memref_slice %arg3[%add3A_59, %dma_start3A_97] : memref<2560x128xi32, #tpu.memory_space<hbm>> -> memref<40x128xi32, #tpu.memory_space<hbm>>
      %dma_start3A_99 = arith.constant 0 : i32
      %dma_start3A_100 = tpu.memref_slice %arg3[%add3A_59, %dma_start3A_99] : memref<2560x128xi32, #tpu.memory_space<hbm>> -> memref<40x128xi32, #tpu.memory_space<hbm>>
      tpu.enqueue_dma source(%dma_start3A_100 : memref<40x128xi32, #tpu.memory_space<hbm>>) target(%arg6 : memref<40x128xi32, #tpu.memory_space<vmem>>) target_semaphore(%run_scoped3A_96 : memref<!tpu.dma_semaphore, #tpu.memory_space<semaphore_mem>>)
      %dma_wait3A_101 = arith.constant 0 : i32
      %dma_wait3A_102 = tpu.memref_slice %arg3[%add3A_59, %dma_wait3A_101] : memref<2560x128xi32, #tpu.memory_space<hbm>> -> memref<40x128xi32, #tpu.memory_space<hbm>>
      %dma_wait3A_103 = arith.constant 0 : i32
      %dma_wait3A_104 = tpu.memref_slice %arg3[%add3A_59, %dma_wait3A_103] : memref<2560x128xi32, #tpu.memory_space<hbm>> -> memref<40x128xi32, #tpu.memory_space<hbm>>
      tpu.wait_dma2 semaphore(%run_scoped3A_96 : memref<!tpu.dma_semaphore, #tpu.memory_space<semaphore_mem>>) src(%dma_wait3A_104 : memref<40x128xi32, #tpu.memory_space<hbm>>) dst(%arg6 : memref<40x128xi32, #tpu.memory_space<vmem>>)
      tpu.yield
    }) : () -> ()
    %add3A_60 = arith.constant 40 : i32
    %add3A_61 = arith.addi %mul3A_2, %add3A_60 : i32
    "tpu.region"() ({
      %run_scoped3A_96 = tpu.sem_alloc : memref<!tpu.dma_semaphore, #tpu.memory_space<semaphore_mem>>
      %dma_start3A_97 = arith.constant 0 : i32
      %dma_start3A_98 = tpu.memref_slice %arg4[%add3A_61, %dma_start3A_97] : memref<2560x128xi32, #tpu.memory_space<hbm>> -> memref<40x128xi32, #tpu.memory_space<hbm>>
      %dma_start3A_99 = arith.constant 0 : i32
      %dma_start3A_100 = tpu.memref_slice %arg4[%add3A_61, %dma_start3A_99] : memref<2560x128xi32, #tpu.memory_space<hbm>> -> memref<40x128xi32, #tpu.memory_space<hbm>>
      tpu.enqueue_dma source(%dma_start3A_100 : memref<40x128xi32, #tpu.memory_space<hbm>>) target(%arg7 : memref<40x128xi32, #tpu.memory_space<vmem>>) target_semaphore(%run_scoped3A_96 : memref<!tpu.dma_semaphore, #tpu.memory_space<semaphore_mem>>)
      %dma_wait3A_101 = arith.constant 0 : i32
      %dma_wait3A_102 = tpu.memref_slice %arg4[%add3A_61, %dma_wait3A_101] : memref<2560x128xi32, #tpu.memory_space<hbm>> -> memref<40x128xi32, #tpu.memory_space<hbm>>
      %dma_wait3A_103 = arith.constant 0 : i32
      %dma_wait3A_104 = tpu.memref_slice %arg4[%add3A_61, %dma_wait3A_103] : memref<2560x128xi32, #tpu.memory_space<hbm>> -> memref<40x128xi32, #tpu.memory_space<hbm>>
      tpu.wait_dma2 semaphore(%run_scoped3A_96 : memref<!tpu.dma_semaphore, #tpu.memory_space<semaphore_mem>>) src(%dma_wait3A_104 : memref<40x128xi32, #tpu.memory_space<hbm>>) dst(%arg7 : memref<40x128xi32, #tpu.memory_space<vmem>>)
      tpu.yield
    }) : () -> ()
    %dma_start3A_62 = arith.constant 0 : i32
    %dma_start3A_63 = arith.constant 0 : i32
    %dma_start3A_64 = arith.constant 0 : i32
    %dma_start3A_65 = arith.constant 0 : i32
    %dma_start3A_66 = tpu.memref_slice %arg8[%dma_start3A_63, %dma_start3A_64, %dma_start3A_65] : memref<2x128x128xf32, #tpu.memory_space<vmem>> -> memref<1x128x128xf32, #tpu.memory_space<vmem>>
    %dma_start3A_67 = tpu.memref_squeeze %dma_start3A_66 : memref<1x128x128xf32, #tpu.memory_space<vmem>> -> memref<128x128xf32, #tpu.memory_space<vmem>>
    %dma_start3A_68 = arith.constant 0 : i32
    %dma_start3A_69 = tpu.memref_slice %arg6[%dma_start3A_62, %dma_start3A_68] : memref<40x128xi32, #tpu.memory_space<vmem>> -> memref<1x128xi32, #tpu.memory_space<vmem>>
    %dma_start3A_70 = tpu.memref_squeeze %dma_start3A_69 : memref<1x128xi32, #tpu.memory_space<vmem>> -> memref<128xi32, #tpu.memory_space<vmem>>
    %dma_start3A_71 = arith.constant 0 : i32
    %dma_start3A_72 = arith.constant 0 : i32
    %dma_start3A_73 = tpu.memref_slice %arg2[%dma_start3A_71, %dma_start3A_72] : memref<10000x128xf32, #tpu.memory_space<hbm>> -> memref<10000x128xf32, #tpu.memory_space<hbm>>
    tpu.enqueue_indirect_dma source(%dma_start3A_73 : memref<10000x128xf32, #tpu.memory_space<hbm>>) target(%dma_start3A_67 : memref<128x128xf32, #tpu.memory_space<vmem>>) offsets(%dma_start3A_70 : memref<128xi32, #tpu.memory_space<vmem>>) semaphore(%arg10 : memref<!tpu.dma_semaphore, #tpu.memory_space<semaphore_mem>>)
    %scan3A_74 = arith.constant 0 : i32
    %scan3A_75 = arith.constant 0 : i32
    %scan3A_76 = arith.constant 40 : i32
    %scan3A_77 = arith.addi %scan3A_75, %scan3A_76 : i32
    %scan3A_78 = arith.constant 1 : i32
    scf.for %scan3A_96 = %scan3A_75 to %scan3A_77 step %scan3A_78  : i32 {
      %rem3A = arith.constant 2 : i32
      %rem3A_97 = arith.remsi %scan3A_96, %rem3A : i32
      %gt3A = arith.constant 0 : i32
      %gt3A_98 = arith.cmpi sgt, %scan3A_96, %gt3A : i32
      %convert_element_type3A = arith.extui %gt3A_98 : i1 to i32
      %cond3A = arith.constant 0 : i32
      %cond3A_99 = arith.cmpi ne, %convert_element_type3A, %cond3A : i32
      scf.if %cond3A_99 {
        %dma_wait3A_128 = arith.constant 0 : i32
        %dma_wait3A_129 = arith.constant 0 : i32
        %dma_wait3A_130 = arith.constant 0 : i32
        %dma_wait3A_131 = arith.constant 0 : i32
        %dma_wait3A_132 = tpu.memref_slice %arg8[%dma_wait3A_128, %dma_wait3A_130, %dma_wait3A_131] : memref<2x128x128xf32, #tpu.memory_space<vmem>> -> memref<1x128x128xf32, #tpu.memory_space<vmem>>
        %dma_wait3A_133 = tpu.memref_squeeze %dma_wait3A_132 : memref<1x128x128xf32, #tpu.memory_space<vmem>> -> memref<128x128xf32, #tpu.memory_space<vmem>>
        %dma_wait3A_134 = arith.constant 0 : i32
        %dma_wait3A_135 = tpu.memref_slice %arg7[%dma_wait3A_129, %dma_wait3A_134] : memref<40x128xi32, #tpu.memory_space<vmem>> -> memref<1x128xi32, #tpu.memory_space<vmem>>
        %dma_wait3A_136 = tpu.memref_squeeze %dma_wait3A_135 : memref<1x128xi32, #tpu.memory_space<vmem>> -> memref<128xi32, #tpu.memory_space<vmem>>
        %dma_wait3A_137 = arith.constant 0 : i32
        %dma_wait3A_138 = arith.constant 0 : i32
        %dma_wait3A_139 = tpu.memref_slice %arg9[%dma_wait3A_137, %dma_wait3A_138] : memref<10112x128xf32, #tpu.memory_space<vmem_shared>> -> memref<10112x128xf32, #tpu.memory_space<vmem_shared>>
        tpu.wait_indirect_dma semaphore(%arg11 : memref<!tpu.dma_semaphore, #tpu.memory_space<semaphore_mem>>) src(%dma_wait3A_133 : memref<128x128xf32, #tpu.memory_space<vmem>>) dst(%dma_wait3A_139 : memref<10112x128xf32, #tpu.memory_space<vmem_shared>>)
      } else {
      }
      %add3A_100 = arith.constant 1 : i32
      %add3A_101 = arith.addi %scan3A_96, %add3A_100 : i32
      %lt3A = arith.constant 40 : i32
      %lt3A_102 = arith.cmpi slt, %add3A_101, %lt3A : i32
      %convert_element_type3A_103 = arith.extui %lt3A_102 : i1 to i32
      %cond3A_104 = arith.constant 0 : i32
      %cond3A_105 = arith.cmpi ne, %convert_element_type3A_103, %cond3A_104 : i32
      scf.if %cond3A_105 {
        %add3A_128 = arith.constant 1 : i32
        %add3A_129 = arith.addi %scan3A_96, %add3A_128 : i32
        %sub3A_130 = arith.constant 1 : i32
        %sub3A_131 = arith.subi %sub3A_130, %rem3A_97 : i32
        %dma_start3A_132 = arith.constant 0 : i32
        %dma_start3A_133 = arith.constant 0 : i32
        %dma_start3A_134 = tpu.memref_slice %arg8[%sub3A_131, %dma_start3A_132, %dma_start3A_133] : memref<2x128x128xf32, #tpu.memory_space<vmem>> -> memref<1x128x128xf32, #tpu.memory_space<vmem>>
        %dma_start3A_135 = tpu.memref_squeeze %dma_start3A_134 : memref<1x128x128xf32, #tpu.memory_space<vmem>> -> memref<128x128xf32, #tpu.memory_space<vmem>>
        %dma_start3A_136 = arith.constant 0 : i32
        %dma_start3A_137 = tpu.memref_slice %arg6[%add3A_129, %dma_start3A_136] : memref<40x128xi32, #tpu.memory_space<vmem>> -> memref<1x128xi32, #tpu.memory_space<vmem>>
        %dma_start3A_138 = tpu.memref_squeeze %dma_start3A_137 : memref<1x128xi32, #tpu.memory_space<vmem>> -> memref<128xi32, #tpu.memory_space<vmem>>
        %dma_start3A_139 = arith.constant 0 : i32
        %dma_start3A_140 = arith.constant 0 : i32
        %dma_start3A_141 = tpu.memref_slice %arg2[%dma_start3A_139, %dma_start3A_140] : memref<10000x128xf32, #tpu.memory_space<hbm>> -> memref<10000x128xf32, #tpu.memory_space<hbm>>
        tpu.enqueue_indirect_dma source(%dma_start3A_141 : memref<10000x128xf32, #tpu.memory_space<hbm>>) target(%dma_start3A_135 : memref<128x128xf32, #tpu.memory_space<vmem>>) offsets(%dma_start3A_138 : memref<128xi32, #tpu.memory_space<vmem>>) semaphore(%arg10 : memref<!tpu.dma_semaphore, #tpu.memory_space<semaphore_mem>>)
      } else {
      }
      %dma_wait3A_106 = arith.constant 0 : i32
      %dma_wait3A_107 = arith.constant 0 : i32
      %dma_wait3A_108 = arith.constant 0 : i32
      %dma_wait3A_109 = arith.constant 0 : i32
      %dma_wait3A_110 = tpu.memref_slice %arg8[%dma_wait3A_107, %dma_wait3A_108, %dma_wait3A_109] : memref<2x128x128xf32, #tpu.memory_space<vmem>> -> memref<1x128x128xf32, #tpu.memory_space<vmem>>
      %dma_wait3A_111 = tpu.memref_squeeze %dma_wait3A_110 : memref<1x128x128xf32, #tpu.memory_space<vmem>> -> memref<128x128xf32, #tpu.memory_space<vmem>>
      %dma_wait3A_112 = arith.constant 0 : i32
      %dma_wait3A_113 = tpu.memref_slice %arg6[%dma_wait3A_106, %dma_wait3A_112] : memref<40x128xi32, #tpu.memory_space<vmem>> -> memref<1x128xi32, #tpu.memory_space<vmem>>
      %dma_wait3A_114 = tpu.memref_squeeze %dma_wait3A_113 : memref<1x128xi32, #tpu.memory_space<vmem>> -> memref<128xi32, #tpu.memory_space<vmem>>
      %dma_wait3A_115 = arith.constant 0 : i32
      %dma_wait3A_116 = arith.constant 0 : i32
      %dma_wait3A_117 = tpu.memref_slice %arg2[%dma_wait3A_115, %dma_wait3A_116] : memref<10000x128xf32, #tpu.memory_space<hbm>> -> memref<10000x128xf32, #tpu.memory_space<hbm>>
      tpu.wait_indirect_dma semaphore(%arg10 : memref<!tpu.dma_semaphore, #tpu.memory_space<semaphore_mem>>) src(%dma_wait3A_117 : memref<10000x128xf32, #tpu.memory_space<hbm>>) dst(%dma_wait3A_111 : memref<128x128xf32, #tpu.memory_space<vmem>>)
      %dma_start3A_118 = arith.constant 0 : i32
      %dma_start3A_119 = arith.constant 0 : i32
      %dma_start3A_120 = tpu.memref_slice %arg8[%rem3A_97, %dma_start3A_118, %dma_start3A_119] : memref<2x128x128xf32, #tpu.memory_space<vmem>> -> memref<1x128x128xf32, #tpu.memory_space<vmem>>
      %dma_start3A_121 = tpu.memref_squeeze %dma_start3A_120 : memref<1x128x128xf32, #tpu.memory_space<vmem>> -> memref<128x128xf32, #tpu.memory_space<vmem>>
      %dma_start3A_122 = arith.constant 0 : i32
      %dma_start3A_123 = tpu.memref_slice %arg7[%scan3A_96, %dma_start3A_122] : memref<40x128xi32, #tpu.memory_space<vmem>> -> memref<1x128xi32, #tpu.memory_space<vmem>>
      %dma_start3A_124 = tpu.memref_squeeze %dma_start3A_123 : memref<1x128xi32, #tpu.memory_space<vmem>> -> memref<128xi32, #tpu.memory_space<vmem>>
      %dma_start3A_125 = arith.constant 0 : i32
      %dma_start3A_126 = arith.constant 0 : i32
      %dma_start3A_127 = tpu.memref_slice %arg9[%dma_start3A_125, %dma_start3A_126] : memref<10112x128xf32, #tpu.memory_space<vmem_shared>> -> memref<10112x128xf32, #tpu.memory_space<vmem_shared>>
      tpu.enqueue_indirect_dma source(%dma_start3A_121 : memref<128x128xf32, #tpu.memory_space<vmem>>) target(%dma_start3A_127 : memref<10112x128xf32, #tpu.memory_space<vmem_shared>>) offsets(%dma_start3A_124 : memref<128xi32, #tpu.memory_space<vmem>>) semaphore(%arg11 : memref<!tpu.dma_semaphore, #tpu.memory_space<semaphore_mem>>) {add = true}
    }
    %scan3A_79 = arith.constant 40 : i32
    %dma_wait3A_80 = arith.constant 0 : i32
    %dma_wait3A_81 = arith.constant 0 : i32
    %dma_wait3A_82 = arith.constant 0 : i32
    %dma_wait3A_83 = arith.constant 0 : i32
    %dma_wait3A_84 = tpu.memref_slice %arg8[%dma_wait3A_80, %dma_wait3A_82, %dma_wait3A_83] : memref<2x128x128xf32, #tpu.memory_space<vmem>> -> memref<1x128x128xf32, #tpu.memory_space<vmem>>
    %dma_wait3A_85 = tpu.memref_squeeze %dma_wait3A_84 : memref<1x128x128xf32, #tpu.memory_space<vmem>> -> memref<128x128xf32, #tpu.memory_space<vmem>>
    %dma_wait3A_86 = arith.constant 0 : i32
    %dma_wait3A_87 = tpu.memref_slice %arg7[%dma_wait3A_81, %dma_wait3A_86] : memref<40x128xi32, #tpu.memory_space<vmem>> -> memref<1x128xi32, #tpu.memory_space<vmem>>
    %dma_wait3A_88 = tpu.memref_squeeze %dma_wait3A_87 : memref<1x128xi32, #tpu.memory_space<vmem>> -> memref<128xi32, #tpu.memory_space<vmem>>
    %dma_wait3A_89 = arith.constant 0 : i32
    %dma_wait3A_90 = arith.constant 0 : i32
    %dma_wait3A_91 = tpu.memref_slice %arg9[%dma_wait3A_89, %dma_wait3A_90] : memref<10112x128xf32, #tpu.memory_space<vmem_shared>> -> memref<10112x128xf32, #tpu.memory_space<vmem_shared>>
    tpu.wait_indirect_dma semaphore(%arg11 : memref<!tpu.dma_semaphore, #tpu.memory_space<semaphore_mem>>) src(%dma_wait3A_85 : memref<128x128xf32, #tpu.memory_space<vmem>>) dst(%dma_wait3A_91 : memref<10112x128xf32, #tpu.memory_space<vmem_shared>>)
    %barrier3A_92 = arith.constant 0 : index
    tpu.barrier barrier_id(%barrier3A_92)
    %mul3A_93 = arith.constant 10112 : i32
    %mul3A_94 = arith.muli %arg0, %mul3A_93 : i32
    %add3A_95 = arith.addi %mul3A_94, %mul3A_10 : i32
    "tpu.region"() ({
      %run_scoped3A_96 = tpu.sem_alloc : memref<!tpu.dma_semaphore, #tpu.memory_space<semaphore_mem>>
      %dma_start3A_97 = arith.constant 0 : i32
      %dma_start3A_98 = tpu.memref_slice %arg5[%add3A_95, %dma_start3A_97] : memref<20224x128xf32, #tpu.memory_space<hbm>> -> memref<632x128xf32, #tpu.memory_space<hbm>>
      %dma_start3A_99 = arith.constant 0 : i32
      %dma_start3A_100 = tpu.memref_slice %arg9[%mul3A_10, %dma_start3A_99] : memref<10112x128xf32, #tpu.memory_space<vmem_shared>> -> memref<632x128xf32, #tpu.memory_space<vmem_shared>>
      tpu.enqueue_dma source(%dma_start3A_100 : memref<632x128xf32, #tpu.memory_space<vmem_shared>>) target(%dma_start3A_98 : memref<632x128xf32, #tpu.memory_space<hbm>>) target_semaphore(%run_scoped3A_96 : memref<!tpu.dma_semaphore, #tpu.memory_space<semaphore_mem>>)
      %dma_wait3A_101 = arith.constant 0 : i32
      %dma_wait3A_102 = tpu.memref_slice %arg5[%add3A_95, %dma_wait3A_101] : memref<20224x128xf32, #tpu.memory_space<hbm>> -> memref<632x128xf32, #tpu.memory_space<hbm>>
      %dma_wait3A_103 = arith.constant 0 : i32
      %dma_wait3A_104 = tpu.memref_slice %arg9[%mul3A_10, %dma_wait3A_103] : memref<10112x128xf32, #tpu.memory_space<vmem_shared>> -> memref<632x128xf32, #tpu.memory_space<vmem_shared>>
      tpu.wait_dma2 semaphore(%run_scoped3A_96 : memref<!tpu.dma_semaphore, #tpu.memory_space<semaphore_mem>>) src(%dma_wait3A_104 : memref<632x128xf32, #tpu.memory_space<vmem_shared>>) dst(%dma_wait3A_102 : memref<632x128xf32, #tpu.memory_space<hbm>>)
      tpu.yield
    }) : () -> ()
    return
  }
}

#map = affine_map<(d0, d1) -> (0, 0)>
module attributes {stable_mosaic.version = 14 : i64} {
  func.func @sc_scatter(%arg0: i32, %arg1: i32, %arg2: memref<10000x128xf32, #tpu.memory_space<hbm>>, %arg3: memref<2560x128xi32, #tpu.memory_space<hbm>>, %arg4: memref<2560x128xi32, #tpu.memory_space<hbm>>, %arg5: memref<20224x128xf32, #tpu.memory_space<hbm>>, %arg6: memref<40x128xi32, #tpu.memory_space<vmem>>, %arg7: memref<40x128xi32, #tpu.memory_space<vmem>>, %arg8: memref<2x128x128xf32, #tpu.memory_space<vmem>>, %arg9: memref<10112x128xf32, #tpu.memory_space<vmem_shared>>, %arg10: memref<!tpu.dma_semaphore, #tpu.memory_space<semaphore_mem>>, %arg11: memref<!tpu.dma_semaphore, #tpu.memory_space<semaphore_mem>>) attributes {dimension_semantics = [#tpu.dimension_semantics<core_parallel>, #tpu.dimension_semantics<subcore_parallel>], iteration_bounds = array<i64: 2, 16>, scalar_prefetch = 0 : i64, scratch_operands = 6 : i64, tpu.core_type = #tpu.core_type<sc_vector_subcore>, window_params = [{transform_indices = #map}, {transform_indices = #map}, {transform_indices = #map}, {transform_indices = #map}]} {
    %mul3A = arith.constant 16 : i32
    %mul3A_0 = arith.muli %arg0, %mul3A : i32
    %add3A = arith.addi %mul3A_0, %arg1 : i32
    %mul3A_1 = arith.constant 80 : i32
    %mul3A_2 = arith.muli %add3A, %mul3A_1 : i32
    %broadcast_in_dim3A = arith.constant 0.000000e+00 : f32
    %broadcast_in_dim3A_3 = vector.broadcast %broadcast_in_dim3A : f32 to vector<16xf32>
    %scan3A = arith.constant 0 : i32
    %scan3A_4 = arith.constant 0 : i32
    %scan3A_5 = arith.constant 128 : i32
    %scan3A_6 = arith.addi %scan3A_4, %scan3A_5 : i32
    %scan3A_7 = arith.constant 1 : i32
    scf.for %scan3A_96 = %scan3A_4 to %scan3A_6 step %scan3A_7  : i32 {
      %swap3A = arith.constant 0 : i32
      %swap3A_97 = arith.index_cast %swap3A : i32 to index
      %swap3A_98 = arith.index_cast %scan3A_96 : i32 to index
      %swap3A_99 = arith.constant 0 : index
      %swap3A_100 = tpu.vector_load %arg8[%swap3A_97, %swap3A_98, %swap3A_99] {strides = array<i32>} : memref<2x128x128xf32, #tpu.memory_space<vmem>>, vector<1x1x16xf32>,
      %swap3A_101 = vector.shape_cast %swap3A_100 : vector<1x1x16xf32> to vector<16xf32>
      %swap3A_102 = vector.shape_cast %broadcast_in_dim3A_3 : vector<16xf32> to vector<1x1x16xf32>
      tpu.vector_store %arg8[%swap3A_97, %swap3A_98, %swap3A_99], %swap3A_102 {strides = array<i32>} : memref<2x128x128xf32, #tpu.memory_space<vmem>>, vector<1x1x16xf32>,
      %swap3A_103 = arith.constant 0 : i32
      %swap3A_104 = arith.index_cast %swap3A_103 : i32 to index
      %swap3A_105 = arith.index_cast %scan3A_96 : i32 to index
      %swap3A_106 = arith.constant 16 : index
      %swap3A_107 = tpu.vector_load %arg8[%swap3A_104, %swap3A_105, %swap3A_106] {strides = array<i32>} : memref<2x128x128xf32, #tpu.memory_space<vmem>>, vector<1x1x16xf32>,
      %swap3A_108 = vector.shape_cast %swap3A_107 : vector<1x1x16xf32> to vector<16xf32>
      %swap3A_109 = vector.shape_cast %broadcast_in_dim3A_3 : vector<16xf32> to vector<1x1x16xf32>
      tpu.vector_store %arg8[%swap3A_104, %swap3A_105, %swap3A_106], %swap3A_109 {strides = array<i32>} : memref<2x128x128xf32, #tpu.memory_space<vmem>>, vector<1x1x16xf32>,
      %swap3A_110 = arith.constant 0 : i32
      %swap3A_111 = arith.index_cast %swap3A_110 : i32 to index
      %swap3A_112 = arith.index_cast %scan3A_96 : i32 to index
      %swap3A_113 = arith.constant 32 : index
      %swap3A_114 = tpu.vector_load %arg8[%swap3A_111, %swap3A_112, %swap3A_113] {strides = array<i32>} : memref<2x128x128xf32, #tpu.memory_space<vmem>>, vector<1x1x16xf32>,
      %swap3A_115 = vector.shape_cast %swap3A_114 : vector<1x1x16xf32> to vector<16xf32>
      %swap3A_116 = vector.shape_cast %broadcast_in_dim3A_3 : vector<16xf32> to vector<1x1x16xf32>
      tpu.vector_store %arg8[%swap3A_111, %swap3A_112, %swap3A_113], %swap3A_116 {strides = array<i32>} : memref<2x128x128xf32, #tpu.memory_space<vmem>>, vector<1x1x16xf32>,
      %swap3A_117 = arith.constant 0 : i32
      %swap3A_118 = arith.index_cast %swap3A_117 : i32 to index
      %swap3A_119 = arith.index_cast %scan3A_96 : i32 to index
      %swap3A_120 = arith.constant 48 : index
      %swap3A_121 = tpu.vector_load %arg8[%swap3A_118, %swap3A_119, %swap3A_120] {strides = array<i32>} : memref<2x128x128xf32, #tpu.memory_space<vmem>>, vector<1x1x16xf32>,
      %swap3A_122 = vector.shape_cast %swap3A_121 : vector<1x1x16xf32> to vector<16xf32>
      %swap3A_123 = vector.shape_cast %broadcast_in_dim3A_3 : vector<16xf32> to vector<1x1x16xf32>
      tpu.vector_store %arg8[%swap3A_118, %swap3A_119, %swap3A_120], %swap3A_123 {strides = array<i32>} : memref<2x128x128xf32, #tpu.memory_space<vmem>>, vector<1x1x16xf32>,
      %swap3A_124 = arith.constant 0 : i32
      %swap3A_125 = arith.index_cast %swap3A_124 : i32 to index
      %swap3A_126 = arith.index_cast %scan3A_96 : i32 to index
      %swap3A_127 = arith.constant 64 : index
      %swap3A_128 = tpu.vector_load %arg8[%swap3A_125, %swap3A_126, %swap3A_127] {strides = array<i32>} : memref<2x128x128xf32, #tpu.memory_space<vmem>>, vector<1x1x16xf32>,
      %swap3A_129 = vector.shape_cast %swap3A_128 : vector<1x1x16xf32> to vector<16xf32>
      %swap3A_130 = vector.shape_cast %broadcast_in_dim3A_3 : vector<16xf32> to vector<1x1x16xf32>
      tpu.vector_store %arg8[%swap3A_125, %swap3A_126, %swap3A_127], %swap3A_130 {strides = array<i32>} : memref<2x128x128xf32, #tpu.memory_space<vmem>>, vector<1x1x16xf32>,
      %swap3A_131 = arith.constant 0 : i32
      %swap3A_132 = arith.index_cast %swap3A_131 : i32 to index
      %swap3A_133 = arith.index_cast %scan3A_96 : i32 to index
      %swap3A_134 = arith.constant 80 : index
      %swap3A_135 = tpu.vector_load %arg8[%swap3A_132, %swap3A_133, %swap3A_134] {strides = array<i32>} : memref<2x128x128xf32, #tpu.memory_space<vmem>>, vector<1x1x16xf32>,
      %swap3A_136 = vector.shape_cast %swap3A_135 : vector<1x1x16xf32> to vector<16xf32>
      %swap3A_137 = vector.shape_cast %broadcast_in_dim3A_3 : vector<16xf32> to vector<1x1x16xf32>
      tpu.vector_store %arg8[%swap3A_132, %swap3A_133, %swap3A_134], %swap3A_137 {strides = array<i32>} : memref<2x128x128xf32, #tpu.memory_space<vmem>>, vector<1x1x16xf32>,
      %swap3A_138 = arith.constant 0 : i32
      %swap3A_139 = arith.index_cast %swap3A_138 : i32 to index
      %swap3A_140 = arith.index_cast %scan3A_96 : i32 to index
      %swap3A_141 = arith.constant 96 : index
      %swap3A_142 = tpu.vector_load %arg8[%swap3A_139, %swap3A_140, %swap3A_141] {strides = array<i32>} : memref<2x128x128xf32, #tpu.memory_space<vmem>>, vector<1x1x16xf32>,
      %swap3A_143 = vector.shape_cast %swap3A_142 : vector<1x1x16xf32> to vector<16xf32>
      %swap3A_144 = vector.shape_cast %broadcast_in_dim3A_3 : vector<16xf32> to vector<1x1x16xf32>
      tpu.vector_store %arg8[%swap3A_139, %swap3A_140, %swap3A_141], %swap3A_144 {strides = array<i32>} : memref<2x128x128xf32, #tpu.memory_space<vmem>>, vector<1x1x16xf32>,
      %swap3A_145 = arith.constant 0 : i32
      %swap3A_146 = arith.index_cast %swap3A_145 : i32 to index
      %swap3A_147 = arith.index_cast %scan3A_96 : i32 to index
      %swap3A_148 = arith.constant 112 : index
      %swap3A_149 = tpu.vector_load %arg8[%swap3A_146, %swap3A_147, %swap3A_148] {strides = array<i32>} : memref<2x128x128xf32, #tpu.memory_space<vmem>>, vector<1x1x16xf32>,
      %swap3A_150 = vector.shape_cast %swap3A_149 : vector<1x1x16xf32> to vector<16xf32>
      %swap3A_151 = vector.shape_cast %broadcast_in_dim3A_3 : vector<16xf32> to vector<1x1x16xf32>
      tpu.vector_store %arg8[%swap3A_146, %swap3A_147, %swap3A_148], %swap3A_151 {strides = array<i32>} : memref<2x128x128xf32, #tpu.memory_space<vmem>>, vector<1x1x16xf32>,
    }
    %scan3A_8 = arith.constant 128 : i32
    %mul3A_9 = arith.constant 632 : i32
    %mul3A_10 = arith.muli %arg1, %mul3A_9 : i32
    %add3A_11 = arith.constant 0 : i32
    %add3A_12 = arith.addi %mul3A_10, %add3A_11 : i32
    %run_scoped3A = arith.constant 0 : i32
    "tpu.region"() ({
      %run_scoped3A_96 = tpu.sem_alloc : memref<!tpu.dma_semaphore, #tpu.memory_space<semaphore_mem>>
      %dma_start3A_97 = arith.constant 0 : i32
      %dma_start3A_98 = arith.constant 0 : i32
      %dma_start3A_99 = tpu.memref_slice %arg8[%run_scoped3A, %dma_start3A_97, %dma_start3A_98] : memref<2x128x128xf32, #tpu.memory_space<vmem>> -> memref<1x128x128xf32, #tpu.memory_space<vmem>>
      %dma_start3A_100 = tpu.memref_squeeze %dma_start3A_99 : memref<1x128x128xf32, #tpu.memory_space<vmem>> -> memref<128x128xf32, #tpu.memory_space<vmem>>
      %dma_start3A_101 = arith.constant 0 : i32
      %dma_start3A_102 = tpu.memref_slice %arg9[%add3A_12, %dma_start3A_101] : memref<10112x128xf32, #tpu.memory_space<vmem_shared>> -> memref<128x128xf32, #tpu.memory_space<vmem_shared>>
      %dma_start3A_103 = arith.constant 0 : i32
      %dma_start3A_104 = tpu.memref_slice %arg9[%add3A_12, %dma_start3A_103] : memref<10112x128xf32, #tpu.memory_space<vmem_shared>> -> memref<128x128xf32, #tpu.memory_space<vmem_shared>>
      %dma_start3A_105 = arith.constant 0 : i32
      %dma_start3A_106 = arith.constant 0 : i32
      %dma_start3A_107 = tpu.memref_slice %arg8[%run_scoped3A, %dma_start3A_105, %dma_start3A_106] : memref<2x128x128xf32, #tpu.memory_space<vmem>> -> memref<1x128x128xf32, #tpu.memory_space<vmem>>
      %dma_start3A_108 = tpu.memref_squeeze %dma_start3A_107 : memref<1x128x128xf32, #tpu.memory_space<vmem>> -> memref<128x128xf32, #tpu.memory_space<vmem>>
      tpu.enqueue_dma source(%dma_start3A_108 : memref<128x128xf32, #tpu.memory_space<vmem>>) target(%dma_start3A_104 : memref<128x128xf32, #tpu.memory_space<vmem_shared>>) target_semaphore(%run_scoped3A_96 : memref<!tpu.dma_semaphore, #tpu.memory_space<semaphore_mem>>)
      %dma_wait3A_109 = arith.constant 0 : i32
      %dma_wait3A_110 = arith.constant 0 : i32
      %dma_wait3A_111 = tpu.memref_slice %arg8[%run_scoped3A, %dma_wait3A_109, %dma_wait3A_110] : memref<2x128x128xf32, #tpu.memory_space<vmem>> -> memref<1x128x128xf32, #tpu.memory_space<vmem>>
      %dma_wait3A_112 = tpu.memref_squeeze %dma_wait3A_111 : memref<1x128x128xf32, #tpu.memory_space<vmem>> -> memref<128x128xf32, #tpu.memory_space<vmem>>
      %dma_wait3A_113 = arith.constant 0 : i32
      %dma_wait3A_114 = tpu.memref_slice %arg9[%add3A_12, %dma_wait3A_113] : memref<10112x128xf32, #tpu.memory_space<vmem_shared>> -> memref<128x128xf32, #tpu.memory_space<vmem_shared>>
      %dma_wait3A_115 = arith.constant 0 : i32
      %dma_wait3A_116 = tpu.memref_slice %arg9[%add3A_12, %dma_wait3A_115] : memref<10112x128xf32, #tpu.memory_space<vmem_shared>> -> memref<128x128xf32, #tpu.memory_space<vmem_shared>>
      %dma_wait3A_117 = arith.constant 0 : i32
      %dma_wait3A_118 = arith.constant 0 : i32
      %dma_wait3A_119 = tpu.memref_slice %arg8[%run_scoped3A, %dma_wait3A_117, %dma_wait3A_118] : memref<2x128x128xf32, #tpu.memory_space<vmem>> -> memref<1x128x128xf32, #tpu.memory_space<vmem>>
      %dma_wait3A_120 = tpu.memref_squeeze %dma_wait3A_119 : memref<1x128x128xf32, #tpu.memory_space<vmem>> -> memref<128x128xf32, #tpu.memory_space<vmem>>
      tpu.wait_dma2 semaphore(%run_scoped3A_96 : memref<!tpu.dma_semaphore, #tpu.memory_space<semaphore_mem>>) src(%dma_wait3A_120 : memref<128x128xf32, #tpu.memory_space<vmem>>) dst(%dma_wait3A_116 : memref<128x128xf32, #tpu.memory_space<vmem_shared>>)
      tpu.yield
    }) : () -> ()
    %add3A_13 = arith.constant 128 : i32
    %add3A_14 = arith.addi %mul3A_10, %add3A_13 : i32
    %run_scoped3A_15 = arith.constant 0 : i32
    "tpu.region"() ({
      %run_scoped3A_96 = tpu.sem_alloc : memref<!tpu.dma_semaphore, #tpu.memory_space<semaphore_mem>>
      %dma_start3A_97 = arith.constant 0 : i32
      %dma_start3A_98 = arith.constant 0 : i32
      %dma_start3A_99 = tpu.memref_slice %arg8[%run_scoped3A_15, %dma_start3A_97, %dma_start3A_98] : memref<2x128x128xf32, #tpu.memory_space<vmem>> -> memref<1x128x128xf32, #tpu.memory_space<vmem>>
      %dma_start3A_100 = tpu.memref_squeeze %dma_start3A_99 : memref<1x128x128xf32, #tpu.memory_space<vmem>> -> memref<128x128xf32, #tpu.memory_space<vmem>>
      %dma_start3A_101 = arith.constant 0 : i32
      %dma_start3A_102 = tpu.memref_slice %arg9[%add3A_14, %dma_start3A_101] : memref<10112x128xf32, #tpu.memory_space<vmem_shared>> -> memref<128x128xf32, #tpu.memory_space<vmem_shared>>
      %dma_start3A_103 = arith.constant 0 : i32
      %dma_start3A_104 = tpu.memref_slice %arg9[%add3A_14, %dma_start3A_103] : memref<10112x128xf32, #tpu.memory_space<vmem_shared>> -> memref<128x128xf32, #tpu.memory_space<vmem_shared>>
      %dma_start3A_105 = arith.constant 0 : i32
      %dma_start3A_106 = arith.constant 0 : i32
      %dma_start3A_107 = tpu.memref_slice %arg8[%run_scoped3A_15, %dma_start3A_105, %dma_start3A_106] : memref<2x128x128xf32, #tpu.memory_space<vmem>> -> memref<1x128x128xf32, #tpu.memory_space<vmem>>
      %dma_start3A_108 = tpu.memref_squeeze %dma_start3A_107 : memref<1x128x128xf32, #tpu.memory_space<vmem>> -> memref<128x128xf32, #tpu.memory_space<vmem>>
      tpu.enqueue_dma source(%dma_start3A_108 : memref<128x128xf32, #tpu.memory_space<vmem>>) target(%dma_start3A_104 : memref<128x128xf32, #tpu.memory_space<vmem_shared>>) target_semaphore(%run_scoped3A_96 : memref<!tpu.dma_semaphore, #tpu.memory_space<semaphore_mem>>)
      %dma_wait3A_109 = arith.constant 0 : i32
      %dma_wait3A_110 = arith.constant 0 : i32
      %dma_wait3A_111 = tpu.memref_slice %arg8[%run_scoped3A_15, %dma_wait3A_109, %dma_wait3A_110] : memref<2x128x128xf32, #tpu.memory_space<vmem>> -> memref<1x128x128xf32, #tpu.memory_space<vmem>>
      %dma_wait3A_112 = tpu.memref_squeeze %dma_wait3A_111 : memref<1x128x128xf32, #tpu.memory_space<vmem>> -> memref<128x128xf32, #tpu.memory_space<vmem>>
      %dma_wait3A_113 = arith.constant 0 : i32
      %dma_wait3A_114 = tpu.memref_slice %arg9[%add3A_14, %dma_wait3A_113] : memref<10112x128xf32, #tpu.memory_space<vmem_shared>> -> memref<128x128xf32, #tpu.memory_space<vmem_shared>>
      %dma_wait3A_115 = arith.constant 0 : i32
      %dma_wait3A_116 = tpu.memref_slice %arg9[%add3A_14, %dma_wait3A_115] : memref<10112x128xf32, #tpu.memory_space<vmem_shared>> -> memref<128x128xf32, #tpu.memory_space<vmem_shared>>
      %dma_wait3A_117 = arith.constant 0 : i32
      %dma_wait3A_118 = arith.constant 0 : i32
      %dma_wait3A_119 = tpu.memref_slice %arg8[%run_scoped3A_15, %dma_wait3A_117, %dma_wait3A_118] : memref<2x128x128xf32, #tpu.memory_space<vmem>> -> memref<1x128x128xf32, #tpu.memory_space<vmem>>
      %dma_wait3A_120 = tpu.memref_squeeze %dma_wait3A_119 : memref<1x128x128xf32, #tpu.memory_space<vmem>> -> memref<128x128xf32, #tpu.memory_space<vmem>>
      tpu.wait_dma2 semaphore(%run_scoped3A_96 : memref<!tpu.dma_semaphore, #tpu.memory_space<semaphore_mem>>) src(%dma_wait3A_120 : memref<128x128xf32, #tpu.memory_space<vmem>>) dst(%dma_wait3A_116 : memref<128x128xf32, #tpu.memory_space<vmem_shared>>)
      tpu.yield
    }) : () -> ()
    %add3A_16 = arith.constant 256 : i32
    %add3A_17 = arith.addi %mul3A_10, %add3A_16 : i32
    %run_scoped3A_18 = arith.constant 0 : i32
    "tpu.region"() ({
      %run_scoped3A_96 = tpu.sem_alloc : memref<!tpu.dma_semaphore, #tpu.memory_space<semaphore_mem>>
      %dma_start3A_97 = arith.constant 0 : i32
      %dma_start3A_98 = arith.constant 0 : i32
      %dma_start3A_99 = tpu.memref_slice %arg8[%run_scoped3A_18, %dma_start3A_97, %dma_start3A_98] : memref<2x128x128xf32, #tpu.memory_space<vmem>> -> memref<1x128x128xf32, #tpu.memory_space<vmem>>
      %dma_start3A_100 = tpu.memref_squeeze %dma_start3A_99 : memref<1x128x128xf32, #tpu.memory_space<vmem>> -> memref<128x128xf32, #tpu.memory_space<vmem>>
      %dma_start3A_101 = arith.constant 0 : i32
      %dma_start3A_102 = tpu.memref_slice %arg9[%add3A_17, %dma_start3A_101] : memref<10112x128xf32, #tpu.memory_space<vmem_shared>> -> memref<128x128xf32, #tpu.memory_space<vmem_shared>>
      %dma_start3A_103 = arith.constant 0 : i32
      %dma_start3A_104 = tpu.memref_slice %arg9[%add3A_17, %dma_start3A_103] : memref<10112x128xf32, #tpu.memory_space<vmem_shared>> -> memref<128x128xf32, #tpu.memory_space<vmem_shared>>
      %dma_start3A_105 = arith.constant 0 : i32
      %dma_start3A_106 = arith.constant 0 : i32
      %dma_start3A_107 = tpu.memref_slice %arg8[%run_scoped3A_18, %dma_start3A_105, %dma_start3A_106] : memref<2x128x128xf32, #tpu.memory_space<vmem>> -> memref<1x128x128xf32, #tpu.memory_space<vmem>>
      %dma_start3A_108 = tpu.memref_squeeze %dma_start3A_107 : memref<1x128x128xf32, #tpu.memory_space<vmem>> -> memref<128x128xf32, #tpu.memory_space<vmem>>
      tpu.enqueue_dma source(%dma_start3A_108 : memref<128x128xf32, #tpu.memory_space<vmem>>) target(%dma_start3A_104 : memref<128x128xf32, #tpu.memory_space<vmem_shared>>) target_semaphore(%run_scoped3A_96 : memref<!tpu.dma_semaphore, #tpu.memory_space<semaphore_mem>>)
      %dma_wait3A_109 = arith.constant 0 : i32
      %dma_wait3A_110 = arith.constant 0 : i32
      %dma_wait3A_111 = tpu.memref_slice %arg8[%run_scoped3A_18, %dma_wait3A_109, %dma_wait3A_110] : memref<2x128x128xf32, #tpu.memory_space<vmem>> -> memref<1x128x128xf32, #tpu.memory_space<vmem>>
      %dma_wait3A_112 = tpu.memref_squeeze %dma_wait3A_111 : memref<1x128x128xf32, #tpu.memory_space<vmem>> -> memref<128x128xf32, #tpu.memory_space<vmem>>
      %dma_wait3A_113 = arith.constant 0 : i32
      %dma_wait3A_114 = tpu.memref_slice %arg9[%add3A_17, %dma_wait3A_113] : memref<10112x128xf32, #tpu.memory_space<vmem_shared>> -> memref<128x128xf32, #tpu.memory_space<vmem_shared>>
      %dma_wait3A_115 = arith.constant 0 : i32
      %dma_wait3A_116 = tpu.memref_slice %arg9[%add3A_17, %dma_wait3A_115] : memref<10112x128xf32, #tpu.memory_space<vmem_shared>> -> memref<128x128xf32, #tpu.memory_space<vmem_shared>>
      %dma_wait3A_117 = arith.constant 0 : i32
      %dma_wait3A_118 = arith.constant 0 : i32
      %dma_wait3A_119 = tpu.memref_slice %arg8[%run_scoped3A_18, %dma_wait3A_117, %dma_wait3A_118] : memref<2x128x128xf32, #tpu.memory_space<vmem>> -> memref<1x128x128xf32, #tpu.memory_space<vmem>>
      %dma_wait3A_120 = tpu.memref_squeeze %dma_wait3A_119 : memref<1x128x128xf32, #tpu.memory_space<vmem>> -> memref<128x128xf32, #tpu.memory_space<vmem>>
      tpu.wait_dma2 semaphore(%run_scoped3A_96 : memref<!tpu.dma_semaphore, #tpu.memory_space<semaphore_mem>>) src(%dma_wait3A_120 : memref<128x128xf32, #tpu.memory_space<vmem>>) dst(%dma_wait3A_116 : memref<128x128xf32, #tpu.memory_space<vmem_shared>>)
      tpu.yield
    }) : () -> ()
    %add3A_19 = arith.constant 384 : i32
    %add3A_20 = arith.addi %mul3A_10, %add3A_19 : i32
    %run_scoped3A_21 = arith.constant 0 : i32
    "tpu.region"() ({
      %run_scoped3A_96 = tpu.sem_alloc : memref<!tpu.dma_semaphore, #tpu.memory_space<semaphore_mem>>
      %dma_start3A_97 = arith.constant 0 : i32
      %dma_start3A_98 = arith.constant 0 : i32
      %dma_start3A_99 = tpu.memref_slice %arg8[%run_scoped3A_21, %dma_start3A_97, %dma_start3A_98] : memref<2x128x128xf32, #tpu.memory_space<vmem>> -> memref<1x128x128xf32, #tpu.memory_space<vmem>>
      %dma_start3A_100 = tpu.memref_squeeze %dma_start3A_99 : memref<1x128x128xf32, #tpu.memory_space<vmem>> -> memref<128x128xf32, #tpu.memory_space<vmem>>
      %dma_start3A_101 = arith.constant 0 : i32
      %dma_start3A_102 = tpu.memref_slice %arg9[%add3A_20, %dma_start3A_101] : memref<10112x128xf32, #tpu.memory_space<vmem_shared>> -> memref<128x128xf32, #tpu.memory_space<vmem_shared>>
      %dma_start3A_103 = arith.constant 0 : i32
      %dma_start3A_104 = tpu.memref_slice %arg9[%add3A_20, %dma_start3A_103] : memref<10112x128xf32, #tpu.memory_space<vmem_shared>> -> memref<128x128xf32, #tpu.memory_space<vmem_shared>>
      %dma_start3A_105 = arith.constant 0 : i32
      %dma_start3A_106 = arith.constant 0 : i32
      %dma_start3A_107 = tpu.memref_slice %arg8[%run_scoped3A_21, %dma_start3A_105, %dma_start3A_106] : memref<2x128x128xf32, #tpu.memory_space<vmem>> -> memref<1x128x128xf32, #tpu.memory_space<vmem>>
      %dma_start3A_108 = tpu.memref_squeeze %dma_start3A_107 : memref<1x128x128xf32, #tpu.memory_space<vmem>> -> memref<128x128xf32, #tpu.memory_space<vmem>>
      tpu.enqueue_dma source(%dma_start3A_108 : memref<128x128xf32, #tpu.memory_space<vmem>>) target(%dma_start3A_104 : memref<128x128xf32, #tpu.memory_space<vmem_shared>>) target_semaphore(%run_scoped3A_96 : memref<!tpu.dma_semaphore, #tpu.memory_space<semaphore_mem>>)
      %dma_wait3A_109 = arith.constant 0 : i32
      %dma_wait3A_110 = arith.constant 0 : i32
      %dma_wait3A_111 = tpu.memref_slice %arg8[%run_scoped3A_21, %dma_wait3A_109, %dma_wait3A_110] : memref<2x128x128xf32, #tpu.memory_space<vmem>> -> memref<1x128x128xf32, #tpu.memory_space<vmem>>
      %dma_wait3A_112 = tpu.memref_squeeze %dma_wait3A_111 : memref<1x128x128xf32, #tpu.memory_space<vmem>> -> memref<128x128xf32, #tpu.memory_space<vmem>>
      %dma_wait3A_113 = arith.constant 0 : i32
      %dma_wait3A_114 = tpu.memref_slice %arg9[%add3A_20, %dma_wait3A_113] : memref<10112x128xf32, #tpu.memory_space<vmem_shared>> -> memref<128x128xf32, #tpu.memory_space<vmem_shared>>
      %dma_wait3A_115 = arith.constant 0 : i32
      %dma_wait3A_116 = tpu.memref_slice %arg9[%add3A_20, %dma_wait3A_115] : memref<10112x128xf32, #tpu.memory_space<vmem_shared>> -> memref<128x128xf32, #tpu.memory_space<vmem_shared>>
      %dma_wait3A_117 = arith.constant 0 : i32
      %dma_wait3A_118 = arith.constant 0 : i32
      %dma_wait3A_119 = tpu.memref_slice %arg8[%run_scoped3A_21, %dma_wait3A_117, %dma_wait3A_118] : memref<2x128x128xf32, #tpu.memory_space<vmem>> -> memref<1x128x128xf32, #tpu.memory_space<vmem>>
      %dma_wait3A_120 = tpu.memref_squeeze %dma_wait3A_119 : memref<1x128x128xf32, #tpu.memory_space<vmem>> -> memref<128x128xf32, #tpu.memory_space<vmem>>
      tpu.wait_dma2 semaphore(%run_scoped3A_96 : memref<!tpu.dma_semaphore, #tpu.memory_space<semaphore_mem>>) src(%dma_wait3A_120 : memref<128x128xf32, #tpu.memory_space<vmem>>) dst(%dma_wait3A_116 : memref<128x128xf32, #tpu.memory_space<vmem_shared>>)
      tpu.yield
    }) : () -> ()
    %add3A_22 = arith.constant 632 : i32
    %add3A_23 = arith.addi %mul3A_10, %add3A_22 : i32
    %sub3A = arith.constant 128 : i32
    %sub3A_24 = arith.subi %add3A_23, %sub3A : i32
    %run_scoped3A_25 = arith.constant 0 : i32
    "tpu.region"() ({
      %run_scoped3A_96 = tpu.sem_alloc : memref<!tpu.dma_semaphore, #tpu.memory_space<semaphore_mem>>
      %dma_start3A_97 = arith.constant 0 : i32
      %dma_start3A_98 = arith.constant 0 : i32
      %dma_start3A_99 = tpu.memref_slice %arg8[%run_scoped3A_25, %dma_start3A_97, %dma_start3A_98] : memref<2x128x128xf32, #tpu.memory_space<vmem>> -> memref<1x128x128xf32, #tpu.memory_space<vmem>>
      %dma_start3A_100 = tpu.memref_squeeze %dma_start3A_99 : memref<1x128x128xf32, #tpu.memory_space<vmem>> -> memref<128x128xf32, #tpu.memory_space<vmem>>
      %dma_start3A_101 = arith.constant 0 : i32
      %dma_start3A_102 = tpu.memref_slice %arg9[%sub3A_24, %dma_start3A_101] : memref<10112x128xf32, #tpu.memory_space<vmem_shared>> -> memref<128x128xf32, #tpu.memory_space<vmem_shared>>
      %dma_start3A_103 = arith.constant 0 : i32
      %dma_start3A_104 = tpu.memref_slice %arg9[%sub3A_24, %dma_start3A_103] : memref<10112x128xf32, #tpu.memory_space<vmem_shared>> -> memref<128x128xf32, #tpu.memory_space<vmem_shared>>
      %dma_start3A_105 = arith.constant 0 : i32
      %dma_start3A_106 = arith.constant 0 : i32
      %dma_start3A_107 = tpu.memref_slice %arg8[%run_scoped3A_25, %dma_start3A_105, %dma_start3A_106] : memref<2x128x128xf32, #tpu.memory_space<vmem>> -> memref<1x128x128xf32, #tpu.memory_space<vmem>>
      %dma_start3A_108 = tpu.memref_squeeze %dma_start3A_107 : memref<1x128x128xf32, #tpu.memory_space<vmem>> -> memref<128x128xf32, #tpu.memory_space<vmem>>
      tpu.enqueue_dma source(%dma_start3A_108 : memref<128x128xf32, #tpu.memory_space<vmem>>) target(%dma_start3A_104 : memref<128x128xf32, #tpu.memory_space<vmem_shared>>) target_semaphore(%run_scoped3A_96 : memref<!tpu.dma_semaphore, #tpu.memory_space<semaphore_mem>>)
      %dma_wait3A_109 = arith.constant 0 : i32
      %dma_wait3A_110 = arith.constant 0 : i32
      %dma_wait3A_111 = tpu.memref_slice %arg8[%run_scoped3A_25, %dma_wait3A_109, %dma_wait3A_110] : memref<2x128x128xf32, #tpu.memory_space<vmem>> -> memref<1x128x128xf32, #tpu.memory_space<vmem>>
      %dma_wait3A_112 = tpu.memref_squeeze %dma_wait3A_111 : memref<1x128x128xf32, #tpu.memory_space<vmem>> -> memref<128x128xf32, #tpu.memory_space<vmem>>
      %dma_wait3A_113 = arith.constant 0 : i32
      %dma_wait3A_114 = tpu.memref_slice %arg9[%sub3A_24, %dma_wait3A_113] : memref<10112x128xf32, #tpu.memory_space<vmem_shared>> -> memref<128x128xf32, #tpu.memory_space<vmem_shared>>
      %dma_wait3A_115 = arith.constant 0 : i32
      %dma_wait3A_116 = tpu.memref_slice %arg9[%sub3A_24, %dma_wait3A_115] : memref<10112x128xf32, #tpu.memory_space<vmem_shared>> -> memref<128x128xf32, #tpu.memory_space<vmem_shared>>
      %dma_wait3A_117 = arith.constant 0 : i32
      %dma_wait3A_118 = arith.constant 0 : i32
      %dma_wait3A_119 = tpu.memref_slice %arg8[%run_scoped3A_25, %dma_wait3A_117, %dma_wait3A_118] : memref<2x128x128xf32, #tpu.memory_space<vmem>> -> memref<1x128x128xf32, #tpu.memory_space<vmem>>
      %dma_wait3A_120 = tpu.memref_squeeze %dma_wait3A_119 : memref<1x128x128xf32, #tpu.memory_space<vmem>> -> memref<128x128xf32, #tpu.memory_space<vmem>>
      tpu.wait_dma2 semaphore(%run_scoped3A_96 : memref<!tpu.dma_semaphore, #tpu.memory_space<semaphore_mem>>) src(%dma_wait3A_120 : memref<128x128xf32, #tpu.memory_space<vmem>>) dst(%dma_wait3A_116 : memref<128x128xf32, #tpu.memory_space<vmem_shared>>)
      tpu.yield
    }) : () -> ()
    %barrier3A = arith.constant 0 : index
    tpu.barrier barrier_id(%barrier3A)
    %add3A_26 = arith.constant 0 : i32
    %add3A_27 = arith.addi %mul3A_2, %add3A_26 : i32
    "tpu.region"() ({
      %run_scoped3A_96 = tpu.sem_alloc : memref<!tpu.dma_semaphore, #tpu.memory_space<semaphore_mem>>
      %dma_start3A_97 = arith.constant 0 : i32
      %dma_start3A_98 = tpu.memref_slice %arg3[%add3A_27, %dma_start3A_97] : memref<2560x128xi32, #tpu.memory_space<hbm>> -> memref<40x128xi32, #tpu.memory_space<hbm>>
      %dma_start3A_99 = arith.constant 0 : i32
      %dma_start3A_100 = tpu.memref_slice %arg3[%add3A_27, %dma_start3A_99] : memref<2560x128xi32, #tpu.memory_space<hbm>> -> memref<40x128xi32, #tpu.memory_space<hbm>>
      tpu.enqueue_dma source(%dma_start3A_100 : memref<40x128xi32, #tpu.memory_space<hbm>>) target(%arg6 : memref<40x128xi32, #tpu.memory_space<vmem>>) target_semaphore(%run_scoped3A_96 : memref<!tpu.dma_semaphore, #tpu.memory_space<semaphore_mem>>)
      %dma_wait3A_101 = arith.constant 0 : i32
      %dma_wait3A_102 = tpu.memref_slice %arg3[%add3A_27, %dma_wait3A_101] : memref<2560x128xi32, #tpu.memory_space<hbm>> -> memref<40x128xi32, #tpu.memory_space<hbm>>
      %dma_wait3A_103 = arith.constant 0 : i32
      %dma_wait3A_104 = tpu.memref_slice %arg3[%add3A_27, %dma_wait3A_103] : memref<2560x128xi32, #tpu.memory_space<hbm>> -> memref<40x128xi32, #tpu.memory_space<hbm>>
      tpu.wait_dma2 semaphore(%run_scoped3A_96 : memref<!tpu.dma_semaphore, #tpu.memory_space<semaphore_mem>>) src(%dma_wait3A_104 : memref<40x128xi32, #tpu.memory_space<hbm>>) dst(%arg6 : memref<40x128xi32, #tpu.memory_space<vmem>>)
      tpu.yield
    }) : () -> ()
    %add3A_28 = arith.constant 0 : i32
    %add3A_29 = arith.addi %mul3A_2, %add3A_28 : i32
    "tpu.region"() ({
      %run_scoped3A_96 = tpu.sem_alloc : memref<!tpu.dma_semaphore, #tpu.memory_space<semaphore_mem>>
      %dma_start3A_97 = arith.constant 0 : i32
      %dma_start3A_98 = tpu.memref_slice %arg4[%add3A_29, %dma_start3A_97] : memref<2560x128xi32, #tpu.memory_space<hbm>> -> memref<40x128xi32, #tpu.memory_space<hbm>>
      %dma_start3A_99 = arith.constant 0 : i32
      %dma_start3A_100 = tpu.memref_slice %arg4[%add3A_29, %dma_start3A_99] : memref<2560x128xi32, #tpu.memory_space<hbm>> -> memref<40x128xi32, #tpu.memory_space<hbm>>
      tpu.enqueue_dma source(%dma_start3A_100 : memref<40x128xi32, #tpu.memory_space<hbm>>) target(%arg7 : memref<40x128xi32, #tpu.memory_space<vmem>>) target_semaphore(%run_scoped3A_96 : memref<!tpu.dma_semaphore, #tpu.memory_space<semaphore_mem>>)
      %dma_wait3A_101 = arith.constant 0 : i32
      %dma_wait3A_102 = tpu.memref_slice %arg4[%add3A_29, %dma_wait3A_101] : memref<2560x128xi32, #tpu.memory_space<hbm>> -> memref<40x128xi32, #tpu.memory_space<hbm>>
      %dma_wait3A_103 = arith.constant 0 : i32
      %dma_wait3A_104 = tpu.memref_slice %arg4[%add3A_29, %dma_wait3A_103] : memref<2560x128xi32, #tpu.memory_space<hbm>> -> memref<40x128xi32, #tpu.memory_space<hbm>>
      tpu.wait_dma2 semaphore(%run_scoped3A_96 : memref<!tpu.dma_semaphore, #tpu.memory_space<semaphore_mem>>) src(%dma_wait3A_104 : memref<40x128xi32, #tpu.memory_space<hbm>>) dst(%arg7 : memref<40x128xi32, #tpu.memory_space<vmem>>)
      tpu.yield
    }) : () -> ()
    %dma_start3A = arith.constant 0 : i32
    %dma_start3A_30 = arith.constant 0 : i32
    %dma_start3A_31 = arith.constant 0 : i32
    %dma_start3A_32 = arith.constant 0 : i32
    %dma_start3A_33 = tpu.memref_slice %arg8[%dma_start3A_30, %dma_start3A_31, %dma_start3A_32] : memref<2x128x128xf32, #tpu.memory_space<vmem>> -> memref<1x128x128xf32, #tpu.memory_space<vmem>>
    %dma_start3A_34 = tpu.memref_squeeze %dma_start3A_33 : memref<1x128x128xf32, #tpu.memory_space<vmem>> -> memref<128x128xf32, #tpu.memory_space<vmem>>
    %dma_start3A_35 = arith.constant 0 : i32
    %dma_start3A_36 = tpu.memref_slice %arg6[%dma_start3A, %dma_start3A_35] : memref<40x128xi32, #tpu.memory_space<vmem>> -> memref<1x128xi32, #tpu.memory_space<vmem>>
    %dma_start3A_37 = tpu.memref_squeeze %dma_start3A_36 : memref<1x128xi32, #tpu.memory_space<vmem>> -> memref<128xi32, #tpu.memory_space<vmem>>
    %dma_start3A_38 = arith.constant 0 : i32
    %dma_start3A_39 = arith.constant 0 : i32
    %dma_start3A_40 = tpu.memref_slice %arg2[%dma_start3A_38, %dma_start3A_39] : memref<10000x128xf32, #tpu.memory_space<hbm>> -> memref<10000x128xf32, #tpu.memory_space<hbm>>
    tpu.enqueue_indirect_dma source(%dma_start3A_40 : memref<10000x128xf32, #tpu.memory_space<hbm>>) target(%dma_start3A_34 : memref<128x128xf32, #tpu.memory_space<vmem>>) offsets(%dma_start3A_37 : memref<128xi32, #tpu.memory_space<vmem>>) semaphore(%arg10 : memref<!tpu.dma_semaphore, #tpu.memory_space<semaphore_mem>>)
    %scan3A_41 = arith.constant 0 : i32
    %scan3A_42 = arith.constant 0 : i32
    %scan3A_43 = arith.constant 40 : i32
    %scan3A_44 = arith.addi %scan3A_42, %scan3A_43 : i32
    %scan3A_45 = arith.constant 1 : i32
    scf.for %scan3A_96 = %scan3A_42 to %scan3A_44 step %scan3A_45  : i32 {
      %rem3A = arith.constant 2 : i32
      %rem3A_97 = arith.remsi %scan3A_96, %rem3A : i32
      %gt3A = arith.constant 0 : i32
      %gt3A_98 = arith.cmpi sgt, %scan3A_96, %gt3A : i32
      %convert_element_type3A = arith.extui %gt3A_98 : i1 to i32
      %cond3A = arith.constant 0 : i32
      %cond3A_99 = arith.cmpi ne, %convert_element_type3A, %cond3A : i32
      scf.if %cond3A_99 {
        %dma_wait3A_128 = arith.constant 0 : i32
        %dma_wait3A_129 = arith.constant 0 : i32
        %dma_wait3A_130 = arith.constant 0 : i32
        %dma_wait3A_131 = arith.constant 0 : i32
        %dma_wait3A_132 = tpu.memref_slice %arg8[%dma_wait3A_128, %dma_wait3A_130, %dma_wait3A_131] : memref<2x128x128xf32, #tpu.memory_space<vmem>> -> memref<1x128x128xf32, #tpu.memory_space<vmem>>
        %dma_wait3A_133 = tpu.memref_squeeze %dma_wait3A_132 : memref<1x128x128xf32, #tpu.memory_space<vmem>> -> memref<128x128xf32, #tpu.memory_space<vmem>>
        %dma_wait3A_134 = arith.constant 0 : i32
        %dma_wait3A_135 = tpu.memref_slice %arg7[%dma_wait3A_129, %dma_wait3A_134] : memref<40x128xi32, #tpu.memory_space<vmem>> -> memref<1x128xi32, #tpu.memory_space<vmem>>
        %dma_wait3A_136 = tpu.memref_squeeze %dma_wait3A_135 : memref<1x128xi32, #tpu.memory_space<vmem>> -> memref<128xi32, #tpu.memory_space<vmem>>
        %dma_wait3A_137 = arith.constant 0 : i32
        %dma_wait3A_138 = arith.constant 0 : i32
        %dma_wait3A_139 = tpu.memref_slice %arg9[%dma_wait3A_137, %dma_wait3A_138] : memref<10112x128xf32, #tpu.memory_space<vmem_shared>> -> memref<10112x128xf32, #tpu.memory_space<vmem_shared>>
        tpu.wait_indirect_dma semaphore(%arg11 : memref<!tpu.dma_semaphore, #tpu.memory_space<semaphore_mem>>) src(%dma_wait3A_133 : memref<128x128xf32, #tpu.memory_space<vmem>>) dst(%dma_wait3A_139 : memref<10112x128xf32, #tpu.memory_space<vmem_shared>>)
      } else {
      }
      %add3A_100 = arith.constant 1 : i32
      %add3A_101 = arith.addi %scan3A_96, %add3A_100 : i32
      %lt3A = arith.constant 40 : i32
      %lt3A_102 = arith.cmpi slt, %add3A_101, %lt3A : i32
      %convert_element_type3A_103 = arith.extui %lt3A_102 : i1 to i32
      %cond3A_104 = arith.constant 0 : i32
      %cond3A_105 = arith.cmpi ne, %convert_element_type3A_103, %cond3A_104 : i32
      scf.if %cond3A_105 {
        %add3A_128 = arith.constant 1 : i32
        %add3A_129 = arith.addi %scan3A_96, %add3A_128 : i32
        %sub3A_130 = arith.constant 1 : i32
        %sub3A_131 = arith.subi %sub3A_130, %rem3A_97 : i32
        %dma_start3A_132 = arith.constant 0 : i32
        %dma_start3A_133 = arith.constant 0 : i32
        %dma_start3A_134 = tpu.memref_slice %arg8[%sub3A_131, %dma_start3A_132, %dma_start3A_133] : memref<2x128x128xf32, #tpu.memory_space<vmem>> -> memref<1x128x128xf32, #tpu.memory_space<vmem>>
        %dma_start3A_135 = tpu.memref_squeeze %dma_start3A_134 : memref<1x128x128xf32, #tpu.memory_space<vmem>> -> memref<128x128xf32, #tpu.memory_space<vmem>>
        %dma_start3A_136 = arith.constant 0 : i32
        %dma_start3A_137 = tpu.memref_slice %arg6[%add3A_129, %dma_start3A_136] : memref<40x128xi32, #tpu.memory_space<vmem>> -> memref<1x128xi32, #tpu.memory_space<vmem>>
        %dma_start3A_138 = tpu.memref_squeeze %dma_start3A_137 : memref<1x128xi32, #tpu.memory_space<vmem>> -> memref<128xi32, #tpu.memory_space<vmem>>
        %dma_start3A_139 = arith.constant 0 : i32
        %dma_start3A_140 = arith.constant 0 : i32
        %dma_start3A_141 = tpu.memref_slice %arg2[%dma_start3A_139, %dma_start3A_140] : memref<10000x128xf32, #tpu.memory_space<hbm>> -> memref<10000x128xf32, #tpu.memory_space<hbm>>
        tpu.enqueue_indirect_dma source(%dma_start3A_141 : memref<10000x128xf32, #tpu.memory_space<hbm>>) target(%dma_start3A_135 : memref<128x128xf32, #tpu.memory_space<vmem>>) offsets(%dma_start3A_138 : memref<128xi32, #tpu.memory_space<vmem>>) semaphore(%arg10 : memref<!tpu.dma_semaphore, #tpu.memory_space<semaphore_mem>>)
      } else {
      }
      %dma_wait3A_106 = arith.constant 0 : i32
      %dma_wait3A_107 = arith.constant 0 : i32
      %dma_wait3A_108 = arith.constant 0 : i32
      %dma_wait3A_109 = arith.constant 0 : i32
      %dma_wait3A_110 = tpu.memref_slice %arg8[%dma_wait3A_107, %dma_wait3A_108, %dma_wait3A_109] : memref<2x128x128xf32, #tpu.memory_space<vmem>> -> memref<1x128x128xf32, #tpu.memory_space<vmem>>
      %dma_wait3A_111 = tpu.memref_squeeze %dma_wait3A_110 : memref<1x128x128xf32, #tpu.memory_space<vmem>> -> memref<128x128xf32, #tpu.memory_space<vmem>>
      %dma_wait3A_112 = arith.constant 0 : i32
      %dma_wait3A_113 = tpu.memref_slice %arg6[%dma_wait3A_106, %dma_wait3A_112] : memref<40x128xi32, #tpu.memory_space<vmem>> -> memref<1x128xi32, #tpu.memory_space<vmem>>
      %dma_wait3A_114 = tpu.memref_squeeze %dma_wait3A_113 : memref<1x128xi32, #tpu.memory_space<vmem>> -> memref<128xi32, #tpu.memory_space<vmem>>
      %dma_wait3A_115 = arith.constant 0 : i32
      %dma_wait3A_116 = arith.constant 0 : i32
      %dma_wait3A_117 = tpu.memref_slice %arg2[%dma_wait3A_115, %dma_wait3A_116] : memref<10000x128xf32, #tpu.memory_space<hbm>> -> memref<10000x128xf32, #tpu.memory_space<hbm>>
      tpu.wait_indirect_dma semaphore(%arg10 : memref<!tpu.dma_semaphore, #tpu.memory_space<semaphore_mem>>) src(%dma_wait3A_117 : memref<10000x128xf32, #tpu.memory_space<hbm>>) dst(%dma_wait3A_111 : memref<128x128xf32, #tpu.memory_space<vmem>>)
      %dma_start3A_118 = arith.constant 0 : i32
      %dma_start3A_119 = arith.constant 0 : i32
      %dma_start3A_120 = tpu.memref_slice %arg8[%rem3A_97, %dma_start3A_118, %dma_start3A_119] : memref<2x128x128xf32, #tpu.memory_space<vmem>> -> memref<1x128x128xf32, #tpu.memory_space<vmem>>
      %dma_start3A_121 = tpu.memref_squeeze %dma_start3A_120 : memref<1x128x128xf32, #tpu.memory_space<vmem>> -> memref<128x128xf32, #tpu.memory_space<vmem>>
      %dma_start3A_122 = arith.constant 0 : i32
      %dma_start3A_123 = tpu.memref_slice %arg7[%scan3A_96, %dma_start3A_122] : memref<40x128xi32, #tpu.memory_space<vmem>> -> memref<1x128xi32, #tpu.memory_space<vmem>>
      %dma_start3A_124 = tpu.memref_squeeze %dma_start3A_123 : memref<1x128xi32, #tpu.memory_space<vmem>> -> memref<128xi32, #tpu.memory_space<vmem>>
      %dma_start3A_125 = arith.constant 0 : i32
      %dma_start3A_126 = arith.constant 0 : i32
      %dma_start3A_127 = tpu.memref_slice %arg9[%dma_start3A_125, %dma_start3A_126] : memref<10112x128xf32, #tpu.memory_space<vmem_shared>> -> memref<10112x128xf32, #tpu.memory_space<vmem_shared>>
      tpu.enqueue_indirect_dma source(%dma_start3A_121 : memref<128x128xf32, #tpu.memory_space<vmem>>) target(%dma_start3A_127 : memref<10112x128xf32, #tpu.memory_space<vmem_shared>>) offsets(%dma_start3A_124 : memref<128xi32, #tpu.memory_space<vmem>>) semaphore(%arg11 : memref<!tpu.dma_semaphore, #tpu.memory_space<semaphore_mem>>) {add = true}
    }
    %scan3A_46 = arith.constant 40 : i32
    %dma_wait3A = arith.constant 0 : i32
    %dma_wait3A_47 = arith.constant 0 : i32
    %dma_wait3A_48 = arith.constant 0 : i32
    %dma_wait3A_49 = arith.constant 0 : i32
    %dma_wait3A_50 = tpu.memref_slice %arg8[%dma_wait3A, %dma_wait3A_48, %dma_wait3A_49] : memref<2x128x128xf32, #tpu.memory_space<vmem>> -> memref<1x128x128xf32, #tpu.memory_space<vmem>>
    %dma_wait3A_51 = tpu.memref_squeeze %dma_wait3A_50 : memref<1x128x128xf32, #tpu.memory_space<vmem>> -> memref<128x128xf32, #tpu.memory_space<vmem>>
    %dma_wait3A_52 = arith.constant 0 : i32
    %dma_wait3A_53 = tpu.memref_slice %arg7[%dma_wait3A_47, %dma_wait3A_52] : memref<40x128xi32, #tpu.memory_space<vmem>> -> memref<1x128xi32, #tpu.memory_space<vmem>>
    %dma_wait3A_54 = tpu.memref_squeeze %dma_wait3A_53 : memref<1x128xi32, #tpu.memory_space<vmem>> -> memref<128xi32, #tpu.memory_space<vmem>>
    %dma_wait3A_55 = arith.constant 0 : i32
    %dma_wait3A_56 = arith.constant 0 : i32
    %dma_wait3A_57 = tpu.memref_slice %arg9[%dma_wait3A_55, %dma_wait3A_56] : memref<10112x128xf32, #tpu.memory_space<vmem_shared>> -> memref<10112x128xf32, #tpu.memory_space<vmem_shared>>
    tpu.wait_indirect_dma semaphore(%arg11 : memref<!tpu.dma_semaphore, #tpu.memory_space<semaphore_mem>>) src(%dma_wait3A_51 : memref<128x128xf32, #tpu.memory_space<vmem>>) dst(%dma_wait3A_57 : memref<10112x128xf32, #tpu.memory_space<vmem_shared>>)
    %add3A_58 = arith.constant 40 : i32
    %add3A_59 = arith.addi %mul3A_2, %add3A_58 : i32
    "tpu.region"() ({
      %run_scoped3A_96 = tpu.sem_alloc : memref<!tpu.dma_semaphore, #tpu.memory_space<semaphore_mem>>
      %dma_start3A_97 = arith.constant 0 : i32
      %dma_start3A_98 = tpu.memref_slice %arg3[%add3A_59, %dma_start3A_97] : memref<2560x128xi32, #tpu.memory_space<hbm>> -> memref<40x128xi32, #tpu.memory_space<hbm>>
      %dma_start3A_99 = arith.constant 0 : i32
      %dma_start3A_100 = tpu.memref_slice %arg3[%add3A_59, %dma_start3A_99] : memref<2560x128xi32, #tpu.memory_space<hbm>> -> memref<40x128xi32, #tpu.memory_space<hbm>>
      tpu.enqueue_dma source(%dma_start3A_100 : memref<40x128xi32, #tpu.memory_space<hbm>>) target(%arg6 : memref<40x128xi32, #tpu.memory_space<vmem>>) target_semaphore(%run_scoped3A_96 : memref<!tpu.dma_semaphore, #tpu.memory_space<semaphore_mem>>)
      %dma_wait3A_101 = arith.constant 0 : i32
      %dma_wait3A_102 = tpu.memref_slice %arg3[%add3A_59, %dma_wait3A_101] : memref<2560x128xi32, #tpu.memory_space<hbm>> -> memref<40x128xi32, #tpu.memory_space<hbm>>
      %dma_wait3A_103 = arith.constant 0 : i32
      %dma_wait3A_104 = tpu.memref_slice %arg3[%add3A_59, %dma_wait3A_103] : memref<2560x128xi32, #tpu.memory_space<hbm>> -> memref<40x128xi32, #tpu.memory_space<hbm>>
      tpu.wait_dma2 semaphore(%run_scoped3A_96 : memref<!tpu.dma_semaphore, #tpu.memory_space<semaphore_mem>>) src(%dma_wait3A_104 : memref<40x128xi32, #tpu.memory_space<hbm>>) dst(%arg6 : memref<40x128xi32, #tpu.memory_space<vmem>>)
      tpu.yield
    }) : () -> ()
    %add3A_60 = arith.constant 40 : i32
    %add3A_61 = arith.addi %mul3A_2, %add3A_60 : i32
    "tpu.region"() ({
      %run_scoped3A_96 = tpu.sem_alloc : memref<!tpu.dma_semaphore, #tpu.memory_space<semaphore_mem>>
      %dma_start3A_97 = arith.constant 0 : i32
      %dma_start3A_98 = tpu.memref_slice %arg4[%add3A_61, %dma_start3A_97] : memref<2560x128xi32, #tpu.memory_space<hbm>> -> memref<40x128xi32, #tpu.memory_space<hbm>>
      %dma_start3A_99 = arith.constant 0 : i32
      %dma_start3A_100 = tpu.memref_slice %arg4[%add3A_61, %dma_start3A_99] : memref<2560x128xi32, #tpu.memory_space<hbm>> -> memref<40x128xi32, #tpu.memory_space<hbm>>
      tpu.enqueue_dma source(%dma_start3A_100 : memref<40x128xi32, #tpu.memory_space<hbm>>) target(%arg7 : memref<40x128xi32, #tpu.memory_space<vmem>>) target_semaphore(%run_scoped3A_96 : memref<!tpu.dma_semaphore, #tpu.memory_space<semaphore_mem>>)
      %dma_wait3A_101 = arith.constant 0 : i32
      %dma_wait3A_102 = tpu.memref_slice %arg4[%add3A_61, %dma_wait3A_101] : memref<2560x128xi32, #tpu.memory_space<hbm>> -> memref<40x128xi32, #tpu.memory_space<hbm>>
      %dma_wait3A_103 = arith.constant 0 : i32
      %dma_wait3A_104 = tpu.memref_slice %arg4[%add3A_61, %dma_wait3A_103] : memref<2560x128xi32, #tpu.memory_space<hbm>> -> memref<40x128xi32, #tpu.memory_space<hbm>>
      tpu.wait_dma2 semaphore(%run_scoped3A_96 : memref<!tpu.dma_semaphore, #tpu.memory_space<semaphore_mem>>) src(%dma_wait3A_104 : memref<40x128xi32, #tpu.memory_space<hbm>>) dst(%arg7 : memref<40x128xi32, #tpu.memory_space<vmem>>)
      tpu.yield
    }) : () -> ()
    %dma_start3A_62 = arith.constant 0 : i32
    %dma_start3A_63 = arith.constant 0 : i32
    %dma_start3A_64 = arith.constant 0 : i32
    %dma_start3A_65 = arith.constant 0 : i32
    %dma_start3A_66 = tpu.memref_slice %arg8[%dma_start3A_63, %dma_start3A_64, %dma_start3A_65] : memref<2x128x128xf32, #tpu.memory_space<vmem>> -> memref<1x128x128xf32, #tpu.memory_space<vmem>>
    %dma_start3A_67 = tpu.memref_squeeze %dma_start3A_66 : memref<1x128x128xf32, #tpu.memory_space<vmem>> -> memref<128x128xf32, #tpu.memory_space<vmem>>
    %dma_start3A_68 = arith.constant 0 : i32
    %dma_start3A_69 = tpu.memref_slice %arg6[%dma_start3A_62, %dma_start3A_68] : memref<40x128xi32, #tpu.memory_space<vmem>> -> memref<1x128xi32, #tpu.memory_space<vmem>>
    %dma_start3A_70 = tpu.memref_squeeze %dma_start3A_69 : memref<1x128xi32, #tpu.memory_space<vmem>> -> memref<128xi32, #tpu.memory_space<vmem>>
    %dma_start3A_71 = arith.constant 0 : i32
    %dma_start3A_72 = arith.constant 0 : i32
    %dma_start3A_73 = tpu.memref_slice %arg2[%dma_start3A_71, %dma_start3A_72] : memref<10000x128xf32, #tpu.memory_space<hbm>> -> memref<10000x128xf32, #tpu.memory_space<hbm>>
    tpu.enqueue_indirect_dma source(%dma_start3A_73 : memref<10000x128xf32, #tpu.memory_space<hbm>>) target(%dma_start3A_67 : memref<128x128xf32, #tpu.memory_space<vmem>>) offsets(%dma_start3A_70 : memref<128xi32, #tpu.memory_space<vmem>>) semaphore(%arg10 : memref<!tpu.dma_semaphore, #tpu.memory_space<semaphore_mem>>)
    %scan3A_74 = arith.constant 0 : i32
    %scan3A_75 = arith.constant 0 : i32
    %scan3A_76 = arith.constant 40 : i32
    %scan3A_77 = arith.addi %scan3A_75, %scan3A_76 : i32
    %scan3A_78 = arith.constant 1 : i32
    scf.for %scan3A_96 = %scan3A_75 to %scan3A_77 step %scan3A_78  : i32 {
      %rem3A = arith.constant 2 : i32
      %rem3A_97 = arith.remsi %scan3A_96, %rem3A : i32
      %gt3A = arith.constant 0 : i32
      %gt3A_98 = arith.cmpi sgt, %scan3A_96, %gt3A : i32
      %convert_element_type3A = arith.extui %gt3A_98 : i1 to i32
      %cond3A = arith.constant 0 : i32
      %cond3A_99 = arith.cmpi ne, %convert_element_type3A, %cond3A : i32
      scf.if %cond3A_99 {
        %dma_wait3A_128 = arith.constant 0 : i32
        %dma_wait3A_129 = arith.constant 0 : i32
        %dma_wait3A_130 = arith.constant 0 : i32
        %dma_wait3A_131 = arith.constant 0 : i32
        %dma_wait3A_132 = tpu.memref_slice %arg8[%dma_wait3A_128, %dma_wait3A_130, %dma_wait3A_131] : memref<2x128x128xf32, #tpu.memory_space<vmem>> -> memref<1x128x128xf32, #tpu.memory_space<vmem>>
        %dma_wait3A_133 = tpu.memref_squeeze %dma_wait3A_132 : memref<1x128x128xf32, #tpu.memory_space<vmem>> -> memref<128x128xf32, #tpu.memory_space<vmem>>
        %dma_wait3A_134 = arith.constant 0 : i32
        %dma_wait3A_135 = tpu.memref_slice %arg7[%dma_wait3A_129, %dma_wait3A_134] : memref<40x128xi32, #tpu.memory_space<vmem>> -> memref<1x128xi32, #tpu.memory_space<vmem>>
        %dma_wait3A_136 = tpu.memref_squeeze %dma_wait3A_135 : memref<1x128xi32, #tpu.memory_space<vmem>> -> memref<128xi32, #tpu.memory_space<vmem>>
        %dma_wait3A_137 = arith.constant 0 : i32
        %dma_wait3A_138 = arith.constant 0 : i32
        %dma_wait3A_139 = tpu.memref_slice %arg9[%dma_wait3A_137, %dma_wait3A_138] : memref<10112x128xf32, #tpu.memory_space<vmem_shared>> -> memref<10112x128xf32, #tpu.memory_space<vmem_shared>>
        tpu.wait_indirect_dma semaphore(%arg11 : memref<!tpu.dma_semaphore, #tpu.memory_space<semaphore_mem>>) src(%dma_wait3A_133 : memref<128x128xf32, #tpu.memory_space<vmem>>) dst(%dma_wait3A_139 : memref<10112x128xf32, #tpu.memory_space<vmem_shared>>)
      } else {
      }
      %add3A_100 = arith.constant 1 : i32
      %add3A_101 = arith.addi %scan3A_96, %add3A_100 : i32
      %lt3A = arith.constant 40 : i32
      %lt3A_102 = arith.cmpi slt, %add3A_101, %lt3A : i32
      %convert_element_type3A_103 = arith.extui %lt3A_102 : i1 to i32
      %cond3A_104 = arith.constant 0 : i32
      %cond3A_105 = arith.cmpi ne, %convert_element_type3A_103, %cond3A_104 : i32
      scf.if %cond3A_105 {
        %add3A_128 = arith.constant 1 : i32
        %add3A_129 = arith.addi %scan3A_96, %add3A_128 : i32
        %sub3A_130 = arith.constant 1 : i32
        %sub3A_131 = arith.subi %sub3A_130, %rem3A_97 : i32
        %dma_start3A_132 = arith.constant 0 : i32
        %dma_start3A_133 = arith.constant 0 : i32
        %dma_start3A_134 = tpu.memref_slice %arg8[%sub3A_131, %dma_start3A_132, %dma_start3A_133] : memref<2x128x128xf32, #tpu.memory_space<vmem>> -> memref<1x128x128xf32, #tpu.memory_space<vmem>>
        %dma_start3A_135 = tpu.memref_squeeze %dma_start3A_134 : memref<1x128x128xf32, #tpu.memory_space<vmem>> -> memref<128x128xf32, #tpu.memory_space<vmem>>
        %dma_start3A_136 = arith.constant 0 : i32
        %dma_start3A_137 = tpu.memref_slice %arg6[%add3A_129, %dma_start3A_136] : memref<40x128xi32, #tpu.memory_space<vmem>> -> memref<1x128xi32, #tpu.memory_space<vmem>>
        %dma_start3A_138 = tpu.memref_squeeze %dma_start3A_137 : memref<1x128xi32, #tpu.memory_space<vmem>> -> memref<128xi32, #tpu.memory_space<vmem>>
        %dma_start3A_139 = arith.constant 0 : i32
        %dma_start3A_140 = arith.constant 0 : i32
        %dma_start3A_141 = tpu.memref_slice %arg2[%dma_start3A_139, %dma_start3A_140] : memref<10000x128xf32, #tpu.memory_space<hbm>> -> memref<10000x128xf32, #tpu.memory_space<hbm>>
        tpu.enqueue_indirect_dma source(%dma_start3A_141 : memref<10000x128xf32, #tpu.memory_space<hbm>>) target(%dma_start3A_135 : memref<128x128xf32, #tpu.memory_space<vmem>>) offsets(%dma_start3A_138 : memref<128xi32, #tpu.memory_space<vmem>>) semaphore(%arg10 : memref<!tpu.dma_semaphore, #tpu.memory_space<semaphore_mem>>)
      } else {
      }
      %dma_wait3A_106 = arith.constant 0 : i32
      %dma_wait3A_107 = arith.constant 0 : i32
      %dma_wait3A_108 = arith.constant 0 : i32
      %dma_wait3A_109 = arith.constant 0 : i32
      %dma_wait3A_110 = tpu.memref_slice %arg8[%dma_wait3A_107, %dma_wait3A_108, %dma_wait3A_109] : memref<2x128x128xf32, #tpu.memory_space<vmem>> -> memref<1x128x128xf32, #tpu.memory_space<vmem>>
      %dma_wait3A_111 = tpu.memref_squeeze %dma_wait3A_110 : memref<1x128x128xf32, #tpu.memory_space<vmem>> -> memref<128x128xf32, #tpu.memory_space<vmem>>
      %dma_wait3A_112 = arith.constant 0 : i32
      %dma_wait3A_113 = tpu.memref_slice %arg6[%dma_wait3A_106, %dma_wait3A_112] : memref<40x128xi32, #tpu.memory_space<vmem>> -> memref<1x128xi32, #tpu.memory_space<vmem>>
      %dma_wait3A_114 = tpu.memref_squeeze %dma_wait3A_113 : memref<1x128xi32, #tpu.memory_space<vmem>> -> memref<128xi32, #tpu.memory_space<vmem>>
      %dma_wait3A_115 = arith.constant 0 : i32
      %dma_wait3A_116 = arith.constant 0 : i32
      %dma_wait3A_117 = tpu.memref_slice %arg2[%dma_wait3A_115, %dma_wait3A_116] : memref<10000x128xf32, #tpu.memory_space<hbm>> -> memref<10000x128xf32, #tpu.memory_space<hbm>>
      tpu.wait_indirect_dma semaphore(%arg10 : memref<!tpu.dma_semaphore, #tpu.memory_space<semaphore_mem>>) src(%dma_wait3A_117 : memref<10000x128xf32, #tpu.memory_space<hbm>>) dst(%dma_wait3A_111 : memref<128x128xf32, #tpu.memory_space<vmem>>)
      %dma_start3A_118 = arith.constant 0 : i32
      %dma_start3A_119 = arith.constant 0 : i32
      %dma_start3A_120 = tpu.memref_slice %arg8[%rem3A_97, %dma_start3A_118, %dma_start3A_119] : memref<2x128x128xf32, #tpu.memory_space<vmem>> -> memref<1x128x128xf32, #tpu.memory_space<vmem>>
      %dma_start3A_121 = tpu.memref_squeeze %dma_start3A_120 : memref<1x128x128xf32, #tpu.memory_space<vmem>> -> memref<128x128xf32, #tpu.memory_space<vmem>>
      %dma_start3A_122 = arith.constant 0 : i32
      %dma_start3A_123 = tpu.memref_slice %arg7[%scan3A_96, %dma_start3A_122] : memref<40x128xi32, #tpu.memory_space<vmem>> -> memref<1x128xi32, #tpu.memory_space<vmem>>
      %dma_start3A_124 = tpu.memref_squeeze %dma_start3A_123 : memref<1x128xi32, #tpu.memory_space<vmem>> -> memref<128xi32, #tpu.memory_space<vmem>>
      %dma_start3A_125 = arith.constant 0 : i32
      %dma_start3A_126 = arith.constant 0 : i32
      %dma_start3A_127 = tpu.memref_slice %arg9[%dma_start3A_125, %dma_start3A_126] : memref<10112x128xf32, #tpu.memory_space<vmem_shared>> -> memref<10112x128xf32, #tpu.memory_space<vmem_shared>>
      tpu.enqueue_indirect_dma source(%dma_start3A_121 : memref<128x128xf32, #tpu.memory_space<vmem>>) target(%dma_start3A_127 : memref<10112x128xf32, #tpu.memory_space<vmem_shared>>) offsets(%dma_start3A_124 : memref<128xi32, #tpu.memory_space<vmem>>) semaphore(%arg11 : memref<!tpu.dma_semaphore, #tpu.memory_space<semaphore_mem>>) {add = true}
    }
    %scan3A_79 = arith.constant 40 : i32
    %dma_wait3A_80 = arith.constant 0 : i32
    %dma_wait3A_81 = arith.constant 0 : i32
    %dma_wait3A_82 = arith.constant 0 : i32
    %dma_wait3A_83 = arith.constant 0 : i32
    %dma_wait3A_84 = tpu.memref_slice %arg8[%dma_wait3A_80, %dma_wait3A_82, %dma_wait3A_83] : memref<2x128x128xf32, #tpu.memory_space<vmem>> -> memref<1x128x128xf32, #tpu.memory_space<vmem>>
    %dma_wait3A_85 = tpu.memref_squeeze %dma_wait3A_84 : memref<1x128x128xf32, #tpu.memory_space<vmem>> -> memref<128x128xf32, #tpu.memory_space<vmem>>
    %dma_wait3A_86 = arith.constant 0 : i32
    %dma_wait3A_87 = tpu.memref_slice %arg7[%dma_wait3A_81, %dma_wait3A_86] : memref<40x128xi32, #tpu.memory_space<vmem>> -> memref<1x128xi32, #tpu.memory_space<vmem>>
    %dma_wait3A_88 = tpu.memref_squeeze %dma_wait3A_87 : memref<1x128xi32, #tpu.memory_space<vmem>> -> memref<128xi32, #tpu.memory_space<vmem>>
    %dma_wait3A_89 = arith.constant 0 : i32
    %dma_wait3A_90 = arith.constant 0 : i32
    %dma_wait3A_91 = tpu.memref_slice %arg9[%dma_wait3A_89, %dma_wait3A_90] : memref<10112x128xf32, #tpu.memory_space<vmem_shared>> -> memref<10112x128xf32, #tpu.memory_space<vmem_shared>>
    tpu.wait_indirect_dma semaphore(%arg11 : memref<!tpu.dma_semaphore, #tpu.memory_space<semaphore_mem>>) src(%dma_wait3A_85 : memref<128x128xf32, #tpu.memory_space<vmem>>) dst(%dma_wait3A_91 : memref<10112x128xf32, #tpu.memory_space<vmem_shared>>)
    %barrier3A_92 = arith.constant 0 : index
    tpu.barrier barrier_id(%barrier3A_92)
    %mul3A_93 = arith.constant 10112 : i32
    %mul3A_94 = arith.muli %arg0, %mul3A_93 : i32
    %add3A_95 = arith.addi %mul3A_94, %mul3A_10 : i32
    "tpu.region"() ({
      %run_scoped3A_96 = tpu.sem_alloc : memref<!tpu.dma_semaphore, #tpu.memory_space<semaphore_mem>>
      %dma_start3A_97 = arith.constant 0 : i32
      %dma_start3A_98 = tpu.memref_slice %arg5[%add3A_95, %dma_start3A_97] : memref<20224x128xf32, #tpu.memory_space<hbm>> -> memref<632x128xf32, #tpu.memory_space<hbm>>
      %dma_start3A_99 = arith.constant 0 : i32
      %dma_start3A_100 = tpu.memref_slice %arg9[%mul3A_10, %dma_start3A_99] : memref<10112x128xf32, #tpu.memory_space<vmem_shared>> -> memref<632x128xf32, #tpu.memory_space<vmem_shared>>
      tpu.enqueue_dma source(%dma_start3A_100 : memref<632x128xf32, #tpu.memory_space<vmem_shared>>) target(%dma_start3A_98 : memref<632x128xf32, #tpu.memory_space<hbm>>) target_semaphore(%run_scoped3A_96 : memref<!tpu.dma_semaphore, #tpu.memory_space<semaphore_mem>>)
      %dma_wait3A_101 = arith.constant 0 : i32
      %dma_wait3A_102 = tpu.memref_slice %arg5[%add3A_95, %dma_wait3A_101] : memref<20224x128xf32, #tpu.memory_space<hbm>> -> memref<632x128xf32, #tpu.memory_space<hbm>>
      %dma_wait3A_103 = arith.constant 0 : i32
      %dma_wait3A_104 = tpu.memref_slice %arg9[%mul3A_10, %dma_wait3A_103] : memref<10112x128xf32, #tpu.memory_space<vmem_shared>> -> memref<632x128xf32, #tpu.memory_space<vmem_shared>>
      tpu.wait_dma2 semaphore(%run_scoped3A_96 : memref<!tpu.dma_semaphore, #tpu.memory_space<semaphore_mem>>) src(%dma_wait3A_104 : memref<632x128xf32, #tpu.memory_space<vmem_shared>>) dst(%dma_wait3A_102 : memref<632x128xf32, #tpu.memory_space<hbm>>)
      tpu.yield
    }) : () -> ()
    return
  }
}

#map = affine_map<(d0, d1) -> (0, 0)>
module attributes {stable_mosaic.version = 14 : i64} {
  func.func @sc_scatter(%arg0: i32, %arg1: i32, %arg2: memref<10000x128xf32, #tpu.memory_space<hbm>>, %arg3: memref<2560x128xi32, #tpu.memory_space<hbm>>, %arg4: memref<2560x128xi32, #tpu.memory_space<hbm>>, %arg5: memref<20224x128xf32, #tpu.memory_space<hbm>>, %arg6: memref<40x128xi32, #tpu.memory_space<vmem>>, %arg7: memref<40x128xi32, #tpu.memory_space<vmem>>, %arg8: memref<2x128x128xf32, #tpu.memory_space<vmem>>, %arg9: memref<10112x128xf32, #tpu.memory_space<vmem_shared>>, %arg10: memref<!tpu.dma_semaphore, #tpu.memory_space<semaphore_mem>>, %arg11: memref<!tpu.dma_semaphore, #tpu.memory_space<semaphore_mem>>) attributes {dimension_semantics = [#tpu.dimension_semantics<core_parallel>, #tpu.dimension_semantics<subcore_parallel>], iteration_bounds = array<i64: 2, 16>, scalar_prefetch = 0 : i64, scratch_operands = 6 : i64, tpu.core_type = #tpu.core_type<sc_vector_subcore>, window_params = [{transform_indices = #map}, {transform_indices = #map}, {transform_indices = #map}, {transform_indices = #map}]} {
    %mul3A = arith.constant 16 : i32
    %mul3A_0 = arith.muli %arg0, %mul3A : i32
    %add3A = arith.addi %mul3A_0, %arg1 : i32
    %mul3A_1 = arith.constant 80 : i32
    %mul3A_2 = arith.muli %add3A, %mul3A_1 : i32
    %broadcast_in_dim3A = arith.constant 0.000000e+00 : f32
    %broadcast_in_dim3A_3 = vector.broadcast %broadcast_in_dim3A : f32 to vector<16xf32>
    %scan3A = arith.constant 0 : i32
    %scan3A_4 = arith.constant 0 : i32
    %scan3A_5 = arith.constant 128 : i32
    %scan3A_6 = arith.addi %scan3A_4, %scan3A_5 : i32
    %scan3A_7 = arith.constant 1 : i32
    scf.for %scan3A_96 = %scan3A_4 to %scan3A_6 step %scan3A_7  : i32 {
      %swap3A = arith.constant 0 : i32
      %swap3A_97 = arith.index_cast %swap3A : i32 to index
      %swap3A_98 = arith.index_cast %scan3A_96 : i32 to index
      %swap3A_99 = arith.constant 0 : index
      %swap3A_100 = tpu.vector_load %arg8[%swap3A_97, %swap3A_98, %swap3A_99] {strides = array<i32>} : memref<2x128x128xf32, #tpu.memory_space<vmem>>, vector<1x1x16xf32>,
      %swap3A_101 = vector.shape_cast %swap3A_100 : vector<1x1x16xf32> to vector<16xf32>
      %swap3A_102 = vector.shape_cast %broadcast_in_dim3A_3 : vector<16xf32> to vector<1x1x16xf32>
      tpu.vector_store %arg8[%swap3A_97, %swap3A_98, %swap3A_99], %swap3A_102 {strides = array<i32>} : memref<2x128x128xf32, #tpu.memory_space<vmem>>, vector<1x1x16xf32>,
      %swap3A_103 = arith.constant 0 : i32
      %swap3A_104 = arith.index_cast %swap3A_103 : i32 to index
      %swap3A_105 = arith.index_cast %scan3A_96 : i32 to index
      %swap3A_106 = arith.constant 16 : index
      %swap3A_107 = tpu.vector_load %arg8[%swap3A_104, %swap3A_105, %swap3A_106] {strides = array<i32>} : memref<2x128x128xf32, #tpu.memory_space<vmem>>, vector<1x1x16xf32>,
      %swap3A_108 = vector.shape_cast %swap3A_107 : vector<1x1x16xf32> to vector<16xf32>
      %swap3A_109 = vector.shape_cast %broadcast_in_dim3A_3 : vector<16xf32> to vector<1x1x16xf32>
      tpu.vector_store %arg8[%swap3A_104, %swap3A_105, %swap3A_106], %swap3A_109 {strides = array<i32>} : memref<2x128x128xf32, #tpu.memory_space<vmem>>, vector<1x1x16xf32>,
      %swap3A_110 = arith.constant 0 : i32
      %swap3A_111 = arith.index_cast %swap3A_110 : i32 to index
      %swap3A_112 = arith.index_cast %scan3A_96 : i32 to index
      %swap3A_113 = arith.constant 32 : index
      %swap3A_114 = tpu.vector_load %arg8[%swap3A_111, %swap3A_112, %swap3A_113] {strides = array<i32>} : memref<2x128x128xf32, #tpu.memory_space<vmem>>, vector<1x1x16xf32>,
      %swap3A_115 = vector.shape_cast %swap3A_114 : vector<1x1x16xf32> to vector<16xf32>
      %swap3A_116 = vector.shape_cast %broadcast_in_dim3A_3 : vector<16xf32> to vector<1x1x16xf32>
      tpu.vector_store %arg8[%swap3A_111, %swap3A_112, %swap3A_113], %swap3A_116 {strides = array<i32>} : memref<2x128x128xf32, #tpu.memory_space<vmem>>, vector<1x1x16xf32>,
      %swap3A_117 = arith.constant 0 : i32
      %swap3A_118 = arith.index_cast %swap3A_117 : i32 to index
      %swap3A_119 = arith.index_cast %scan3A_96 : i32 to index
      %swap3A_120 = arith.constant 48 : index
      %swap3A_121 = tpu.vector_load %arg8[%swap3A_118, %swap3A_119, %swap3A_120] {strides = array<i32>} : memref<2x128x128xf32, #tpu.memory_space<vmem>>, vector<1x1x16xf32>,
      %swap3A_122 = vector.shape_cast %swap3A_121 : vector<1x1x16xf32> to vector<16xf32>
      %swap3A_123 = vector.shape_cast %broadcast_in_dim3A_3 : vector<16xf32> to vector<1x1x16xf32>
      tpu.vector_store %arg8[%swap3A_118, %swap3A_119, %swap3A_120], %swap3A_123 {strides = array<i32>} : memref<2x128x128xf32, #tpu.memory_space<vmem>>, vector<1x1x16xf32>,
      %swap3A_124 = arith.constant 0 : i32
      %swap3A_125 = arith.index_cast %swap3A_124 : i32 to index
      %swap3A_126 = arith.index_cast %scan3A_96 : i32 to index
      %swap3A_127 = arith.constant 64 : index
      %swap3A_128 = tpu.vector_load %arg8[%swap3A_125, %swap3A_126, %swap3A_127] {strides = array<i32>} : memref<2x128x128xf32, #tpu.memory_space<vmem>>, vector<1x1x16xf32>,
      %swap3A_129 = vector.shape_cast %swap3A_128 : vector<1x1x16xf32> to vector<16xf32>
      %swap3A_130 = vector.shape_cast %broadcast_in_dim3A_3 : vector<16xf32> to vector<1x1x16xf32>
      tpu.vector_store %arg8[%swap3A_125, %swap3A_126, %swap3A_127], %swap3A_130 {strides = array<i32>} : memref<2x128x128xf32, #tpu.memory_space<vmem>>, vector<1x1x16xf32>,
      %swap3A_131 = arith.constant 0 : i32
      %swap3A_132 = arith.index_cast %swap3A_131 : i32 to index
      %swap3A_133 = arith.index_cast %scan3A_96 : i32 to index
      %swap3A_134 = arith.constant 80 : index
      %swap3A_135 = tpu.vector_load %arg8[%swap3A_132, %swap3A_133, %swap3A_134] {strides = array<i32>} : memref<2x128x128xf32, #tpu.memory_space<vmem>>, vector<1x1x16xf32>,
      %swap3A_136 = vector.shape_cast %swap3A_135 : vector<1x1x16xf32> to vector<16xf32>
      %swap3A_137 = vector.shape_cast %broadcast_in_dim3A_3 : vector<16xf32> to vector<1x1x16xf32>
      tpu.vector_store %arg8[%swap3A_132, %swap3A_133, %swap3A_134], %swap3A_137 {strides = array<i32>} : memref<2x128x128xf32, #tpu.memory_space<vmem>>, vector<1x1x16xf32>,
      %swap3A_138 = arith.constant 0 : i32
      %swap3A_139 = arith.index_cast %swap3A_138 : i32 to index
      %swap3A_140 = arith.index_cast %scan3A_96 : i32 to index
      %swap3A_141 = arith.constant 96 : index
      %swap3A_142 = tpu.vector_load %arg8[%swap3A_139, %swap3A_140, %swap3A_141] {strides = array<i32>} : memref<2x128x128xf32, #tpu.memory_space<vmem>>, vector<1x1x16xf32>,
      %swap3A_143 = vector.shape_cast %swap3A_142 : vector<1x1x16xf32> to vector<16xf32>
      %swap3A_144 = vector.shape_cast %broadcast_in_dim3A_3 : vector<16xf32> to vector<1x1x16xf32>
      tpu.vector_store %arg8[%swap3A_139, %swap3A_140, %swap3A_141], %swap3A_144 {strides = array<i32>} : memref<2x128x128xf32, #tpu.memory_space<vmem>>, vector<1x1x16xf32>,
      %swap3A_145 = arith.constant 0 : i32
      %swap3A_146 = arith.index_cast %swap3A_145 : i32 to index
      %swap3A_147 = arith.index_cast %scan3A_96 : i32 to index
      %swap3A_148 = arith.constant 112 : index
      %swap3A_149 = tpu.vector_load %arg8[%swap3A_146, %swap3A_147, %swap3A_148] {strides = array<i32>} : memref<2x128x128xf32, #tpu.memory_space<vmem>>, vector<1x1x16xf32>,
      %swap3A_150 = vector.shape_cast %swap3A_149 : vector<1x1x16xf32> to vector<16xf32>
      %swap3A_151 = vector.shape_cast %broadcast_in_dim3A_3 : vector<16xf32> to vector<1x1x16xf32>
      tpu.vector_store %arg8[%swap3A_146, %swap3A_147, %swap3A_148], %swap3A_151 {strides = array<i32>} : memref<2x128x128xf32, #tpu.memory_space<vmem>>, vector<1x1x16xf32>,
    }
    %scan3A_8 = arith.constant 128 : i32
    %mul3A_9 = arith.constant 632 : i32
    %mul3A_10 = arith.muli %arg1, %mul3A_9 : i32
    %add3A_11 = arith.constant 0 : i32
    %add3A_12 = arith.addi %mul3A_10, %add3A_11 : i32
    %run_scoped3A = arith.constant 0 : i32
    "tpu.region"() ({
      %run_scoped3A_96 = tpu.sem_alloc : memref<!tpu.dma_semaphore, #tpu.memory_space<semaphore_mem>>
      %dma_start3A_97 = arith.constant 0 : i32
      %dma_start3A_98 = arith.constant 0 : i32
      %dma_start3A_99 = tpu.memref_slice %arg8[%run_scoped3A, %dma_start3A_97, %dma_start3A_98] : memref<2x128x128xf32, #tpu.memory_space<vmem>> -> memref<1x128x128xf32, #tpu.memory_space<vmem>>
      %dma_start3A_100 = tpu.memref_squeeze %dma_start3A_99 : memref<1x128x128xf32, #tpu.memory_space<vmem>> -> memref<128x128xf32, #tpu.memory_space<vmem>>
      %dma_start3A_101 = arith.constant 0 : i32
      %dma_start3A_102 = tpu.memref_slice %arg9[%add3A_12, %dma_start3A_101] : memref<10112x128xf32, #tpu.memory_space<vmem_shared>> -> memref<128x128xf32, #tpu.memory_space<vmem_shared>>
      %dma_start3A_103 = arith.constant 0 : i32
      %dma_start3A_104 = tpu.memref_slice %arg9[%add3A_12, %dma_start3A_103] : memref<10112x128xf32, #tpu.memory_space<vmem_shared>> -> memref<128x128xf32, #tpu.memory_space<vmem_shared>>
      %dma_start3A_105 = arith.constant 0 : i32
      %dma_start3A_106 = arith.constant 0 : i32
      %dma_start3A_107 = tpu.memref_slice %arg8[%run_scoped3A, %dma_start3A_105, %dma_start3A_106] : memref<2x128x128xf32, #tpu.memory_space<vmem>> -> memref<1x128x128xf32, #tpu.memory_space<vmem>>
      %dma_start3A_108 = tpu.memref_squeeze %dma_start3A_107 : memref<1x128x128xf32, #tpu.memory_space<vmem>> -> memref<128x128xf32, #tpu.memory_space<vmem>>
      tpu.enqueue_dma source(%dma_start3A_108 : memref<128x128xf32, #tpu.memory_space<vmem>>) target(%dma_start3A_104 : memref<128x128xf32, #tpu.memory_space<vmem_shared>>) target_semaphore(%run_scoped3A_96 : memref<!tpu.dma_semaphore, #tpu.memory_space<semaphore_mem>>)
      %dma_wait3A_109 = arith.constant 0 : i32
      %dma_wait3A_110 = arith.constant 0 : i32
      %dma_wait3A_111 = tpu.memref_slice %arg8[%run_scoped3A, %dma_wait3A_109, %dma_wait3A_110] : memref<2x128x128xf32, #tpu.memory_space<vmem>> -> memref<1x128x128xf32, #tpu.memory_space<vmem>>
      %dma_wait3A_112 = tpu.memref_squeeze %dma_wait3A_111 : memref<1x128x128xf32, #tpu.memory_space<vmem>> -> memref<128x128xf32, #tpu.memory_space<vmem>>
      %dma_wait3A_113 = arith.constant 0 : i32
      %dma_wait3A_114 = tpu.memref_slice %arg9[%add3A_12, %dma_wait3A_113] : memref<10112x128xf32, #tpu.memory_space<vmem_shared>> -> memref<128x128xf32, #tpu.memory_space<vmem_shared>>
      %dma_wait3A_115 = arith.constant 0 : i32
      %dma_wait3A_116 = tpu.memref_slice %arg9[%add3A_12, %dma_wait3A_115] : memref<10112x128xf32, #tpu.memory_space<vmem_shared>> -> memref<128x128xf32, #tpu.memory_space<vmem_shared>>
      %dma_wait3A_117 = arith.constant 0 : i32
      %dma_wait3A_118 = arith.constant 0 : i32
      %dma_wait3A_119 = tpu.memref_slice %arg8[%run_scoped3A, %dma_wait3A_117, %dma_wait3A_118] : memref<2x128x128xf32, #tpu.memory_space<vmem>> -> memref<1x128x128xf32, #tpu.memory_space<vmem>>
      %dma_wait3A_120 = tpu.memref_squeeze %dma_wait3A_119 : memref<1x128x128xf32, #tpu.memory_space<vmem>> -> memref<128x128xf32, #tpu.memory_space<vmem>>
      tpu.wait_dma2 semaphore(%run_scoped3A_96 : memref<!tpu.dma_semaphore, #tpu.memory_space<semaphore_mem>>) src(%dma_wait3A_120 : memref<128x128xf32, #tpu.memory_space<vmem>>) dst(%dma_wait3A_116 : memref<128x128xf32, #tpu.memory_space<vmem_shared>>)
      tpu.yield
    }) : () -> ()
    %add3A_13 = arith.constant 128 : i32
    %add3A_14 = arith.addi %mul3A_10, %add3A_13 : i32
    %run_scoped3A_15 = arith.constant 0 : i32
    "tpu.region"() ({
      %run_scoped3A_96 = tpu.sem_alloc : memref<!tpu.dma_semaphore, #tpu.memory_space<semaphore_mem>>
      %dma_start3A_97 = arith.constant 0 : i32
      %dma_start3A_98 = arith.constant 0 : i32
      %dma_start3A_99 = tpu.memref_slice %arg8[%run_scoped3A_15, %dma_start3A_97, %dma_start3A_98] : memref<2x128x128xf32, #tpu.memory_space<vmem>> -> memref<1x128x128xf32, #tpu.memory_space<vmem>>
      %dma_start3A_100 = tpu.memref_squeeze %dma_start3A_99 : memref<1x128x128xf32, #tpu.memory_space<vmem>> -> memref<128x128xf32, #tpu.memory_space<vmem>>
      %dma_start3A_101 = arith.constant 0 : i32
      %dma_start3A_102 = tpu.memref_slice %arg9[%add3A_14, %dma_start3A_101] : memref<10112x128xf32, #tpu.memory_space<vmem_shared>> -> memref<128x128xf32, #tpu.memory_space<vmem_shared>>
      %dma_start3A_103 = arith.constant 0 : i32
      %dma_start3A_104 = tpu.memref_slice %arg9[%add3A_14, %dma_start3A_103] : memref<10112x128xf32, #tpu.memory_space<vmem_shared>> -> memref<128x128xf32, #tpu.memory_space<vmem_shared>>
      %dma_start3A_105 = arith.constant 0 : i32
      %dma_start3A_106 = arith.constant 0 : i32
      %dma_start3A_107 = tpu.memref_slice %arg8[%run_scoped3A_15, %dma_start3A_105, %dma_start3A_106] : memref<2x128x128xf32, #tpu.memory_space<vmem>> -> memref<1x128x128xf32, #tpu.memory_space<vmem>>
      %dma_start3A_108 = tpu.memref_squeeze %dma_start3A_107 : memref<1x128x128xf32, #tpu.memory_space<vmem>> -> memref<128x128xf32, #tpu.memory_space<vmem>>
      tpu.enqueue_dma source(%dma_start3A_108 : memref<128x128xf32, #tpu.memory_space<vmem>>) target(%dma_start3A_104 : memref<128x128xf32, #tpu.memory_space<vmem_shared>>) target_semaphore(%run_scoped3A_96 : memref<!tpu.dma_semaphore, #tpu.memory_space<semaphore_mem>>)
      %dma_wait3A_109 = arith.constant 0 : i32
      %dma_wait3A_110 = arith.constant 0 : i32
      %dma_wait3A_111 = tpu.memref_slice %arg8[%run_scoped3A_15, %dma_wait3A_109, %dma_wait3A_110] : memref<2x128x128xf32, #tpu.memory_space<vmem>> -> memref<1x128x128xf32, #tpu.memory_space<vmem>>
      %dma_wait3A_112 = tpu.memref_squeeze %dma_wait3A_111 : memref<1x128x128xf32, #tpu.memory_space<vmem>> -> memref<128x128xf32, #tpu.memory_space<vmem>>
      %dma_wait3A_113 = arith.constant 0 : i32
      %dma_wait3A_114 = tpu.memref_slice %arg9[%add3A_14, %dma_wait3A_113] : memref<10112x128xf32, #tpu.memory_space<vmem_shared>> -> memref<128x128xf32, #tpu.memory_space<vmem_shared>>
      %dma_wait3A_115 = arith.constant 0 : i32
      %dma_wait3A_116 = tpu.memref_slice %arg9[%add3A_14, %dma_wait3A_115] : memref<10112x128xf32, #tpu.memory_space<vmem_shared>> -> memref<128x128xf32, #tpu.memory_space<vmem_shared>>
      %dma_wait3A_117 = arith.constant 0 : i32
      %dma_wait3A_118 = arith.constant 0 : i32
      %dma_wait3A_119 = tpu.memref_slice %arg8[%run_scoped3A_15, %dma_wait3A_117, %dma_wait3A_118] : memref<2x128x128xf32, #tpu.memory_space<vmem>> -> memref<1x128x128xf32, #tpu.memory_space<vmem>>
      %dma_wait3A_120 = tpu.memref_squeeze %dma_wait3A_119 : memref<1x128x128xf32, #tpu.memory_space<vmem>> -> memref<128x128xf32, #tpu.memory_space<vmem>>
      tpu.wait_dma2 semaphore(%run_scoped3A_96 : memref<!tpu.dma_semaphore, #tpu.memory_space<semaphore_mem>>) src(%dma_wait3A_120 : memref<128x128xf32, #tpu.memory_space<vmem>>) dst(%dma_wait3A_116 : memref<128x128xf32, #tpu.memory_space<vmem_shared>>)
      tpu.yield
    }) : () -> ()
    %add3A_16 = arith.constant 256 : i32
    %add3A_17 = arith.addi %mul3A_10, %add3A_16 : i32
    %run_scoped3A_18 = arith.constant 0 : i32
    "tpu.region"() ({
      %run_scoped3A_96 = tpu.sem_alloc : memref<!tpu.dma_semaphore, #tpu.memory_space<semaphore_mem>>
      %dma_start3A_97 = arith.constant 0 : i32
      %dma_start3A_98 = arith.constant 0 : i32
      %dma_start3A_99 = tpu.memref_slice %arg8[%run_scoped3A_18, %dma_start3A_97, %dma_start3A_98] : memref<2x128x128xf32, #tpu.memory_space<vmem>> -> memref<1x128x128xf32, #tpu.memory_space<vmem>>
      %dma_start3A_100 = tpu.memref_squeeze %dma_start3A_99 : memref<1x128x128xf32, #tpu.memory_space<vmem>> -> memref<128x128xf32, #tpu.memory_space<vmem>>
      %dma_start3A_101 = arith.constant 0 : i32
      %dma_start3A_102 = tpu.memref_slice %arg9[%add3A_17, %dma_start3A_101] : memref<10112x128xf32, #tpu.memory_space<vmem_shared>> -> memref<128x128xf32, #tpu.memory_space<vmem_shared>>
      %dma_start3A_103 = arith.constant 0 : i32
      %dma_start3A_104 = tpu.memref_slice %arg9[%add3A_17, %dma_start3A_103] : memref<10112x128xf32, #tpu.memory_space<vmem_shared>> -> memref<128x128xf32, #tpu.memory_space<vmem_shared>>
      %dma_start3A_105 = arith.constant 0 : i32
      %dma_start3A_106 = arith.constant 0 : i32
      %dma_start3A_107 = tpu.memref_slice %arg8[%run_scoped3A_18, %dma_start3A_105, %dma_start3A_106] : memref<2x128x128xf32, #tpu.memory_space<vmem>> -> memref<1x128x128xf32, #tpu.memory_space<vmem>>
      %dma_start3A_108 = tpu.memref_squeeze %dma_start3A_107 : memref<1x128x128xf32, #tpu.memory_space<vmem>> -> memref<128x128xf32, #tpu.memory_space<vmem>>
      tpu.enqueue_dma source(%dma_start3A_108 : memref<128x128xf32, #tpu.memory_space<vmem>>) target(%dma_start3A_104 : memref<128x128xf32, #tpu.memory_space<vmem_shared>>) target_semaphore(%run_scoped3A_96 : memref<!tpu.dma_semaphore, #tpu.memory_space<semaphore_mem>>)
      %dma_wait3A_109 = arith.constant 0 : i32
      %dma_wait3A_110 = arith.constant 0 : i32
      %dma_wait3A_111 = tpu.memref_slice %arg8[%run_scoped3A_18, %dma_wait3A_109, %dma_wait3A_110] : memref<2x128x128xf32, #tpu.memory_space<vmem>> -> memref<1x128x128xf32, #tpu.memory_space<vmem>>
      %dma_wait3A_112 = tpu.memref_squeeze %dma_wait3A_111 : memref<1x128x128xf32, #tpu.memory_space<vmem>> -> memref<128x128xf32, #tpu.memory_space<vmem>>
      %dma_wait3A_113 = arith.constant 0 : i32
      %dma_wait3A_114 = tpu.memref_slice %arg9[%add3A_17, %dma_wait3A_113] : memref<10112x128xf32, #tpu.memory_space<vmem_shared>> -> memref<128x128xf32, #tpu.memory_space<vmem_shared>>
      %dma_wait3A_115 = arith.constant 0 : i32
      %dma_wait3A_116 = tpu.memref_slice %arg9[%add3A_17, %dma_wait3A_115] : memref<10112x128xf32, #tpu.memory_space<vmem_shared>> -> memref<128x128xf32, #tpu.memory_space<vmem_shared>>
      %dma_wait3A_117 = arith.constant 0 : i32
      %dma_wait3A_118 = arith.constant 0 : i32
      %dma_wait3A_119 = tpu.memref_slice %arg8[%run_scoped3A_18, %dma_wait3A_117, %dma_wait3A_118] : memref<2x128x128xf32, #tpu.memory_space<vmem>> -> memref<1x128x128xf32, #tpu.memory_space<vmem>>
      %dma_wait3A_120 = tpu.memref_squeeze %dma_wait3A_119 : memref<1x128x128xf32, #tpu.memory_space<vmem>> -> memref<128x128xf32, #tpu.memory_space<vmem>>
      tpu.wait_dma2 semaphore(%run_scoped3A_96 : memref<!tpu.dma_semaphore, #tpu.memory_space<semaphore_mem>>) src(%dma_wait3A_120 : memref<128x128xf32, #tpu.memory_space<vmem>>) dst(%dma_wait3A_116 : memref<128x128xf32, #tpu.memory_space<vmem_shared>>)
      tpu.yield
    }) : () -> ()
    %add3A_19 = arith.constant 384 : i32
    %add3A_20 = arith.addi %mul3A_10, %add3A_19 : i32
    %run_scoped3A_21 = arith.constant 0 : i32
    "tpu.region"() ({
      %run_scoped3A_96 = tpu.sem_alloc : memref<!tpu.dma_semaphore, #tpu.memory_space<semaphore_mem>>
      %dma_start3A_97 = arith.constant 0 : i32
      %dma_start3A_98 = arith.constant 0 : i32
      %dma_start3A_99 = tpu.memref_slice %arg8[%run_scoped3A_21, %dma_start3A_97, %dma_start3A_98] : memref<2x128x128xf32, #tpu.memory_space<vmem>> -> memref<1x128x128xf32, #tpu.memory_space<vmem>>
      %dma_start3A_100 = tpu.memref_squeeze %dma_start3A_99 : memref<1x128x128xf32, #tpu.memory_space<vmem>> -> memref<128x128xf32, #tpu.memory_space<vmem>>
      %dma_start3A_101 = arith.constant 0 : i32
      %dma_start3A_102 = tpu.memref_slice %arg9[%add3A_20, %dma_start3A_101] : memref<10112x128xf32, #tpu.memory_space<vmem_shared>> -> memref<128x128xf32, #tpu.memory_space<vmem_shared>>
      %dma_start3A_103 = arith.constant 0 : i32
      %dma_start3A_104 = tpu.memref_slice %arg9[%add3A_20, %dma_start3A_103] : memref<10112x128xf32, #tpu.memory_space<vmem_shared>> -> memref<128x128xf32, #tpu.memory_space<vmem_shared>>
      %dma_start3A_105 = arith.constant 0 : i32
      %dma_start3A_106 = arith.constant 0 : i32
      %dma_start3A_107 = tpu.memref_slice %arg8[%run_scoped3A_21, %dma_start3A_105, %dma_start3A_106] : memref<2x128x128xf32, #tpu.memory_space<vmem>> -> memref<1x128x128xf32, #tpu.memory_space<vmem>>
      %dma_start3A_108 = tpu.memref_squeeze %dma_start3A_107 : memref<1x128x128xf32, #tpu.memory_space<vmem>> -> memref<128x128xf32, #tpu.memory_space<vmem>>
      tpu.enqueue_dma source(%dma_start3A_108 : memref<128x128xf32, #tpu.memory_space<vmem>>) target(%dma_start3A_104 : memref<128x128xf32, #tpu.memory_space<vmem_shared>>) target_semaphore(%run_scoped3A_96 : memref<!tpu.dma_semaphore, #tpu.memory_space<semaphore_mem>>)
      %dma_wait3A_109 = arith.constant 0 : i32
      %dma_wait3A_110 = arith.constant 0 : i32
      %dma_wait3A_111 = tpu.memref_slice %arg8[%run_scoped3A_21, %dma_wait3A_109, %dma_wait3A_110] : memref<2x128x128xf32, #tpu.memory_space<vmem>> -> memref<1x128x128xf32, #tpu.memory_space<vmem>>
      %dma_wait3A_112 = tpu.memref_squeeze %dma_wait3A_111 : memref<1x128x128xf32, #tpu.memory_space<vmem>> -> memref<128x128xf32, #tpu.memory_space<vmem>>
      %dma_wait3A_113 = arith.constant 0 : i32
      %dma_wait3A_114 = tpu.memref_slice %arg9[%add3A_20, %dma_wait3A_113] : memref<10112x128xf32, #tpu.memory_space<vmem_shared>> -> memref<128x128xf32, #tpu.memory_space<vmem_shared>>
      %dma_wait3A_115 = arith.constant 0 : i32
      %dma_wait3A_116 = tpu.memref_slice %arg9[%add3A_20, %dma_wait3A_115] : memref<10112x128xf32, #tpu.memory_space<vmem_shared>> -> memref<128x128xf32, #tpu.memory_space<vmem_shared>>
      %dma_wait3A_117 = arith.constant 0 : i32
      %dma_wait3A_118 = arith.constant 0 : i32
      %dma_wait3A_119 = tpu.memref_slice %arg8[%run_scoped3A_21, %dma_wait3A_117, %dma_wait3A_118] : memref<2x128x128xf32, #tpu.memory_space<vmem>> -> memref<1x128x128xf32, #tpu.memory_space<vmem>>
      %dma_wait3A_120 = tpu.memref_squeeze %dma_wait3A_119 : memref<1x128x128xf32, #tpu.memory_space<vmem>> -> memref<128x128xf32, #tpu.memory_space<vmem>>
      tpu.wait_dma2 semaphore(%run_scoped3A_96 : memref<!tpu.dma_semaphore, #tpu.memory_space<semaphore_mem>>) src(%dma_wait3A_120 : memref<128x128xf32, #tpu.memory_space<vmem>>) dst(%dma_wait3A_116 : memref<128x128xf32, #tpu.memory_space<vmem_shared>>)
      tpu.yield
    }) : () -> ()
    %add3A_22 = arith.constant 632 : i32
    %add3A_23 = arith.addi %mul3A_10, %add3A_22 : i32
    %sub3A = arith.constant 128 : i32
    %sub3A_24 = arith.subi %add3A_23, %sub3A : i32
    %run_scoped3A_25 = arith.constant 0 : i32
    "tpu.region"() ({
      %run_scoped3A_96 = tpu.sem_alloc : memref<!tpu.dma_semaphore, #tpu.memory_space<semaphore_mem>>
      %dma_start3A_97 = arith.constant 0 : i32
      %dma_start3A_98 = arith.constant 0 : i32
      %dma_start3A_99 = tpu.memref_slice %arg8[%run_scoped3A_25, %dma_start3A_97, %dma_start3A_98] : memref<2x128x128xf32, #tpu.memory_space<vmem>> -> memref<1x128x128xf32, #tpu.memory_space<vmem>>
      %dma_start3A_100 = tpu.memref_squeeze %dma_start3A_99 : memref<1x128x128xf32, #tpu.memory_space<vmem>> -> memref<128x128xf32, #tpu.memory_space<vmem>>
      %dma_start3A_101 = arith.constant 0 : i32
      %dma_start3A_102 = tpu.memref_slice %arg9[%sub3A_24, %dma_start3A_101] : memref<10112x128xf32, #tpu.memory_space<vmem_shared>> -> memref<128x128xf32, #tpu.memory_space<vmem_shared>>
      %dma_start3A_103 = arith.constant 0 : i32
      %dma_start3A_104 = tpu.memref_slice %arg9[%sub3A_24, %dma_start3A_103] : memref<10112x128xf32, #tpu.memory_space<vmem_shared>> -> memref<128x128xf32, #tpu.memory_space<vmem_shared>>
      %dma_start3A_105 = arith.constant 0 : i32
      %dma_start3A_106 = arith.constant 0 : i32
      %dma_start3A_107 = tpu.memref_slice %arg8[%run_scoped3A_25, %dma_start3A_105, %dma_start3A_106] : memref<2x128x128xf32, #tpu.memory_space<vmem>> -> memref<1x128x128xf32, #tpu.memory_space<vmem>>
      %dma_start3A_108 = tpu.memref_squeeze %dma_start3A_107 : memref<1x128x128xf32, #tpu.memory_space<vmem>> -> memref<128x128xf32, #tpu.memory_space<vmem>>
      tpu.enqueue_dma source(%dma_start3A_108 : memref<128x128xf32, #tpu.memory_space<vmem>>) target(%dma_start3A_104 : memref<128x128xf32, #tpu.memory_space<vmem_shared>>) target_semaphore(%run_scoped3A_96 : memref<!tpu.dma_semaphore, #tpu.memory_space<semaphore_mem>>)
      %dma_wait3A_109 = arith.constant 0 : i32
      %dma_wait3A_110 = arith.constant 0 : i32
      %dma_wait3A_111 = tpu.memref_slice %arg8[%run_scoped3A_25, %dma_wait3A_109, %dma_wait3A_110] : memref<2x128x128xf32, #tpu.memory_space<vmem>> -> memref<1x128x128xf32, #tpu.memory_space<vmem>>
      %dma_wait3A_112 = tpu.memref_squeeze %dma_wait3A_111 : memref<1x128x128xf32, #tpu.memory_space<vmem>> -> memref<128x128xf32, #tpu.memory_space<vmem>>
      %dma_wait3A_113 = arith.constant 0 : i32
      %dma_wait3A_114 = tpu.memref_slice %arg9[%sub3A_24, %dma_wait3A_113] : memref<10112x128xf32, #tpu.memory_space<vmem_shared>> -> memref<128x128xf32, #tpu.memory_space<vmem_shared>>
      %dma_wait3A_115 = arith.constant 0 : i32
      %dma_wait3A_116 = tpu.memref_slice %arg9[%sub3A_24, %dma_wait3A_115] : memref<10112x128xf32, #tpu.memory_space<vmem_shared>> -> memref<128x128xf32, #tpu.memory_space<vmem_shared>>
      %dma_wait3A_117 = arith.constant 0 : i32
      %dma_wait3A_118 = arith.constant 0 : i32
      %dma_wait3A_119 = tpu.memref_slice %arg8[%run_scoped3A_25, %dma_wait3A_117, %dma_wait3A_118] : memref<2x128x128xf32, #tpu.memory_space<vmem>> -> memref<1x128x128xf32, #tpu.memory_space<vmem>>
      %dma_wait3A_120 = tpu.memref_squeeze %dma_wait3A_119 : memref<1x128x128xf32, #tpu.memory_space<vmem>> -> memref<128x128xf32, #tpu.memory_space<vmem>>
      tpu.wait_dma2 semaphore(%run_scoped3A_96 : memref<!tpu.dma_semaphore, #tpu.memory_space<semaphore_mem>>) src(%dma_wait3A_120 : memref<128x128xf32, #tpu.memory_space<vmem>>) dst(%dma_wait3A_116 : memref<128x128xf32, #tpu.memory_space<vmem_shared>>)
      tpu.yield
    }) : () -> ()
    %barrier3A = arith.constant 0 : index
    tpu.barrier barrier_id(%barrier3A)
    %add3A_26 = arith.constant 0 : i32
    %add3A_27 = arith.addi %mul3A_2, %add3A_26 : i32
    "tpu.region"() ({
      %run_scoped3A_96 = tpu.sem_alloc : memref<!tpu.dma_semaphore, #tpu.memory_space<semaphore_mem>>
      %dma_start3A_97 = arith.constant 0 : i32
      %dma_start3A_98 = tpu.memref_slice %arg3[%add3A_27, %dma_start3A_97] : memref<2560x128xi32, #tpu.memory_space<hbm>> -> memref<40x128xi32, #tpu.memory_space<hbm>>
      %dma_start3A_99 = arith.constant 0 : i32
      %dma_start3A_100 = tpu.memref_slice %arg3[%add3A_27, %dma_start3A_99] : memref<2560x128xi32, #tpu.memory_space<hbm>> -> memref<40x128xi32, #tpu.memory_space<hbm>>
      tpu.enqueue_dma source(%dma_start3A_100 : memref<40x128xi32, #tpu.memory_space<hbm>>) target(%arg6 : memref<40x128xi32, #tpu.memory_space<vmem>>) target_semaphore(%run_scoped3A_96 : memref<!tpu.dma_semaphore, #tpu.memory_space<semaphore_mem>>)
      %dma_wait3A_101 = arith.constant 0 : i32
      %dma_wait3A_102 = tpu.memref_slice %arg3[%add3A_27, %dma_wait3A_101] : memref<2560x128xi32, #tpu.memory_space<hbm>> -> memref<40x128xi32, #tpu.memory_space<hbm>>
      %dma_wait3A_103 = arith.constant 0 : i32
      %dma_wait3A_104 = tpu.memref_slice %arg3[%add3A_27, %dma_wait3A_103] : memref<2560x128xi32, #tpu.memory_space<hbm>> -> memref<40x128xi32, #tpu.memory_space<hbm>>
      tpu.wait_dma2 semaphore(%run_scoped3A_96 : memref<!tpu.dma_semaphore, #tpu.memory_space<semaphore_mem>>) src(%dma_wait3A_104 : memref<40x128xi32, #tpu.memory_space<hbm>>) dst(%arg6 : memref<40x128xi32, #tpu.memory_space<vmem>>)
      tpu.yield
    }) : () -> ()
    %add3A_28 = arith.constant 0 : i32
    %add3A_29 = arith.addi %mul3A_2, %add3A_28 : i32
    "tpu.region"() ({
      %run_scoped3A_96 = tpu.sem_alloc : memref<!tpu.dma_semaphore, #tpu.memory_space<semaphore_mem>>
      %dma_start3A_97 = arith.constant 0 : i32
      %dma_start3A_98 = tpu.memref_slice %arg4[%add3A_29, %dma_start3A_97] : memref<2560x128xi32, #tpu.memory_space<hbm>> -> memref<40x128xi32, #tpu.memory_space<hbm>>
      %dma_start3A_99 = arith.constant 0 : i32
      %dma_start3A_100 = tpu.memref_slice %arg4[%add3A_29, %dma_start3A_99] : memref<2560x128xi32, #tpu.memory_space<hbm>> -> memref<40x128xi32, #tpu.memory_space<hbm>>
      tpu.enqueue_dma source(%dma_start3A_100 : memref<40x128xi32, #tpu.memory_space<hbm>>) target(%arg7 : memref<40x128xi32, #tpu.memory_space<vmem>>) target_semaphore(%run_scoped3A_96 : memref<!tpu.dma_semaphore, #tpu.memory_space<semaphore_mem>>)
      %dma_wait3A_101 = arith.constant 0 : i32
      %dma_wait3A_102 = tpu.memref_slice %arg4[%add3A_29, %dma_wait3A_101] : memref<2560x128xi32, #tpu.memory_space<hbm>> -> memref<40x128xi32, #tpu.memory_space<hbm>>
      %dma_wait3A_103 = arith.constant 0 : i32
      %dma_wait3A_104 = tpu.memref_slice %arg4[%add3A_29, %dma_wait3A_103] : memref<2560x128xi32, #tpu.memory_space<hbm>> -> memref<40x128xi32, #tpu.memory_space<hbm>>
      tpu.wait_dma2 semaphore(%run_scoped3A_96 : memref<!tpu.dma_semaphore, #tpu.memory_space<semaphore_mem>>) src(%dma_wait3A_104 : memref<40x128xi32, #tpu.memory_space<hbm>>) dst(%arg7 : memref<40x128xi32, #tpu.memory_space<vmem>>)
      tpu.yield
    }) : () -> ()
    %dma_start3A = arith.constant 0 : i32
    %dma_start3A_30 = arith.constant 0 : i32
    %dma_start3A_31 = arith.constant 0 : i32
    %dma_start3A_32 = arith.constant 0 : i32
    %dma_start3A_33 = tpu.memref_slice %arg8[%dma_start3A_30, %dma_start3A_31, %dma_start3A_32] : memref<2x128x128xf32, #tpu.memory_space<vmem>> -> memref<1x128x128xf32, #tpu.memory_space<vmem>>
    %dma_start3A_34 = tpu.memref_squeeze %dma_start3A_33 : memref<1x128x128xf32, #tpu.memory_space<vmem>> -> memref<128x128xf32, #tpu.memory_space<vmem>>
    %dma_start3A_35 = arith.constant 0 : i32
    %dma_start3A_36 = tpu.memref_slice %arg6[%dma_start3A, %dma_start3A_35] : memref<40x128xi32, #tpu.memory_space<vmem>> -> memref<1x128xi32, #tpu.memory_space<vmem>>
    %dma_start3A_37 = tpu.memref_squeeze %dma_start3A_36 : memref<1x128xi32, #tpu.memory_space<vmem>> -> memref<128xi32, #tpu.memory_space<vmem>>
    %dma_start3A_38 = arith.constant 0 : i32
    %dma_start3A_39 = arith.constant 0 : i32
    %dma_start3A_40 = tpu.memref_slice %arg2[%dma_start3A_38, %dma_start3A_39] : memref<10000x128xf32, #tpu.memory_space<hbm>> -> memref<10000x128xf32, #tpu.memory_space<hbm>>
    tpu.enqueue_indirect_dma source(%dma_start3A_40 : memref<10000x128xf32, #tpu.memory_space<hbm>>) target(%dma_start3A_34 : memref<128x128xf32, #tpu.memory_space<vmem>>) offsets(%dma_start3A_37 : memref<128xi32, #tpu.memory_space<vmem>>) semaphore(%arg10 : memref<!tpu.dma_semaphore, #tpu.memory_space<semaphore_mem>>)
    %scan3A_41 = arith.constant 0 : i32
    %scan3A_42 = arith.constant 0 : i32
    %scan3A_43 = arith.constant 40 : i32
    %scan3A_44 = arith.addi %scan3A_42, %scan3A_43 : i32
    %scan3A_45 = arith.constant 1 : i32
    scf.for %scan3A_96 = %scan3A_42 to %scan3A_44 step %scan3A_45  : i32 {
      %rem3A = arith.constant 2 : i32
      %rem3A_97 = arith.remsi %scan3A_96, %rem3A : i32
      %gt3A = arith.constant 0 : i32
      %gt3A_98 = arith.cmpi sgt, %scan3A_96, %gt3A : i32
      %convert_element_type3A = arith.extui %gt3A_98 : i1 to i32
      %cond3A = arith.constant 0 : i32
      %cond3A_99 = arith.cmpi ne, %convert_element_type3A, %cond3A : i32
      scf.if %cond3A_99 {
        %dma_wait3A_128 = arith.constant 0 : i32
        %dma_wait3A_129 = arith.constant 0 : i32
        %dma_wait3A_130 = arith.constant 0 : i32
        %dma_wait3A_131 = arith.constant 0 : i32
        %dma_wait3A_132 = tpu.memref_slice %arg8[%dma_wait3A_128, %dma_wait3A_130, %dma_wait3A_131] : memref<2x128x128xf32, #tpu.memory_space<vmem>> -> memref<1x128x128xf32, #tpu.memory_space<vmem>>
        %dma_wait3A_133 = tpu.memref_squeeze %dma_wait3A_132 : memref<1x128x128xf32, #tpu.memory_space<vmem>> -> memref<128x128xf32, #tpu.memory_space<vmem>>
        %dma_wait3A_134 = arith.constant 0 : i32
        %dma_wait3A_135 = tpu.memref_slice %arg7[%dma_wait3A_129, %dma_wait3A_134] : memref<40x128xi32, #tpu.memory_space<vmem>> -> memref<1x128xi32, #tpu.memory_space<vmem>>
        %dma_wait3A_136 = tpu.memref_squeeze %dma_wait3A_135 : memref<1x128xi32, #tpu.memory_space<vmem>> -> memref<128xi32, #tpu.memory_space<vmem>>
        %dma_wait3A_137 = arith.constant 0 : i32
        %dma_wait3A_138 = arith.constant 0 : i32
        %dma_wait3A_139 = tpu.memref_slice %arg9[%dma_wait3A_137, %dma_wait3A_138] : memref<10112x128xf32, #tpu.memory_space<vmem_shared>> -> memref<10112x128xf32, #tpu.memory_space<vmem_shared>>
        tpu.wait_indirect_dma semaphore(%arg11 : memref<!tpu.dma_semaphore, #tpu.memory_space<semaphore_mem>>) src(%dma_wait3A_133 : memref<128x128xf32, #tpu.memory_space<vmem>>) dst(%dma_wait3A_139 : memref<10112x128xf32, #tpu.memory_space<vmem_shared>>)
      } else {
      }
      %add3A_100 = arith.constant 1 : i32
      %add3A_101 = arith.addi %scan3A_96, %add3A_100 : i32
      %lt3A = arith.constant 40 : i32
      %lt3A_102 = arith.cmpi slt, %add3A_101, %lt3A : i32
      %convert_element_type3A_103 = arith.extui %lt3A_102 : i1 to i32
      %cond3A_104 = arith.constant 0 : i32
      %cond3A_105 = arith.cmpi ne, %convert_element_type3A_103, %cond3A_104 : i32
      scf.if %cond3A_105 {
        %add3A_128 = arith.constant 1 : i32
        %add3A_129 = arith.addi %scan3A_96, %add3A_128 : i32
        %sub3A_130 = arith.constant 1 : i32
        %sub3A_131 = arith.subi %sub3A_130, %rem3A_97 : i32
        %dma_start3A_132 = arith.constant 0 : i32
        %dma_start3A_133 = arith.constant 0 : i32
        %dma_start3A_134 = tpu.memref_slice %arg8[%sub3A_131, %dma_start3A_132, %dma_start3A_133] : memref<2x128x128xf32, #tpu.memory_space<vmem>> -> memref<1x128x128xf32, #tpu.memory_space<vmem>>
        %dma_start3A_135 = tpu.memref_squeeze %dma_start3A_134 : memref<1x128x128xf32, #tpu.memory_space<vmem>> -> memref<128x128xf32, #tpu.memory_space<vmem>>
        %dma_start3A_136 = arith.constant 0 : i32
        %dma_start3A_137 = tpu.memref_slice %arg6[%add3A_129, %dma_start3A_136] : memref<40x128xi32, #tpu.memory_space<vmem>> -> memref<1x128xi32, #tpu.memory_space<vmem>>
        %dma_start3A_138 = tpu.memref_squeeze %dma_start3A_137 : memref<1x128xi32, #tpu.memory_space<vmem>> -> memref<128xi32, #tpu.memory_space<vmem>>
        %dma_start3A_139 = arith.constant 0 : i32
        %dma_start3A_140 = arith.constant 0 : i32
        %dma_start3A_141 = tpu.memref_slice %arg2[%dma_start3A_139, %dma_start3A_140] : memref<10000x128xf32, #tpu.memory_space<hbm>> -> memref<10000x128xf32, #tpu.memory_space<hbm>>
        tpu.enqueue_indirect_dma source(%dma_start3A_141 : memref<10000x128xf32, #tpu.memory_space<hbm>>) target(%dma_start3A_135 : memref<128x128xf32, #tpu.memory_space<vmem>>) offsets(%dma_start3A_138 : memref<128xi32, #tpu.memory_space<vmem>>) semaphore(%arg10 : memref<!tpu.dma_semaphore, #tpu.memory_space<semaphore_mem>>)
      } else {
      }
      %dma_wait3A_106 = arith.constant 0 : i32
      %dma_wait3A_107 = arith.constant 0 : i32
      %dma_wait3A_108 = arith.constant 0 : i32
      %dma_wait3A_109 = arith.constant 0 : i32
      %dma_wait3A_110 = tpu.memref_slice %arg8[%dma_wait3A_107, %dma_wait3A_108, %dma_wait3A_109] : memref<2x128x128xf32, #tpu.memory_space<vmem>> -> memref<1x128x128xf32, #tpu.memory_space<vmem>>
      %dma_wait3A_111 = tpu.memref_squeeze %dma_wait3A_110 : memref<1x128x128xf32, #tpu.memory_space<vmem>> -> memref<128x128xf32, #tpu.memory_space<vmem>>
      %dma_wait3A_112 = arith.constant 0 : i32
      %dma_wait3A_113 = tpu.memref_slice %arg6[%dma_wait3A_106, %dma_wait3A_112] : memref<40x128xi32, #tpu.memory_space<vmem>> -> memref<1x128xi32, #tpu.memory_space<vmem>>
      %dma_wait3A_114 = tpu.memref_squeeze %dma_wait3A_113 : memref<1x128xi32, #tpu.memory_space<vmem>> -> memref<128xi32, #tpu.memory_space<vmem>>
      %dma_wait3A_115 = arith.constant 0 : i32
      %dma_wait3A_116 = arith.constant 0 : i32
      %dma_wait3A_117 = tpu.memref_slice %arg2[%dma_wait3A_115, %dma_wait3A_116] : memref<10000x128xf32, #tpu.memory_space<hbm>> -> memref<10000x128xf32, #tpu.memory_space<hbm>>
      tpu.wait_indirect_dma semaphore(%arg10 : memref<!tpu.dma_semaphore, #tpu.memory_space<semaphore_mem>>) src(%dma_wait3A_117 : memref<10000x128xf32, #tpu.memory_space<hbm>>) dst(%dma_wait3A_111 : memref<128x128xf32, #tpu.memory_space<vmem>>)
      %dma_start3A_118 = arith.constant 0 : i32
      %dma_start3A_119 = arith.constant 0 : i32
      %dma_start3A_120 = tpu.memref_slice %arg8[%rem3A_97, %dma_start3A_118, %dma_start3A_119] : memref<2x128x128xf32, #tpu.memory_space<vmem>> -> memref<1x128x128xf32, #tpu.memory_space<vmem>>
      %dma_start3A_121 = tpu.memref_squeeze %dma_start3A_120 : memref<1x128x128xf32, #tpu.memory_space<vmem>> -> memref<128x128xf32, #tpu.memory_space<vmem>>
      %dma_start3A_122 = arith.constant 0 : i32
      %dma_start3A_123 = tpu.memref_slice %arg7[%scan3A_96, %dma_start3A_122] : memref<40x128xi32, #tpu.memory_space<vmem>> -> memref<1x128xi32, #tpu.memory_space<vmem>>
      %dma_start3A_124 = tpu.memref_squeeze %dma_start3A_123 : memref<1x128xi32, #tpu.memory_space<vmem>> -> memref<128xi32, #tpu.memory_space<vmem>>
      %dma_start3A_125 = arith.constant 0 : i32
      %dma_start3A_126 = arith.constant 0 : i32
      %dma_start3A_127 = tpu.memref_slice %arg9[%dma_start3A_125, %dma_start3A_126] : memref<10112x128xf32, #tpu.memory_space<vmem_shared>> -> memref<10112x128xf32, #tpu.memory_space<vmem_shared>>
      tpu.enqueue_indirect_dma source(%dma_start3A_121 : memref<128x128xf32, #tpu.memory_space<vmem>>) target(%dma_start3A_127 : memref<10112x128xf32, #tpu.memory_space<vmem_shared>>) offsets(%dma_start3A_124 : memref<128xi32, #tpu.memory_space<vmem>>) semaphore(%arg11 : memref<!tpu.dma_semaphore, #tpu.memory_space<semaphore_mem>>) {add = true}
    }
    %scan3A_46 = arith.constant 40 : i32
    %dma_wait3A = arith.constant 0 : i32
    %dma_wait3A_47 = arith.constant 0 : i32
    %dma_wait3A_48 = arith.constant 0 : i32
    %dma_wait3A_49 = arith.constant 0 : i32
    %dma_wait3A_50 = tpu.memref_slice %arg8[%dma_wait3A, %dma_wait3A_48, %dma_wait3A_49] : memref<2x128x128xf32, #tpu.memory_space<vmem>> -> memref<1x128x128xf32, #tpu.memory_space<vmem>>
    %dma_wait3A_51 = tpu.memref_squeeze %dma_wait3A_50 : memref<1x128x128xf32, #tpu.memory_space<vmem>> -> memref<128x128xf32, #tpu.memory_space<vmem>>
    %dma_wait3A_52 = arith.constant 0 : i32
    %dma_wait3A_53 = tpu.memref_slice %arg7[%dma_wait3A_47, %dma_wait3A_52] : memref<40x128xi32, #tpu.memory_space<vmem>> -> memref<1x128xi32, #tpu.memory_space<vmem>>
    %dma_wait3A_54 = tpu.memref_squeeze %dma_wait3A_53 : memref<1x128xi32, #tpu.memory_space<vmem>> -> memref<128xi32, #tpu.memory_space<vmem>>
    %dma_wait3A_55 = arith.constant 0 : i32
    %dma_wait3A_56 = arith.constant 0 : i32
    %dma_wait3A_57 = tpu.memref_slice %arg9[%dma_wait3A_55, %dma_wait3A_56] : memref<10112x128xf32, #tpu.memory_space<vmem_shared>> -> memref<10112x128xf32, #tpu.memory_space<vmem_shared>>
    tpu.wait_indirect_dma semaphore(%arg11 : memref<!tpu.dma_semaphore, #tpu.memory_space<semaphore_mem>>) src(%dma_wait3A_51 : memref<128x128xf32, #tpu.memory_space<vmem>>) dst(%dma_wait3A_57 : memref<10112x128xf32, #tpu.memory_space<vmem_shared>>)
    %add3A_58 = arith.constant 40 : i32
    %add3A_59 = arith.addi %mul3A_2, %add3A_58 : i32
    "tpu.region"() ({
      %run_scoped3A_96 = tpu.sem_alloc : memref<!tpu.dma_semaphore, #tpu.memory_space<semaphore_mem>>
      %dma_start3A_97 = arith.constant 0 : i32
      %dma_start3A_98 = tpu.memref_slice %arg3[%add3A_59, %dma_start3A_97] : memref<2560x128xi32, #tpu.memory_space<hbm>> -> memref<40x128xi32, #tpu.memory_space<hbm>>
      %dma_start3A_99 = arith.constant 0 : i32
      %dma_start3A_100 = tpu.memref_slice %arg3[%add3A_59, %dma_start3A_99] : memref<2560x128xi32, #tpu.memory_space<hbm>> -> memref<40x128xi32, #tpu.memory_space<hbm>>
      tpu.enqueue_dma source(%dma_start3A_100 : memref<40x128xi32, #tpu.memory_space<hbm>>) target(%arg6 : memref<40x128xi32, #tpu.memory_space<vmem>>) target_semaphore(%run_scoped3A_96 : memref<!tpu.dma_semaphore, #tpu.memory_space<semaphore_mem>>)
      %dma_wait3A_101 = arith.constant 0 : i32
      %dma_wait3A_102 = tpu.memref_slice %arg3[%add3A_59, %dma_wait3A_101] : memref<2560x128xi32, #tpu.memory_space<hbm>> -> memref<40x128xi32, #tpu.memory_space<hbm>>
      %dma_wait3A_103 = arith.constant 0 : i32
      %dma_wait3A_104 = tpu.memref_slice %arg3[%add3A_59, %dma_wait3A_103] : memref<2560x128xi32, #tpu.memory_space<hbm>> -> memref<40x128xi32, #tpu.memory_space<hbm>>
      tpu.wait_dma2 semaphore(%run_scoped3A_96 : memref<!tpu.dma_semaphore, #tpu.memory_space<semaphore_mem>>) src(%dma_wait3A_104 : memref<40x128xi32, #tpu.memory_space<hbm>>) dst(%arg6 : memref<40x128xi32, #tpu.memory_space<vmem>>)
      tpu.yield
    }) : () -> ()
    %add3A_60 = arith.constant 40 : i32
    %add3A_61 = arith.addi %mul3A_2, %add3A_60 : i32
    "tpu.region"() ({
      %run_scoped3A_96 = tpu.sem_alloc : memref<!tpu.dma_semaphore, #tpu.memory_space<semaphore_mem>>
      %dma_start3A_97 = arith.constant 0 : i32
      %dma_start3A_98 = tpu.memref_slice %arg4[%add3A_61, %dma_start3A_97] : memref<2560x128xi32, #tpu.memory_space<hbm>> -> memref<40x128xi32, #tpu.memory_space<hbm>>
      %dma_start3A_99 = arith.constant 0 : i32
      %dma_start3A_100 = tpu.memref_slice %arg4[%add3A_61, %dma_start3A_99] : memref<2560x128xi32, #tpu.memory_space<hbm>> -> memref<40x128xi32, #tpu.memory_space<hbm>>
      tpu.enqueue_dma source(%dma_start3A_100 : memref<40x128xi32, #tpu.memory_space<hbm>>) target(%arg7 : memref<40x128xi32, #tpu.memory_space<vmem>>) target_semaphore(%run_scoped3A_96 : memref<!tpu.dma_semaphore, #tpu.memory_space<semaphore_mem>>)
      %dma_wait3A_101 = arith.constant 0 : i32
      %dma_wait3A_102 = tpu.memref_slice %arg4[%add3A_61, %dma_wait3A_101] : memref<2560x128xi32, #tpu.memory_space<hbm>> -> memref<40x128xi32, #tpu.memory_space<hbm>>
      %dma_wait3A_103 = arith.constant 0 : i32
      %dma_wait3A_104 = tpu.memref_slice %arg4[%add3A_61, %dma_wait3A_103] : memref<2560x128xi32, #tpu.memory_space<hbm>> -> memref<40x128xi32, #tpu.memory_space<hbm>>
      tpu.wait_dma2 semaphore(%run_scoped3A_96 : memref<!tpu.dma_semaphore, #tpu.memory_space<semaphore_mem>>) src(%dma_wait3A_104 : memref<40x128xi32, #tpu.memory_space<hbm>>) dst(%arg7 : memref<40x128xi32, #tpu.memory_space<vmem>>)
      tpu.yield
    }) : () -> ()
    %dma_start3A_62 = arith.constant 0 : i32
    %dma_start3A_63 = arith.constant 0 : i32
    %dma_start3A_64 = arith.constant 0 : i32
    %dma_start3A_65 = arith.constant 0 : i32
    %dma_start3A_66 = tpu.memref_slice %arg8[%dma_start3A_63, %dma_start3A_64, %dma_start3A_65] : memref<2x128x128xf32, #tpu.memory_space<vmem>> -> memref<1x128x128xf32, #tpu.memory_space<vmem>>
    %dma_start3A_67 = tpu.memref_squeeze %dma_start3A_66 : memref<1x128x128xf32, #tpu.memory_space<vmem>> -> memref<128x128xf32, #tpu.memory_space<vmem>>
    %dma_start3A_68 = arith.constant 0 : i32
    %dma_start3A_69 = tpu.memref_slice %arg6[%dma_start3A_62, %dma_start3A_68] : memref<40x128xi32, #tpu.memory_space<vmem>> -> memref<1x128xi32, #tpu.memory_space<vmem>>
    %dma_start3A_70 = tpu.memref_squeeze %dma_start3A_69 : memref<1x128xi32, #tpu.memory_space<vmem>> -> memref<128xi32, #tpu.memory_space<vmem>>
    %dma_start3A_71 = arith.constant 0 : i32
    %dma_start3A_72 = arith.constant 0 : i32
    %dma_start3A_73 = tpu.memref_slice %arg2[%dma_start3A_71, %dma_start3A_72] : memref<10000x128xf32, #tpu.memory_space<hbm>> -> memref<10000x128xf32, #tpu.memory_space<hbm>>
    tpu.enqueue_indirect_dma source(%dma_start3A_73 : memref<10000x128xf32, #tpu.memory_space<hbm>>) target(%dma_start3A_67 : memref<128x128xf32, #tpu.memory_space<vmem>>) offsets(%dma_start3A_70 : memref<128xi32, #tpu.memory_space<vmem>>) semaphore(%arg10 : memref<!tpu.dma_semaphore, #tpu.memory_space<semaphore_mem>>)
    %scan3A_74 = arith.constant 0 : i32
    %scan3A_75 = arith.constant 0 : i32
    %scan3A_76 = arith.constant 40 : i32
    %scan3A_77 = arith.addi %scan3A_75, %scan3A_76 : i32
    %scan3A_78 = arith.constant 1 : i32
    scf.for %scan3A_96 = %scan3A_75 to %scan3A_77 step %scan3A_78  : i32 {
      %rem3A = arith.constant 2 : i32
      %rem3A_97 = arith.remsi %scan3A_96, %rem3A : i32
      %gt3A = arith.constant 0 : i32
      %gt3A_98 = arith.cmpi sgt, %scan3A_96, %gt3A : i32
      %convert_element_type3A = arith.extui %gt3A_98 : i1 to i32
      %cond3A = arith.constant 0 : i32
      %cond3A_99 = arith.cmpi ne, %convert_element_type3A, %cond3A : i32
      scf.if %cond3A_99 {
        %dma_wait3A_128 = arith.constant 0 : i32
        %dma_wait3A_129 = arith.constant 0 : i32
        %dma_wait3A_130 = arith.constant 0 : i32
        %dma_wait3A_131 = arith.constant 0 : i32
        %dma_wait3A_132 = tpu.memref_slice %arg8[%dma_wait3A_128, %dma_wait3A_130, %dma_wait3A_131] : memref<2x128x128xf32, #tpu.memory_space<vmem>> -> memref<1x128x128xf32, #tpu.memory_space<vmem>>
        %dma_wait3A_133 = tpu.memref_squeeze %dma_wait3A_132 : memref<1x128x128xf32, #tpu.memory_space<vmem>> -> memref<128x128xf32, #tpu.memory_space<vmem>>
        %dma_wait3A_134 = arith.constant 0 : i32
        %dma_wait3A_135 = tpu.memref_slice %arg7[%dma_wait3A_129, %dma_wait3A_134] : memref<40x128xi32, #tpu.memory_space<vmem>> -> memref<1x128xi32, #tpu.memory_space<vmem>>
        %dma_wait3A_136 = tpu.memref_squeeze %dma_wait3A_135 : memref<1x128xi32, #tpu.memory_space<vmem>> -> memref<128xi32, #tpu.memory_space<vmem>>
        %dma_wait3A_137 = arith.constant 0 : i32
        %dma_wait3A_138 = arith.constant 0 : i32
        %dma_wait3A_139 = tpu.memref_slice %arg9[%dma_wait3A_137, %dma_wait3A_138] : memref<10112x128xf32, #tpu.memory_space<vmem_shared>> -> memref<10112x128xf32, #tpu.memory_space<vmem_shared>>
        tpu.wait_indirect_dma semaphore(%arg11 : memref<!tpu.dma_semaphore, #tpu.memory_space<semaphore_mem>>) src(%dma_wait3A_133 : memref<128x128xf32, #tpu.memory_space<vmem>>) dst(%dma_wait3A_139 : memref<10112x128xf32, #tpu.memory_space<vmem_shared>>)
      } else {
      }
      %add3A_100 = arith.constant 1 : i32
      %add3A_101 = arith.addi %scan3A_96, %add3A_100 : i32
      %lt3A = arith.constant 40 : i32
      %lt3A_102 = arith.cmpi slt, %add3A_101, %lt3A : i32
      %convert_element_type3A_103 = arith.extui %lt3A_102 : i1 to i32
      %cond3A_104 = arith.constant 0 : i32
      %cond3A_105 = arith.cmpi ne, %convert_element_type3A_103, %cond3A_104 : i32
      scf.if %cond3A_105 {
        %add3A_128 = arith.constant 1 : i32
        %add3A_129 = arith.addi %scan3A_96, %add3A_128 : i32
        %sub3A_130 = arith.constant 1 : i32
        %sub3A_131 = arith.subi %sub3A_130, %rem3A_97 : i32
        %dma_start3A_132 = arith.constant 0 : i32
        %dma_start3A_133 = arith.constant 0 : i32
        %dma_start3A_134 = tpu.memref_slice %arg8[%sub3A_131, %dma_start3A_132, %dma_start3A_133] : memref<2x128x128xf32, #tpu.memory_space<vmem>> -> memref<1x128x128xf32, #tpu.memory_space<vmem>>
        %dma_start3A_135 = tpu.memref_squeeze %dma_start3A_134 : memref<1x128x128xf32, #tpu.memory_space<vmem>> -> memref<128x128xf32, #tpu.memory_space<vmem>>
        %dma_start3A_136 = arith.constant 0 : i32
        %dma_start3A_137 = tpu.memref_slice %arg6[%add3A_129, %dma_start3A_136] : memref<40x128xi32, #tpu.memory_space<vmem>> -> memref<1x128xi32, #tpu.memory_space<vmem>>
        %dma_start3A_138 = tpu.memref_squeeze %dma_start3A_137 : memref<1x128xi32, #tpu.memory_space<vmem>> -> memref<128xi32, #tpu.memory_space<vmem>>
        %dma_start3A_139 = arith.constant 0 : i32
        %dma_start3A_140 = arith.constant 0 : i32
        %dma_start3A_141 = tpu.memref_slice %arg2[%dma_start3A_139, %dma_start3A_140] : memref<10000x128xf32, #tpu.memory_space<hbm>> -> memref<10000x128xf32, #tpu.memory_space<hbm>>
        tpu.enqueue_indirect_dma source(%dma_start3A_141 : memref<10000x128xf32, #tpu.memory_space<hbm>>) target(%dma_start3A_135 : memref<128x128xf32, #tpu.memory_space<vmem>>) offsets(%dma_start3A_138 : memref<128xi32, #tpu.memory_space<vmem>>) semaphore(%arg10 : memref<!tpu.dma_semaphore, #tpu.memory_space<semaphore_mem>>)
      } else {
      }
      %dma_wait3A_106 = arith.constant 0 : i32
      %dma_wait3A_107 = arith.constant 0 : i32
      %dma_wait3A_108 = arith.constant 0 : i32
      %dma_wait3A_109 = arith.constant 0 : i32
      %dma_wait3A_110 = tpu.memref_slice %arg8[%dma_wait3A_107, %dma_wait3A_108, %dma_wait3A_109] : memref<2x128x128xf32, #tpu.memory_space<vmem>> -> memref<1x128x128xf32, #tpu.memory_space<vmem>>
      %dma_wait3A_111 = tpu.memref_squeeze %dma_wait3A_110 : memref<1x128x128xf32, #tpu.memory_space<vmem>> -> memref<128x128xf32, #tpu.memory_space<vmem>>
      %dma_wait3A_112 = arith.constant 0 : i32
      %dma_wait3A_113 = tpu.memref_slice %arg6[%dma_wait3A_106, %dma_wait3A_112] : memref<40x128xi32, #tpu.memory_space<vmem>> -> memref<1x128xi32, #tpu.memory_space<vmem>>
      %dma_wait3A_114 = tpu.memref_squeeze %dma_wait3A_113 : memref<1x128xi32, #tpu.memory_space<vmem>> -> memref<128xi32, #tpu.memory_space<vmem>>
      %dma_wait3A_115 = arith.constant 0 : i32
      %dma_wait3A_116 = arith.constant 0 : i32
      %dma_wait3A_117 = tpu.memref_slice %arg2[%dma_wait3A_115, %dma_wait3A_116] : memref<10000x128xf32, #tpu.memory_space<hbm>> -> memref<10000x128xf32, #tpu.memory_space<hbm>>
      tpu.wait_indirect_dma semaphore(%arg10 : memref<!tpu.dma_semaphore, #tpu.memory_space<semaphore_mem>>) src(%dma_wait3A_117 : memref<10000x128xf32, #tpu.memory_space<hbm>>) dst(%dma_wait3A_111 : memref<128x128xf32, #tpu.memory_space<vmem>>)
      %dma_start3A_118 = arith.constant 0 : i32
      %dma_start3A_119 = arith.constant 0 : i32
      %dma_start3A_120 = tpu.memref_slice %arg8[%rem3A_97, %dma_start3A_118, %dma_start3A_119] : memref<2x128x128xf32, #tpu.memory_space<vmem>> -> memref<1x128x128xf32, #tpu.memory_space<vmem>>
      %dma_start3A_121 = tpu.memref_squeeze %dma_start3A_120 : memref<1x128x128xf32, #tpu.memory_space<vmem>> -> memref<128x128xf32, #tpu.memory_space<vmem>>
      %dma_start3A_122 = arith.constant 0 : i32
      %dma_start3A_123 = tpu.memref_slice %arg7[%scan3A_96, %dma_start3A_122] : memref<40x128xi32, #tpu.memory_space<vmem>> -> memref<1x128xi32, #tpu.memory_space<vmem>>
      %dma_start3A_124 = tpu.memref_squeeze %dma_start3A_123 : memref<1x128xi32, #tpu.memory_space<vmem>> -> memref<128xi32, #tpu.memory_space<vmem>>
      %dma_start3A_125 = arith.constant 0 : i32
      %dma_start3A_126 = arith.constant 0 : i32
      %dma_start3A_127 = tpu.memref_slice %arg9[%dma_start3A_125, %dma_start3A_126] : memref<10112x128xf32, #tpu.memory_space<vmem_shared>> -> memref<10112x128xf32, #tpu.memory_space<vmem_shared>>
      tpu.enqueue_indirect_dma source(%dma_start3A_121 : memref<128x128xf32, #tpu.memory_space<vmem>>) target(%dma_start3A_127 : memref<10112x128xf32, #tpu.memory_space<vmem_shared>>) offsets(%dma_start3A_124 : memref<128xi32, #tpu.memory_space<vmem>>) semaphore(%arg11 : memref<!tpu.dma_semaphore, #tpu.memory_space<semaphore_mem>>) {add = true}
    }
    %scan3A_79 = arith.constant 40 : i32
    %dma_wait3A_80 = arith.constant 0 : i32
    %dma_wait3A_81 = arith.constant 0 : i32
    %dma_wait3A_82 = arith.constant 0 : i32
    %dma_wait3A_83 = arith.constant 0 : i32
    %dma_wait3A_84 = tpu.memref_slice %arg8[%dma_wait3A_80, %dma_wait3A_82, %dma_wait3A_83] : memref<2x128x128xf32, #tpu.memory_space<vmem>> -> memref<1x128x128xf32, #tpu.memory_space<vmem>>
    %dma_wait3A_85 = tpu.memref_squeeze %dma_wait3A_84 : memref<1x128x128xf32, #tpu.memory_space<vmem>> -> memref<128x128xf32, #tpu.memory_space<vmem>>
    %dma_wait3A_86 = arith.constant 0 : i32
    %dma_wait3A_87 = tpu.memref_slice %arg7[%dma_wait3A_81, %dma_wait3A_86] : memref<40x128xi32, #tpu.memory_space<vmem>> -> memref<1x128xi32, #tpu.memory_space<vmem>>
    %dma_wait3A_88 = tpu.memref_squeeze %dma_wait3A_87 : memref<1x128xi32, #tpu.memory_space<vmem>> -> memref<128xi32, #tpu.memory_space<vmem>>
    %dma_wait3A_89 = arith.constant 0 : i32
    %dma_wait3A_90 = arith.constant 0 : i32
    %dma_wait3A_91 = tpu.memref_slice %arg9[%dma_wait3A_89, %dma_wait3A_90] : memref<10112x128xf32, #tpu.memory_space<vmem_shared>> -> memref<10112x128xf32, #tpu.memory_space<vmem_shared>>
    tpu.wait_indirect_dma semaphore(%arg11 : memref<!tpu.dma_semaphore, #tpu.memory_space<semaphore_mem>>) src(%dma_wait3A_85 : memref<128x128xf32, #tpu.memory_space<vmem>>) dst(%dma_wait3A_91 : memref<10112x128xf32, #tpu.memory_space<vmem_shared>>)
    %barrier3A_92 = arith.constant 0 : index
    tpu.barrier barrier_id(%barrier3A_92)
    %mul3A_93 = arith.constant 10112 : i32
    %mul3A_94 = arith.muli %arg0, %mul3A_93 : i32
    %add3A_95 = arith.addi %mul3A_94, %mul3A_10 : i32
    "tpu.region"() ({
      %run_scoped3A_96 = tpu.sem_alloc : memref<!tpu.dma_semaphore, #tpu.memory_space<semaphore_mem>>
      %dma_start3A_97 = arith.constant 0 : i32
      %dma_start3A_98 = tpu.memref_slice %arg5[%add3A_95, %dma_start3A_97] : memref<20224x128xf32, #tpu.memory_space<hbm>> -> memref<632x128xf32, #tpu.memory_space<hbm>>
      %dma_start3A_99 = arith.constant 0 : i32
      %dma_start3A_100 = tpu.memref_slice %arg9[%mul3A_10, %dma_start3A_99] : memref<10112x128xf32, #tpu.memory_space<vmem_shared>> -> memref<632x128xf32, #tpu.memory_space<vmem_shared>>
      tpu.enqueue_dma source(%dma_start3A_100 : memref<632x128xf32, #tpu.memory_space<vmem_shared>>) target(%dma_start3A_98 : memref<632x128xf32, #tpu.memory_space<hbm>>) target_semaphore(%run_scoped3A_96 : memref<!tpu.dma_semaphore, #tpu.memory_space<semaphore_mem>>)
      %dma_wait3A_101 = arith.constant 0 : i32
      %dma_wait3A_102 = tpu.memref_slice %arg5[%add3A_95, %dma_wait3A_101] : memref<20224x128xf32, #tpu.memory_space<hbm>> -> memref<632x128xf32, #tpu.memory_space<hbm>>
      %dma_wait3A_103 = arith.constant 0 : i32
      %dma_wait3A_104 = tpu.memref_slice %arg9[%mul3A_10, %dma_wait3A_103] : memref<10112x128xf32, #tpu.memory_space<vmem_shared>> -> memref<632x128xf32, #tpu.memory_space<vmem_shared>>
      tpu.wait_dma2 semaphore(%run_scoped3A_96 : memref<!tpu.dma_semaphore, #tpu.memory_space<semaphore_mem>>) src(%dma_wait3A_104 : memref<632x128xf32, #tpu.memory_space<vmem_shared>>) dst(%dma_wait3A_102 : memref<632x128xf32, #tpu.memory_space<hbm>>)
      tpu.yield
    }) : () -> ()
    return
  }
}

#map = affine_map<(d0, d1) -> (0, 0)>
module attributes {stable_mosaic.version = 14 : i64} {
  func.func @sc_scatter(%arg0: i32, %arg1: i32, %arg2: memref<10000x128xf32, #tpu.memory_space<hbm>>, %arg3: memref<2560x128xi32, #tpu.memory_space<hbm>>, %arg4: memref<2560x128xi32, #tpu.memory_space<hbm>>, %arg5: memref<20224x128xf32, #tpu.memory_space<hbm>>, %arg6: memref<40x128xi32, #tpu.memory_space<vmem>>, %arg7: memref<40x128xi32, #tpu.memory_space<vmem>>, %arg8: memref<2x128x128xf32, #tpu.memory_space<vmem>>, %arg9: memref<10112x128xf32, #tpu.memory_space<vmem_shared>>, %arg10: memref<!tpu.dma_semaphore, #tpu.memory_space<semaphore_mem>>, %arg11: memref<!tpu.dma_semaphore, #tpu.memory_space<semaphore_mem>>) attributes {dimension_semantics = [#tpu.dimension_semantics<core_parallel>, #tpu.dimension_semantics<subcore_parallel>], iteration_bounds = array<i64: 2, 16>, scalar_prefetch = 0 : i64, scratch_operands = 6 : i64, tpu.core_type = #tpu.core_type<sc_vector_subcore>, window_params = [{transform_indices = #map}, {transform_indices = #map}, {transform_indices = #map}, {transform_indices = #map}]} {
    %mul3A = arith.constant 16 : i32
    %mul3A_0 = arith.muli %arg0, %mul3A : i32
    %add3A = arith.addi %mul3A_0, %arg1 : i32
    %mul3A_1 = arith.constant 80 : i32
    %mul3A_2 = arith.muli %add3A, %mul3A_1 : i32
    %broadcast_in_dim3A = arith.constant 0.000000e+00 : f32
    %broadcast_in_dim3A_3 = vector.broadcast %broadcast_in_dim3A : f32 to vector<16xf32>
    %scan3A = arith.constant 0 : i32
    %scan3A_4 = arith.constant 0 : i32
    %scan3A_5 = arith.constant 128 : i32
    %scan3A_6 = arith.addi %scan3A_4, %scan3A_5 : i32
    %scan3A_7 = arith.constant 1 : i32
    scf.for %scan3A_96 = %scan3A_4 to %scan3A_6 step %scan3A_7  : i32 {
      %swap3A = arith.constant 0 : i32
      %swap3A_97 = arith.index_cast %swap3A : i32 to index
      %swap3A_98 = arith.index_cast %scan3A_96 : i32 to index
      %swap3A_99 = arith.constant 0 : index
      %swap3A_100 = tpu.vector_load %arg8[%swap3A_97, %swap3A_98, %swap3A_99] {strides = array<i32>} : memref<2x128x128xf32, #tpu.memory_space<vmem>>, vector<1x1x16xf32>,
      %swap3A_101 = vector.shape_cast %swap3A_100 : vector<1x1x16xf32> to vector<16xf32>
      %swap3A_102 = vector.shape_cast %broadcast_in_dim3A_3 : vector<16xf32> to vector<1x1x16xf32>
      tpu.vector_store %arg8[%swap3A_97, %swap3A_98, %swap3A_99], %swap3A_102 {strides = array<i32>} : memref<2x128x128xf32, #tpu.memory_space<vmem>>, vector<1x1x16xf32>,
      %swap3A_103 = arith.constant 0 : i32
      %swap3A_104 = arith.index_cast %swap3A_103 : i32 to index
      %swap3A_105 = arith.index_cast %scan3A_96 : i32 to index
      %swap3A_106 = arith.constant 16 : index
      %swap3A_107 = tpu.vector_load %arg8[%swap3A_104, %swap3A_105, %swap3A_106] {strides = array<i32>} : memref<2x128x128xf32, #tpu.memory_space<vmem>>, vector<1x1x16xf32>,
      %swap3A_108 = vector.shape_cast %swap3A_107 : vector<1x1x16xf32> to vector<16xf32>
      %swap3A_109 = vector.shape_cast %broadcast_in_dim3A_3 : vector<16xf32> to vector<1x1x16xf32>
      tpu.vector_store %arg8[%swap3A_104, %swap3A_105, %swap3A_106], %swap3A_109 {strides = array<i32>} : memref<2x128x128xf32, #tpu.memory_space<vmem>>, vector<1x1x16xf32>,
      %swap3A_110 = arith.constant 0 : i32
      %swap3A_111 = arith.index_cast %swap3A_110 : i32 to index
      %swap3A_112 = arith.index_cast %scan3A_96 : i32 to index
      %swap3A_113 = arith.constant 32 : index
      %swap3A_114 = tpu.vector_load %arg8[%swap3A_111, %swap3A_112, %swap3A_113] {strides = array<i32>} : memref<2x128x128xf32, #tpu.memory_space<vmem>>, vector<1x1x16xf32>,
      %swap3A_115 = vector.shape_cast %swap3A_114 : vector<1x1x16xf32> to vector<16xf32>
      %swap3A_116 = vector.shape_cast %broadcast_in_dim3A_3 : vector<16xf32> to vector<1x1x16xf32>
      tpu.vector_store %arg8[%swap3A_111, %swap3A_112, %swap3A_113], %swap3A_116 {strides = array<i32>} : memref<2x128x128xf32, #tpu.memory_space<vmem>>, vector<1x1x16xf32>,
      %swap3A_117 = arith.constant 0 : i32
      %swap3A_118 = arith.index_cast %swap3A_117 : i32 to index
      %swap3A_119 = arith.index_cast %scan3A_96 : i32 to index
      %swap3A_120 = arith.constant 48 : index
      %swap3A_121 = tpu.vector_load %arg8[%swap3A_118, %swap3A_119, %swap3A_120] {strides = array<i32>} : memref<2x128x128xf32, #tpu.memory_space<vmem>>, vector<1x1x16xf32>,
      %swap3A_122 = vector.shape_cast %swap3A_121 : vector<1x1x16xf32> to vector<16xf32>
      %swap3A_123 = vector.shape_cast %broadcast_in_dim3A_3 : vector<16xf32> to vector<1x1x16xf32>
      tpu.vector_store %arg8[%swap3A_118, %swap3A_119, %swap3A_120], %swap3A_123 {strides = array<i32>} : memref<2x128x128xf32, #tpu.memory_space<vmem>>, vector<1x1x16xf32>,
      %swap3A_124 = arith.constant 0 : i32
      %swap3A_125 = arith.index_cast %swap3A_124 : i32 to index
      %swap3A_126 = arith.index_cast %scan3A_96 : i32 to index
      %swap3A_127 = arith.constant 64 : index
      %swap3A_128 = tpu.vector_load %arg8[%swap3A_125, %swap3A_126, %swap3A_127] {strides = array<i32>} : memref<2x128x128xf32, #tpu.memory_space<vmem>>, vector<1x1x16xf32>,
      %swap3A_129 = vector.shape_cast %swap3A_128 : vector<1x1x16xf32> to vector<16xf32>
      %swap3A_130 = vector.shape_cast %broadcast_in_dim3A_3 : vector<16xf32> to vector<1x1x16xf32>
      tpu.vector_store %arg8[%swap3A_125, %swap3A_126, %swap3A_127], %swap3A_130 {strides = array<i32>} : memref<2x128x128xf32, #tpu.memory_space<vmem>>, vector<1x1x16xf32>,
      %swap3A_131 = arith.constant 0 : i32
      %swap3A_132 = arith.index_cast %swap3A_131 : i32 to index
      %swap3A_133 = arith.index_cast %scan3A_96 : i32 to index
      %swap3A_134 = arith.constant 80 : index
      %swap3A_135 = tpu.vector_load %arg8[%swap3A_132, %swap3A_133, %swap3A_134] {strides = array<i32>} : memref<2x128x128xf32, #tpu.memory_space<vmem>>, vector<1x1x16xf32>,
      %swap3A_136 = vector.shape_cast %swap3A_135 : vector<1x1x16xf32> to vector<16xf32>
      %swap3A_137 = vector.shape_cast %broadcast_in_dim3A_3 : vector<16xf32> to vector<1x1x16xf32>
      tpu.vector_store %arg8[%swap3A_132, %swap3A_133, %swap3A_134], %swap3A_137 {strides = array<i32>} : memref<2x128x128xf32, #tpu.memory_space<vmem>>, vector<1x1x16xf32>,
      %swap3A_138 = arith.constant 0 : i32
      %swap3A_139 = arith.index_cast %swap3A_138 : i32 to index
      %swap3A_140 = arith.index_cast %scan3A_96 : i32 to index
      %swap3A_141 = arith.constant 96 : index
      %swap3A_142 = tpu.vector_load %arg8[%swap3A_139, %swap3A_140, %swap3A_141] {strides = array<i32>} : memref<2x128x128xf32, #tpu.memory_space<vmem>>, vector<1x1x16xf32>,
      %swap3A_143 = vector.shape_cast %swap3A_142 : vector<1x1x16xf32> to vector<16xf32>
      %swap3A_144 = vector.shape_cast %broadcast_in_dim3A_3 : vector<16xf32> to vector<1x1x16xf32>
      tpu.vector_store %arg8[%swap3A_139, %swap3A_140, %swap3A_141], %swap3A_144 {strides = array<i32>} : memref<2x128x128xf32, #tpu.memory_space<vmem>>, vector<1x1x16xf32>,
      %swap3A_145 = arith.constant 0 : i32
      %swap3A_146 = arith.index_cast %swap3A_145 : i32 to index
      %swap3A_147 = arith.index_cast %scan3A_96 : i32 to index
      %swap3A_148 = arith.constant 112 : index
      %swap3A_149 = tpu.vector_load %arg8[%swap3A_146, %swap3A_147, %swap3A_148] {strides = array<i32>} : memref<2x128x128xf32, #tpu.memory_space<vmem>>, vector<1x1x16xf32>,
      %swap3A_150 = vector.shape_cast %swap3A_149 : vector<1x1x16xf32> to vector<16xf32>
      %swap3A_151 = vector.shape_cast %broadcast_in_dim3A_3 : vector<16xf32> to vector<1x1x16xf32>
      tpu.vector_store %arg8[%swap3A_146, %swap3A_147, %swap3A_148], %swap3A_151 {strides = array<i32>} : memref<2x128x128xf32, #tpu.memory_space<vmem>>, vector<1x1x16xf32>,
    }
    %scan3A_8 = arith.constant 128 : i32
    %mul3A_9 = arith.constant 632 : i32
    %mul3A_10 = arith.muli %arg1, %mul3A_9 : i32
    %add3A_11 = arith.constant 0 : i32
    %add3A_12 = arith.addi %mul3A_10, %add3A_11 : i32
    %run_scoped3A = arith.constant 0 : i32
    "tpu.region"() ({
      %run_scoped3A_96 = tpu.sem_alloc : memref<!tpu.dma_semaphore, #tpu.memory_space<semaphore_mem>>
      %dma_start3A_97 = arith.constant 0 : i32
      %dma_start3A_98 = arith.constant 0 : i32
      %dma_start3A_99 = tpu.memref_slice %arg8[%run_scoped3A, %dma_start3A_97, %dma_start3A_98] : memref<2x128x128xf32, #tpu.memory_space<vmem>> -> memref<1x128x128xf32, #tpu.memory_space<vmem>>
      %dma_start3A_100 = tpu.memref_squeeze %dma_start3A_99 : memref<1x128x128xf32, #tpu.memory_space<vmem>> -> memref<128x128xf32, #tpu.memory_space<vmem>>
      %dma_start3A_101 = arith.constant 0 : i32
      %dma_start3A_102 = tpu.memref_slice %arg9[%add3A_12, %dma_start3A_101] : memref<10112x128xf32, #tpu.memory_space<vmem_shared>> -> memref<128x128xf32, #tpu.memory_space<vmem_shared>>
      %dma_start3A_103 = arith.constant 0 : i32
      %dma_start3A_104 = tpu.memref_slice %arg9[%add3A_12, %dma_start3A_103] : memref<10112x128xf32, #tpu.memory_space<vmem_shared>> -> memref<128x128xf32, #tpu.memory_space<vmem_shared>>
      %dma_start3A_105 = arith.constant 0 : i32
      %dma_start3A_106 = arith.constant 0 : i32
      %dma_start3A_107 = tpu.memref_slice %arg8[%run_scoped3A, %dma_start3A_105, %dma_start3A_106] : memref<2x128x128xf32, #tpu.memory_space<vmem>> -> memref<1x128x128xf32, #tpu.memory_space<vmem>>
      %dma_start3A_108 = tpu.memref_squeeze %dma_start3A_107 : memref<1x128x128xf32, #tpu.memory_space<vmem>> -> memref<128x128xf32, #tpu.memory_space<vmem>>
      tpu.enqueue_dma source(%dma_start3A_108 : memref<128x128xf32, #tpu.memory_space<vmem>>) target(%dma_start3A_104 : memref<128x128xf32, #tpu.memory_space<vmem_shared>>) target_semaphore(%run_scoped3A_96 : memref<!tpu.dma_semaphore, #tpu.memory_space<semaphore_mem>>)
      %dma_wait3A_109 = arith.constant 0 : i32
      %dma_wait3A_110 = arith.constant 0 : i32
      %dma_wait3A_111 = tpu.memref_slice %arg8[%run_scoped3A, %dma_wait3A_109, %dma_wait3A_110] : memref<2x128x128xf32, #tpu.memory_space<vmem>> -> memref<1x128x128xf32, #tpu.memory_space<vmem>>
      %dma_wait3A_112 = tpu.memref_squeeze %dma_wait3A_111 : memref<1x128x128xf32, #tpu.memory_space<vmem>> -> memref<128x128xf32, #tpu.memory_space<vmem>>
      %dma_wait3A_113 = arith.constant 0 : i32
      %dma_wait3A_114 = tpu.memref_slice %arg9[%add3A_12, %dma_wait3A_113] : memref<10112x128xf32, #tpu.memory_space<vmem_shared>> -> memref<128x128xf32, #tpu.memory_space<vmem_shared>>
      %dma_wait3A_115 = arith.constant 0 : i32
      %dma_wait3A_116 = tpu.memref_slice %arg9[%add3A_12, %dma_wait3A_115] : memref<10112x128xf32, #tpu.memory_space<vmem_shared>> -> memref<128x128xf32, #tpu.memory_space<vmem_shared>>
      %dma_wait3A_117 = arith.constant 0 : i32
      %dma_wait3A_118 = arith.constant 0 : i32
      %dma_wait3A_119 = tpu.memref_slice %arg8[%run_scoped3A, %dma_wait3A_117, %dma_wait3A_118] : memref<2x128x128xf32, #tpu.memory_space<vmem>> -> memref<1x128x128xf32, #tpu.memory_space<vmem>>
      %dma_wait3A_120 = tpu.memref_squeeze %dma_wait3A_119 : memref<1x128x128xf32, #tpu.memory_space<vmem>> -> memref<128x128xf32, #tpu.memory_space<vmem>>
      tpu.wait_dma2 semaphore(%run_scoped3A_96 : memref<!tpu.dma_semaphore, #tpu.memory_space<semaphore_mem>>) src(%dma_wait3A_120 : memref<128x128xf32, #tpu.memory_space<vmem>>) dst(%dma_wait3A_116 : memref<128x128xf32, #tpu.memory_space<vmem_shared>>)
      tpu.yield
    }) : () -> ()
    %add3A_13 = arith.constant 128 : i32
    %add3A_14 = arith.addi %mul3A_10, %add3A_13 : i32
    %run_scoped3A_15 = arith.constant 0 : i32
    "tpu.region"() ({
      %run_scoped3A_96 = tpu.sem_alloc : memref<!tpu.dma_semaphore, #tpu.memory_space<semaphore_mem>>
      %dma_start3A_97 = arith.constant 0 : i32
      %dma_start3A_98 = arith.constant 0 : i32
      %dma_start3A_99 = tpu.memref_slice %arg8[%run_scoped3A_15, %dma_start3A_97, %dma_start3A_98] : memref<2x128x128xf32, #tpu.memory_space<vmem>> -> memref<1x128x128xf32, #tpu.memory_space<vmem>>
      %dma_start3A_100 = tpu.memref_squeeze %dma_start3A_99 : memref<1x128x128xf32, #tpu.memory_space<vmem>> -> memref<128x128xf32, #tpu.memory_space<vmem>>
      %dma_start3A_101 = arith.constant 0 : i32
      %dma_start3A_102 = tpu.memref_slice %arg9[%add3A_14, %dma_start3A_101] : memref<10112x128xf32, #tpu.memory_space<vmem_shared>> -> memref<128x128xf32, #tpu.memory_space<vmem_shared>>
      %dma_start3A_103 = arith.constant 0 : i32
      %dma_start3A_104 = tpu.memref_slice %arg9[%add3A_14, %dma_start3A_103] : memref<10112x128xf32, #tpu.memory_space<vmem_shared>> -> memref<128x128xf32, #tpu.memory_space<vmem_shared>>
      %dma_start3A_105 = arith.constant 0 : i32
      %dma_start3A_106 = arith.constant 0 : i32
      %dma_start3A_107 = tpu.memref_slice %arg8[%run_scoped3A_15, %dma_start3A_105, %dma_start3A_106] : memref<2x128x128xf32, #tpu.memory_space<vmem>> -> memref<1x128x128xf32, #tpu.memory_space<vmem>>
      %dma_start3A_108 = tpu.memref_squeeze %dma_start3A_107 : memref<1x128x128xf32, #tpu.memory_space<vmem>> -> memref<128x128xf32, #tpu.memory_space<vmem>>
      tpu.enqueue_dma source(%dma_start3A_108 : memref<128x128xf32, #tpu.memory_space<vmem>>) target(%dma_start3A_104 : memref<128x128xf32, #tpu.memory_space<vmem_shared>>) target_semaphore(%run_scoped3A_96 : memref<!tpu.dma_semaphore, #tpu.memory_space<semaphore_mem>>)
      %dma_wait3A_109 = arith.constant 0 : i32
      %dma_wait3A_110 = arith.constant 0 : i32
      %dma_wait3A_111 = tpu.memref_slice %arg8[%run_scoped3A_15, %dma_wait3A_109, %dma_wait3A_110] : memref<2x128x128xf32, #tpu.memory_space<vmem>> -> memref<1x128x128xf32, #tpu.memory_space<vmem>>
      %dma_wait3A_112 = tpu.memref_squeeze %dma_wait3A_111 : memref<1x128x128xf32, #tpu.memory_space<vmem>> -> memref<128x128xf32, #tpu.memory_space<vmem>>
      %dma_wait3A_113 = arith.constant 0 : i32
      %dma_wait3A_114 = tpu.memref_slice %arg9[%add3A_14, %dma_wait3A_113] : memref<10112x128xf32, #tpu.memory_space<vmem_shared>> -> memref<128x128xf32, #tpu.memory_space<vmem_shared>>
      %dma_wait3A_115 = arith.constant 0 : i32
      %dma_wait3A_116 = tpu.memref_slice %arg9[%add3A_14, %dma_wait3A_115] : memref<10112x128xf32, #tpu.memory_space<vmem_shared>> -> memref<128x128xf32, #tpu.memory_space<vmem_shared>>
      %dma_wait3A_117 = arith.constant 0 : i32
      %dma_wait3A_118 = arith.constant 0 : i32
      %dma_wait3A_119 = tpu.memref_slice %arg8[%run_scoped3A_15, %dma_wait3A_117, %dma_wait3A_118] : memref<2x128x128xf32, #tpu.memory_space<vmem>> -> memref<1x128x128xf32, #tpu.memory_space<vmem>>
      %dma_wait3A_120 = tpu.memref_squeeze %dma_wait3A_119 : memref<1x128x128xf32, #tpu.memory_space<vmem>> -> memref<128x128xf32, #tpu.memory_space<vmem>>
      tpu.wait_dma2 semaphore(%run_scoped3A_96 : memref<!tpu.dma_semaphore, #tpu.memory_space<semaphore_mem>>) src(%dma_wait3A_120 : memref<128x128xf32, #tpu.memory_space<vmem>>) dst(%dma_wait3A_116 : memref<128x128xf32, #tpu.memory_space<vmem_shared>>)
      tpu.yield
    }) : () -> ()
    %add3A_16 = arith.constant 256 : i32
    %add3A_17 = arith.addi %mul3A_10, %add3A_16 : i32
    %run_scoped3A_18 = arith.constant 0 : i32
    "tpu.region"() ({
      %run_scoped3A_96 = tpu.sem_alloc : memref<!tpu.dma_semaphore, #tpu.memory_space<semaphore_mem>>
      %dma_start3A_97 = arith.constant 0 : i32
      %dma_start3A_98 = arith.constant 0 : i32
      %dma_start3A_99 = tpu.memref_slice %arg8[%run_scoped3A_18, %dma_start3A_97, %dma_start3A_98] : memref<2x128x128xf32, #tpu.memory_space<vmem>> -> memref<1x128x128xf32, #tpu.memory_space<vmem>>
      %dma_start3A_100 = tpu.memref_squeeze %dma_start3A_99 : memref<1x128x128xf32, #tpu.memory_space<vmem>> -> memref<128x128xf32, #tpu.memory_space<vmem>>
      %dma_start3A_101 = arith.constant 0 : i32
      %dma_start3A_102 = tpu.memref_slice %arg9[%add3A_17, %dma_start3A_101] : memref<10112x128xf32, #tpu.memory_space<vmem_shared>> -> memref<128x128xf32, #tpu.memory_space<vmem_shared>>
      %dma_start3A_103 = arith.constant 0 : i32
      %dma_start3A_104 = tpu.memref_slice %arg9[%add3A_17, %dma_start3A_103] : memref<10112x128xf32, #tpu.memory_space<vmem_shared>> -> memref<128x128xf32, #tpu.memory_space<vmem_shared>>
      %dma_start3A_105 = arith.constant 0 : i32
      %dma_start3A_106 = arith.constant 0 : i32
      %dma_start3A_107 = tpu.memref_slice %arg8[%run_scoped3A_18, %dma_start3A_105, %dma_start3A_106] : memref<2x128x128xf32, #tpu.memory_space<vmem>> -> memref<1x128x128xf32, #tpu.memory_space<vmem>>
      %dma_start3A_108 = tpu.memref_squeeze %dma_start3A_107 : memref<1x128x128xf32, #tpu.memory_space<vmem>> -> memref<128x128xf32, #tpu.memory_space<vmem>>
      tpu.enqueue_dma source(%dma_start3A_108 : memref<128x128xf32, #tpu.memory_space<vmem>>) target(%dma_start3A_104 : memref<128x128xf32, #tpu.memory_space<vmem_shared>>) target_semaphore(%run_scoped3A_96 : memref<!tpu.dma_semaphore, #tpu.memory_space<semaphore_mem>>)
      %dma_wait3A_109 = arith.constant 0 : i32
      %dma_wait3A_110 = arith.constant 0 : i32
      %dma_wait3A_111 = tpu.memref_slice %arg8[%run_scoped3A_18, %dma_wait3A_109, %dma_wait3A_110] : memref<2x128x128xf32, #tpu.memory_space<vmem>> -> memref<1x128x128xf32, #tpu.memory_space<vmem>>
      %dma_wait3A_112 = tpu.memref_squeeze %dma_wait3A_111 : memref<1x128x128xf32, #tpu.memory_space<vmem>> -> memref<128x128xf32, #tpu.memory_space<vmem>>
      %dma_wait3A_113 = arith.constant 0 : i32
      %dma_wait3A_114 = tpu.memref_slice %arg9[%add3A_17, %dma_wait3A_113] : memref<10112x128xf32, #tpu.memory_space<vmem_shared>> -> memref<128x128xf32, #tpu.memory_space<vmem_shared>>
      %dma_wait3A_115 = arith.constant 0 : i32
      %dma_wait3A_116 = tpu.memref_slice %arg9[%add3A_17, %dma_wait3A_115] : memref<10112x128xf32, #tpu.memory_space<vmem_shared>> -> memref<128x128xf32, #tpu.memory_space<vmem_shared>>
      %dma_wait3A_117 = arith.constant 0 : i32
      %dma_wait3A_118 = arith.constant 0 : i32
      %dma_wait3A_119 = tpu.memref_slice %arg8[%run_scoped3A_18, %dma_wait3A_117, %dma_wait3A_118] : memref<2x128x128xf32, #tpu.memory_space<vmem>> -> memref<1x128x128xf32, #tpu.memory_space<vmem>>
      %dma_wait3A_120 = tpu.memref_squeeze %dma_wait3A_119 : memref<1x128x128xf32, #tpu.memory_space<vmem>> -> memref<128x128xf32, #tpu.memory_space<vmem>>
      tpu.wait_dma2 semaphore(%run_scoped3A_96 : memref<!tpu.dma_semaphore, #tpu.memory_space<semaphore_mem>>) src(%dma_wait3A_120 : memref<128x128xf32, #tpu.memory_space<vmem>>) dst(%dma_wait3A_116 : memref<128x128xf32, #tpu.memory_space<vmem_shared>>)
      tpu.yield
    }) : () -> ()
    %add3A_19 = arith.constant 384 : i32
    %add3A_20 = arith.addi %mul3A_10, %add3A_19 : i32
    %run_scoped3A_21 = arith.constant 0 : i32
    "tpu.region"() ({
      %run_scoped3A_96 = tpu.sem_alloc : memref<!tpu.dma_semaphore, #tpu.memory_space<semaphore_mem>>
      %dma_start3A_97 = arith.constant 0 : i32
      %dma_start3A_98 = arith.constant 0 : i32
      %dma_start3A_99 = tpu.memref_slice %arg8[%run_scoped3A_21, %dma_start3A_97, %dma_start3A_98] : memref<2x128x128xf32, #tpu.memory_space<vmem>> -> memref<1x128x128xf32, #tpu.memory_space<vmem>>
      %dma_start3A_100 = tpu.memref_squeeze %dma_start3A_99 : memref<1x128x128xf32, #tpu.memory_space<vmem>> -> memref<128x128xf32, #tpu.memory_space<vmem>>
      %dma_start3A_101 = arith.constant 0 : i32
      %dma_start3A_102 = tpu.memref_slice %arg9[%add3A_20, %dma_start3A_101] : memref<10112x128xf32, #tpu.memory_space<vmem_shared>> -> memref<128x128xf32, #tpu.memory_space<vmem_shared>>
      %dma_start3A_103 = arith.constant 0 : i32
      %dma_start3A_104 = tpu.memref_slice %arg9[%add3A_20, %dma_start3A_103] : memref<10112x128xf32, #tpu.memory_space<vmem_shared>> -> memref<128x128xf32, #tpu.memory_space<vmem_shared>>
      %dma_start3A_105 = arith.constant 0 : i32
      %dma_start3A_106 = arith.constant 0 : i32
      %dma_start3A_107 = tpu.memref_slice %arg8[%run_scoped3A_21, %dma_start3A_105, %dma_start3A_106] : memref<2x128x128xf32, #tpu.memory_space<vmem>> -> memref<1x128x128xf32, #tpu.memory_space<vmem>>
      %dma_start3A_108 = tpu.memref_squeeze %dma_start3A_107 : memref<1x128x128xf32, #tpu.memory_space<vmem>> -> memref<128x128xf32, #tpu.memory_space<vmem>>
      tpu.enqueue_dma source(%dma_start3A_108 : memref<128x128xf32, #tpu.memory_space<vmem>>) target(%dma_start3A_104 : memref<128x128xf32, #tpu.memory_space<vmem_shared>>) target_semaphore(%run_scoped3A_96 : memref<!tpu.dma_semaphore, #tpu.memory_space<semaphore_mem>>)
      %dma_wait3A_109 = arith.constant 0 : i32
      %dma_wait3A_110 = arith.constant 0 : i32
      %dma_wait3A_111 = tpu.memref_slice %arg8[%run_scoped3A_21, %dma_wait3A_109, %dma_wait3A_110] : memref<2x128x128xf32, #tpu.memory_space<vmem>> -> memref<1x128x128xf32, #tpu.memory_space<vmem>>
      %dma_wait3A_112 = tpu.memref_squeeze %dma_wait3A_111 : memref<1x128x128xf32, #tpu.memory_space<vmem>> -> memref<128x128xf32, #tpu.memory_space<vmem>>
      %dma_wait3A_113 = arith.constant 0 : i32
      %dma_wait3A_114 = tpu.memref_slice %arg9[%add3A_20, %dma_wait3A_113] : memref<10112x128xf32, #tpu.memory_space<vmem_shared>> -> memref<128x128xf32, #tpu.memory_space<vmem_shared>>
      %dma_wait3A_115 = arith.constant 0 : i32
      %dma_wait3A_116 = tpu.memref_slice %arg9[%add3A_20, %dma_wait3A_115] : memref<10112x128xf32, #tpu.memory_space<vmem_shared>> -> memref<128x128xf32, #tpu.memory_space<vmem_shared>>
      %dma_wait3A_117 = arith.constant 0 : i32
      %dma_wait3A_118 = arith.constant 0 : i32
      %dma_wait3A_119 = tpu.memref_slice %arg8[%run_scoped3A_21, %dma_wait3A_117, %dma_wait3A_118] : memref<2x128x128xf32, #tpu.memory_space<vmem>> -> memref<1x128x128xf32, #tpu.memory_space<vmem>>
      %dma_wait3A_120 = tpu.memref_squeeze %dma_wait3A_119 : memref<1x128x128xf32, #tpu.memory_space<vmem>> -> memref<128x128xf32, #tpu.memory_space<vmem>>
      tpu.wait_dma2 semaphore(%run_scoped3A_96 : memref<!tpu.dma_semaphore, #tpu.memory_space<semaphore_mem>>) src(%dma_wait3A_120 : memref<128x128xf32, #tpu.memory_space<vmem>>) dst(%dma_wait3A_116 : memref<128x128xf32, #tpu.memory_space<vmem_shared>>)
      tpu.yield
    }) : () -> ()
    %add3A_22 = arith.constant 632 : i32
    %add3A_23 = arith.addi %mul3A_10, %add3A_22 : i32
    %sub3A = arith.constant 128 : i32
    %sub3A_24 = arith.subi %add3A_23, %sub3A : i32
    %run_scoped3A_25 = arith.constant 0 : i32
    "tpu.region"() ({
      %run_scoped3A_96 = tpu.sem_alloc : memref<!tpu.dma_semaphore, #tpu.memory_space<semaphore_mem>>
      %dma_start3A_97 = arith.constant 0 : i32
      %dma_start3A_98 = arith.constant 0 : i32
      %dma_start3A_99 = tpu.memref_slice %arg8[%run_scoped3A_25, %dma_start3A_97, %dma_start3A_98] : memref<2x128x128xf32, #tpu.memory_space<vmem>> -> memref<1x128x128xf32, #tpu.memory_space<vmem>>
      %dma_start3A_100 = tpu.memref_squeeze %dma_start3A_99 : memref<1x128x128xf32, #tpu.memory_space<vmem>> -> memref<128x128xf32, #tpu.memory_space<vmem>>
      %dma_start3A_101 = arith.constant 0 : i32
      %dma_start3A_102 = tpu.memref_slice %arg9[%sub3A_24, %dma_start3A_101] : memref<10112x128xf32, #tpu.memory_space<vmem_shared>> -> memref<128x128xf32, #tpu.memory_space<vmem_shared>>
      %dma_start3A_103 = arith.constant 0 : i32
      %dma_start3A_104 = tpu.memref_slice %arg9[%sub3A_24, %dma_start3A_103] : memref<10112x128xf32, #tpu.memory_space<vmem_shared>> -> memref<128x128xf32, #tpu.memory_space<vmem_shared>>
      %dma_start3A_105 = arith.constant 0 : i32
      %dma_start3A_106 = arith.constant 0 : i32
      %dma_start3A_107 = tpu.memref_slice %arg8[%run_scoped3A_25, %dma_start3A_105, %dma_start3A_106] : memref<2x128x128xf32, #tpu.memory_space<vmem>> -> memref<1x128x128xf32, #tpu.memory_space<vmem>>
      %dma_start3A_108 = tpu.memref_squeeze %dma_start3A_107 : memref<1x128x128xf32, #tpu.memory_space<vmem>> -> memref<128x128xf32, #tpu.memory_space<vmem>>
      tpu.enqueue_dma source(%dma_start3A_108 : memref<128x128xf32, #tpu.memory_space<vmem>>) target(%dma_start3A_104 : memref<128x128xf32, #tpu.memory_space<vmem_shared>>) target_semaphore(%run_scoped3A_96 : memref<!tpu.dma_semaphore, #tpu.memory_space<semaphore_mem>>)
      %dma_wait3A_109 = arith.constant 0 : i32
      %dma_wait3A_110 = arith.constant 0 : i32
      %dma_wait3A_111 = tpu.memref_slice %arg8[%run_scoped3A_25, %dma_wait3A_109, %dma_wait3A_110] : memref<2x128x128xf32, #tpu.memory_space<vmem>> -> memref<1x128x128xf32, #tpu.memory_space<vmem>>
      %dma_wait3A_112 = tpu.memref_squeeze %dma_wait3A_111 : memref<1x128x128xf32, #tpu.memory_space<vmem>> -> memref<128x128xf32, #tpu.memory_space<vmem>>
      %dma_wait3A_113 = arith.constant 0 : i32
      %dma_wait3A_114 = tpu.memref_slice %arg9[%sub3A_24, %dma_wait3A_113] : memref<10112x128xf32, #tpu.memory_space<vmem_shared>> -> memref<128x128xf32, #tpu.memory_space<vmem_shared>>
      %dma_wait3A_115 = arith.constant 0 : i32
      %dma_wait3A_116 = tpu.memref_slice %arg9[%sub3A_24, %dma_wait3A_115] : memref<10112x128xf32, #tpu.memory_space<vmem_shared>> -> memref<128x128xf32, #tpu.memory_space<vmem_shared>>
      %dma_wait3A_117 = arith.constant 0 : i32
      %dma_wait3A_118 = arith.constant 0 : i32
      %dma_wait3A_119 = tpu.memref_slice %arg8[%run_scoped3A_25, %dma_wait3A_117, %dma_wait3A_118] : memref<2x128x128xf32, #tpu.memory_space<vmem>> -> memref<1x128x128xf32, #tpu.memory_space<vmem>>
      %dma_wait3A_120 = tpu.memref_squeeze %dma_wait3A_119 : memref<1x128x128xf32, #tpu.memory_space<vmem>> -> memref<128x128xf32, #tpu.memory_space<vmem>>
      tpu.wait_dma2 semaphore(%run_scoped3A_96 : memref<!tpu.dma_semaphore, #tpu.memory_space<semaphore_mem>>) src(%dma_wait3A_120 : memref<128x128xf32, #tpu.memory_space<vmem>>) dst(%dma_wait3A_116 : memref<128x128xf32, #tpu.memory_space<vmem_shared>>)
      tpu.yield
    }) : () -> ()
    %barrier3A = arith.constant 0 : index
    tpu.barrier barrier_id(%barrier3A)
    %add3A_26 = arith.constant 0 : i32
    %add3A_27 = arith.addi %mul3A_2, %add3A_26 : i32
    "tpu.region"() ({
      %run_scoped3A_96 = tpu.sem_alloc : memref<!tpu.dma_semaphore, #tpu.memory_space<semaphore_mem>>
      %dma_start3A_97 = arith.constant 0 : i32
      %dma_start3A_98 = tpu.memref_slice %arg3[%add3A_27, %dma_start3A_97] : memref<2560x128xi32, #tpu.memory_space<hbm>> -> memref<40x128xi32, #tpu.memory_space<hbm>>
      %dma_start3A_99 = arith.constant 0 : i32
      %dma_start3A_100 = tpu.memref_slice %arg3[%add3A_27, %dma_start3A_99] : memref<2560x128xi32, #tpu.memory_space<hbm>> -> memref<40x128xi32, #tpu.memory_space<hbm>>
      tpu.enqueue_dma source(%dma_start3A_100 : memref<40x128xi32, #tpu.memory_space<hbm>>) target(%arg6 : memref<40x128xi32, #tpu.memory_space<vmem>>) target_semaphore(%run_scoped3A_96 : memref<!tpu.dma_semaphore, #tpu.memory_space<semaphore_mem>>)
      %dma_wait3A_101 = arith.constant 0 : i32
      %dma_wait3A_102 = tpu.memref_slice %arg3[%add3A_27, %dma_wait3A_101] : memref<2560x128xi32, #tpu.memory_space<hbm>> -> memref<40x128xi32, #tpu.memory_space<hbm>>
      %dma_wait3A_103 = arith.constant 0 : i32
      %dma_wait3A_104 = tpu.memref_slice %arg3[%add3A_27, %dma_wait3A_103] : memref<2560x128xi32, #tpu.memory_space<hbm>> -> memref<40x128xi32, #tpu.memory_space<hbm>>
      tpu.wait_dma2 semaphore(%run_scoped3A_96 : memref<!tpu.dma_semaphore, #tpu.memory_space<semaphore_mem>>) src(%dma_wait3A_104 : memref<40x128xi32, #tpu.memory_space<hbm>>) dst(%arg6 : memref<40x128xi32, #tpu.memory_space<vmem>>)
      tpu.yield
    }) : () -> ()
    %add3A_28 = arith.constant 0 : i32
    %add3A_29 = arith.addi %mul3A_2, %add3A_28 : i32
    "tpu.region"() ({
      %run_scoped3A_96 = tpu.sem_alloc : memref<!tpu.dma_semaphore, #tpu.memory_space<semaphore_mem>>
      %dma_start3A_97 = arith.constant 0 : i32
      %dma_start3A_98 = tpu.memref_slice %arg4[%add3A_29, %dma_start3A_97] : memref<2560x128xi32, #tpu.memory_space<hbm>> -> memref<40x128xi32, #tpu.memory_space<hbm>>
      %dma_start3A_99 = arith.constant 0 : i32
      %dma_start3A_100 = tpu.memref_slice %arg4[%add3A_29, %dma_start3A_99] : memref<2560x128xi32, #tpu.memory_space<hbm>> -> memref<40x128xi32, #tpu.memory_space<hbm>>
      tpu.enqueue_dma source(%dma_start3A_100 : memref<40x128xi32, #tpu.memory_space<hbm>>) target(%arg7 : memref<40x128xi32, #tpu.memory_space<vmem>>) target_semaphore(%run_scoped3A_96 : memref<!tpu.dma_semaphore, #tpu.memory_space<semaphore_mem>>)
      %dma_wait3A_101 = arith.constant 0 : i32
      %dma_wait3A_102 = tpu.memref_slice %arg4[%add3A_29, %dma_wait3A_101] : memref<2560x128xi32, #tpu.memory_space<hbm>> -> memref<40x128xi32, #tpu.memory_space<hbm>>
      %dma_wait3A_103 = arith.constant 0 : i32
      %dma_wait3A_104 = tpu.memref_slice %arg4[%add3A_29, %dma_wait3A_103] : memref<2560x128xi32, #tpu.memory_space<hbm>> -> memref<40x128xi32, #tpu.memory_space<hbm>>
      tpu.wait_dma2 semaphore(%run_scoped3A_96 : memref<!tpu.dma_semaphore, #tpu.memory_space<semaphore_mem>>) src(%dma_wait3A_104 : memref<40x128xi32, #tpu.memory_space<hbm>>) dst(%arg7 : memref<40x128xi32, #tpu.memory_space<vmem>>)
      tpu.yield
    }) : () -> ()
    %dma_start3A = arith.constant 0 : i32
    %dma_start3A_30 = arith.constant 0 : i32
    %dma_start3A_31 = arith.constant 0 : i32
    %dma_start3A_32 = arith.constant 0 : i32
    %dma_start3A_33 = tpu.memref_slice %arg8[%dma_start3A_30, %dma_start3A_31, %dma_start3A_32] : memref<2x128x128xf32, #tpu.memory_space<vmem>> -> memref<1x128x128xf32, #tpu.memory_space<vmem>>
    %dma_start3A_34 = tpu.memref_squeeze %dma_start3A_33 : memref<1x128x128xf32, #tpu.memory_space<vmem>> -> memref<128x128xf32, #tpu.memory_space<vmem>>
    %dma_start3A_35 = arith.constant 0 : i32
    %dma_start3A_36 = tpu.memref_slice %arg6[%dma_start3A, %dma_start3A_35] : memref<40x128xi32, #tpu.memory_space<vmem>> -> memref<1x128xi32, #tpu.memory_space<vmem>>
    %dma_start3A_37 = tpu.memref_squeeze %dma_start3A_36 : memref<1x128xi32, #tpu.memory_space<vmem>> -> memref<128xi32, #tpu.memory_space<vmem>>
    %dma_start3A_38 = arith.constant 0 : i32
    %dma_start3A_39 = arith.constant 0 : i32
    %dma_start3A_40 = tpu.memref_slice %arg2[%dma_start3A_38, %dma_start3A_39] : memref<10000x128xf32, #tpu.memory_space<hbm>> -> memref<10000x128xf32, #tpu.memory_space<hbm>>
    tpu.enqueue_indirect_dma source(%dma_start3A_40 : memref<10000x128xf32, #tpu.memory_space<hbm>>) target(%dma_start3A_34 : memref<128x128xf32, #tpu.memory_space<vmem>>) offsets(%dma_start3A_37 : memref<128xi32, #tpu.memory_space<vmem>>) semaphore(%arg10 : memref<!tpu.dma_semaphore, #tpu.memory_space<semaphore_mem>>)
    %scan3A_41 = arith.constant 0 : i32
    %scan3A_42 = arith.constant 0 : i32
    %scan3A_43 = arith.constant 40 : i32
    %scan3A_44 = arith.addi %scan3A_42, %scan3A_43 : i32
    %scan3A_45 = arith.constant 1 : i32
    scf.for %scan3A_96 = %scan3A_42 to %scan3A_44 step %scan3A_45  : i32 {
      %rem3A = arith.constant 2 : i32
      %rem3A_97 = arith.remsi %scan3A_96, %rem3A : i32
      %gt3A = arith.constant 0 : i32
      %gt3A_98 = arith.cmpi sgt, %scan3A_96, %gt3A : i32
      %convert_element_type3A = arith.extui %gt3A_98 : i1 to i32
      %cond3A = arith.constant 0 : i32
      %cond3A_99 = arith.cmpi ne, %convert_element_type3A, %cond3A : i32
      scf.if %cond3A_99 {
        %dma_wait3A_128 = arith.constant 0 : i32
        %dma_wait3A_129 = arith.constant 0 : i32
        %dma_wait3A_130 = arith.constant 0 : i32
        %dma_wait3A_131 = arith.constant 0 : i32
        %dma_wait3A_132 = tpu.memref_slice %arg8[%dma_wait3A_128, %dma_wait3A_130, %dma_wait3A_131] : memref<2x128x128xf32, #tpu.memory_space<vmem>> -> memref<1x128x128xf32, #tpu.memory_space<vmem>>
        %dma_wait3A_133 = tpu.memref_squeeze %dma_wait3A_132 : memref<1x128x128xf32, #tpu.memory_space<vmem>> -> memref<128x128xf32, #tpu.memory_space<vmem>>
        %dma_wait3A_134 = arith.constant 0 : i32
        %dma_wait3A_135 = tpu.memref_slice %arg7[%dma_wait3A_129, %dma_wait3A_134] : memref<40x128xi32, #tpu.memory_space<vmem>> -> memref<1x128xi32, #tpu.memory_space<vmem>>
        %dma_wait3A_136 = tpu.memref_squeeze %dma_wait3A_135 : memref<1x128xi32, #tpu.memory_space<vmem>> -> memref<128xi32, #tpu.memory_space<vmem>>
        %dma_wait3A_137 = arith.constant 0 : i32
        %dma_wait3A_138 = arith.constant 0 : i32
        %dma_wait3A_139 = tpu.memref_slice %arg9[%dma_wait3A_137, %dma_wait3A_138] : memref<10112x128xf32, #tpu.memory_space<vmem_shared>> -> memref<10112x128xf32, #tpu.memory_space<vmem_shared>>
        tpu.wait_indirect_dma semaphore(%arg11 : memref<!tpu.dma_semaphore, #tpu.memory_space<semaphore_mem>>) src(%dma_wait3A_133 : memref<128x128xf32, #tpu.memory_space<vmem>>) dst(%dma_wait3A_139 : memref<10112x128xf32, #tpu.memory_space<vmem_shared>>)
      } else {
      }
      %add3A_100 = arith.constant 1 : i32
      %add3A_101 = arith.addi %scan3A_96, %add3A_100 : i32
      %lt3A = arith.constant 40 : i32
      %lt3A_102 = arith.cmpi slt, %add3A_101, %lt3A : i32
      %convert_element_type3A_103 = arith.extui %lt3A_102 : i1 to i32
      %cond3A_104 = arith.constant 0 : i32
      %cond3A_105 = arith.cmpi ne, %convert_element_type3A_103, %cond3A_104 : i32
      scf.if %cond3A_105 {
        %add3A_128 = arith.constant 1 : i32
        %add3A_129 = arith.addi %scan3A_96, %add3A_128 : i32
        %sub3A_130 = arith.constant 1 : i32
        %sub3A_131 = arith.subi %sub3A_130, %rem3A_97 : i32
        %dma_start3A_132 = arith.constant 0 : i32
        %dma_start3A_133 = arith.constant 0 : i32
        %dma_start3A_134 = tpu.memref_slice %arg8[%sub3A_131, %dma_start3A_132, %dma_start3A_133] : memref<2x128x128xf32, #tpu.memory_space<vmem>> -> memref<1x128x128xf32, #tpu.memory_space<vmem>>
        %dma_start3A_135 = tpu.memref_squeeze %dma_start3A_134 : memref<1x128x128xf32, #tpu.memory_space<vmem>> -> memref<128x128xf32, #tpu.memory_space<vmem>>
        %dma_start3A_136 = arith.constant 0 : i32
        %dma_start3A_137 = tpu.memref_slice %arg6[%add3A_129, %dma_start3A_136] : memref<40x128xi32, #tpu.memory_space<vmem>> -> memref<1x128xi32, #tpu.memory_space<vmem>>
        %dma_start3A_138 = tpu.memref_squeeze %dma_start3A_137 : memref<1x128xi32, #tpu.memory_space<vmem>> -> memref<128xi32, #tpu.memory_space<vmem>>
        %dma_start3A_139 = arith.constant 0 : i32
        %dma_start3A_140 = arith.constant 0 : i32
        %dma_start3A_141 = tpu.memref_slice %arg2[%dma_start3A_139, %dma_start3A_140] : memref<10000x128xf32, #tpu.memory_space<hbm>> -> memref<10000x128xf32, #tpu.memory_space<hbm>>
        tpu.enqueue_indirect_dma source(%dma_start3A_141 : memref<10000x128xf32, #tpu.memory_space<hbm>>) target(%dma_start3A_135 : memref<128x128xf32, #tpu.memory_space<vmem>>) offsets(%dma_start3A_138 : memref<128xi32, #tpu.memory_space<vmem>>) semaphore(%arg10 : memref<!tpu.dma_semaphore, #tpu.memory_space<semaphore_mem>>)
      } else {
      }
      %dma_wait3A_106 = arith.constant 0 : i32
      %dma_wait3A_107 = arith.constant 0 : i32
      %dma_wait3A_108 = arith.constant 0 : i32
      %dma_wait3A_109 = arith.constant 0 : i32
      %dma_wait3A_110 = tpu.memref_slice %arg8[%dma_wait3A_107, %dma_wait3A_108, %dma_wait3A_109] : memref<2x128x128xf32, #tpu.memory_space<vmem>> -> memref<1x128x128xf32, #tpu.memory_space<vmem>>
      %dma_wait3A_111 = tpu.memref_squeeze %dma_wait3A_110 : memref<1x128x128xf32, #tpu.memory_space<vmem>> -> memref<128x128xf32, #tpu.memory_space<vmem>>
      %dma_wait3A_112 = arith.constant 0 : i32
      %dma_wait3A_113 = tpu.memref_slice %arg6[%dma_wait3A_106, %dma_wait3A_112] : memref<40x128xi32, #tpu.memory_space<vmem>> -> memref<1x128xi32, #tpu.memory_space<vmem>>
      %dma_wait3A_114 = tpu.memref_squeeze %dma_wait3A_113 : memref<1x128xi32, #tpu.memory_space<vmem>> -> memref<128xi32, #tpu.memory_space<vmem>>
      %dma_wait3A_115 = arith.constant 0 : i32
      %dma_wait3A_116 = arith.constant 0 : i32
      %dma_wait3A_117 = tpu.memref_slice %arg2[%dma_wait3A_115, %dma_wait3A_116] : memref<10000x128xf32, #tpu.memory_space<hbm>> -> memref<10000x128xf32, #tpu.memory_space<hbm>>
      tpu.wait_indirect_dma semaphore(%arg10 : memref<!tpu.dma_semaphore, #tpu.memory_space<semaphore_mem>>) src(%dma_wait3A_117 : memref<10000x128xf32, #tpu.memory_space<hbm>>) dst(%dma_wait3A_111 : memref<128x128xf32, #tpu.memory_space<vmem>>)
      %dma_start3A_118 = arith.constant 0 : i32
      %dma_start3A_119 = arith.constant 0 : i32
      %dma_start3A_120 = tpu.memref_slice %arg8[%rem3A_97, %dma_start3A_118, %dma_start3A_119] : memref<2x128x128xf32, #tpu.memory_space<vmem>> -> memref<1x128x128xf32, #tpu.memory_space<vmem>>
      %dma_start3A_121 = tpu.memref_squeeze %dma_start3A_120 : memref<1x128x128xf32, #tpu.memory_space<vmem>> -> memref<128x128xf32, #tpu.memory_space<vmem>>
      %dma_start3A_122 = arith.constant 0 : i32
      %dma_start3A_123 = tpu.memref_slice %arg7[%scan3A_96, %dma_start3A_122] : memref<40x128xi32, #tpu.memory_space<vmem>> -> memref<1x128xi32, #tpu.memory_space<vmem>>
      %dma_start3A_124 = tpu.memref_squeeze %dma_start3A_123 : memref<1x128xi32, #tpu.memory_space<vmem>> -> memref<128xi32, #tpu.memory_space<vmem>>
      %dma_start3A_125 = arith.constant 0 : i32
      %dma_start3A_126 = arith.constant 0 : i32
      %dma_start3A_127 = tpu.memref_slice %arg9[%dma_start3A_125, %dma_start3A_126] : memref<10112x128xf32, #tpu.memory_space<vmem_shared>> -> memref<10112x128xf32, #tpu.memory_space<vmem_shared>>
      tpu.enqueue_indirect_dma source(%dma_start3A_121 : memref<128x128xf32, #tpu.memory_space<vmem>>) target(%dma_start3A_127 : memref<10112x128xf32, #tpu.memory_space<vmem_shared>>) offsets(%dma_start3A_124 : memref<128xi32, #tpu.memory_space<vmem>>) semaphore(%arg11 : memref<!tpu.dma_semaphore, #tpu.memory_space<semaphore_mem>>) {add = true}
    }
    %scan3A_46 = arith.constant 40 : i32
    %dma_wait3A = arith.constant 0 : i32
    %dma_wait3A_47 = arith.constant 0 : i32
    %dma_wait3A_48 = arith.constant 0 : i32
    %dma_wait3A_49 = arith.constant 0 : i32
    %dma_wait3A_50 = tpu.memref_slice %arg8[%dma_wait3A, %dma_wait3A_48, %dma_wait3A_49] : memref<2x128x128xf32, #tpu.memory_space<vmem>> -> memref<1x128x128xf32, #tpu.memory_space<vmem>>
    %dma_wait3A_51 = tpu.memref_squeeze %dma_wait3A_50 : memref<1x128x128xf32, #tpu.memory_space<vmem>> -> memref<128x128xf32, #tpu.memory_space<vmem>>
    %dma_wait3A_52 = arith.constant 0 : i32
    %dma_wait3A_53 = tpu.memref_slice %arg7[%dma_wait3A_47, %dma_wait3A_52] : memref<40x128xi32, #tpu.memory_space<vmem>> -> memref<1x128xi32, #tpu.memory_space<vmem>>
    %dma_wait3A_54 = tpu.memref_squeeze %dma_wait3A_53 : memref<1x128xi32, #tpu.memory_space<vmem>> -> memref<128xi32, #tpu.memory_space<vmem>>
    %dma_wait3A_55 = arith.constant 0 : i32
    %dma_wait3A_56 = arith.constant 0 : i32
    %dma_wait3A_57 = tpu.memref_slice %arg9[%dma_wait3A_55, %dma_wait3A_56] : memref<10112x128xf32, #tpu.memory_space<vmem_shared>> -> memref<10112x128xf32, #tpu.memory_space<vmem_shared>>
    tpu.wait_indirect_dma semaphore(%arg11 : memref<!tpu.dma_semaphore, #tpu.memory_space<semaphore_mem>>) src(%dma_wait3A_51 : memref<128x128xf32, #tpu.memory_space<vmem>>) dst(%dma_wait3A_57 : memref<10112x128xf32, #tpu.memory_space<vmem_shared>>)
    %add3A_58 = arith.constant 40 : i32
    %add3A_59 = arith.addi %mul3A_2, %add3A_58 : i32
    "tpu.region"() ({
      %run_scoped3A_96 = tpu.sem_alloc : memref<!tpu.dma_semaphore, #tpu.memory_space<semaphore_mem>>
      %dma_start3A_97 = arith.constant 0 : i32
      %dma_start3A_98 = tpu.memref_slice %arg3[%add3A_59, %dma_start3A_97] : memref<2560x128xi32, #tpu.memory_space<hbm>> -> memref<40x128xi32, #tpu.memory_space<hbm>>
      %dma_start3A_99 = arith.constant 0 : i32
      %dma_start3A_100 = tpu.memref_slice %arg3[%add3A_59, %dma_start3A_99] : memref<2560x128xi32, #tpu.memory_space<hbm>> -> memref<40x128xi32, #tpu.memory_space<hbm>>
      tpu.enqueue_dma source(%dma_start3A_100 : memref<40x128xi32, #tpu.memory_space<hbm>>) target(%arg6 : memref<40x128xi32, #tpu.memory_space<vmem>>) target_semaphore(%run_scoped3A_96 : memref<!tpu.dma_semaphore, #tpu.memory_space<semaphore_mem>>)
      %dma_wait3A_101 = arith.constant 0 : i32
      %dma_wait3A_102 = tpu.memref_slice %arg3[%add3A_59, %dma_wait3A_101] : memref<2560x128xi32, #tpu.memory_space<hbm>> -> memref<40x128xi32, #tpu.memory_space<hbm>>
      %dma_wait3A_103 = arith.constant 0 : i32
      %dma_wait3A_104 = tpu.memref_slice %arg3[%add3A_59, %dma_wait3A_103] : memref<2560x128xi32, #tpu.memory_space<hbm>> -> memref<40x128xi32, #tpu.memory_space<hbm>>
      tpu.wait_dma2 semaphore(%run_scoped3A_96 : memref<!tpu.dma_semaphore, #tpu.memory_space<semaphore_mem>>) src(%dma_wait3A_104 : memref<40x128xi32, #tpu.memory_space<hbm>>) dst(%arg6 : memref<40x128xi32, #tpu.memory_space<vmem>>)
      tpu.yield
    }) : () -> ()
    %add3A_60 = arith.constant 40 : i32
    %add3A_61 = arith.addi %mul3A_2, %add3A_60 : i32
    "tpu.region"() ({
      %run_scoped3A_96 = tpu.sem_alloc : memref<!tpu.dma_semaphore, #tpu.memory_space<semaphore_mem>>
      %dma_start3A_97 = arith.constant 0 : i32
      %dma_start3A_98 = tpu.memref_slice %arg4[%add3A_61, %dma_start3A_97] : memref<2560x128xi32, #tpu.memory_space<hbm>> -> memref<40x128xi32, #tpu.memory_space<hbm>>
      %dma_start3A_99 = arith.constant 0 : i32
      %dma_start3A_100 = tpu.memref_slice %arg4[%add3A_61, %dma_start3A_99] : memref<2560x128xi32, #tpu.memory_space<hbm>> -> memref<40x128xi32, #tpu.memory_space<hbm>>
      tpu.enqueue_dma source(%dma_start3A_100 : memref<40x128xi32, #tpu.memory_space<hbm>>) target(%arg7 : memref<40x128xi32, #tpu.memory_space<vmem>>) target_semaphore(%run_scoped3A_96 : memref<!tpu.dma_semaphore, #tpu.memory_space<semaphore_mem>>)
      %dma_wait3A_101 = arith.constant 0 : i32
      %dma_wait3A_102 = tpu.memref_slice %arg4[%add3A_61, %dma_wait3A_101] : memref<2560x128xi32, #tpu.memory_space<hbm>> -> memref<40x128xi32, #tpu.memory_space<hbm>>
      %dma_wait3A_103 = arith.constant 0 : i32
      %dma_wait3A_104 = tpu.memref_slice %arg4[%add3A_61, %dma_wait3A_103] : memref<2560x128xi32, #tpu.memory_space<hbm>> -> memref<40x128xi32, #tpu.memory_space<hbm>>
      tpu.wait_dma2 semaphore(%run_scoped3A_96 : memref<!tpu.dma_semaphore, #tpu.memory_space<semaphore_mem>>) src(%dma_wait3A_104 : memref<40x128xi32, #tpu.memory_space<hbm>>) dst(%arg7 : memref<40x128xi32, #tpu.memory_space<vmem>>)
      tpu.yield
    }) : () -> ()
    %dma_start3A_62 = arith.constant 0 : i32
    %dma_start3A_63 = arith.constant 0 : i32
    %dma_start3A_64 = arith.constant 0 : i32
    %dma_start3A_65 = arith.constant 0 : i32
    %dma_start3A_66 = tpu.memref_slice %arg8[%dma_start3A_63, %dma_start3A_64, %dma_start3A_65] : memref<2x128x128xf32, #tpu.memory_space<vmem>> -> memref<1x128x128xf32, #tpu.memory_space<vmem>>
    %dma_start3A_67 = tpu.memref_squeeze %dma_start3A_66 : memref<1x128x128xf32, #tpu.memory_space<vmem>> -> memref<128x128xf32, #tpu.memory_space<vmem>>
    %dma_start3A_68 = arith.constant 0 : i32
    %dma_start3A_69 = tpu.memref_slice %arg6[%dma_start3A_62, %dma_start3A_68] : memref<40x128xi32, #tpu.memory_space<vmem>> -> memref<1x128xi32, #tpu.memory_space<vmem>>
    %dma_start3A_70 = tpu.memref_squeeze %dma_start3A_69 : memref<1x128xi32, #tpu.memory_space<vmem>> -> memref<128xi32, #tpu.memory_space<vmem>>
    %dma_start3A_71 = arith.constant 0 : i32
    %dma_start3A_72 = arith.constant 0 : i32
    %dma_start3A_73 = tpu.memref_slice %arg2[%dma_start3A_71, %dma_start3A_72] : memref<10000x128xf32, #tpu.memory_space<hbm>> -> memref<10000x128xf32, #tpu.memory_space<hbm>>
    tpu.enqueue_indirect_dma source(%dma_start3A_73 : memref<10000x128xf32, #tpu.memory_space<hbm>>) target(%dma_start3A_67 : memref<128x128xf32, #tpu.memory_space<vmem>>) offsets(%dma_start3A_70 : memref<128xi32, #tpu.memory_space<vmem>>) semaphore(%arg10 : memref<!tpu.dma_semaphore, #tpu.memory_space<semaphore_mem>>)
    %scan3A_74 = arith.constant 0 : i32
    %scan3A_75 = arith.constant 0 : i32
    %scan3A_76 = arith.constant 40 : i32
    %scan3A_77 = arith.addi %scan3A_75, %scan3A_76 : i32
    %scan3A_78 = arith.constant 1 : i32
    scf.for %scan3A_96 = %scan3A_75 to %scan3A_77 step %scan3A_78  : i32 {
      %rem3A = arith.constant 2 : i32
      %rem3A_97 = arith.remsi %scan3A_96, %rem3A : i32
      %gt3A = arith.constant 0 : i32
      %gt3A_98 = arith.cmpi sgt, %scan3A_96, %gt3A : i32
      %convert_element_type3A = arith.extui %gt3A_98 : i1 to i32
      %cond3A = arith.constant 0 : i32
      %cond3A_99 = arith.cmpi ne, %convert_element_type3A, %cond3A : i32
      scf.if %cond3A_99 {
        %dma_wait3A_128 = arith.constant 0 : i32
        %dma_wait3A_129 = arith.constant 0 : i32
        %dma_wait3A_130 = arith.constant 0 : i32
        %dma_wait3A_131 = arith.constant 0 : i32
        %dma_wait3A_132 = tpu.memref_slice %arg8[%dma_wait3A_128, %dma_wait3A_130, %dma_wait3A_131] : memref<2x128x128xf32, #tpu.memory_space<vmem>> -> memref<1x128x128xf32, #tpu.memory_space<vmem>>
        %dma_wait3A_133 = tpu.memref_squeeze %dma_wait3A_132 : memref<1x128x128xf32, #tpu.memory_space<vmem>> -> memref<128x128xf32, #tpu.memory_space<vmem>>
        %dma_wait3A_134 = arith.constant 0 : i32
        %dma_wait3A_135 = tpu.memref_slice %arg7[%dma_wait3A_129, %dma_wait3A_134] : memref<40x128xi32, #tpu.memory_space<vmem>> -> memref<1x128xi32, #tpu.memory_space<vmem>>
        %dma_wait3A_136 = tpu.memref_squeeze %dma_wait3A_135 : memref<1x128xi32, #tpu.memory_space<vmem>> -> memref<128xi32, #tpu.memory_space<vmem>>
        %dma_wait3A_137 = arith.constant 0 : i32
        %dma_wait3A_138 = arith.constant 0 : i32
        %dma_wait3A_139 = tpu.memref_slice %arg9[%dma_wait3A_137, %dma_wait3A_138] : memref<10112x128xf32, #tpu.memory_space<vmem_shared>> -> memref<10112x128xf32, #tpu.memory_space<vmem_shared>>
        tpu.wait_indirect_dma semaphore(%arg11 : memref<!tpu.dma_semaphore, #tpu.memory_space<semaphore_mem>>) src(%dma_wait3A_133 : memref<128x128xf32, #tpu.memory_space<vmem>>) dst(%dma_wait3A_139 : memref<10112x128xf32, #tpu.memory_space<vmem_shared>>)
      } else {
      }
      %add3A_100 = arith.constant 1 : i32
      %add3A_101 = arith.addi %scan3A_96, %add3A_100 : i32
      %lt3A = arith.constant 40 : i32
      %lt3A_102 = arith.cmpi slt, %add3A_101, %lt3A : i32
      %convert_element_type3A_103 = arith.extui %lt3A_102 : i1 to i32
      %cond3A_104 = arith.constant 0 : i32
      %cond3A_105 = arith.cmpi ne, %convert_element_type3A_103, %cond3A_104 : i32
      scf.if %cond3A_105 {
        %add3A_128 = arith.constant 1 : i32
        %add3A_129 = arith.addi %scan3A_96, %add3A_128 : i32
        %sub3A_130 = arith.constant 1 : i32
        %sub3A_131 = arith.subi %sub3A_130, %rem3A_97 : i32
        %dma_start3A_132 = arith.constant 0 : i32
        %dma_start3A_133 = arith.constant 0 : i32
        %dma_start3A_134 = tpu.memref_slice %arg8[%sub3A_131, %dma_start3A_132, %dma_start3A_133] : memref<2x128x128xf32, #tpu.memory_space<vmem>> -> memref<1x128x128xf32, #tpu.memory_space<vmem>>
        %dma_start3A_135 = tpu.memref_squeeze %dma_start3A_134 : memref<1x128x128xf32, #tpu.memory_space<vmem>> -> memref<128x128xf32, #tpu.memory_space<vmem>>
        %dma_start3A_136 = arith.constant 0 : i32
        %dma_start3A_137 = tpu.memref_slice %arg6[%add3A_129, %dma_start3A_136] : memref<40x128xi32, #tpu.memory_space<vmem>> -> memref<1x128xi32, #tpu.memory_space<vmem>>
        %dma_start3A_138 = tpu.memref_squeeze %dma_start3A_137 : memref<1x128xi32, #tpu.memory_space<vmem>> -> memref<128xi32, #tpu.memory_space<vmem>>
        %dma_start3A_139 = arith.constant 0 : i32
        %dma_start3A_140 = arith.constant 0 : i32
        %dma_start3A_141 = tpu.memref_slice %arg2[%dma_start3A_139, %dma_start3A_140] : memref<10000x128xf32, #tpu.memory_space<hbm>> -> memref<10000x128xf32, #tpu.memory_space<hbm>>
        tpu.enqueue_indirect_dma source(%dma_start3A_141 : memref<10000x128xf32, #tpu.memory_space<hbm>>) target(%dma_start3A_135 : memref<128x128xf32, #tpu.memory_space<vmem>>) offsets(%dma_start3A_138 : memref<128xi32, #tpu.memory_space<vmem>>) semaphore(%arg10 : memref<!tpu.dma_semaphore, #tpu.memory_space<semaphore_mem>>)
      } else {
      }
      %dma_wait3A_106 = arith.constant 0 : i32
      %dma_wait3A_107 = arith.constant 0 : i32
      %dma_wait3A_108 = arith.constant 0 : i32
      %dma_wait3A_109 = arith.constant 0 : i32
      %dma_wait3A_110 = tpu.memref_slice %arg8[%dma_wait3A_107, %dma_wait3A_108, %dma_wait3A_109] : memref<2x128x128xf32, #tpu.memory_space<vmem>> -> memref<1x128x128xf32, #tpu.memory_space<vmem>>
      %dma_wait3A_111 = tpu.memref_squeeze %dma_wait3A_110 : memref<1x128x128xf32, #tpu.memory_space<vmem>> -> memref<128x128xf32, #tpu.memory_space<vmem>>
      %dma_wait3A_112 = arith.constant 0 : i32
      %dma_wait3A_113 = tpu.memref_slice %arg6[%dma_wait3A_106, %dma_wait3A_112] : memref<40x128xi32, #tpu.memory_space<vmem>> -> memref<1x128xi32, #tpu.memory_space<vmem>>
      %dma_wait3A_114 = tpu.memref_squeeze %dma_wait3A_113 : memref<1x128xi32, #tpu.memory_space<vmem>> -> memref<128xi32, #tpu.memory_space<vmem>>
      %dma_wait3A_115 = arith.constant 0 : i32
      %dma_wait3A_116 = arith.constant 0 : i32
      %dma_wait3A_117 = tpu.memref_slice %arg2[%dma_wait3A_115, %dma_wait3A_116] : memref<10000x128xf32, #tpu.memory_space<hbm>> -> memref<10000x128xf32, #tpu.memory_space<hbm>>
      tpu.wait_indirect_dma semaphore(%arg10 : memref<!tpu.dma_semaphore, #tpu.memory_space<semaphore_mem>>) src(%dma_wait3A_117 : memref<10000x128xf32, #tpu.memory_space<hbm>>) dst(%dma_wait3A_111 : memref<128x128xf32, #tpu.memory_space<vmem>>)
      %dma_start3A_118 = arith.constant 0 : i32
      %dma_start3A_119 = arith.constant 0 : i32
      %dma_start3A_120 = tpu.memref_slice %arg8[%rem3A_97, %dma_start3A_118, %dma_start3A_119] : memref<2x128x128xf32, #tpu.memory_space<vmem>> -> memref<1x128x128xf32, #tpu.memory_space<vmem>>
      %dma_start3A_121 = tpu.memref_squeeze %dma_start3A_120 : memref<1x128x128xf32, #tpu.memory_space<vmem>> -> memref<128x128xf32, #tpu.memory_space<vmem>>
      %dma_start3A_122 = arith.constant 0 : i32
      %dma_start3A_123 = tpu.memref_slice %arg7[%scan3A_96, %dma_start3A_122] : memref<40x128xi32, #tpu.memory_space<vmem>> -> memref<1x128xi32, #tpu.memory_space<vmem>>
      %dma_start3A_124 = tpu.memref_squeeze %dma_start3A_123 : memref<1x128xi32, #tpu.memory_space<vmem>> -> memref<128xi32, #tpu.memory_space<vmem>>
      %dma_start3A_125 = arith.constant 0 : i32
      %dma_start3A_126 = arith.constant 0 : i32
      %dma_start3A_127 = tpu.memref_slice %arg9[%dma_start3A_125, %dma_start3A_126] : memref<10112x128xf32, #tpu.memory_space<vmem_shared>> -> memref<10112x128xf32, #tpu.memory_space<vmem_shared>>
      tpu.enqueue_indirect_dma source(%dma_start3A_121 : memref<128x128xf32, #tpu.memory_space<vmem>>) target(%dma_start3A_127 : memref<10112x128xf32, #tpu.memory_space<vmem_shared>>) offsets(%dma_start3A_124 : memref<128xi32, #tpu.memory_space<vmem>>) semaphore(%arg11 : memref<!tpu.dma_semaphore, #tpu.memory_space<semaphore_mem>>) {add = true}
    }
    %scan3A_79 = arith.constant 40 : i32
    %dma_wait3A_80 = arith.constant 0 : i32
    %dma_wait3A_81 = arith.constant 0 : i32
    %dma_wait3A_82 = arith.constant 0 : i32
    %dma_wait3A_83 = arith.constant 0 : i32
    %dma_wait3A_84 = tpu.memref_slice %arg8[%dma_wait3A_80, %dma_wait3A_82, %dma_wait3A_83] : memref<2x128x128xf32, #tpu.memory_space<vmem>> -> memref<1x128x128xf32, #tpu.memory_space<vmem>>
    %dma_wait3A_85 = tpu.memref_squeeze %dma_wait3A_84 : memref<1x128x128xf32, #tpu.memory_space<vmem>> -> memref<128x128xf32, #tpu.memory_space<vmem>>
    %dma_wait3A_86 = arith.constant 0 : i32
    %dma_wait3A_87 = tpu.memref_slice %arg7[%dma_wait3A_81, %dma_wait3A_86] : memref<40x128xi32, #tpu.memory_space<vmem>> -> memref<1x128xi32, #tpu.memory_space<vmem>>
    %dma_wait3A_88 = tpu.memref_squeeze %dma_wait3A_87 : memref<1x128xi32, #tpu.memory_space<vmem>> -> memref<128xi32, #tpu.memory_space<vmem>>
    %dma_wait3A_89 = arith.constant 0 : i32
    %dma_wait3A_90 = arith.constant 0 : i32
    %dma_wait3A_91 = tpu.memref_slice %arg9[%dma_wait3A_89, %dma_wait3A_90] : memref<10112x128xf32, #tpu.memory_space<vmem_shared>> -> memref<10112x128xf32, #tpu.memory_space<vmem_shared>>
    tpu.wait_indirect_dma semaphore(%arg11 : memref<!tpu.dma_semaphore, #tpu.memory_space<semaphore_mem>>) src(%dma_wait3A_85 : memref<128x128xf32, #tpu.memory_space<vmem>>) dst(%dma_wait3A_91 : memref<10112x128xf32, #tpu.memory_space<vmem_shared>>)
    %barrier3A_92 = arith.constant 0 : index
    tpu.barrier barrier_id(%barrier3A_92)
    %mul3A_93 = arith.constant 10112 : i32
    %mul3A_94 = arith.muli %arg0, %mul3A_93 : i32
    %add3A_95 = arith.addi %mul3A_94, %mul3A_10 : i32
    "tpu.region"() ({
      %run_scoped3A_96 = tpu.sem_alloc : memref<!tpu.dma_semaphore, #tpu.memory_space<semaphore_mem>>
      %dma_start3A_97 = arith.constant 0 : i32
      %dma_start3A_98 = tpu.memref_slice %arg5[%add3A_95, %dma_start3A_97] : memref<20224x128xf32, #tpu.memory_space<hbm>> -> memref<632x128xf32, #tpu.memory_space<hbm>>
      %dma_start3A_99 = arith.constant 0 : i32
      %dma_start3A_100 = tpu.memref_slice %arg9[%mul3A_10, %dma_start3A_99] : memref<10112x128xf32, #tpu.memory_space<vmem_shared>> -> memref<632x128xf32, #tpu.memory_space<vmem_shared>>
      tpu.enqueue_dma source(%dma_start3A_100 : memref<632x128xf32, #tpu.memory_space<vmem_shared>>) target(%dma_start3A_98 : memref<632x128xf32, #tpu.memory_space<hbm>>) target_semaphore(%run_scoped3A_96 : memref<!tpu.dma_semaphore, #tpu.memory_space<semaphore_mem>>)
      %dma_wait3A_101 = arith.constant 0 : i32
      %dma_wait3A_102 = tpu.memref_slice %arg5[%add3A_95, %dma_wait3A_101] : memref<20224x128xf32, #tpu.memory_space<hbm>> -> memref<632x128xf32, #tpu.memory_space<hbm>>
      %dma_wait3A_103 = arith.constant 0 : i32
      %dma_wait3A_104 = tpu.memref_slice %arg9[%mul3A_10, %dma_wait3A_103] : memref<10112x128xf32, #tpu.memory_space<vmem_shared>> -> memref<632x128xf32, #tpu.memory_space<vmem_shared>>
      tpu.wait_dma2 semaphore(%run_scoped3A_96 : memref<!tpu.dma_semaphore, #tpu.memory_space<semaphore_mem>>) src(%dma_wait3A_104 : memref<632x128xf32, #tpu.memory_space<vmem_shared>>) dst(%dma_wait3A_102 : memref<632x128xf32, #tpu.memory_space<hbm>>)
      tpu.yield
    }) : () -> ()
    return
  }
}

module attributes {stable_mosaic.version = 14 : i64} {
  func.func @_tc_h0_body(%arg0: memref<10000x128xf32, #tpu.memory_space<vmem>>, %arg1: memref<128x128xf32, #tpu.memory_space<vmem>>, %arg2: memref<1x128xf32, #tpu.memory_space<vmem>>, %arg3: memref<10000x128xf32, #tpu.memory_space<vmem>>) attributes {dimension_semantics = [], scalar_prefetch = 0 : i64, scratch_operands = 0 : i64, tpu.core_type = #tpu.core_type<tc>} {
    %get3A = arith.constant 0 : index
    %get3A_0 = arith.constant 0 : index
    %get3A_1 = vector.load %arg0[%get3A, %get3A_0] : memref<10000x128xf32, #tpu.memory_space<vmem>>, vector<10000x128xf32>
    %get3A_2 = arith.constant 0 : index
    %get3A_3 = arith.constant 0 : index
    %get3A_4 = vector.load %arg1[%get3A_2, %get3A_3] : memref<128x128xf32, #tpu.memory_space<vmem>>, vector<128x128xf32>
    %dot_general3A = arith.constant dense<0.000000e+00> : vector<10000x128xf32>
    %dot_general3A_5 = tpu.matmul %get3A_1, %get3A_4, %dot_general3A {dimension_numbers = #tpu.dot_dimension_numbers<[1], [0], [0], [1], [0, 0, 1, 1], [], []>, transpose_lhs_hint = false} : vector<10000x128xf32>, vector<128x128xf32>, vector<10000x128xf32> -> vector<10000x128xf32>
    %get3A_6 = arith.constant 0 : index
    %get3A_7 = arith.constant 0 : index
    %get3A_8 = vector.load %arg2[%get3A_6, %get3A_7] : memref<1x128xf32, #tpu.memory_space<vmem>>, vector<1x128xf32>
    %add3A = vector.broadcast %get3A_8 : vector<1x128xf32> to vector<10000x128xf32>
    %add3A_9 = arith.addf %dot_general3A_5, %add3A : vector<10000x128xf32>
    %swap3A = arith.constant 0 : index
    %swap3A_10 = arith.constant 0 : index
    %swap3A_11 = vector.load %arg3[%swap3A, %swap3A_10] : memref<10000x128xf32, #tpu.memory_space<vmem>>, vector<10000x128xf32>
    tpu.vector_store %arg3[%swap3A, %swap3A_10], %add3A_9 {strides = array<i32>} : memref<10000x128xf32, #tpu.memory_space<vmem>>, vector<10000x128xf32>,
    return
  }
}

module attributes {stable_mosaic.version = 14 : i64} {
  func.func @_tc_xs0_body(%arg0: memref<20224x128xf32, #tpu.memory_space<vmem>>, %arg1: memref<10000x128xf32, #tpu.memory_space<vmem>>, %arg2: memref<128x128xf32, #tpu.memory_space<vmem>>, %arg3: memref<10000x128xf32, #tpu.memory_space<vmem>>, %arg4: memref<10000x1xf32, #tpu.memory_space<vmem>>) attributes {dimension_semantics = [], scalar_prefetch = 0 : i64, scratch_operands = 0 : i64, tpu.core_type = #tpu.core_type<tc>} {
    %get3A = arith.constant 0 : index
    %get3A_0 = arith.constant 0 : index
    %get3A_1 = vector.load %arg0[%get3A, %get3A_0] : memref<20224x128xf32, #tpu.memory_space<vmem>>, vector<10000x1xf32>
    %get3A_2 = arith.constant 10112 : index
    %get3A_3 = arith.constant 0 : index
    %get3A_4 = vector.load %arg0[%get3A_2, %get3A_3] : memref<20224x128xf32, #tpu.memory_space<vmem>>, vector<10000x1xf32>
    %add3A = arith.addf %get3A_1, %get3A_4 : vector<10000x1xf32>
    %add3A_5 = arith.constant 1.000000e+00 : f32
    %add3A_6 = vector.broadcast %add3A_5 : f32 to vector<10000x1xf32>
    %add3A_7 = arith.addf %add3A, %add3A_6 : vector<10000x1xf32>
    %rsqrt3A = math.rsqrt %add3A_7 : vector<10000x1xf32>
    %get3A_8 = arith.constant 0 : index
    %get3A_9 = arith.constant 0 : index
    %get3A_10 = vector.load %arg1[%get3A_8, %get3A_9] : memref<10000x128xf32, #tpu.memory_space<vmem>>, vector<10000x128xf32>
    %get3A_11 = arith.constant 0 : index
    %get3A_12 = arith.constant 0 : index
    %get3A_13 = vector.load %arg2[%get3A_11, %get3A_12] : memref<128x128xf32, #tpu.memory_space<vmem>>, vector<128x128xf32>
    %dot_general3A = arith.constant dense<0.000000e+00> : vector<10000x128xf32>
    %dot_general3A_14 = tpu.matmul %get3A_10, %get3A_13, %dot_general3A {dimension_numbers = #tpu.dot_dimension_numbers<[1], [0], [0], [1], [0, 0, 1, 1], [], []>, transpose_lhs_hint = false} : vector<10000x128xf32>, vector<128x128xf32>, vector<10000x128xf32> -> vector<10000x128xf32>
    %mul3A = vector.broadcast %rsqrt3A : vector<10000x1xf32> to vector<10000x128xf32>
    %mul3A_15 = arith.mulf %dot_general3A_14, %mul3A : vector<10000x128xf32>
    %swap3A = arith.constant 0 : index
    %swap3A_16 = arith.constant 0 : index
    %swap3A_17 = vector.load %arg3[%swap3A, %swap3A_16] : memref<10000x128xf32, #tpu.memory_space<vmem>>, vector<10000x128xf32>
    tpu.vector_store %arg3[%swap3A, %swap3A_16], %mul3A_15 {strides = array<i32>} : memref<10000x128xf32, #tpu.memory_space<vmem>>, vector<10000x128xf32>,
    %swap3A_18 = arith.constant 0 : index
    %swap3A_19 = arith.constant 0 : index
    %swap3A_20 = vector.load %arg4[%swap3A_18, %swap3A_19] : memref<10000x1xf32, #tpu.memory_space<vmem>>, vector<10000x1xf32>
    tpu.vector_store %arg4[%swap3A_18, %swap3A_19], %rsqrt3A {strides = array<i32>} : memref<10000x1xf32, #tpu.memory_space<vmem>>, vector<10000x1xf32>,
    return
  }
}

module attributes {stable_mosaic.version = 14 : i64} {
  func.func @_tc_mid_body(%arg0: memref<20224x128xf32, #tpu.memory_space<vmem>>, %arg1: memref<10000x128xf32, #tpu.memory_space<vmem>>, %arg2: memref<10000x128xf32, #tpu.memory_space<vmem>>, %arg3: memref<10000x1xf32, #tpu.memory_space<vmem>>, %arg4: memref<1x128xf32, #tpu.memory_space<vmem>>, %arg5: memref<1x128xf32, #tpu.memory_space<vmem>>, %arg6: memref<1x128xf32, #tpu.memory_space<vmem>>, %arg7: memref<128x128xf32, #tpu.memory_space<vmem>>, %arg8: memref<10000x128xf32, #tpu.memory_space<vmem>>, %arg9: memref<10000x128xf32, #tpu.memory_space<vmem>>) attributes {dimension_semantics = [], scalar_prefetch = 0 : i64, scratch_operands = 0 : i64, tpu.core_type = #tpu.core_type<tc>} {
    %get3A = arith.constant 0 : index
    %get3A_0 = arith.constant 0 : index
    %get3A_1 = vector.load %arg3[%get3A, %get3A_0] : memref<10000x1xf32, #tpu.memory_space<vmem>>, vector<10000x1xf32>
    %get3A_2 = arith.constant 0 : index
    %get3A_3 = arith.constant 0 : index
    %get3A_4 = vector.load %arg0[%get3A_2, %get3A_3] : memref<20224x128xf32, #tpu.memory_space<vmem>>, vector<10000x128xf32>
    %get3A_5 = arith.constant 10112 : index
    %get3A_6 = arith.constant 0 : index
    %get3A_7 = vector.load %arg0[%get3A_5, %get3A_6] : memref<20224x128xf32, #tpu.memory_space<vmem>>, vector<10000x128xf32>
    %add3A = arith.addf %get3A_4, %get3A_7 : vector<10000x128xf32>
    %get3A_8 = arith.constant 0 : index
    %get3A_9 = arith.constant 0 : index
    %get3A_10 = vector.load %arg1[%get3A_8, %get3A_9] : memref<10000x128xf32, #tpu.memory_space<vmem>>, vector<10000x128xf32>
    %add3A_11 = arith.addf %add3A, %get3A_10 : vector<10000x128xf32>
    %mul3A = vector.broadcast %get3A_1 : vector<10000x1xf32> to vector<10000x128xf32>
    %mul3A_12 = arith.mulf %mul3A, %add3A_11 : vector<10000x128xf32>
    %get3A_13 = arith.constant 0 : index
    %get3A_14 = arith.constant 0 : index
    %get3A_15 = vector.load %arg4[%get3A_13, %get3A_14] : memref<1x128xf32, #tpu.memory_space<vmem>>, vector<1x128xf32>
    %add3A_16 = vector.broadcast %get3A_15 : vector<1x128xf32> to vector<10000x128xf32>
    %add3A_17 = arith.addf %mul3A_12, %add3A_16 : vector<10000x128xf32>
    %reduce_sum3A = arith.constant dense<0.000000e+00> : vector<128xf32>
    %reduce_sum3A_18 = vector.multi_reduction <add>, %add3A_17, %reduce_sum3A [0] : vector<10000x128xf32> to vector<128xf32>
    %broadcast_in_dim3A = vector.shape_cast %reduce_sum3A_18 : vector<128xf32> to vector<1x128xf32>
    %div3A = arith.constant 1.000000e+04 : f32
    %div3A_19 = vector.broadcast %div3A : f32 to vector<1x128xf32>
    %div3A_20 = arith.divf %broadcast_in_dim3A, %div3A_19 : vector<1x128xf32>
    %sub3A = vector.broadcast %div3A_20 : vector<1x128xf32> to vector<10000x128xf32>
    %sub3A_21 = arith.subf %add3A_17, %sub3A : vector<10000x128xf32>
    %mul3A_22 = arith.mulf %sub3A_21, %sub3A_21 : vector<10000x128xf32>
    %reduce_sum3A_23 = arith.constant dense<0.000000e+00> : vector<128xf32>
    %reduce_sum3A_24 = vector.multi_reduction <add>, %mul3A_22, %reduce_sum3A_23 [0] : vector<10000x128xf32> to vector<128xf32>
    %broadcast_in_dim3A_25 = vector.shape_cast %reduce_sum3A_24 : vector<128xf32> to vector<1x128xf32>
    %div3A_26 = arith.constant 1.000000e+04 : f32
    %div3A_27 = vector.broadcast %div3A_26 : f32 to vector<1x128xf32>
    %div3A_28 = arith.divf %broadcast_in_dim3A_25, %div3A_27 : vector<1x128xf32>
    %get3A_29 = arith.constant 0 : index
    %get3A_30 = arith.constant 0 : index
    %get3A_31 = vector.load %arg5[%get3A_29, %get3A_30] : memref<1x128xf32, #tpu.memory_space<vmem>>, vector<1x128xf32>
    %mul3A_32 = vector.broadcast %get3A_31 : vector<1x128xf32> to vector<10000x128xf32>
    %mul3A_33 = arith.mulf %mul3A_32, %sub3A_21 : vector<10000x128xf32>
    %add3A_34 = arith.constant 9.99999974E-6 : f32
    %add3A_35 = vector.broadcast %add3A_34 : f32 to vector<1x128xf32>
    %add3A_36 = arith.addf %div3A_28, %add3A_35 : vector<1x128xf32>
    %rsqrt3A = math.rsqrt %add3A_36 : vector<1x128xf32>
    %mul3A_37 = vector.broadcast %rsqrt3A : vector<1x128xf32> to vector<10000x128xf32>
    %mul3A_38 = arith.mulf %mul3A_33, %mul3A_37 : vector<10000x128xf32>
    %get3A_39 = arith.constant 0 : index
    %get3A_40 = arith.constant 0 : index
    %get3A_41 = vector.load %arg6[%get3A_39, %get3A_40] : memref<1x128xf32, #tpu.memory_space<vmem>>, vector<1x128xf32>
    %add3A_42 = vector.broadcast %get3A_41 : vector<1x128xf32> to vector<10000x128xf32>
    %add3A_43 = arith.addf %mul3A_38, %add3A_42 : vector<10000x128xf32>
    %max3A = arith.constant 0.000000e+00 : f32
    %max3A_44 = vector.broadcast %max3A : f32 to vector<10000x128xf32>
    %max3A_45 = arith.maximumf %add3A_43, %max3A_44 : vector<10000x128xf32>
    %get3A_46 = arith.constant 0 : index
    %get3A_47 = arith.constant 0 : index
    %get3A_48 = vector.load %arg2[%get3A_46, %get3A_47] : memref<10000x128xf32, #tpu.memory_space<vmem>>, vector<10000x128xf32>
    %add3A_49 = arith.addf %get3A_48, %max3A_45 : vector<10000x128xf32>
    %swap3A = arith.constant 0 : index
    %swap3A_50 = arith.constant 0 : index
    %swap3A_51 = vector.load %arg8[%swap3A, %swap3A_50] : memref<10000x128xf32, #tpu.memory_space<vmem>>, vector<10000x128xf32>
    tpu.vector_store %arg8[%swap3A, %swap3A_50], %add3A_49 {strides = array<i32>} : memref<10000x128xf32, #tpu.memory_space<vmem>>, vector<10000x128xf32>,
    %get3A_52 = arith.constant 0 : index
    %get3A_53 = arith.constant 0 : index
    %get3A_54 = vector.load %arg7[%get3A_52, %get3A_53] : memref<128x128xf32, #tpu.memory_space<vmem>>, vector<128x128xf32>
    %dot_general3A = arith.constant dense<0.000000e+00> : vector<10000x128xf32>
    %dot_general3A_55 = tpu.matmul %add3A_49, %get3A_54, %dot_general3A {dimension_numbers = #tpu.dot_dimension_numbers<[1], [0], [0], [1], [0, 0, 1, 1], [], []>, transpose_lhs_hint = false} : vector<10000x128xf32>, vector<128x128xf32>, vector<10000x128xf32> -> vector<10000x128xf32>
    %mul3A_56 = vector.broadcast %get3A_1 : vector<10000x1xf32> to vector<10000x128xf32>
    %mul3A_57 = arith.mulf %dot_general3A_55, %mul3A_56 : vector<10000x128xf32>
    %swap3A_58 = arith.constant 0 : index
    %swap3A_59 = arith.constant 0 : index
    %swap3A_60 = vector.load %arg9[%swap3A_58, %swap3A_59] : memref<10000x128xf32, #tpu.memory_space<vmem>>, vector<10000x128xf32>
    tpu.vector_store %arg9[%swap3A_58, %swap3A_59], %mul3A_57 {strides = array<i32>} : memref<10000x128xf32, #tpu.memory_space<vmem>>, vector<10000x128xf32>,
    return
  }
}

module attributes {stable_mosaic.version = 14 : i64} {
  func.func @_tc_final_body(%arg0: memref<20224x128xf32, #tpu.memory_space<vmem>>, %arg1: memref<10000x128xf32, #tpu.memory_space<vmem>>, %arg2: memref<10000x128xf32, #tpu.memory_space<vmem>>, %arg3: memref<10000x1xf32, #tpu.memory_space<vmem>>, %arg4: memref<1x128xf32, #tpu.memory_space<vmem>>, %arg5: memref<1x128xf32, #tpu.memory_space<vmem>>, %arg6: memref<1x128xf32, #tpu.memory_space<vmem>>, %arg7: memref<128x128xf32, #tpu.memory_space<vmem>>, %arg8: memref<1x128xf32, #tpu.memory_space<vmem>>, %arg9: memref<10000x128xf32, #tpu.memory_space<vmem>>) attributes {dimension_semantics = [], scalar_prefetch = 0 : i64, scratch_operands = 0 : i64, tpu.core_type = #tpu.core_type<tc>} {
    %get3A = arith.constant 0 : index
    %get3A_0 = arith.constant 0 : index
    %get3A_1 = vector.load %arg3[%get3A, %get3A_0] : memref<10000x1xf32, #tpu.memory_space<vmem>>, vector<10000x1xf32>
    %get3A_2 = arith.constant 0 : index
    %get3A_3 = arith.constant 0 : index
    %get3A_4 = vector.load %arg0[%get3A_2, %get3A_3] : memref<20224x128xf32, #tpu.memory_space<vmem>>, vector<10000x128xf32>
    %get3A_5 = arith.constant 10112 : index
    %get3A_6 = arith.constant 0 : index
    %get3A_7 = vector.load %arg0[%get3A_5, %get3A_6] : memref<20224x128xf32, #tpu.memory_space<vmem>>, vector<10000x128xf32>
    %add3A = arith.addf %get3A_4, %get3A_7 : vector<10000x128xf32>
    %get3A_8 = arith.constant 0 : index
    %get3A_9 = arith.constant 0 : index
    %get3A_10 = vector.load %arg1[%get3A_8, %get3A_9] : memref<10000x128xf32, #tpu.memory_space<vmem>>, vector<10000x128xf32>
    %add3A_11 = arith.addf %add3A, %get3A_10 : vector<10000x128xf32>
    %mul3A = vector.broadcast %get3A_1 : vector<10000x1xf32> to vector<10000x128xf32>
    %mul3A_12 = arith.mulf %mul3A, %add3A_11 : vector<10000x128xf32>
    %get3A_13 = arith.constant 0 : index
    %get3A_14 = arith.constant 0 : index
    %get3A_15 = vector.load %arg4[%get3A_13, %get3A_14] : memref<1x128xf32, #tpu.memory_space<vmem>>, vector<1x128xf32>
    %add3A_16 = vector.broadcast %get3A_15 : vector<1x128xf32> to vector<10000x128xf32>
    %add3A_17 = arith.addf %mul3A_12, %add3A_16 : vector<10000x128xf32>
    %reduce_sum3A = arith.constant dense<0.000000e+00> : vector<128xf32>
    %reduce_sum3A_18 = vector.multi_reduction <add>, %add3A_17, %reduce_sum3A [0] : vector<10000x128xf32> to vector<128xf32>
    %broadcast_in_dim3A = vector.shape_cast %reduce_sum3A_18 : vector<128xf32> to vector<1x128xf32>
    %div3A = arith.constant 1.000000e+04 : f32
    %div3A_19 = vector.broadcast %div3A : f32 to vector<1x128xf32>
    %div3A_20 = arith.divf %broadcast_in_dim3A, %div3A_19 : vector<1x128xf32>
    %sub3A = vector.broadcast %div3A_20 : vector<1x128xf32> to vector<10000x128xf32>
    %sub3A_21 = arith.subf %add3A_17, %sub3A : vector<10000x128xf32>
    %mul3A_22 = arith.mulf %sub3A_21, %sub3A_21 : vector<10000x128xf32>
    %reduce_sum3A_23 = arith.constant dense<0.000000e+00> : vector<128xf32>
    %reduce_sum3A_24 = vector.multi_reduction <add>, %mul3A_22, %reduce_sum3A_23 [0] : vector<10000x128xf32> to vector<128xf32>
    %broadcast_in_dim3A_25 = vector.shape_cast %reduce_sum3A_24 : vector<128xf32> to vector<1x128xf32>
    %div3A_26 = arith.constant 1.000000e+04 : f32
    %div3A_27 = vector.broadcast %div3A_26 : f32 to vector<1x128xf32>
    %div3A_28 = arith.divf %broadcast_in_dim3A_25, %div3A_27 : vector<1x128xf32>
    %get3A_29 = arith.constant 0 : index
    %get3A_30 = arith.constant 0 : index
    %get3A_31 = vector.load %arg5[%get3A_29, %get3A_30] : memref<1x128xf32, #tpu.memory_space<vmem>>, vector<1x128xf32>
    %mul3A_32 = vector.broadcast %get3A_31 : vector<1x128xf32> to vector<10000x128xf32>
    %mul3A_33 = arith.mulf %mul3A_32, %sub3A_21 : vector<10000x128xf32>
    %add3A_34 = arith.constant 9.99999974E-6 : f32
    %add3A_35 = vector.broadcast %add3A_34 : f32 to vector<1x128xf32>
    %add3A_36 = arith.addf %div3A_28, %add3A_35 : vector<1x128xf32>
    %rsqrt3A = math.rsqrt %add3A_36 : vector<1x128xf32>
    %mul3A_37 = vector.broadcast %rsqrt3A : vector<1x128xf32> to vector<10000x128xf32>
    %mul3A_38 = arith.mulf %mul3A_33, %mul3A_37 : vector<10000x128xf32>
    %get3A_39 = arith.constant 0 : index
    %get3A_40 = arith.constant 0 : index
    %get3A_41 = vector.load %arg6[%get3A_39, %get3A_40] : memref<1x128xf32, #tpu.memory_space<vmem>>, vector<1x128xf32>
    %add3A_42 = vector.broadcast %get3A_41 : vector<1x128xf32> to vector<10000x128xf32>
    %add3A_43 = arith.addf %mul3A_38, %add3A_42 : vector<10000x128xf32>
    %max3A = arith.constant 0.000000e+00 : f32
    %max3A_44 = vector.broadcast %max3A : f32 to vector<10000x128xf32>
    %max3A_45 = arith.maximumf %add3A_43, %max3A_44 : vector<10000x128xf32>
    %get3A_46 = arith.constant 0 : index
    %get3A_47 = arith.constant 0 : index
    %get3A_48 = vector.load %arg2[%get3A_46, %get3A_47] : memref<10000x128xf32, #tpu.memory_space<vmem>>, vector<10000x128xf32>
    %add3A_49 = arith.addf %get3A_48, %max3A_45 : vector<10000x128xf32>
    %get3A_50 = arith.constant 0 : index
    %get3A_51 = arith.constant 0 : index
    %get3A_52 = vector.load %arg7[%get3A_50, %get3A_51] : memref<128x128xf32, #tpu.memory_space<vmem>>, vector<128x128xf32>
    %dot_general3A = arith.constant dense<0.000000e+00> : vector<10000x128xf32>
    %dot_general3A_53 = tpu.matmul %add3A_49, %get3A_52, %dot_general3A {dimension_numbers = #tpu.dot_dimension_numbers<[1], [0], [0], [1], [0, 0, 1, 1], [], []>, transpose_lhs_hint = false} : vector<10000x128xf32>, vector<128x128xf32>, vector<10000x128xf32> -> vector<10000x128xf32>
    %get3A_54 = arith.constant 0 : index
    %get3A_55 = arith.constant 0 : index
    %get3A_56 = vector.load %arg8[%get3A_54, %get3A_55] : memref<1x128xf32, #tpu.memory_space<vmem>>, vector<1x128xf32>
    %add3A_57 = vector.broadcast %get3A_56 : vector<1x128xf32> to vector<10000x128xf32>
    %add3A_58 = arith.addf %dot_general3A_53, %add3A_57 : vector<10000x128xf32>
    %swap3A = arith.constant 0 : index
    %swap3A_59 = arith.constant 0 : index
    %swap3A_60 = vector.load %arg9[%swap3A, %swap3A_59] : memref<10000x128xf32, #tpu.memory_space<vmem>>, vector<10000x128xf32>
    tpu.vector_store %arg9[%swap3A, %swap3A_59], %add3A_58 {strides = array<i32>} : memref<10000x128xf32, #tpu.memory_space<vmem>>, vector<10000x128xf32>,
    return
  }
}

</mosaic_0001>

<sc_bundles>
// kernel: kernel.15.cloned.1.call-start
scs
__scs_entry_jumppad:
0x0: {  	(pc) =	sbr.rel $0x88, $3  }
0x1: {  	(tag) =	ssettag $0x0;
	lr =	simm.s32 $0x1  }
0x2: {  	[smem:$0x3F97] =	sst lr;
	_ =	strace $0xD0000000  }
0x3: {  	_ = 	snop  }
0x4: {  	_ = 	snop  }
0x5: {  	_ = 	snop  }
0x6: {  	_ = 	snop  }
0x7: {  	_ = 	snop  }
__scs_overlays_trampoline_lowered:
0x8: {  	[smem:$0x3FA6] =	sst s0  }
0x9: {  	[smem:$0x3FA7] =	sst s1  }
0xa: {  	[smem:$0x3FA8] =	sst s2  }
0xb: {  	[smem:$0x3FA9] =	sst s3  }
0xc: {  	[smem:$0x3FAA] =	sst s4  }
0xd: {  	[smem:$0x3FAB] =	sst s5  }
0xe: {  	[smem:$0x3FAC] =	sst s6  }
0xf: {  	[smem:$0x3FAD] =	sst s7  }
0x10: {  	[smem:$0x3FAE] =	sst s8  }
0x11: {  	[smem:$0x3FAF] =	sst s9;
	s0 =	simm.s32 @!p0 $0x0  }
0x12: {  	s1 =	sld [smem:$0x3F95];
	s0 =	simm.s32 @p0 $0x1  }
0x13: {  	[smem:$0x3FB0] =	sst s0;
	s0 =	simm.s32 @!p1 $0x0  }
0x14: {  	s2 =	sld [smem:$0x3F94];
	s0 =	simm.s32 @p1 $0x1  }
0x15: {  	[smem:$0x3FB1] =	sst s0;
	s0 =	simm.s32 @!p2 $0x0  }
0x16: {  	s3 =	sld [smem:$0x3FDB];
	s0 =	simm.s32 @p2 $0x1  }
0x17: {  	s4 =	simm.s32 $0x1BF5;
	[smem:$0x3FB3] =	sst s0  }
0x18: {  	s0 =	sld [smem:$0x3F96];
	_ =	swait.ge [sflag:s4], $0x0  }
0x19: {  	s7 =	sld [smem:$0x3F97]  }
0x1a: {  	s8 =	sadd.s32 $0xFFFFE003, lr  }
0x1b: {  	s9 =	sadd.s32 $0xFFFFFEF7, lr;
	s5 =	simm.s32 $0xFFFFFFFF;
	p2 =	slt.u32 s8, $0xFFFFF086  }
0x1c: {  	p1 =	slt.u32 s9, $0xF7A;
	s5 =	simm.s32 @!p2 $0x0  }
0x1d: {  	s5 =	simm.s32 @p1 $0x1;
	p0 =	seq.s32 s7, s2  }
0x1e: {  	s7 =	smul.u32 @!p0 $0xF7A, s2;
	p2 =	seq.s32 @!p0 s5, $0x0  }
0x1f: {  	s9 =	smul.u32 $0xF7A, s1;
	s8 =	simm.s32 @!p0 $0x1BF5;
	p2 =	por !p2, p0  }
0x20: {  	[sflag:s8] =	ssyncset.s32 @!p0 $0xFFFFF086;
	s6 =	sadd.s32 @!p0 s3, s7;
	s7 =	simm.s32 @!p0 $0x108  }
0x21: {  	s3 =	sadd.s32 s3, s9;
	s6 =	sadd.s32 @!p0 $0x88, s6;
	s7 =	simm.s32 @p2 $0x1082  }
0x22: {  	[simem:s7], [sflag:s8] =	dma.local @!p0 [hbm:s6], $0xF7A  }
0x23: {  	s9 =	sor.u32 $0xD0000000, s2;
	s6 =	simm.s32 $0x108;
	_ =	swait.ge @!p0 [sflag:s8], $0x0  }
0x24: {  	s3 =	sadd.s32 $0x88, s3;
	s6 =	simm.s32 @!p1 $0x1082;
	[sflag:s4] =	ssyncset.s32 $0xFFFFF086  }
0x25: {  	[simem:s6], [sflag:s4] =	dma.local [hbm:s3], $0xF7A  }
0x26: {  	[smem:$0x3F97] =	sst s1;
	(tag) =	ssettag s2;
	_ =	strace s9  }
0x27: {  	s1 =	sld [smem:$0x3FA7]  }
0x28: {  	s2 =	sld [smem:$0x3FA8]  }
0x29: {  	s4 =	sld [smem:$0x3FAA]  }
0x2a: {  	p0 =	seq.s32 s5, $0x0;
	s5 =	sld [smem:$0x3FAB]  }
0x2b: {  	s6 =	sld [smem:$0x3FAC]  }
0x2c: {  	s7 =	sld [smem:$0x3FAD]  }
0x2d: {  	s3 =	simm.s32 $0x108;
	s8 =	sld [smem:$0x3FAE]  }
0x2e: {  	s3 =	simm.s32 @!p0 $0x1082;
	s9 =	sld [smem:$0x3FAF]  }
0x2f: {  	lr =	sadd.s32 s0, s3;
	s0 =	sld [smem:$0x3FA6]  }
0x30: {  	s3 =	sld [smem:$0x3FA9]  }
0x31: {  	[smem:$0x3FB2] =	sst s10  }
0x32: {  	s10 =	sld [smem:$0x3FB0];
	_ =	sdelay $0x3  }
0x33: {  	p0 =	seq.s32 s10, $0x1;
	s10 =	sld [smem:$0x3FB2];
	_ =	sdelay $0x3  }
0x34: {  	[smem:$0x3FB2] =	sst s10  }
0x35: {  	s10 =	sld [smem:$0x3FB1];
	_ =	sdelay $0x3  }
0x36: {  	p1 =	seq.s32 s10, $0x1;
	s10 =	sld [smem:$0x3FB2];
	_ =	sdelay $0x3  }
0x37: {  	[smem:$0x3FB2] =	sst s10  }
0x38: {  	s10 =	sld [smem:$0x3FB3]  }
0x39: {  	_ = 	snop;
	(pc) =	sbr.ind lr, $3  }
0x3a: {  	_ = 	snop  }
0x3b: {  	_ = 	snop  }
0x3c: {  	p2 =	seq.s32 s10, $0x1;
	s10 =	sld [smem:$0x3FB2]  }
0x3d: {  	_ =	shalt  }
0x3e: {  	_ =	shalt  }
0x3f: {  	_ =	shalt  }
0x40: {  	_ =	shalt  }
0x41: {  	_ =	shalt  }
0x42: {  	_ =	shalt  }
0x43: {  	_ =	shalt  }
0x44: {  	_ =	shalt  }
0x45: {  	_ =	shalt  }
0x46: {  	_ =	shalt  }
0x47: {  	_ =	shalt  }
0x48: {  	_ =	shalt  }
0x49: {  	_ =	shalt  }
0x4a: {  	_ =	shalt  }
0x4b: {  	_ =	shalt  }
0x4c: {  	_ =	shalt  }
0x4d: {  	_ =	shalt  }
0x4e: {  	_ =	shalt  }
0x4f: {  	_ =	shalt  }
0x50: {  	_ =	shalt  }
0x51: {  	_ =	shalt  }
0x52: {  	_ =	shalt  }
0x53: {  	_ =	shalt  }
0x54: {  	_ =	shalt  }
0x55: {  	_ =	shalt  }
0x56: {  	_ =	shalt  }
0x57: {  	_ =	shalt  }
0x58: {  	_ =	shalt  }
0x59: {  	_ =	shalt  }
0x5a: {  	_ =	shalt  }
0x5b: {  	_ =	shalt  }
0x5c: {  	_ =	shalt  }
0x5d: {  	_ =	shalt  }
0x5e: {  	_ =	shalt  }
0x5f: {  	_ =	shalt  }
0x60: {  	_ =	shalt  }
0x61: {  	_ =	shalt  }
0x62: {  	_ =	shalt  }
0x63: {  	_ =	shalt  }
0x64: {  	_ =	shalt  }
0x65: {  	_ =	shalt  }
0x66: {  	_ =	shalt  }
0x67: {  	_ =	shalt  }
0x68: {  	_ =	shalt  }
0x69: {  	_ =	shalt  }
0x6a: {  	_ =	shalt  }
0x6b: {  	_ =	shalt  }
0x6c: {  	_ =	shalt  }
0x6d: {  	_ =	shalt  }
0x6e: {  	_ =	shalt  }
0x6f: {  	_ =	shalt  }
0x70: {  	_ =	shalt  }
0x71: {  	_ =	shalt  }
0x72: {  	_ =	shalt  }
0x73: {  	_ =	shalt  }
0x74: {  	_ =	shalt  }
0x75: {  	_ =	shalt  }
0x76: {  	_ =	shalt  }
0x77: {  	_ =	shalt  }
0x78: {  	_ =	shalt  }
0x79: {  	_ =	shalt  }
0x7a: {  	_ =	shalt  }
0x7b: {  	_ =	shalt  }
0x7c: {  	_ =	shalt  }
0x7d: {  	_ =	shalt  }
0x7e: {  	_ =	shalt  }
0x7f: {  	_ =	shalt  }
0x80: {  	_ =	shalt  }
0x81: {  	_ =	shalt  }
0x82: {  	_ =	shalt  }
0x83: {  	_ =	shalt  }
0x84: {  	_ =	shalt  }
0x85: {  	_ =	shalt  }
0x86: {  	_ =	shalt  }
0x87: {  	_ =	shalt  }
.Lfunc_end0:
.L_simem_size_0:
called_computation_lowered:
.L_overlay_start_0:
0x88: {  	s2 =	sld [smem:$0x3FD9]  }
0x89: {  	s3 =	sld [smem:$0x3FFE];
	_ =	sdelay $0x1  }
0x8a: {  	s1 =	srdreg.scid  }
0x8b: {  	s0 =	sand.u32 $0x1, s1  }
0x8c: {  	s16 =	sshll.u32 s0, $0xA;
	s2 =	sadd.s32 s3, s2  }
0x8d: {  	s2 =	sadd.s32 s2, s16  }
0x8e: {  	[smem:$0x3FBE] =	sst s2  }
0x8f: {  	_ = 	snop  }
0x90: {  	(tm) =	ssettm $0x1  }
0x91: {  	s17 =	sld [smem:$0x3FFB];
	_ =	sdelay $0x3  }
0x92: {  	_ =	strace s17  }
0x93: {  	s2 =	sld [smem:$0x3FFC];
	_ =	sdelay $0x3  }
0x94: {  	_ =	strace s2  }
0x95: {  	s2 =	sld [smem:$0x3FFD];
	_ =	sdelay $0x3  }
0x96: {  	_ =	strace s2  }
0x97: {  	_ =	strace $0x8FFFFFFF  }
0x98: {  	s18 =	sld [smem:$0x3FDB];
	_ =	sdelay $0x1  }
0x99: {  	s19 =	simm.s32 $_scs_section_size  }
0x9a: {  	s4 =	simm.s32 $_size__tile_overlayer_lowered;
	s5 =	simm.s32 $_tile_overlayer_lowered  }
0x9b: {  	s22 =	simm.s32 $0x1BFF;
	s21 =	sshll.u32 s5, $0x1;
	s2 =	sadd.s32 s19, s18  }
0x9c: {  	s6 =	simm.s32 $0x0;
	s20 =	sshll.u32 s4, $0x1;
	s4 =	sadd.s32 s21, s2  }
0x9d: {  	[timem:s6], [sflag:s22] =	dma.local [hbm:s4], s20  }
0x9e: {  	_ =	swait.ge [sflag:s22], s20  }
0x9f: {  	s3 =	ssub.s32 $0x0, s20;
	[sflag:s22] =	ssyncset.done $0x0  }
0xa0: {  	[sflag:s22] =	ssyncadd.s32 s3;
	_ =	sdelay $0x1  }
0xa1: {  	s23 =	simm.s32 $0x1B8B  }
0xa2: {  	_ =	swait.ge [sflag:s23], $0x1  }
0xa3: {  	[sflag:s23] =	ssyncset.done $0x0  }
0xa4: {  	s25 =	simm.s32 $0x1B8E;
	s24 =	sld [smem:$0x3FFE];
	[sflag:s23] =	ssyncadd.s32 $0xFFFFFFFF  }
0xa5: {  	s26 =	simm.s32 $execute0_lowered;
	[smem:$0x3FD2] =	sst s25  }
0xa6: {  	s4 =	sshll.u32 s26, $0x1;
	_ =	strace $0x80000046;
	[dreg:$0x1] =	wrdreg $0xFFFFFFFF  }
0xa7: {  	s28 =	simm.s32 $_size_execute0_lowered;
	s2 =	sadd.s32 s2, s4;
	[dreg:$0x0] =	wrdreg $0x0  }
0xa8: {  	s4 =	sshll.u32 s28, $0x1;
	[dreg:$0x2] =	wrdreg s2  }
0xa9: {  	[dreg:$0x3] =	wrdreg s4  }
0xaa: {  	[dreg:$0x4] =	wrdreg $0xC0  }
0xab: {  	_ =	task [dreg:s6], $0x5FFFF  }
0xac: {  	[dreg:$0x1] =	wrdreg $0xFFFFFFFF  }
0xad: {  	[dreg:$0x0] =	wrdreg $0x60  }
0xae: {  	[dreg:$0x2] =	wrdreg s24  }
0xaf: {  	[dreg:$0x3] =	wrdreg $0x54000  }
0xb0: {  	[dreg:$0x4] =	wrdreg $0x9  }
0xb1: {  	_ =	task.clear_ibuf [dreg:s6], $0x5FFFF;
	_ =	strace $0x90000046  }
0xb2: {  	s29 =	simm.s32 $0x9;
	_ =	strace $0x80000048  }
0xb3: {  	_ =	swait.ge [sflag:s29], $0x1  }
0xb4: {  	[sflag:s29] =	ssyncadd.s32 $0xFFFFFFFF  }
0xb5: {  	_ =	strace $0x90000048  }
0xb6: {  	_ =	sfence  }
0xb7: {  	s30 =	sld [smem:$0x0];
	_ =	sdelay $0x2  }
0xb8: {  	s31 =	sshll.u32 s1, $0xD;
	s1 =	sshrl.u32 s1, $0x2  }
0xb9: {  	s3 =	sand.u32 $0x4000, s31;
	s1 =	sadd.s32 s1, s30  }
0xba: {  	s0 =	sor.u32 s3, s0;
	s1 =	sshll.u32 s1, $0x11  }
0xbb: {  	s0 =	sor.u32 s1, s0  }
0xbc: {  	s0 =	sadd.s32 $0x8F2B, s0  }
0xbd: {  	[sflag:s0] =	ssyncadd.remote.s32 $0x1  }
0xbe: {  	_ =	sfence.sel $0xFFFF  }
0xbf: {  	[dreg:$0x0] =	wrdreg $0xFFFFFFFF;
	(pc) =	sbr.abs _section_cstart, $3  }
0xc0: {  	[dreg:$0x1] =	wrdreg $0xFFFFFFFF  }
0xc1: {  	_ =	task.clear_ibuf [dreg:s6], $0x2FFFF;
	_ =	strace $0x9FFFFFFF  }
0xc2: {  	(tm) =	ssettm $0x7FFFFFFF  }
0xc3: {  	_ =	shalt  }
tec
execute0_lowered:
.L_overlay_start_1:
0x0: {  	(tag) =	ssettag $0x1  }
0x1: {  	s5 =	rddreg [dreg:$0x0]  }
0x2: {  	s2 =	rddreg [dreg:$0x1]  }
0x3: {  	s0 =	rddreg [dreg:$0x2]  }
0x4: {  	s4 =	srdreg.scid;
	s1 =	stileid.u32;
	s3 =	simm.s32 $0x0  }
0x5: {  	s14 =	simm.s32 $0x2;
	s15 =	simm.s32 $0x80;
	s6 =	smul.u32 $0x2780, s1  }
0x6: {  	s16 =	simm.s32 $0x1;
	s4 =	sand.u32 $0x1, s4;
	s8 =	smul.u32 $0x4F000, s1  }
0x7: {  	s17 =	simm.s32 $0x0;
	[smem:$0x7FF] =	sst s3;
	s7 =	smul.u32 $0x27800, s4  }
0x8: {  	s9 =	sadd.s32 $0x3C00, s5;
	_ =	strace $0x80000047;
	s28 =	sshll.u32 s4, $0x4  }
0x9: {  	s10 =	ssub.s32 $0x2, s4;
	s6 =	sadd.s32 s6, s7;
	s7 =	sor.u32 s1, s28  }
0xa: {  	s29 =	sshrl.u32 s8, $0x2;
	s30 =	sshrl.u32 s10, $0x1;
	s11 =	smul.u32 $0x2800, s7  }
0xb: {  	s4 =	sadd.s32 s29, s2;
	s13 =	ssub.s32 s10, s30;
	s12 =	sadd.s32 s6, s5  }
0xc: {  	s5 =	sadd.s32 $0x4000, s4;
	s31 =	smul.u32 $0x500, s7;
	s11 =	sshrl.u32 s11, $0x3  }
0xd: {  	s6 =	sadd.s32 $0x8000, s4;
	s7 =	sadd.s32 $0xC000, s4;
	s11 =	sadd.s32 s9, s11  }
0xe: {  	s8 =	sadd.s32 $0xFC00, s4;
	s9 =	sadd.s32 s9, s31;
	s10 =	sadd.s32 $0x280, s11  }
0xf: {  	v0 =	vimm.f32 $0.0e+00;
	v1 =	vimm.f32 $1.000000000e+00;
	s11 =	sadd.s32 $0x17C00, s12;
	s12 =	smax.u32 s13, $0x1;
	s13 =	simm.s32 $0x1400  }
.LBB2_1:
0x10: {  	s18 =	simm.s32 $0x0;
	s19 =	simm.s32 $0x200  }
.LBB2_2:
0x11: {  	p0 =	sne.s32 s19, $0xFE00;
	[tilespmem:s18+$0x1470] =	vst v0  }
0x12: {  	[tilespmem:s18+$0x1400] =	vst v0  }
0x13: {  	[tilespmem:s18+$0x1410] =	vst v0  }
.Ltmp0:
0x14: {  	[tilespmem:s18+$0x1420] =	vst v0;
	(pc) =	sbr.rel @p0 .LBB2_2-.Ltmp0, $4  }
0x15: {  	[tilespmem:s18+$0x1430] =	vst v0  }
0x16: {  	[tilespmem:s18+$0x1440] =	vst v0  }
0x17: {  	[tilespmem:s18+$0x1450] =	vst v0  }
0x18: {  	[tilespmem:s18+$0x1460] =	vst v0;
	s18 =	sshra.s32 s19, $0x2;
	s19 =	sadd.s32 $0x200, s19  }
0x19: {  	[tilespmem:s18+$0x1470] =	vst v0  }
0x1a: {  	[tilespmem:s18+$0x1400] =	vst v0  }
0x1b: {  	[tilespmem:s18+$0x1410] =	vst v0  }
0x1c: {  	[tilespmem:s18+$0x1420] =	vst v0  }
0x1d: {  	[tilespmem:s18+$0x1430] =	vst v0  }
0x1e: {  	[tilespmem:s18+$0x1440] =	vst v0  }
0x1f: {  	[tilespmem:s18+$0x1450] =	vst v0  }
0x20: {  	[tilespmem:s18+$0x1460] =	vst v0  }
0x21: {  	[spmem:s4] =	stream.linear.scatter [tilespmem:s13], [sflag:$0x2], $0x4000, $0x38;
	[tilespmem:$0x19000] =	vst v63  }
0x22: {  	_ =	swait.ge [sflag:s14], $0x4000  }
0x23: {  	[sflag:s14] =	ssyncset.done $0x0  }
0x24: {  	[sflag:s14] =	ssyncadd.s32 $0xFFFFC000  }
0x25: {  	[spmem:s5] =	stream.linear.scatter [tilespmem:s13], [sflag:$0x2], $0x4000, $0x38;
	[tilespmem:$0x19000] =	vst v63  }
0x26: {  	_ =	swait.ge [sflag:s14], $0x4000  }
0x27: {  	[sflag:s14] =	ssyncset.done $0x0  }
0x28: {  	[sflag:s14] =	ssyncadd.s32 $0xFFFFC000  }
0x29: {  	[spmem:s6] =	stream.linear.scatter [tilespmem:s13], [sflag:$0x2], $0x4000, $0x38;
	[tilespmem:$0x19000] =	vst v63  }
0x2a: {  	_ =	swait.ge [sflag:s14], $0x4000  }
0x2b: {  	[sflag:s14] =	ssyncset.done $0x0  }
0x2c: {  	[sflag:s14] =	ssyncadd.s32 $0xFFFFC000  }
0x2d: {  	[spmem:s7] =	stream.linear.scatter [tilespmem:s13], [sflag:$0x2], $0x4000, $0x38;
	[tilespmem:$0x19000] =	vst v63  }
0x2e: {  	_ =	swait.ge [sflag:s14], $0x4000  }
0x2f: {  	[sflag:s14] =	ssyncset.done $0x0  }
0x30: {  	[sflag:s14] =	ssyncadd.s32 $0xFFFFC000  }
0x31: {  	[spmem:s8] =	stream.linear.scatter [tilespmem:s13], [sflag:$0x2], $0x4000, $0x38;
	[tilespmem:$0x19000] =	vst v63  }
0x32: {  	_ =	swait.ge [sflag:s14], $0x4000  }
0x33: {  	[sflag:s14] =	ssyncset.done $0x0  }
0x34: {  	s18 =	simm.s32 $0x0;
	s19 =	simm.s32 $0x200;
	[sflag:s14] =	ssyncadd.s32 $0xFFFFC000  }
.LBB2_4:
0x35: {  	p0 =	sne.s32 s19, $0xFE00;
	[tilespmem:s18+$0x1470] =	vst v1  }
0x36: {  	[tilespmem:s18+$0x1400] =	vst v1  }
0x37: {  	[tilespmem:s18+$0x1410] =	vst v1  }
.Ltmp1:
0x38: {  	[tilespmem:s18+$0x1420] =	vst v1;
	(pc) =	sbr.rel @p0 .LBB2_4-.Ltmp1, $4  }
0x39: {  	[tilespmem:s18+$0x1430] =	vst v1  }
0x3a: {  	[tilespmem:s18+$0x1440] =	vst v1  }
0x3b: {  	[tilespmem:s18+$0x1450] =	vst v1  }
0x3c: {  	[tilespmem:s18+$0x1460] =	vst v1;
	s18 =	sshra.s32 s19, $0x2;
	s19 =	sadd.s32 $0x200, s19  }
0x3d: {  	[tilespmem:s18+$0x1470] =	vst v1  }
0x3e: {  	[tilespmem:s18+$0x1400] =	vst v1  }
0x3f: {  	[tilespmem:s18+$0x1410] =	vst v1  }
0x40: {  	[tilespmem:s18+$0x1420] =	vst v1  }
0x41: {  	[tilespmem:s18+$0x1430] =	vst v1  }
0x42: {  	[tilespmem:s18+$0x1440] =	vst v1  }
0x43: {  	[tilespmem:s18+$0x1450] =	vst v1  }
0x44: {  	[tilespmem:s18+$0x1460] =	vst v1  }
0x45: {  	[bflag:$0x0] =	sbarrier.arrive $0xFFFF  }
0x46: {  	[tilespmem:s3], [sflag:$0x2] =	stream.linear.gather [hbm4b:s9+s3], $0x1400, $0x38;
	[tilespmem:$0x19000] =	vst v63  }
0x47: {  	_ =	swait.ge [sflag:s14], $0x1400  }
0x48: {  	[sflag:s14] =	ssyncset.done $0x0  }
0x49: {  	[sflag:s14] =	ssyncadd.s32 $0xFFFFEC00  }
0x4a: {  	[spmem:s2] =	stream.indirect.scatter.add.f32 [tilespmem:s13], [sflag:$0x1], $0x80, s3, s15, $0xb8;
	[tilespmem:$0x19000] =	vst v63  }
0x4b: {  	_ = 	snop  }
0x4c: {  	[spmem:s2] =	stream.indirect.scatter.add.f32 [tilespmem:s13], [sflag:$0x1], $0x80, s15, s15, $0xb8;
	[tilespmem:$0x19000] =	vst v63  }
0x4d: {  	s31 =	simm.s32 $0x100  }
0x4e: {  	[spmem:s2] =	stream.indirect.scatter.add.f32 [tilespmem:s13], [sflag:$0x1], $0x80, s31, s15, $0xb8;
	[tilespmem:$0x19000] =	vst v63  }
0x4f: {  	_ =	swait.ge [sflag:s16], $0x4000  }
0x50: {  	s18 =	simm.s32 $0x600;
	[sflag:s16] =	ssyncset.done $0x0  }
.LBB2_6:
0x51: {  	s19 =	sshra.s32 s18, $0x2;
	[sflag:s16] =	ssyncadd.s32 $0xFFFFC000;
	p0 =	sne.s32 s18, $0x4E00  }
0x52: {  	[spmem:s2] =	stream.indirect.scatter.add.f32 [tilespmem:s13], [sflag:$0x1], $0x80, s19, s15, $0xb8;
	[tilespmem:$0x19000] =	vst v63  }
.Ltmp2:
0x53: {  	_ = 	snop;
	(pc) =	sbr.rel @p0 .LBB2_6-.Ltmp2, $4  }
0x54: {  	_ = 	snop  }
0x55: {  	s18 =	sadd.s32 $0x200, s18  }
0x56: {  	_ =	swait.ge [sflag:s16], $0x4000  }
0x57: {  	[sflag:s16] =	ssyncset.done $0x0  }
0x58: {  	[sflag:s16] =	ssyncadd.s32 $0xFFFFC000  }
0x59: {  	_ =	swait.ge [sflag:s16], $0x4000  }
0x5a: {  	[sflag:s16] =	ssyncset.done $0x0  }
0x5b: {  	[sflag:s16] =	ssyncadd.s32 $0xFFFFC000  }
0x5c: {  	_ =	swait.ge [sflag:s16], $0x4000  }
0x5d: {  	[sflag:s16] =	ssyncset.done $0x0  }
0x5e: {  	[sflag:s16] =	ssyncadd.s32 $0xFFFFC000  }
0x5f: {  	[tilespmem:s3], [sflag:$0x2] =	stream.linear.gather [hbm4b:s10+s3], $0x1400, $0x38;
	[tilespmem:$0x19000] =	vst v63  }
0x60: {  	_ =	swait.ge [sflag:s14], $0x1400  }
0x61: {  	[sflag:s14] =	ssyncset.done $0x0  }
0x62: {  	[sflag:s14] =	ssyncadd.s32 $0xFFFFEC00  }
0x63: {  	[spmem:s2] =	stream.indirect.scatter.add.f32 [tilespmem:s13], [sflag:$0x1], $0x80, s3, s15, $0xb8;
	[tilespmem:$0x19000] =	vst v63  }
0x64: {  	_ = 	snop  }
0x65: {  	[spmem:s2] =	stream.indirect.scatter.add.f32 [tilespmem:s13], [sflag:$0x1], $0x80, s15, s15, $0xb8;
	[tilespmem:$0x19000] =	vst v63  }
0x66: {  	s18 =	simm.s32 $0x100  }
0x67: {  	[spmem:s2] =	stream.indirect.scatter.add.f32 [tilespmem:s13], [sflag:$0x1], $0x80, s18, s15, $0xb8;
	[tilespmem:$0x19000] =	vst v63  }
0x68: {  	_ =	swait.ge [sflag:s16], $0x4000  }
0x69: {  	s18 =	simm.s32 $0x600;
	[sflag:s16] =	ssyncset.done $0x0  }
.LBB2_8:
0x6a: {  	s19 =	sshra.s32 s18, $0x2;
	[sflag:s16] =	ssyncadd.s32 $0xFFFFC000;
	p0 =	sne.s32 s18, $0x4E00  }
0x6b: {  	[spmem:s2] =	stream.indirect.scatter.add.f32 [tilespmem:s13], [sflag:$0x1], $0x80, s19, s15, $0xb8;
	[tilespmem:$0x19000] =	vst v63  }
.Ltmp3:
0x6c: {  	_ = 	snop;
	(pc) =	sbr.rel @p0 .LBB2_8-.Ltmp3, $4  }
0x6d: {  	_ = 	snop  }
0x6e: {  	s18 =	sadd.s32 $0x200, s18  }
0x6f: {  	_ =	swait.ge [sflag:s16], $0x4000  }
0x70: {  	[sflag:s16] =	ssyncset.done $0x0  }
0x71: {  	[sflag:s16] =	ssyncadd.s32 $0xFFFFC000  }
0x72: {  	_ =	swait.ge [sflag:s16], $0x4000  }
0x73: {  	[sflag:s16] =	ssyncset.done $0x0  }
0x74: {  	[sflag:s16] =	ssyncadd.s32 $0xFFFFC000  }
0x75: {  	_ =	swait.ge [sflag:s16], $0x4000  }
0x76: {  	s18 =	sshll.u32 s1, $0x6;
	s17 =	sadd.s32 $0x1, s17;
	[sflag:s16] =	ssyncset.done $0x0  }
0x77: {  	s19 =	sshrl.u32 s4, $0x3;
	p0 =	sne.s32 s17, s12;
	[sflag:s16] =	ssyncadd.s32 $0xFFFFC000  }
.Ltmp4:
0x78: {  	s18 =	sor.u32 $0x1C02, s18;
	[bflag:$0x0] =	sbarrier.arrive $0xFFFF;
	(pc) =	sbr.rel @p0 .LBB2_1-.Ltmp4, $4  }
0x79: {  	[hbm:s11], [sflag:s18] =	dma.local [spmem:s19], $0x2780  }
0x7a: {  	_ =	swait.ge [sflag:s14], $0x2780  }
0x7b: {  	[sflag:s14] =	ssyncset.done $0x0  }
0x7c: {  	[sflag:s14] =	ssyncadd.s32 $0xFFFFD880  }
0x7d: {  	_ =	sfence.sel $0x180000  }
0x7e: {  	[bflag:$0x0] =	sbarrier.arrive $0xFFFF  }
0x7f: {  	p0 =	sne.s32 s1, $0x0;
	_ =	strace $0x90000047  }
0x80: {  	s0 =	sadd.s32 @!p0 $0x100000, s0;
	[bflag:$0x2] =	sbarrier.arrive $0xFFFF  }
0x81: {  	[sflag:s0] =	ssyncadd.tile.s32 @!p0 $0x1;
	_ =	shalt  }
.Lfunc_end2:
_tile_overlayer_lowered:
.L_overlay_start_2:
0x82: {  	(tag) =	ssettag $0x2  }
0x83: {  	s0 =	rddreg [dreg:$0x0];
	s2 =	stileid.u32  }
0x84: {  	s1 =	rddreg [dreg:$0x1];
	p0 =	sne.s32 s2, $0x0  }
0x85: {  	s3 =	rddreg [dreg:$0x2];
	[bflag:$0x3] =	sbarrier.arrive $0xFFFF;
	s2 =	simm.s32 @!p0 $0x1C02  }
0x86: {  	[timem:s3], [sflag:s2] =	dma.local @!p0 [hbm:s0], s1  }
0x87: {  	s0 =	simm.s32 @!p0 $0x2  }
0x88: {  	_ =	swait.ge @!p0 [sflag:s0], s1  }
0x89: {  	s1 =	ssub.s32 @!p0 $0x0, s1;
	[sflag:s0] =	ssyncset.done @!p0 $0x0  }
0x8a: {  	[sflag:s0] =	ssyncadd.s32 @!p0 s1  }
0x8b: {  	[bflag:$0x3] =	sbarrier.arrive $0xFFFF  }
0x8c: {  	_ =	shalt  }

// kernel: kernel.18.cloned.1.call-start
scs
__scs_entry_jumppad:
0x0: {  	(pc) =	sbr.rel $0x88, $3  }
0x1: {  	(tag) =	ssettag $0x0;
	lr =	simm.s32 $0x1  }
0x2: {  	[smem:$0x3F97] =	sst lr;
	_ =	strace $0xD0000000  }
0x3: {  	_ = 	snop  }
0x4: {  	_ = 	snop  }
0x5: {  	_ = 	snop  }
0x6: {  	_ = 	snop  }
0x7: {  	_ = 	snop  }
__scs_overlays_trampoline_lowered:
0x8: {  	[smem:$0x3FA6] =	sst s0  }
0x9: {  	[smem:$0x3FA7] =	sst s1  }
0xa: {  	[smem:$0x3FA8] =	sst s2  }
0xb: {  	[smem:$0x3FA9] =	sst s3  }
0xc: {  	[smem:$0x3FAA] =	sst s4  }
0xd: {  	[smem:$0x3FAB] =	sst s5  }
0xe: {  	[smem:$0x3FAC] =	sst s6  }
0xf: {  	[smem:$0x3FAD] =	sst s7  }
0x10: {  	[smem:$0x3FAE] =	sst s8  }
0x11: {  	[smem:$0x3FAF] =	sst s9;
	s0 =	simm.s32 @!p0 $0x0  }
0x12: {  	s1 =	sld [smem:$0x3F95];
	s0 =	simm.s32 @p0 $0x1  }
0x13: {  	[smem:$0x3FB0] =	sst s0;
	s0 =	simm.s32 @!p1 $0x0  }
0x14: {  	s2 =	sld [smem:$0x3F94];
	s0 =	simm.s32 @p1 $0x1  }
0x15: {  	[smem:$0x3FB1] =	sst s0;
	s0 =	simm.s32 @!p2 $0x0  }
0x16: {  	s3 =	sld [smem:$0x3FDB];
	s0 =	simm.s32 @p2 $0x1  }
0x17: {  	s4 =	simm.s32 $0x1BF5;
	[smem:$0x3FB3] =	sst s0  }
0x18: {  	s0 =	sld [smem:$0x3F96];
	_ =	swait.ge [sflag:s4], $0x0  }
0x19: {  	s7 =	sld [smem:$0x3F97]  }
0x1a: {  	s8 =	sadd.s32 $0xFFFFE003, lr  }
0x1b: {  	s9 =	sadd.s32 $0xFFFFFEF7, lr;
	s5 =	simm.s32 $0xFFFFFFFF;
	p2 =	slt.u32 s8, $0xFFFFF086  }
0x1c: {  	p1 =	slt.u32 s9, $0xF7A;
	s5 =	simm.s32 @!p2 $0x0  }
0x1d: {  	s5 =	simm.s32 @p1 $0x1;
	p0 =	seq.s32 s7, s2  }
0x1e: {  	s7 =	smul.u32 @!p0 $0xF7A, s2;
	p2 =	seq.s32 @!p0 s5, $0x0  }
0x1f: {  	s9 =	smul.u32 $0xF7A, s1;
	s8 =	simm.s32 @!p0 $0x1BF5;
	p2 =	por !p2, p0  }
0x20: {  	[sflag:s8] =	ssyncset.s32 @!p0 $0xFFFFF086;
	s6 =	sadd.s32 @!p0 s3, s7;
	s7 =	simm.s32 @!p0 $0x108  }
0x21: {  	s3 =	sadd.s32 s3, s9;
	s6 =	sadd.s32 @!p0 $0x88, s6;
	s7 =	simm.s32 @p2 $0x1082  }
0x22: {  	[simem:s7], [sflag:s8] =	dma.local @!p0 [hbm:s6], $0xF7A  }
0x23: {  	s9 =	sor.u32 $0xD0000000, s2;
	s6 =	simm.s32 $0x108;
	_ =	swait.ge @!p0 [sflag:s8], $0x0  }
0x24: {  	s3 =	sadd.s32 $0x88, s3;
	s6 =	simm.s32 @!p1 $0x1082;
	[sflag:s4] =	ssyncset.s32 $0xFFFFF086  }
0x25: {  	[simem:s6], [sflag:s4] =	dma.local [hbm:s3], $0xF7A  }
0x26: {  	[smem:$0x3F97] =	sst s1;
	(tag) =	ssettag s2;
	_ =	strace s9  }
0x27: {  	s1 =	sld [smem:$0x3FA7]  }
0x28: {  	s2 =	sld [smem:$0x3FA8]  }
0x29: {  	s4 =	sld [smem:$0x3FAA]  }
0x2a: {  	p0 =	seq.s32 s5, $0x0;
	s5 =	sld [smem:$0x3FAB]  }
0x2b: {  	s6 =	sld [smem:$0x3FAC]  }
0x2c: {  	s7 =	sld [smem:$0x3FAD]  }
0x2d: {  	s3 =	simm.s32 $0x108;
	s8 =	sld [smem:$0x3FAE]  }
0x2e: {  	s3 =	simm.s32 @!p0 $0x1082;
	s9 =	sld [smem:$0x3FAF]  }
0x2f: {  	lr =	sadd.s32 s0, s3;
	s0 =	sld [smem:$0x3FA6]  }
0x30: {  	s3 =	sld [smem:$0x3FA9]  }
0x31: {  	[smem:$0x3FB2] =	sst s10  }
0x32: {  	s10 =	sld [smem:$0x3FB0];
	_ =	sdelay $0x3  }
0x33: {  	p0 =	seq.s32 s10, $0x1;
	s10 =	sld [smem:$0x3FB2];
	_ =	sdelay $0x3  }
0x34: {  	[smem:$0x3FB2] =	sst s10  }
0x35: {  	s10 =	sld [smem:$0x3FB1];
	_ =	sdelay $0x3  }
0x36: {  	p1 =	seq.s32 s10, $0x1;
	s10 =	sld [smem:$0x3FB2];
	_ =	sdelay $0x3  }
0x37: {  	[smem:$0x3FB2] =	sst s10  }
0x38: {  	s10 =	sld [smem:$0x3FB3]  }
0x39: {  	_ = 	snop;
	(pc) =	sbr.ind lr, $3  }
0x3a: {  	_ = 	snop  }
0x3b: {  	_ = 	snop  }
0x3c: {  	p2 =	seq.s32 s10, $0x1;
	s10 =	sld [smem:$0x3FB2]  }
0x3d: {  	_ =	shalt  }
0x3e: {  	_ =	shalt  }
0x3f: {  	_ =	shalt  }
0x40: {  	_ =	shalt  }
0x41: {  	_ =	shalt  }
0x42: {  	_ =	shalt  }
0x43: {  	_ =	shalt  }
0x44: {  	_ =	shalt  }
0x45: {  	_ =	shalt  }
0x46: {  	_ =	shalt  }
0x47: {  	_ =	shalt  }
0x48: {  	_ =	shalt  }
0x49: {  	_ =	shalt  }
0x4a: {  	_ =	shalt  }
0x4b: {  	_ =	shalt  }
0x4c: {  	_ =	shalt  }
0x4d: {  	_ =	shalt  }
0x4e: {  	_ =	shalt  }
0x4f: {  	_ =	shalt  }
0x50: {  	_ =	shalt  }
0x51: {  	_ =	shalt  }
0x52: {  	_ =	shalt  }
0x53: {  	_ =	shalt  }
0x54: {  	_ =	shalt  }
0x55: {  	_ =	shalt  }
0x56: {  	_ =	shalt  }
0x57: {  	_ =	shalt  }
0x58: {  	_ =	shalt  }
0x59: {  	_ =	shalt  }
0x5a: {  	_ =	shalt  }
0x5b: {  	_ =	shalt  }
0x5c: {  	_ =	shalt  }
0x5d: {  	_ =	shalt  }
0x5e: {  	_ =	shalt  }
0x5f: {  	_ =	shalt  }
0x60: {  	_ =	shalt  }
0x61: {  	_ =	shalt  }
0x62: {  	_ =	shalt  }
0x63: {  	_ =	shalt  }
0x64: {  	_ =	shalt  }
0x65: {  	_ =	shalt  }
0x66: {  	_ =	shalt  }
0x67: {  	_ =	shalt  }
0x68: {  	_ =	shalt  }
0x69: {  	_ =	shalt  }
0x6a: {  	_ =	shalt  }
0x6b: {  	_ =	shalt  }
0x6c: {  	_ =	shalt  }
0x6d: {  	_ =	shalt  }
0x6e: {  	_ =	shalt  }
0x6f: {  	_ =	shalt  }
0x70: {  	_ =	shalt  }
0x71: {  	_ =	shalt  }
0x72: {  	_ =	shalt  }
0x73: {  	_ =	shalt  }
0x74: {  	_ =	shalt  }
0x75: {  	_ =	shalt  }
0x76: {  	_ =	shalt  }
0x77: {  	_ =	shalt  }
0x78: {  	_ =	shalt  }
0x79: {  	_ =	shalt  }
0x7a: {  	_ =	shalt  }
0x7b: {  	_ =	shalt  }
0x7c: {  	_ =	shalt  }
0x7d: {  	_ =	shalt  }
0x7e: {  	_ =	shalt  }
0x7f: {  	_ =	shalt  }
0x80: {  	_ =	shalt  }
0x81: {  	_ =	shalt  }
0x82: {  	_ =	shalt  }
0x83: {  	_ =	shalt  }
0x84: {  	_ =	shalt  }
0x85: {  	_ =	shalt  }
0x86: {  	_ =	shalt  }
0x87: {  	_ =	shalt  }
.Lfunc_end0:
.L_simem_size_0:
called_computation.1_lowered:
.L_overlay_start_0:
0x88: {  	s2 =	sld [smem:$0x3FD9]  }
0x89: {  	s3 =	sld [smem:$0x3FFE];
	_ =	sdelay $0x1  }
0x8a: {  	s1 =	srdreg.scid  }
0x8b: {  	s0 =	sand.u32 $0x1, s1  }
0x8c: {  	s17 =	sshll.u32 s0, $0xA;
	s2 =	sadd.s32 s3, s2  }
0x8d: {  	s2 =	sadd.s32 s2, s17  }
0x8e: {  	[smem:$0x3FBE] =	sst s2  }
0x8f: {  	_ = 	snop  }
0x90: {  	s2 =	sld [smem:$0x3FD0];
	(tm) =	ssettm $0x1  }
0x91: {  	s18 =	sld [smem:$0x3FFB];
	_ =	sdelay $0x3  }
0x92: {  	_ =	strace s18  }
0x93: {  	s3 =	sld [smem:$0x3FFC];
	_ =	sdelay $0x3  }
0x94: {  	_ =	strace s3  }
0x95: {  	s3 =	sld [smem:$0x3FFD];
	_ =	sdelay $0x3  }
0x96: {  	_ =	strace s3  }
0x97: {  	_ =	strace $0x8FFFFFFF  }
0x98: {  	s19 =	sld [smem:$0x3FDB];
	_ =	sdelay $0x1  }
0x99: {  	s4 =	simm.s32 $_scs_section_size  }
0x9a: {  	s5 =	simm.s32 $_size__tile_overlayer_lowered;
	s6 =	simm.s32 $_tile_overlayer_lowered  }
0x9b: {  	s22 =	simm.s32 $0x1BFF;
	s21 =	sshll.u32 s6, $0x1;
	s3 =	sadd.s32 s4, s19  }
0x9c: {  	s7 =	simm.s32 $0x0;
	s20 =	sshll.u32 s5, $0x1;
	s5 =	sadd.s32 s21, s3  }
0x9d: {  	[timem:s7], [sflag:s22] =	dma.local [hbm:s5], s20  }
0x9e: {  	_ =	swait.ge [sflag:s22], s20  }
0x9f: {  	s4 =	ssub.s32 $0x0, s20;
	[sflag:s22] =	ssyncset.done $0x0  }
0xa0: {  	[sflag:s22] =	ssyncadd.s32 s4;
	_ =	sdelay $0x1  }
0xa1: {  	s23 =	simm.s32 $0x1B8B  }
0xa2: {  	_ =	swait.ge [sflag:s23], $0x1  }
0xa3: {  	[sflag:s23] =	ssyncset.done $0x0  }
0xa4: {  	s25 =	simm.s32 $0x1B8E;
	s24 =	sld [smem:$0x3FFE];
	[sflag:s23] =	ssyncadd.s32 $0xFFFFFFFF  }
0xa5: {  	s26 =	simm.s32 $execute0_lowered;
	[smem:$0x3FD2] =	sst s25  }
0xa6: {  	s5 =	sshll.u32 s26, $0x1;
	_ =	strace $0x80000049;
	[dreg:$0x1] =	wrdreg $0xFFFFFFFF  }
0xa7: {  	s28 =	simm.s32 $_size_execute0_lowered;
	s3 =	sadd.s32 s3, s5;
	[dreg:$0x0] =	wrdreg $0x0  }
0xa8: {  	s5 =	sshll.u32 s28, $0x1;
	[dreg:$0x2] =	wrdreg s3  }
0xa9: {  	[dreg:$0x3] =	wrdreg s5  }
0xaa: {  	[dreg:$0x4] =	wrdreg $0xC0  }
0xab: {  	_ =	task [dreg:s7], $0x5FFFF  }
0xac: {  	[dreg:$0x1] =	wrdreg $0xFFFFFFFF  }
0xad: {  	[dreg:$0x0] =	wrdreg $0x60  }
0xae: {  	[dreg:$0x2] =	wrdreg s2  }
0xaf: {  	[dreg:$0x3] =	wrdreg s24  }
0xb0: {  	[dreg:$0x4] =	wrdreg $0xA8000  }
0xb1: {  	[dreg:$0x5] =	wrdreg $0x9  }
0xb2: {  	_ =	task.clear_ibuf [dreg:s7], $0x6FFFF;
	_ =	strace $0x90000049  }
0xb3: {  	s29 =	simm.s32 $0x9;
	_ =	strace $0x8000004B  }
0xb4: {  	_ =	swait.ge [sflag:s29], $0x1  }
0xb5: {  	[sflag:s29] =	ssyncadd.s32 $0xFFFFFFFF  }
0xb6: {  	_ =	strace $0x9000004B  }
0xb7: {  	_ =	sfence  }
0xb8: {  	s30 =	sld [smem:$0x0];
	_ =	sdelay $0x2  }
0xb9: {  	s31 =	sshll.u32 s1, $0xD;
	s1 =	sshrl.u32 s1, $0x2  }
0xba: {  	s3 =	sand.u32 $0x4000, s31;
	s1 =	sadd.s32 s1, s30  }
0xbb: {  	s0 =	sor.u32 s3, s0;
	s1 =	sshll.u32 s1, $0x11  }
0xbc: {  	s0 =	sor.u32 s1, s0  }
0xbd: {  	s0 =	sadd.s32 $0x8F2B, s0  }
0xbe: {  	[sflag:s0] =	ssyncadd.remote.s32 $0x1  }
0xbf: {  	_ =	sfence.sel $0xFFFF  }
0xc0: {  	[dreg:$0x0] =	wrdreg $0xFFFFFFFF;
	(pc) =	sbr.abs _section_cstart, $3  }
0xc1: {  	[dreg:$0x1] =	wrdreg $0xFFFFFFFF  }
0xc2: {  	_ =	task.clear_ibuf [dreg:s7], $0x2FFFF;
	_ =	strace $0x9FFFFFFF  }
0xc3: {  	(tm) =	ssettm $0x7FFFFFFF  }
tec
execute0_lowered:
.L_overlay_start_1:
0x0: {  	(tag) =	ssettag $0x1  }
0x1: {  	s1 =	rddreg [dreg:$0x0]  }
0x2: {  	s6 =	rddreg [dreg:$0x1]  }
0x3: {  	s3 =	rddreg [dreg:$0x2]  }
0x4: {  	s0 =	rddreg [dreg:$0x3]  }
0x5: {  	s5 =	srdreg.scid;
	s2 =	stileid.u32  }
0x6: {  	s4 =	simm.s32 $0x0;
	s18 =	simm.s32 $0x1400;
	s19 =	simm.s32 $0x80  }
0x7: {  	s20 =	simm.s32 $0x1;
	s21 =	simm.s32 $0x2;
	s7 =	smul.u32 $0x2780, s2  }
0x8: {  	s5 =	sand.u32 $0x1, s5;
	[smem:$0x7FF] =	sst s4;
	s9 =	smul.u32 $0x4F000, s2  }
0x9: {  	s12 =	sadd.s32 $0xDC00, s6;
	s13 =	sadd.s32 $0x3C00, s6;
	s8 =	smul.u32 $0x27800, s5  }
0xa: {  	_ =	strace $0x8000004A;
	s28 =	sshll.u32 s5, $0x4;
	s10 =	ssub.s32 $0x2, s5  }
0xb: {  	s29 =	sshrl.u32 s9, $0x2;
	s7 =	sadd.s32 s7, s8;
	s8 =	sor.u32 s2, s28  }
0xc: {  	s30 =	sshrl.u32 s10, $0x1;
	s5 =	sadd.s32 s29, s3;
	s11 =	smul.u32 $0x2800, s8  }
0xd: {  	s15 =	ssub.s32 s10, s30;
	s14 =	sadd.s32 s7, s6;
	s16 =	smul.u32 $0x500, s8  }
.Ltmp0:
0xe: {  	s6 =	sadd.s32 $0x4000, s5;
	s7 =	sadd.s32 $0x8000, s5;
	(pc) =	sbr.rel .LBB2_1-.Ltmp0, $4  }
0xf: {  	s8 =	sadd.s32 $0xC000, s5;
	s9 =	sadd.s32 $0xFC00, s5;
	s15 =	smax.u32 s15, $0x1  }
0x10: {  	s14 =	sadd.s32 $0x8FE00, s14;
	s31 =	sshrl.u32 s11, $0x3;
	s10 =	sadd.s32 s12, s16  }
0x11: {  	s11 =	sadd.s32 s13, s16;
	s16 =	simm.s32 $0x2800;
	s17 =	sadd.s32 $0x280, s31  }
0x12: {  	v0 =	vimm.f32 $0.0e+00;
	s12 =	sadd.s32 s12, s17;
	s13 =	sadd.s32 s13, s17;
	s17 =	simm.s32 $0x3  }
.LBB2_11:
0x13: {  	_ =	swait.ge [sflag:s21], $0x4000  }
0x14: {  	s22 =	sshll.u32 s2, $0x6;
	s4 =	sadd.s32 $0x1, s4;
	[sflag:s21] =	ssyncset.done $0x0  }
0x15: {  	s23 =	sshrl.u32 s5, $0x3;
	p0 =	sne.s32 s4, s15;
	[sflag:s21] =	ssyncadd.s32 $0xFFFFC000  }
.Ltmp1:
0x16: {  	s22 =	sor.u32 $0x1C03, s22;
	[bflag:$0x0] =	sbarrier.arrive $0xFFFF;
	(pc) =	sbr.rel @!p0 .LBB2_12-.Ltmp1, $4  }
0x17: {  	[hbm:s14], [sflag:s22] =	dma.local [spmem:s23], $0x2780  }
0x18: {  	_ =	swait.ge [sflag:s17], $0x2780  }
0x19: {  	[sflag:s17] =	ssyncset.done $0x0  }
0x1a: {  	[sflag:s17] =	ssyncadd.s32 $0xFFFFD880  }
.LBB2_1:
0x1b: {  	s22 =	simm.s32 $0x0;
	s23 =	simm.s32 $0x200  }
.LBB2_2:
0x1c: {  	p0 =	sne.s32 s23, $0xFE00;
	[tilespmem:s22+$0x2870] =	vst v0  }
0x1d: {  	[tilespmem:s22+$0x2800] =	vst v0  }
0x1e: {  	[tilespmem:s22+$0x2810] =	vst v0  }
.Ltmp2:
0x1f: {  	[tilespmem:s22+$0x2820] =	vst v0;
	(pc) =	sbr.rel @p0 .LBB2_2-.Ltmp2, $4  }
0x20: {  	[tilespmem:s22+$0x2830] =	vst v0  }
0x21: {  	[tilespmem:s22+$0x2840] =	vst v0  }
0x22: {  	[tilespmem:s22+$0x2850] =	vst v0  }
0x23: {  	[tilespmem:s22+$0x2860] =	vst v0;
	s22 =	sshra.s32 s23, $0x2;
	s23 =	sadd.s32 $0x200, s23  }
0x24: {  	[tilespmem:s22+$0x2870] =	vst v0  }
0x25: {  	[tilespmem:s22+$0x2800] =	vst v0  }
0x26: {  	[tilespmem:s22+$0x2810] =	vst v0  }
0x27: {  	[tilespmem:s22+$0x2820] =	vst v0  }
0x28: {  	[tilespmem:s22+$0x2830] =	vst v0  }
0x29: {  	[tilespmem:s22+$0x2840] =	vst v0  }
0x2a: {  	[tilespmem:s22+$0x2850] =	vst v0  }
0x2b: {  	[tilespmem:s22+$0x2860] =	vst v0  }
0x2c: {  	[spmem:s5] =	stream.linear.scatter [tilespmem:s16], [sflag:$0x3], $0x4000, $0x38;
	[tilespmem:$0x1E400] =	vst v63  }
0x2d: {  	_ =	swait.ge [sflag:s17], $0x4000  }
0x2e: {  	[sflag:s17] =	ssyncset.done $0x0  }
0x2f: {  	[sflag:s17] =	ssyncadd.s32 $0xFFFFC000  }
0x30: {  	[spmem:s6] =	stream.linear.scatter [tilespmem:s16], [sflag:$0x3], $0x4000, $0x38;
	[tilespmem:$0x1E400] =	vst v63  }
0x31: {  	_ =	swait.ge [sflag:s17], $0x4000  }
0x32: {  	[sflag:s17] =	ssyncset.done $0x0  }
0x33: {  	[sflag:s17] =	ssyncadd.s32 $0xFFFFC000  }
0x34: {  	[spmem:s7] =	stream.linear.scatter [tilespmem:s16], [sflag:$0x3], $0x4000, $0x38;
	[tilespmem:$0x1E400] =	vst v63  }
0x35: {  	_ =	swait.ge [sflag:s17], $0x4000  }
0x36: {  	[sflag:s17] =	ssyncset.done $0x0  }
0x37: {  	[sflag:s17] =	ssyncadd.s32 $0xFFFFC000  }
0x38: {  	[spmem:s8] =	stream.linear.scatter [tilespmem:s16], [sflag:$0x3], $0x4000, $0x38;
	[tilespmem:$0x1E400] =	vst v63  }
0x39: {  	_ =	swait.ge [sflag:s17], $0x4000  }
0x3a: {  	[sflag:s17] =	ssyncset.done $0x0  }
0x3b: {  	[sflag:s17] =	ssyncadd.s32 $0xFFFFC000  }
0x3c: {  	[spmem:s9] =	stream.linear.scatter [tilespmem:s16], [sflag:$0x3], $0x4000, $0x38;
	[tilespmem:$0x1E400] =	vst v63  }
0x3d: {  	_ =	swait.ge [sflag:s17], $0x4000  }
0x3e: {  	[sflag:s17] =	ssyncset.done $0x0  }
0x3f: {  	[sflag:s17] =	ssyncadd.s32 $0xFFFFC000  }
0x40: {  	s22 =	simm.s32 $0x0;
	[bflag:$0x0] =	sbarrier.arrive $0xFFFF  }
0x41: {  	[tilespmem:s22], [sflag:$0x3] =	stream.linear.gather [hbm4b:s10+s22], $0x1400, $0x38;
	[tilespmem:$0x1E400] =	vst v63  }
0x42: {  	_ =	swait.ge [sflag:s17], $0x1400  }
0x43: {  	[sflag:s17] =	ssyncset.done $0x0  }
0x44: {  	[sflag:s17] =	ssyncadd.s32 $0xFFFFEC00  }
0x45: {  	[tilespmem:s18], [sflag:$0x3] =	stream.linear.gather [hbm4b:s11+s22], $0x1400, $0x38;
	[tilespmem:$0x1E400] =	vst v63  }
.Ltmp3:
0x46: {  	_ = 	snop;
	(pc) =	sbr.rel .LBB2_4-.Ltmp3, $4  }
0x47: {  	_ =	swait.ge [sflag:s17], $0x1400  }
0x48: {  	[sflag:s17] =	ssyncset.done $0x0  }
0x49: {  	[sflag:s17] =	ssyncadd.s32 $0xFFFFEC00  }
0x4a: {  	[tilespmem:s16], [sflag:$0x1] =	stream.indirect.gather [hbm4b:s1+s19], $0x80, s22, s19, $0xb8;
	[tilespmem:$0x1E400] =	vst v63  }
.LBB2_6:
0x4b: {  	p0 =	slt.u32 s23, $0x28  }
.Ltmp4:
0x4c: {  	_ =	swait.ge [sflag:s20], $0x4000;
	s22 =	sshll.u32 s22, $0x7;
	(pc) =	sbr.rel @!p0 .LBB2_7-.Ltmp4, $4  }
0x4d: {  	s24 =	sshll.u32 s24, $0xE;
	[sflag:s20] =	ssyncset.done $0x0;
	s22 =	sand.u32 $0x3FFFFF80, s22  }
0x4e: {  	s24 =	sor.u32 $0x2800, s24;
	[sflag:s20] =	ssyncadd.s32 $0xFFFFC000;
	s22 =	sadd.s32 $0x1400, s22  }
0x4f: {  	[spmem:s3] =	stream.indirect.scatter.add.f32 [tilespmem:s24], [sflag:$0x2], $0x80, s22, s19, $0xb8;
	[tilespmem:$0x1E400] =	vst v63  }
0x50: {  	s22 =	smov.u32 s23  }
.LBB2_4:
0x51: {  	p0 =	seq.s32 s22, $0x0  }
0x52: {  	p1 =	seq.s32 @!p0 s22, $0x27  }
0x53: {  	p1 =	por p0, !p1  }
.Ltmp5:
0x54: {  	_ = 	snop;
	(pc) =	sbr.rel @!p1 .LBB2_6-.Ltmp5, $4  }
0x55: {  	s23 =	simm.s32 @!p0 $0x2  }
0x56: {  	_ =	swait.ge @!p0 [sflag:s23], $0x4000  }
0x57: {  	[sflag:s23] =	ssyncset.done @!p0 $0x0  }
0x58: {  	s24 =	sand.u32 $0x1, s22;
	[sflag:s23] =	ssyncadd.s32 @!p0 $0xFFFFC000;
	s23 =	simm.s32 @!p0 $0x28  }
.Ltmp6:
0x59: {  	s23 =	sadd.s32 @!p0 $0x1, s22;
	(pc) =	sbr.rel .LBB2_6-.Ltmp6, $4  }
0x5a: {  	s23 =	simm.s32 @p0 $0x1  }
0x5b: {  	s25 =	sshll.u32 s24, $0xE;
	s26 =	sshll.u32 s23, $0x7  }
0x5c: {  	s25 =	sxor.u32 $0x6800, s25;
	s26 =	sand.u32 $0x3FFFFF80, s26  }
0x5d: {  	[tilespmem:s25], [sflag:$0x1] =	stream.indirect.gather [hbm4b:s1+s19], $0x80, s26, s19, $0xb8;
	[tilespmem:$0x1E400] =	vst v63  }
.LBB2_7:
0x5e: {  	_ =	swait.ge [sflag:s21], $0x4000  }
0x5f: {  	[sflag:s21] =	ssyncset.done $0x0  }
0x60: {  	s22 =	simm.s32 $0x0;
	[sflag:s21] =	ssyncadd.s32 $0xFFFFC000  }
0x61: {  	[tilespmem:s22], [sflag:$0x3] =	stream.linear.gather [hbm4b:s12+s22], $0x1400, $0x38;
	[tilespmem:$0x1E400] =	vst v63  }
0x62: {  	_ =	swait.ge [sflag:s17], $0x1400  }
0x63: {  	[sflag:s17] =	ssyncset.done $0x0  }
0x64: {  	[sflag:s17] =	ssyncadd.s32 $0xFFFFEC00  }
0x65: {  	[tilespmem:s18], [sflag:$0x3] =	stream.linear.gather [hbm4b:s13+s22], $0x1400, $0x38;
	[tilespmem:$0x1E400] =	vst v63  }
.Ltmp7:
0x66: {  	_ = 	snop;
	(pc) =	sbr.rel .LBB2_8-.Ltmp7, $4  }
0x67: {  	_ =	swait.ge [sflag:s17], $0x1400  }
0x68: {  	[sflag:s17] =	ssyncset.done $0x0  }
0x69: {  	[sflag:s17] =	ssyncadd.s32 $0xFFFFEC00  }
0x6a: {  	[tilespmem:s16], [sflag:$0x1] =	stream.indirect.gather [hbm4b:s1+s19], $0x80, s22, s19, $0xb8;
	[tilespmem:$0x1E400] =	vst v63  }
.LBB2_10:
0x6b: {  	p0 =	slt.u32 s23, $0x28  }
.Ltmp8:
0x6c: {  	_ =	swait.ge [sflag:s20], $0x4000;
	s22 =	sshll.u32 s22, $0x7;
	(pc) =	sbr.rel @!p0 .LBB2_11-.Ltmp8, $4  }
0x6d: {  	s24 =	sshll.u32 s24, $0xE;
	[sflag:s20] =	ssyncset.done $0x0;
	s22 =	sand.u32 $0x3FFFFF80, s22  }
0x6e: {  	s24 =	sor.u32 $0x2800, s24;
	[sflag:s20] =	ssyncadd.s32 $0xFFFFC000;
	s22 =	sadd.s32 $0x1400, s22  }
0x6f: {  	[spmem:s3] =	stream.indirect.scatter.add.f32 [tilespmem:s24], [sflag:$0x2], $0x80, s22, s19, $0xb8;
	[tilespmem:$0x1E400] =	vst v63  }
0x70: {  	s22 =	smov.u32 s23  }
.LBB2_8:
0x71: {  	p0 =	seq.s32 s22, $0x0  }
0x72: {  	p1 =	seq.s32 @!p0 s22, $0x27  }
0x73: {  	p1 =	por p0, !p1  }
.Ltmp9:
0x74: {  	_ = 	snop;
	(pc) =	sbr.rel @!p1 .LBB2_10-.Ltmp9, $4  }
0x75: {  	s23 =	simm.s32 @!p0 $0x2  }
0x76: {  	_ =	swait.ge @!p0 [sflag:s23], $0x4000  }
0x77: {  	[sflag:s23] =	ssyncset.done @!p0 $0x0  }
0x78: {  	s24 =	sand.u32 $0x1, s22;
	[sflag:s23] =	ssyncadd.s32 @!p0 $0xFFFFC000;
	s23 =	simm.s32 @!p0 $0x28  }
.Ltmp10:
0x79: {  	s23 =	sadd.s32 @!p0 $0x1, s22;
	(pc) =	sbr.rel .LBB2_10-.Ltmp10, $4  }
0x7a: {  	s23 =	simm.s32 @p0 $0x1  }
0x7b: {  	s25 =	sshll.u32 s24, $0xE;
	s26 =	sshll.u32 s23, $0x7  }
0x7c: {  	s25 =	sxor.u32 $0x6800, s25;
	s26 =	sand.u32 $0x3FFFFF80, s26  }
0x7d: {  	[tilespmem:s25], [sflag:$0x1] =	stream.indirect.gather [hbm4b:s1+s19], $0x80, s26, s19, $0xb8;
	[tilespmem:$0x1E400] =	vst v63  }
.LBB2_12:
0x7e: {  	_ =	sfence.sel $0x180000  }
0x7f: {  	[bflag:$0x0] =	sbarrier.arrive $0xFFFF  }
0x80: {  	p0 =	sne.s32 s2, $0x0;
	_ =	strace $0x9000004A  }
0x81: {  	s0 =	sadd.s32 @!p0 $0x100000, s0;
	[bflag:$0x2] =	sbarrier.arrive $0xFFFF  }
0x82: {  	[sflag:s0] =	ssyncadd.tile.s32 @!p0 $0x1;
	_ =	shalt  }
.Lfunc_end2:
_tile_overlayer_lowered:
.L_overlay_start_2:
0x83: {  	(tag) =	ssettag $0x2  }
0x84: {  	s0 =	rddreg [dreg:$0x0];
	s2 =	stileid.u32  }
0x85: {  	s1 =	rddreg [dreg:$0x1];
	p0 =	sne.s32 s2, $0x0  }
0x86: {  	s3 =	rddreg [dreg:$0x2];
	[bflag:$0x3] =	sbarrier.arrive $0xFFFF;
	s2 =	simm.s32 @!p0 $0x1C03  }
0x87: {  	[timem:s3], [sflag:s2] =	dma.local @!p0 [hbm:s0], s1  }
0x88: {  	s0 =	simm.s32 @!p0 $0x3  }
0x89: {  	_ =	swait.ge @!p0 [sflag:s0], s1  }
0x8a: {  	s1 =	ssub.s32 @!p0 $0x0, s1;
	[sflag:s0] =	ssyncset.done @!p0 $0x0  }
0x8b: {  	[sflag:s0] =	ssyncadd.s32 @!p0 s1  }
0x8c: {  	[bflag:$0x3] =	sbarrier.arrive $0xFFFF  }
0x8d: {  	_ =	shalt  }

// kernel: kernel.21.cloned.1.call-start
scs
__scs_entry_jumppad:
0x0: {  	(pc) =	sbr.rel $0x88, $3  }
0x1: {  	(tag) =	ssettag $0x0;
	lr =	simm.s32 $0x1  }
0x2: {  	[smem:$0x3F97] =	sst lr;
	_ =	strace $0xD0000000  }
0x3: {  	_ = 	snop  }
0x4: {  	_ = 	snop  }
0x5: {  	_ = 	snop  }
0x6: {  	_ = 	snop  }
0x7: {  	_ = 	snop  }
__scs_overlays_trampoline_lowered:
0x8: {  	[smem:$0x3FA6] =	sst s0  }
0x9: {  	[smem:$0x3FA7] =	sst s1  }
0xa: {  	[smem:$0x3FA8] =	sst s2  }
0xb: {  	[smem:$0x3FA9] =	sst s3  }
0xc: {  	[smem:$0x3FAA] =	sst s4  }
0xd: {  	[smem:$0x3FAB] =	sst s5  }
0xe: {  	[smem:$0x3FAC] =	sst s6  }
0xf: {  	[smem:$0x3FAD] =	sst s7  }
0x10: {  	[smem:$0x3FAE] =	sst s8  }
0x11: {  	[smem:$0x3FAF] =	sst s9;
	s0 =	simm.s32 @!p0 $0x0  }
0x12: {  	s1 =	sld [smem:$0x3F95];
	s0 =	simm.s32 @p0 $0x1  }
0x13: {  	[smem:$0x3FB0] =	sst s0;
	s0 =	simm.s32 @!p1 $0x0  }
0x14: {  	s2 =	sld [smem:$0x3F94];
	s0 =	simm.s32 @p1 $0x1  }
0x15: {  	[smem:$0x3FB1] =	sst s0;
	s0 =	simm.s32 @!p2 $0x0  }
0x16: {  	s3 =	sld [smem:$0x3FDB];
	s0 =	simm.s32 @p2 $0x1  }
0x17: {  	s4 =	simm.s32 $0x1BF5;
	[smem:$0x3FB3] =	sst s0  }
0x18: {  	s0 =	sld [smem:$0x3F96];
	_ =	swait.ge [sflag:s4], $0x0  }
0x19: {  	s7 =	sld [smem:$0x3F97]  }
0x1a: {  	s8 =	sadd.s32 $0xFFFFE003, lr  }
0x1b: {  	s9 =	sadd.s32 $0xFFFFFEF7, lr;
	s5 =	simm.s32 $0xFFFFFFFF;
	p2 =	slt.u32 s8, $0xFFFFF086  }
0x1c: {  	p1 =	slt.u32 s9, $0xF7A;
	s5 =	simm.s32 @!p2 $0x0  }
0x1d: {  	s5 =	simm.s32 @p1 $0x1;
	p0 =	seq.s32 s7, s2  }
0x1e: {  	s7 =	smul.u32 @!p0 $0xF7A, s2;
	p2 =	seq.s32 @!p0 s5, $0x0  }
0x1f: {  	s9 =	smul.u32 $0xF7A, s1;
	s8 =	simm.s32 @!p0 $0x1BF5;
	p2 =	por !p2, p0  }
0x20: {  	[sflag:s8] =	ssyncset.s32 @!p0 $0xFFFFF086;
	s6 =	sadd.s32 @!p0 s3, s7;
	s7 =	simm.s32 @!p0 $0x108  }
0x21: {  	s3 =	sadd.s32 s3, s9;
	s6 =	sadd.s32 @!p0 $0x88, s6;
	s7 =	simm.s32 @p2 $0x1082  }
0x22: {  	[simem:s7], [sflag:s8] =	dma.local @!p0 [hbm:s6], $0xF7A  }
0x23: {  	s9 =	sor.u32 $0xD0000000, s2;
	s6 =	simm.s32 $0x108;
	_ =	swait.ge @!p0 [sflag:s8], $0x0  }
0x24: {  	s3 =	sadd.s32 $0x88, s3;
	s6 =	simm.s32 @!p1 $0x1082;
	[sflag:s4] =	ssyncset.s32 $0xFFFFF086  }
0x25: {  	[simem:s6], [sflag:s4] =	dma.local [hbm:s3], $0xF7A  }
0x26: {  	[smem:$0x3F97] =	sst s1;
	(tag) =	ssettag s2;
	_ =	strace s9  }
0x27: {  	s1 =	sld [smem:$0x3FA7]  }
0x28: {  	s2 =	sld [smem:$0x3FA8]  }
0x29: {  	s4 =	sld [smem:$0x3FAA]  }
0x2a: {  	p0 =	seq.s32 s5, $0x0;
	s5 =	sld [smem:$0x3FAB]  }
0x2b: {  	s6 =	sld [smem:$0x3FAC]  }
0x2c: {  	s7 =	sld [smem:$0x3FAD]  }
0x2d: {  	s3 =	simm.s32 $0x108;
	s8 =	sld [smem:$0x3FAE]  }
0x2e: {  	s3 =	simm.s32 @!p0 $0x1082;
	s9 =	sld [smem:$0x3FAF]  }
0x2f: {  	lr =	sadd.s32 s0, s3;
	s0 =	sld [smem:$0x3FA6]  }
0x30: {  	s3 =	sld [smem:$0x3FA9]  }
0x31: {  	[smem:$0x3FB2] =	sst s10  }
0x32: {  	s10 =	sld [smem:$0x3FB0];
	_ =	sdelay $0x3  }
0x33: {  	p0 =	seq.s32 s10, $0x1;
	s10 =	sld [smem:$0x3FB2];
	_ =	sdelay $0x3  }
0x34: {  	[smem:$0x3FB2] =	sst s10  }
0x35: {  	s10 =	sld [smem:$0x3FB1];
	_ =	sdelay $0x3  }
0x36: {  	p1 =	seq.s32 s10, $0x1;
	s10 =	sld [smem:$0x3FB2];
	_ =	sdelay $0x3  }
0x37: {  	[smem:$0x3FB2] =	sst s10  }
0x38: {  	s10 =	sld [smem:$0x3FB3]  }
0x39: {  	_ = 	snop;
	(pc) =	sbr.ind lr, $3  }
0x3a: {  	_ = 	snop  }
0x3b: {  	_ = 	snop  }
0x3c: {  	p2 =	seq.s32 s10, $0x1;
	s10 =	sld [smem:$0x3FB2]  }
0x3d: {  	_ =	shalt  }
0x3e: {  	_ =	shalt  }
0x3f: {  	_ =	shalt  }
0x40: {  	_ =	shalt  }
0x41: {  	_ =	shalt  }
0x42: {  	_ =	shalt  }
0x43: {  	_ =	shalt  }
0x44: {  	_ =	shalt  }
0x45: {  	_ =	shalt  }
0x46: {  	_ =	shalt  }
0x47: {  	_ =	shalt  }
0x48: {  	_ =	shalt  }
0x49: {  	_ =	shalt  }
0x4a: {  	_ =	shalt  }
0x4b: {  	_ =	shalt  }
0x4c: {  	_ =	shalt  }
0x4d: {  	_ =	shalt  }
0x4e: {  	_ =	shalt  }
0x4f: {  	_ =	shalt  }
0x50: {  	_ =	shalt  }
0x51: {  	_ =	shalt  }
0x52: {  	_ =	shalt  }
0x53: {  	_ =	shalt  }
0x54: {  	_ =	shalt  }
0x55: {  	_ =	shalt  }
0x56: {  	_ =	shalt  }
0x57: {  	_ =	shalt  }
0x58: {  	_ =	shalt  }
0x59: {  	_ =	shalt  }
0x5a: {  	_ =	shalt  }
0x5b: {  	_ =	shalt  }
0x5c: {  	_ =	shalt  }
0x5d: {  	_ =	shalt  }
0x5e: {  	_ =	shalt  }
0x5f: {  	_ =	shalt  }
0x60: {  	_ =	shalt  }
0x61: {  	_ =	shalt  }
0x62: {  	_ =	shalt  }
0x63: {  	_ =	shalt  }
0x64: {  	_ =	shalt  }
0x65: {  	_ =	shalt  }
0x66: {  	_ =	shalt  }
0x67: {  	_ =	shalt  }
0x68: {  	_ =	shalt  }
0x69: {  	_ =	shalt  }
0x6a: {  	_ =	shalt  }
0x6b: {  	_ =	shalt  }
0x6c: {  	_ =	shalt  }
0x6d: {  	_ =	shalt  }
0x6e: {  	_ =	shalt  }
0x6f: {  	_ =	shalt  }
0x70: {  	_ =	shalt  }
0x71: {  	_ =	shalt  }
0x72: {  	_ =	shalt  }
0x73: {  	_ =	shalt  }
0x74: {  	_ =	shalt  }
0x75: {  	_ =	shalt  }
0x76: {  	_ =	shalt  }
0x77: {  	_ =	shalt  }
0x78: {  	_ =	shalt  }
0x79: {  	_ =	shalt  }
0x7a: {  	_ =	shalt  }
0x7b: {  	_ =	shalt  }
0x7c: {  	_ =	shalt  }
0x7d: {  	_ =	shalt  }
0x7e: {  	_ =	shalt  }
0x7f: {  	_ =	shalt  }
0x80: {  	_ =	shalt  }
0x81: {  	_ =	shalt  }
0x82: {  	_ =	shalt  }
0x83: {  	_ =	shalt  }
0x84: {  	_ =	shalt  }
0x85: {  	_ =	shalt  }
0x86: {  	_ =	shalt  }
0x87: {  	_ =	shalt  }
.Lfunc_end0:
.L_simem_size_0:
called_computation.2_lowered:
.L_overlay_start_0:
0x88: {  	s2 =	sld [smem:$0x3FD9]  }
0x89: {  	s3 =	sld [smem:$0x3FFE];
	_ =	sdelay $0x1  }
0x8a: {  	s1 =	srdreg.scid  }
0x8b: {  	s0 =	sand.u32 $0x1, s1  }
0x8c: {  	s16 =	sshll.u32 s0, $0xA;
	s2 =	sadd.s32 s3, s2  }
0x8d: {  	s2 =	sadd.s32 s2, s16  }
0x8e: {  	[smem:$0x3FBE] =	sst s2  }
0x8f: {  	_ = 	snop  }
0x90: {  	(tm) =	ssettm $0x1  }
0x91: {  	s17 =	sld [smem:$0x3FFB];
	_ =	sdelay $0x3  }
0x92: {  	_ =	strace s17  }
0x93: {  	s2 =	sld [smem:$0x3FFC];
	_ =	sdelay $0x3  }
0x94: {  	_ =	strace s2  }
0x95: {  	s2 =	sld [smem:$0x3FFD];
	_ =	sdelay $0x3  }
0x96: {  	_ =	strace s2  }
0x97: {  	_ =	strace $0x8FFFFFFF  }
0x98: {  	s18 =	sld [smem:$0x3FDB];
	_ =	sdelay $0x1  }
0x99: {  	s19 =	simm.s32 $_scs_section_size  }
0x9a: {  	s4 =	simm.s32 $_size__tile_overlayer_lowered;
	s5 =	simm.s32 $_tile_overlayer_lowered  }
0x9b: {  	s22 =	simm.s32 $0x1BFF;
	s21 =	sshll.u32 s5, $0x1;
	s2 =	sadd.s32 s19, s18  }
0x9c: {  	s6 =	simm.s32 $0x0;
	s20 =	sshll.u32 s4, $0x1;
	s4 =	sadd.s32 s21, s2  }
0x9d: {  	[timem:s6], [sflag:s22] =	dma.local [hbm:s4], s20  }
0x9e: {  	_ =	swait.ge [sflag:s22], s20  }
0x9f: {  	s3 =	ssub.s32 $0x0, s20;
	[sflag:s22] =	ssyncset.done $0x0  }
0xa0: {  	[sflag:s22] =	ssyncadd.s32 s3;
	_ =	sdelay $0x1  }
0xa1: {  	s23 =	simm.s32 $0x1B8B  }
0xa2: {  	_ =	swait.ge [sflag:s23], $0x1  }
0xa3: {  	[sflag:s23] =	ssyncset.done $0x0  }
0xa4: {  	s25 =	simm.s32 $0x1B8E;
	s24 =	sld [smem:$0x3FFE];
	[sflag:s23] =	ssyncadd.s32 $0xFFFFFFFF  }
0xa5: {  	s26 =	simm.s32 $execute0_lowered;
	[smem:$0x3FD2] =	sst s25  }
0xa6: {  	s4 =	sshll.u32 s26, $0x1;
	_ =	strace $0x8000004C;
	[dreg:$0x1] =	wrdreg $0xFFFFFFFF  }
0xa7: {  	s28 =	simm.s32 $_size_execute0_lowered;
	s2 =	sadd.s32 s2, s4;
	[dreg:$0x0] =	wrdreg $0x0  }
0xa8: {  	s4 =	sshll.u32 s28, $0x1;
	[dreg:$0x2] =	wrdreg s2  }
0xa9: {  	[dreg:$0x3] =	wrdreg s4  }
0xaa: {  	[dreg:$0x4] =	wrdreg $0xC0  }
0xab: {  	_ =	task [dreg:s6], $0x5FFFF  }
0xac: {  	[dreg:$0x1] =	wrdreg $0xFFFFFFFF  }
0xad: {  	[dreg:$0x0] =	wrdreg $0x60  }
0xae: {  	[dreg:$0x2] =	wrdreg s24  }
0xaf: {  	[dreg:$0x3] =	wrdreg $0xA8000  }
0xb0: {  	[dreg:$0x4] =	wrdreg $0x9  }
0xb1: {  	_ =	task.clear_ibuf [dreg:s6], $0x5FFFF;
	_ =	strace $0x9000004C  }
0xb2: {  	s29 =	simm.s32 $0x9;
	_ =	strace $0x8000004E  }
0xb3: {  	_ =	swait.ge [sflag:s29], $0x1  }
0xb4: {  	[sflag:s29] =	ssyncadd.s32 $0xFFFFFFFF  }
0xb5: {  	_ =	strace $0x9000004E  }
0xb6: {  	_ =	sfence  }
0xb7: {  	s30 =	sld [smem:$0x0];
	_ =	sdelay $0x2  }
0xb8: {  	s31 =	sshll.u32 s1, $0xD;
	s1 =	sshrl.u32 s1, $0x2  }
0xb9: {  	s3 =	sand.u32 $0x4000, s31;
	s1 =	sadd.s32 s1, s30  }
0xba: {  	s0 =	sor.u32 s3, s0;
	s1 =	sshll.u32 s1, $0x11  }
0xbb: {  	s0 =	sor.u32 s1, s0  }
0xbc: {  	s0 =	sadd.s32 $0x8F2B, s0  }
0xbd: {  	[sflag:s0] =	ssyncadd.remote.s32 $0x1  }
0xbe: {  	_ =	sfence.sel $0xFFFF  }
0xbf: {  	[dreg:$0x0] =	wrdreg $0xFFFFFFFF;
	(pc) =	sbr.abs _section_cstart, $3  }
0xc0: {  	[dreg:$0x1] =	wrdreg $0xFFFFFFFF  }
0xc1: {  	_ =	task.clear_ibuf [dreg:s6], $0x2FFFF;
	_ =	strace $0x9FFFFFFF  }
0xc2: {  	(tm) =	ssettm $0x7FFFFFFF  }
0xc3: {  	_ =	shalt  }
tec
execute0_lowered:
.L_overlay_start_1:
0x0: {  	(tag) =	ssettag $0x1  }
0x1: {  	s6 =	rddreg [dreg:$0x0]  }
0x2: {  	s2 =	rddreg [dreg:$0x1]  }
0x3: {  	s0 =	rddreg [dreg:$0x2]  }
0x4: {  	s3 =	simm.s32 $0x0;
	s4 =	srdreg.scid;
	s1 =	stileid.u32  }
0x5: {  	s18 =	simm.s32 $0x1400;
	s19 =	simm.s32 $0x80;
	s20 =	simm.s32 $0x1  }
0x6: {  	s21 =	simm.s32 $0x2;
	[smem:$0x7FF] =	sst s3;
	s7 =	smul.u32 $0x2780, s1  }
0x7: {  	s5 =	sand.u32 $0x1, s4;
	s4 =	sadd.s32 $0x106000, s6;
	s9 =	smul.u32 $0x4F000, s1  }
0x8: {  	s12 =	sadd.s32 $0xDC00, s6;
	s13 =	sadd.s32 $0x3C00, s6;
	s8 =	smul.u32 $0x27800, s5  }
0x9: {  	_ =	strace $0x8000004D;
	s28 =	sshll.u32 s5, $0x4;
	s10 =	ssub.s32 $0x2, s5  }
0xa: {  	s29 =	sshrl.u32 s9, $0x2;
	s7 =	sadd.s32 s7, s8;
	s8 =	sor.u32 s1, s28  }
0xb: {  	s30 =	sshrl.u32 s10, $0x1;
	s5 =	sadd.s32 s29, s2;
	s11 =	smul.u32 $0x2800, s8  }
0xc: {  	s15 =	ssub.s32 s10, s30;
	s14 =	sadd.s32 s7, s6;
	s16 =	smul.u32 $0x500, s8  }
.Ltmp0:
0xd: {  	s6 =	sadd.s32 $0x4000, s5;
	s7 =	sadd.s32 $0x8000, s5;
	(pc) =	sbr.rel .LBB2_1-.Ltmp0, $4  }
0xe: {  	s8 =	sadd.s32 $0xC000, s5;
	s9 =	sadd.s32 $0xFC00, s5;
	s15 =	smax.u32 s15, $0x1  }
0xf: {  	s14 =	sadd.s32 $0x8FE00, s14;
	s31 =	sshrl.u32 s11, $0x3;
	s10 =	sadd.s32 s12, s16  }
0x10: {  	s11 =	sadd.s32 s13, s16;
	s16 =	simm.s32 $0x2800;
	s17 =	sadd.s32 $0x280, s31  }
0x11: {  	v0 =	vimm.f32 $0.0e+00;
	s12 =	sadd.s32 s12, s17;
	s13 =	sadd.s32 s13, s17;
	s17 =	simm.s32 $0x3  }
.LBB2_11:
0x12: {  	_ =	swait.ge [sflag:s21], $0x4000  }
0x13: {  	s22 =	sshll.u32 s1, $0x6;
	s3 =	sadd.s32 $0x1, s3;
	[sflag:s21] =	ssyncset.done $0x0  }
0x14: {  	s23 =	sshrl.u32 s5, $0x3;
	p0 =	sne.s32 s3, s15;
	[sflag:s21] =	ssyncadd.s32 $0xFFFFC000  }
.Ltmp1:
0x15: {  	s22 =	sor.u32 $0x1C03, s22;
	[bflag:$0x0] =	sbarrier.arrive $0xFFFF;
	(pc) =	sbr.rel @!p0 .LBB2_12-.Ltmp1, $4  }
0x16: {  	[hbm:s14], [sflag:s22] =	dma.local [spmem:s23], $0x2780  }
0x17: {  	_ =	swait.ge [sflag:s17], $0x2780  }
0x18: {  	[sflag:s17] =	ssyncset.done $0x0  }
0x19: {  	[sflag:s17] =	ssyncadd.s32 $0xFFFFD880  }
.LBB2_1:
0x1a: {  	s22 =	simm.s32 $0x0;
	s23 =	simm.s32 $0x200  }
.LBB2_2:
0x1b: {  	p0 =	sne.s32 s23, $0xFE00;
	[tilespmem:s22+$0x2870] =	vst v0  }
0x1c: {  	[tilespmem:s22+$0x2800] =	vst v0  }
0x1d: {  	[tilespmem:s22+$0x2810] =	vst v0  }
.Ltmp2:
0x1e: {  	[tilespmem:s22+$0x2820] =	vst v0;
	(pc) =	sbr.rel @p0 .LBB2_2-.Ltmp2, $4  }
0x1f: {  	[tilespmem:s22+$0x2830] =	vst v0  }
0x20: {  	[tilespmem:s22+$0x2840] =	vst v0  }
0x21: {  	[tilespmem:s22+$0x2850] =	vst v0  }
0x22: {  	[tilespmem:s22+$0x2860] =	vst v0;
	s22 =	sshra.s32 s23, $0x2;
	s23 =	sadd.s32 $0x200, s23  }
0x23: {  	[tilespmem:s22+$0x2870] =	vst v0  }
0x24: {  	[tilespmem:s22+$0x2800] =	vst v0  }
0x25: {  	[tilespmem:s22+$0x2810] =	vst v0  }
0x26: {  	[tilespmem:s22+$0x2820] =	vst v0  }
0x27: {  	[tilespmem:s22+$0x2830] =	vst v0  }
0x28: {  	[tilespmem:s22+$0x2840] =	vst v0  }
0x29: {  	[tilespmem:s22+$0x2850] =	vst v0  }
0x2a: {  	[tilespmem:s22+$0x2860] =	vst v0  }
0x2b: {  	[spmem:s5] =	stream.linear.scatter [tilespmem:s16], [sflag:$0x3], $0x4000, $0x38;
	[tilespmem:$0x1E400] =	vst v63  }
0x2c: {  	_ =	swait.ge [sflag:s17], $0x4000  }
0x2d: {  	[sflag:s17] =	ssyncset.done $0x0  }
0x2e: {  	[sflag:s17] =	ssyncadd.s32 $0xFFFFC000  }
0x2f: {  	[spmem:s6] =	stream.linear.scatter [tilespmem:s16], [sflag:$0x3], $0x4000, $0x38;
	[tilespmem:$0x1E400] =	vst v63  }
0x30: {  	_ =	swait.ge [sflag:s17], $0x4000  }
0x31: {  	[sflag:s17] =	ssyncset.done $0x0  }
0x32: {  	[sflag:s17] =	ssyncadd.s32 $0xFFFFC000  }
0x33: {  	[spmem:s7] =	stream.linear.scatter [tilespmem:s16], [sflag:$0x3], $0x4000, $0x38;
	[tilespmem:$0x1E400] =	vst v63  }
0x34: {  	_ =	swait.ge [sflag:s17], $0x4000  }
0x35: {  	[sflag:s17] =	ssyncset.done $0x0  }
0x36: {  	[sflag:s17] =	ssyncadd.s32 $0xFFFFC000  }
0x37: {  	[spmem:s8] =	stream.linear.scatter [tilespmem:s16], [sflag:$0x3], $0x4000, $0x38;
	[tilespmem:$0x1E400] =	vst v63  }
0x38: {  	_ =	swait.ge [sflag:s17], $0x4000  }
0x39: {  	[sflag:s17] =	ssyncset.done $0x0  }
0x3a: {  	[sflag:s17] =	ssyncadd.s32 $0xFFFFC000  }
0x3b: {  	[spmem:s9] =	stream.linear.scatter [tilespmem:s16], [sflag:$0x3], $0x4000, $0x38;
	[tilespmem:$0x1E400] =	vst v63  }
0x3c: {  	_ =	swait.ge [sflag:s17], $0x4000  }
0x3d: {  	[sflag:s17] =	ssyncset.done $0x0  }
0x3e: {  	[sflag:s17] =	ssyncadd.s32 $0xFFFFC000  }
0x3f: {  	s22 =	simm.s32 $0x0;
	[bflag:$0x0] =	sbarrier.arrive $0xFFFF  }
0x40: {  	[tilespmem:s22], [sflag:$0x3] =	stream.linear.gather [hbm4b:s10+s22], $0x1400, $0x38;
	[tilespmem:$0x1E400] =	vst v63  }
0x41: {  	_ =	swait.ge [sflag:s17], $0x1400  }
0x42: {  	[sflag:s17] =	ssyncset.done $0x0  }
0x43: {  	[sflag:s17] =	ssyncadd.s32 $0xFFFFEC00  }
0x44: {  	[tilespmem:s18], [sflag:$0x3] =	stream.linear.gather [hbm4b:s11+s22], $0x1400, $0x38;
	[tilespmem:$0x1E400] =	vst v63  }
.Ltmp3:
0x45: {  	_ = 	snop;
	(pc) =	sbr.rel .LBB2_4-.Ltmp3, $4  }
0x46: {  	_ =	swait.ge [sflag:s17], $0x1400  }
0x47: {  	[sflag:s17] =	ssyncset.done $0x0  }
0x48: {  	[sflag:s17] =	ssyncadd.s32 $0xFFFFEC00  }
0x49: {  	[tilespmem:s16], [sflag:$0x1] =	stream.indirect.gather [hbm4b:s4+s19], $0x80, s22, s19, $0xb8;
	[tilespmem:$0x1E400] =	vst v63  }
.LBB2_6:
0x4a: {  	p0 =	slt.u32 s23, $0x28  }
.Ltmp4:
0x4b: {  	_ =	swait.ge [sflag:s20], $0x4000;
	s22 =	sshll.u32 s22, $0x7;
	(pc) =	sbr.rel @!p0 .LBB2_7-.Ltmp4, $4  }
0x4c: {  	s24 =	sshll.u32 s24, $0xE;
	[sflag:s20] =	ssyncset.done $0x0;
	s22 =	sand.u32 $0x3FFFFF80, s22  }
0x4d: {  	s24 =	sor.u32 $0x2800, s24;
	[sflag:s20] =	ssyncadd.s32 $0xFFFFC000;
	s22 =	sadd.s32 $0x1400, s22  }
0x4e: {  	[spmem:s2] =	stream.indirect.scatter.add.f32 [tilespmem:s24], [sflag:$0x2], $0x80, s22, s19, $0xb8;
	[tilespmem:$0x1E400] =	vst v63  }
0x4f: {  	s22 =	smov.u32 s23  }
.LBB2_4:
0x50: {  	p0 =	seq.s32 s22, $0x0  }
0x51: {  	p1 =	seq.s32 @!p0 s22, $0x27  }
0x52: {  	p1 =	por p0, !p1  }
.Ltmp5:
0x53: {  	_ = 	snop;
	(pc) =	sbr.rel @!p1 .LBB2_6-.Ltmp5, $4  }
0x54: {  	s23 =	simm.s32 @!p0 $0x2  }
0x55: {  	_ =	swait.ge @!p0 [sflag:s23], $0x4000  }
0x56: {  	[sflag:s23] =	ssyncset.done @!p0 $0x0  }
0x57: {  	s24 =	sand.u32 $0x1, s22;
	[sflag:s23] =	ssyncadd.s32 @!p0 $0xFFFFC000;
	s23 =	simm.s32 @!p0 $0x28  }
.Ltmp6:
0x58: {  	s23 =	sadd.s32 @!p0 $0x1, s22;
	(pc) =	sbr.rel .LBB2_6-.Ltmp6, $4  }
0x59: {  	s23 =	simm.s32 @p0 $0x1  }
0x5a: {  	s25 =	sshll.u32 s24, $0xE;
	s26 =	sshll.u32 s23, $0x7  }
0x5b: {  	s25 =	sxor.u32 $0x6800, s25;
	s26 =	sand.u32 $0x3FFFFF80, s26  }
0x5c: {  	[tilespmem:s25], [sflag:$0x1] =	stream.indirect.gather [hbm4b:s4+s19], $0x80, s26, s19, $0xb8;
	[tilespmem:$0x1E400] =	vst v63  }
.LBB2_7:
0x5d: {  	_ =	swait.ge [sflag:s21], $0x4000  }
0x5e: {  	[sflag:s21] =	ssyncset.done $0x0  }
0x5f: {  	s22 =	simm.s32 $0x0;
	[sflag:s21] =	ssyncadd.s32 $0xFFFFC000  }
0x60: {  	[tilespmem:s22], [sflag:$0x3] =	stream.linear.gather [hbm4b:s12+s22], $0x1400, $0x38;
	[tilespmem:$0x1E400] =	vst v63  }
0x61: {  	_ =	swait.ge [sflag:s17], $0x1400  }
0x62: {  	[sflag:s17] =	ssyncset.done $0x0  }
0x63: {  	[sflag:s17] =	ssyncadd.s32 $0xFFFFEC00  }
0x64: {  	[tilespmem:s18], [sflag:$0x3] =	stream.linear.gather [hbm4b:s13+s22], $0x1400, $0x38;
	[tilespmem:$0x1E400] =	vst v63  }
.Ltmp7:
0x65: {  	_ = 	snop;
	(pc) =	sbr.rel .LBB2_8-.Ltmp7, $4  }
0x66: {  	_ =	swait.ge [sflag:s17], $0x1400  }
0x67: {  	[sflag:s17] =	ssyncset.done $0x0  }
0x68: {  	[sflag:s17] =	ssyncadd.s32 $0xFFFFEC00  }
0x69: {  	[tilespmem:s16], [sflag:$0x1] =	stream.indirect.gather [hbm4b:s4+s19], $0x80, s22, s19, $0xb8;
	[tilespmem:$0x1E400] =	vst v63  }
.LBB2_10:
0x6a: {  	p0 =	slt.u32 s23, $0x28  }
.Ltmp8:
0x6b: {  	_ =	swait.ge [sflag:s20], $0x4000;
	s22 =	sshll.u32 s22, $0x7;
	(pc) =	sbr.rel @!p0 .LBB2_11-.Ltmp8, $4  }
0x6c: {  	s24 =	sshll.u32 s24, $0xE;
	[sflag:s20] =	ssyncset.done $0x0;
	s22 =	sand.u32 $0x3FFFFF80, s22  }
0x6d: {  	s24 =	sor.u32 $0x2800, s24;
	[sflag:s20] =	ssyncadd.s32 $0xFFFFC000;
	s22 =	sadd.s32 $0x1400, s22  }
0x6e: {  	[spmem:s2] =	stream.indirect.scatter.add.f32 [tilespmem:s24], [sflag:$0x2], $0x80, s22, s19, $0xb8;
	[tilespmem:$0x1E400] =	vst v63  }
0x6f: {  	s22 =	smov.u32 s23  }
.LBB2_8:
0x70: {  	p0 =	seq.s32 s22, $0x0  }
0x71: {  	p1 =	seq.s32 @!p0 s22, $0x27  }
0x72: {  	p1 =	por p0, !p1  }
.Ltmp9:
0x73: {  	_ = 	snop;
	(pc) =	sbr.rel @!p1 .LBB2_10-.Ltmp9, $4  }
0x74: {  	s23 =	simm.s32 @!p0 $0x2  }
0x75: {  	_ =	swait.ge @!p0 [sflag:s23], $0x4000  }
0x76: {  	[sflag:s23] =	ssyncset.done @!p0 $0x0  }
0x77: {  	s24 =	sand.u32 $0x1, s22;
	[sflag:s23] =	ssyncadd.s32 @!p0 $0xFFFFC000;
	s23 =	simm.s32 @!p0 $0x28  }
.Ltmp10:
0x78: {  	s23 =	sadd.s32 @!p0 $0x1, s22;
	(pc) =	sbr.rel .LBB2_10-.Ltmp10, $4  }
0x79: {  	s23 =	simm.s32 @p0 $0x1  }
0x7a: {  	s25 =	sshll.u32 s24, $0xE;
	s26 =	sshll.u32 s23, $0x7  }
0x7b: {  	s25 =	sxor.u32 $0x6800, s25;
	s26 =	sand.u32 $0x3FFFFF80, s26  }
0x7c: {  	[tilespmem:s25], [sflag:$0x1] =	stream.indirect.gather [hbm4b:s4+s19], $0x80, s26, s19, $0xb8;
	[tilespmem:$0x1E400] =	vst v63  }
.LBB2_12:
0x7d: {  	_ =	sfence.sel $0x180000  }
0x7e: {  	[bflag:$0x0] =	sbarrier.arrive $0xFFFF  }
0x7f: {  	p0 =	sne.s32 s1, $0x0;
	_ =	strace $0x9000004D  }
0x80: {  	s0 =	sadd.s32 @!p0 $0x100000, s0;
	[bflag:$0x2] =	sbarrier.arrive $0xFFFF  }
0x81: {  	[sflag:s0] =	ssyncadd.tile.s32 @!p0 $0x1;
	_ =	shalt  }
.Lfunc_end2:
_tile_overlayer_lowered:
.L_overlay_start_2:
0x82: {  	(tag) =	ssettag $0x2  }
0x83: {  	s0 =	rddreg [dreg:$0x0];
	s2 =	stileid.u32  }
0x84: {  	s1 =	rddreg [dreg:$0x1];
	p0 =	sne.s32 s2, $0x0  }
0x85: {  	s3 =	rddreg [dreg:$0x2];
	[bflag:$0x3] =	sbarrier.arrive $0xFFFF;
	s2 =	simm.s32 @!p0 $0x1C03  }
0x86: {  	[timem:s3], [sflag:s2] =	dma.local @!p0 [hbm:s0], s1  }
0x87: {  	s0 =	simm.s32 @!p0 $0x3  }
0x88: {  	_ =	swait.ge @!p0 [sflag:s0], s1  }
0x89: {  	s1 =	ssub.s32 @!p0 $0x0, s1;
	[sflag:s0] =	ssyncset.done @!p0 $0x0  }
0x8a: {  	[sflag:s0] =	ssyncadd.s32 @!p0 s1  }
0x8b: {  	[bflag:$0x3] =	sbarrier.arrive $0xFFFF  }
0x8c: {  	_ =	shalt  }

// kernel: kernel.24.cloned.1.call-start
scs
__scs_entry_jumppad:
0x0: {  	(pc) =	sbr.rel $0x88, $3  }
0x1: {  	(tag) =	ssettag $0x0;
	lr =	simm.s32 $0x1  }
0x2: {  	[smem:$0x3F97] =	sst lr;
	_ =	strace $0xD0000000  }
0x3: {  	_ = 	snop  }
0x4: {  	_ = 	snop  }
0x5: {  	_ = 	snop  }
0x6: {  	_ = 	snop  }
0x7: {  	_ = 	snop  }
__scs_overlays_trampoline_lowered:
0x8: {  	[smem:$0x3FA6] =	sst s0  }
0x9: {  	[smem:$0x3FA7] =	sst s1  }
0xa: {  	[smem:$0x3FA8] =	sst s2  }
0xb: {  	[smem:$0x3FA9] =	sst s3  }
0xc: {  	[smem:$0x3FAA] =	sst s4  }
0xd: {  	[smem:$0x3FAB] =	sst s5  }
0xe: {  	[smem:$0x3FAC] =	sst s6  }
0xf: {  	[smem:$0x3FAD] =	sst s7  }
0x10: {  	[smem:$0x3FAE] =	sst s8  }
0x11: {  	[smem:$0x3FAF] =	sst s9;
	s0 =	simm.s32 @!p0 $0x0  }
0x12: {  	s1 =	sld [smem:$0x3F95];
	s0 =	simm.s32 @p0 $0x1  }
0x13: {  	[smem:$0x3FB0] =	sst s0;
	s0 =	simm.s32 @!p1 $0x0  }
0x14: {  	s2 =	sld [smem:$0x3F94];
	s0 =	simm.s32 @p1 $0x1  }
0x15: {  	[smem:$0x3FB1] =	sst s0;
	s0 =	simm.s32 @!p2 $0x0  }
0x16: {  	s3 =	sld [smem:$0x3FDB];
	s0 =	simm.s32 @p2 $0x1  }
0x17: {  	s4 =	simm.s32 $0x1BF5;
	[smem:$0x3FB3] =	sst s0  }
0x18: {  	s0 =	sld [smem:$0x3F96];
	_ =	swait.ge [sflag:s4], $0x0  }
0x19: {  	s7 =	sld [smem:$0x3F97]  }
0x1a: {  	s8 =	sadd.s32 $0xFFFFE003, lr  }
0x1b: {  	s9 =	sadd.s32 $0xFFFFFEF7, lr;
	s5 =	simm.s32 $0xFFFFFFFF;
	p2 =	slt.u32 s8, $0xFFFFF086  }
0x1c: {  	p1 =	slt.u32 s9, $0xF7A;
	s5 =	simm.s32 @!p2 $0x0  }
0x1d: {  	s5 =	simm.s32 @p1 $0x1;
	p0 =	seq.s32 s7, s2  }
0x1e: {  	s7 =	smul.u32 @!p0 $0xF7A, s2;
	p2 =	seq.s32 @!p0 s5, $0x0  }
0x1f: {  	s9 =	smul.u32 $0xF7A, s1;
	s8 =	simm.s32 @!p0 $0x1BF5;
	p2 =	por !p2, p0  }
0x20: {  	[sflag:s8] =	ssyncset.s32 @!p0 $0xFFFFF086;
	s6 =	sadd.s32 @!p0 s3, s7;
	s7 =	simm.s32 @!p0 $0x108  }
0x21: {  	s3 =	sadd.s32 s3, s9;
	s6 =	sadd.s32 @!p0 $0x88, s6;
	s7 =	simm.s32 @p2 $0x1082  }
0x22: {  	[simem:s7], [sflag:s8] =	dma.local @!p0 [hbm:s6], $0xF7A  }
0x23: {  	s9 =	sor.u32 $0xD0000000, s2;
	s6 =	simm.s32 $0x108;
	_ =	swait.ge @!p0 [sflag:s8], $0x0  }
0x24: {  	s3 =	sadd.s32 $0x88, s3;
	s6 =	simm.s32 @!p1 $0x1082;
	[sflag:s4] =	ssyncset.s32 $0xFFFFF086  }
0x25: {  	[simem:s6], [sflag:s4] =	dma.local [hbm:s3], $0xF7A  }
0x26: {  	[smem:$0x3F97] =	sst s1;
	(tag) =	ssettag s2;
	_ =	strace s9  }
0x27: {  	s1 =	sld [smem:$0x3FA7]  }
0x28: {  	s2 =	sld [smem:$0x3FA8]  }
0x29: {  	s4 =	sld [smem:$0x3FAA]  }
0x2a: {  	p0 =	seq.s32 s5, $0x0;
	s5 =	sld [smem:$0x3FAB]  }
0x2b: {  	s6 =	sld [smem:$0x3FAC]  }
0x2c: {  	s7 =	sld [smem:$0x3FAD]  }
0x2d: {  	s3 =	simm.s32 $0x108;
	s8 =	sld [smem:$0x3FAE]  }
0x2e: {  	s3 =	simm.s32 @!p0 $0x1082;
	s9 =	sld [smem:$0x3FAF]  }
0x2f: {  	lr =	sadd.s32 s0, s3;
	s0 =	sld [smem:$0x3FA6]  }
0x30: {  	s3 =	sld [smem:$0x3FA9]  }
0x31: {  	[smem:$0x3FB2] =	sst s10  }
0x32: {  	s10 =	sld [smem:$0x3FB0];
	_ =	sdelay $0x3  }
0x33: {  	p0 =	seq.s32 s10, $0x1;
	s10 =	sld [smem:$0x3FB2];
	_ =	sdelay $0x3  }
0x34: {  	[smem:$0x3FB2] =	sst s10  }
0x35: {  	s10 =	sld [smem:$0x3FB1];
	_ =	sdelay $0x3  }
0x36: {  	p1 =	seq.s32 s10, $0x1;
	s10 =	sld [smem:$0x3FB2];
	_ =	sdelay $0x3  }
0x37: {  	[smem:$0x3FB2] =	sst s10  }
0x38: {  	s10 =	sld [smem:$0x3FB3]  }
0x39: {  	_ = 	snop;
	(pc) =	sbr.ind lr, $3  }
0x3a: {  	_ = 	snop  }
0x3b: {  	_ = 	snop  }
0x3c: {  	p2 =	seq.s32 s10, $0x1;
	s10 =	sld [smem:$0x3FB2]  }
0x3d: {  	_ =	shalt  }
0x3e: {  	_ =	shalt  }
0x3f: {  	_ =	shalt  }
0x40: {  	_ =	shalt  }
0x41: {  	_ =	shalt  }
0x42: {  	_ =	shalt  }
0x43: {  	_ =	shalt  }
0x44: {  	_ =	shalt  }
0x45: {  	_ =	shalt  }
0x46: {  	_ =	shalt  }
0x47: {  	_ =	shalt  }
0x48: {  	_ =	shalt  }
0x49: {  	_ =	shalt  }
0x4a: {  	_ =	shalt  }
0x4b: {  	_ =	shalt  }
0x4c: {  	_ =	shalt  }
0x4d: {  	_ =	shalt  }
0x4e: {  	_ =	shalt  }
0x4f: {  	_ =	shalt  }
0x50: {  	_ =	shalt  }
0x51: {  	_ =	shalt  }
0x52: {  	_ =	shalt  }
0x53: {  	_ =	shalt  }
0x54: {  	_ =	shalt  }
0x55: {  	_ =	shalt  }
0x56: {  	_ =	shalt  }
0x57: {  	_ =	shalt  }
0x58: {  	_ =	shalt  }
0x59: {  	_ =	shalt  }
0x5a: {  	_ =	shalt  }
0x5b: {  	_ =	shalt  }
0x5c: {  	_ =	shalt  }
0x5d: {  	_ =	shalt  }
0x5e: {  	_ =	shalt  }
0x5f: {  	_ =	shalt  }
0x60: {  	_ =	shalt  }
0x61: {  	_ =	shalt  }
0x62: {  	_ =	shalt  }
0x63: {  	_ =	shalt  }
0x64: {  	_ =	shalt  }
0x65: {  	_ =	shalt  }
0x66: {  	_ =	shalt  }
0x67: {  	_ =	shalt  }
0x68: {  	_ =	shalt  }
0x69: {  	_ =	shalt  }
0x6a: {  	_ =	shalt  }
0x6b: {  	_ =	shalt  }
0x6c: {  	_ =	shalt  }
0x6d: {  	_ =	shalt  }
0x6e: {  	_ =	shalt  }
0x6f: {  	_ =	shalt  }
0x70: {  	_ =	shalt  }
0x71: {  	_ =	shalt  }
0x72: {  	_ =	shalt  }
0x73: {  	_ =	shalt  }
0x74: {  	_ =	shalt  }
0x75: {  	_ =	shalt  }
0x76: {  	_ =	shalt  }
0x77: {  	_ =	shalt  }
0x78: {  	_ =	shalt  }
0x79: {  	_ =	shalt  }
0x7a: {  	_ =	shalt  }
0x7b: {  	_ =	shalt  }
0x7c: {  	_ =	shalt  }
0x7d: {  	_ =	shalt  }
0x7e: {  	_ =	shalt  }
0x7f: {  	_ =	shalt  }
0x80: {  	_ =	shalt  }
0x81: {  	_ =	shalt  }
0x82: {  	_ =	shalt  }
0x83: {  	_ =	shalt  }
0x84: {  	_ =	shalt  }
0x85: {  	_ =	shalt  }
0x86: {  	_ =	shalt  }
0x87: {  	_ =	shalt  }
.Lfunc_end0:
.L_simem_size_0:
called_computation.3_lowered:
.L_overlay_start_0:
0x88: {  	s2 =	sld [smem:$0x3FD9]  }
0x89: {  	s3 =	sld [smem:$0x3FFE];
	_ =	sdelay $0x1  }
0x8a: {  	s1 =	srdreg.scid  }
0x8b: {  	s0 =	sand.u32 $0x1, s1  }
0x8c: {  	s16 =	sshll.u32 s0, $0xA;
	s2 =	sadd.s32 s3, s2  }
0x8d: {  	s2 =	sadd.s32 s2, s16  }
0x8e: {  	[smem:$0x3FBE] =	sst s2  }
0x8f: {  	_ = 	snop  }
0x90: {  	(tm) =	ssettm $0x1  }
0x91: {  	s17 =	sld [smem:$0x3FFB];
	_ =	sdelay $0x3  }
0x92: {  	_ =	strace s17  }
0x93: {  	s2 =	sld [smem:$0x3FFC];
	_ =	sdelay $0x3  }
0x94: {  	_ =	strace s2  }
0x95: {  	s2 =	sld [smem:$0x3FFD];
	_ =	sdelay $0x3  }
0x96: {  	_ =	strace s2  }
0x97: {  	_ =	strace $0x8FFFFFFF  }
0x98: {  	s18 =	sld [smem:$0x3FDB];
	_ =	sdelay $0x1  }
0x99: {  	s19 =	simm.s32 $_scs_section_size  }
0x9a: {  	s4 =	simm.s32 $_size__tile_overlayer_lowered;
	s5 =	simm.s32 $_tile_overlayer_lowered  }
0x9b: {  	s22 =	simm.s32 $0x1BFF;
	s21 =	sshll.u32 s5, $0x1;
	s2 =	sadd.s32 s19, s18  }
0x9c: {  	s6 =	simm.s32 $0x0;
	s20 =	sshll.u32 s4, $0x1;
	s4 =	sadd.s32 s21, s2  }
0x9d: {  	[timem:s6], [sflag:s22] =	dma.local [hbm:s4], s20  }
0x9e: {  	_ =	swait.ge [sflag:s22], s20  }
0x9f: {  	s3 =	ssub.s32 $0x0, s20;
	[sflag:s22] =	ssyncset.done $0x0  }
0xa0: {  	[sflag:s22] =	ssyncadd.s32 s3;
	_ =	sdelay $0x1  }
0xa1: {  	s23 =	simm.s32 $0x1B8B  }
0xa2: {  	_ =	swait.ge [sflag:s23], $0x1  }
0xa3: {  	[sflag:s23] =	ssyncset.done $0x0  }
0xa4: {  	s25 =	simm.s32 $0x1B8E;
	s24 =	sld [smem:$0x3FFE];
	[sflag:s23] =	ssyncadd.s32 $0xFFFFFFFF  }
0xa5: {  	s26 =	simm.s32 $execute0_lowered;
	[smem:$0x3FD2] =	sst s25  }
0xa6: {  	s4 =	sshll.u32 s26, $0x1;
	_ =	strace $0x8000004F;
	[dreg:$0x1] =	wrdreg $0xFFFFFFFF  }
0xa7: {  	s28 =	simm.s32 $_size_execute0_lowered;
	s2 =	sadd.s32 s2, s4;
	[dreg:$0x0] =	wrdreg $0x0  }
0xa8: {  	s4 =	sshll.u32 s28, $0x1;
	[dreg:$0x2] =	wrdreg s2  }
0xa9: {  	[dreg:$0x3] =	wrdreg s4  }
0xaa: {  	[dreg:$0x4] =	wrdreg $0xC0  }
0xab: {  	_ =	task [dreg:s6], $0x5FFFF  }
0xac: {  	[dreg:$0x1] =	wrdreg $0xFFFFFFFF  }
0xad: {  	[dreg:$0x0] =	wrdreg $0x60  }
0xae: {  	[dreg:$0x2] =	wrdreg s24  }
0xaf: {  	[dreg:$0x3] =	wrdreg $0xA8000  }
0xb0: {  	[dreg:$0x4] =	wrdreg $0x9  }
0xb1: {  	_ =	task.clear_ibuf [dreg:s6], $0x5FFFF;
	_ =	strace $0x9000004F  }
0xb2: {  	s29 =	simm.s32 $0x9;
	_ =	strace $0x80000051  }
0xb3: {  	_ =	swait.ge [sflag:s29], $0x1  }
0xb4: {  	[sflag:s29] =	ssyncadd.s32 $0xFFFFFFFF  }
0xb5: {  	_ =	strace $0x90000051  }
0xb6: {  	_ =	sfence  }
0xb7: {  	s30 =	sld [smem:$0x0];
	_ =	sdelay $0x2  }
0xb8: {  	s31 =	sshll.u32 s1, $0xD;
	s1 =	sshrl.u32 s1, $0x2  }
0xb9: {  	s3 =	sand.u32 $0x4000, s31;
	s1 =	sadd.s32 s1, s30  }
0xba: {  	s0 =	sor.u32 s3, s0;
	s1 =	sshll.u32 s1, $0x11  }
0xbb: {  	s0 =	sor.u32 s1, s0  }
0xbc: {  	s0 =	sadd.s32 $0x8F2B, s0  }
0xbd: {  	[sflag:s0] =	ssyncadd.remote.s32 $0x1  }
0xbe: {  	_ =	sfence.sel $0xFFFF  }
0xbf: {  	[dreg:$0x0] =	wrdreg $0xFFFFFFFF;
	(pc) =	sbr.abs _section_cstart, $3  }
0xc0: {  	[dreg:$0x1] =	wrdreg $0xFFFFFFFF  }
0xc1: {  	_ =	task.clear_ibuf [dreg:s6], $0x2FFFF;
	_ =	strace $0x9FFFFFFF  }
0xc2: {  	(tm) =	ssettm $0x7FFFFFFF  }
0xc3: {  	_ =	shalt  }
tec
execute0_lowered:
.L_overlay_start_1:
0x0: {  	(tag) =	ssettag $0x1  }
0x1: {  	s6 =	rddreg [dreg:$0x0]  }
0x2: {  	s2 =	rddreg [dreg:$0x1]  }
0x3: {  	s0 =	rddreg [dreg:$0x2]  }
0x4: {  	s3 =	simm.s32 $0x0;
	s4 =	srdreg.scid;
	s1 =	stileid.u32  }
0x5: {  	s18 =	simm.s32 $0x1400;
	s19 =	simm.s32 $0x80;
	s20 =	simm.s32 $0x1  }
0x6: {  	s21 =	simm.s32 $0x2;
	[smem:$0x7FF] =	sst s3;
	s7 =	smul.u32 $0x2780, s1  }
0x7: {  	s5 =	sand.u32 $0x1, s4;
	s4 =	sadd.s32 $0x40C00, s6;
	s9 =	smul.u32 $0x4F000, s1  }
0x8: {  	s12 =	sadd.s32 $0xDC00, s6;
	s13 =	sadd.s32 $0x3C00, s6;
	s8 =	smul.u32 $0x27800, s5  }
0x9: {  	_ =	strace $0x80000050;
	s28 =	sshll.u32 s5, $0x4;
	s10 =	ssub.s32 $0x2, s5  }
0xa: {  	s29 =	sshrl.u32 s9, $0x2;
	s7 =	sadd.s32 s7, s8;
	s8 =	sor.u32 s1, s28  }
0xb: {  	s30 =	sshrl.u32 s10, $0x1;
	s5 =	sadd.s32 s29, s2;
	s11 =	smul.u32 $0x2800, s8  }
0xc: {  	s15 =	ssub.s32 s10, s30;
	s14 =	sadd.s32 s7, s6;
	s16 =	smul.u32 $0x500, s8  }
.Ltmp0:
0xd: {  	s6 =	sadd.s32 $0x4000, s5;
	s7 =	sadd.s32 $0x8000, s5;
	(pc) =	sbr.rel .LBB2_1-.Ltmp0, $4  }
0xe: {  	s8 =	sadd.s32 $0xC000, s5;
	s9 =	sadd.s32 $0xFC00, s5;
	s15 =	smax.u32 s15, $0x1  }
0xf: {  	s14 =	sadd.s32 $0x8FE00, s14;
	s31 =	sshrl.u32 s11, $0x3;
	s10 =	sadd.s32 s12, s16  }
0x10: {  	s11 =	sadd.s32 s13, s16;
	s16 =	simm.s32 $0x2800;
	s17 =	sadd.s32 $0x280, s31  }
0x11: {  	v0 =	vimm.f32 $0.0e+00;
	s12 =	sadd.s32 s12, s17;
	s13 =	sadd.s32 s13, s17;
	s17 =	simm.s32 $0x3  }
.LBB2_11:
0x12: {  	_ =	swait.ge [sflag:s21], $0x4000  }
0x13: {  	s22 =	sshll.u32 s1, $0x6;
	s3 =	sadd.s32 $0x1, s3;
	[sflag:s21] =	ssyncset.done $0x0  }
0x14: {  	s23 =	sshrl.u32 s5, $0x3;
	p0 =	sne.s32 s3, s15;
	[sflag:s21] =	ssyncadd.s32 $0xFFFFC000  }
.Ltmp1:
0x15: {  	s22 =	sor.u32 $0x1C03, s22;
	[bflag:$0x0] =	sbarrier.arrive $0xFFFF;
	(pc) =	sbr.rel @!p0 .LBB2_12-.Ltmp1, $4  }
0x16: {  	[hbm:s14], [sflag:s22] =	dma.local [spmem:s23], $0x2780  }
0x17: {  	_ =	swait.ge [sflag:s17], $0x2780  }
0x18: {  	[sflag:s17] =	ssyncset.done $0x0  }
0x19: {  	[sflag:s17] =	ssyncadd.s32 $0xFFFFD880  }
.LBB2_1:
0x1a: {  	s22 =	simm.s32 $0x0;
	s23 =	simm.s32 $0x200  }
.LBB2_2:
0x1b: {  	p0 =	sne.s32 s23, $0xFE00;
	[tilespmem:s22+$0x2870] =	vst v0  }
0x1c: {  	[tilespmem:s22+$0x2800] =	vst v0  }
0x1d: {  	[tilespmem:s22+$0x2810] =	vst v0  }
.Ltmp2:
0x1e: {  	[tilespmem:s22+$0x2820] =	vst v0;
	(pc) =	sbr.rel @p0 .LBB2_2-.Ltmp2, $4  }
0x1f: {  	[tilespmem:s22+$0x2830] =	vst v0  }
0x20: {  	[tilespmem:s22+$0x2840] =	vst v0  }
0x21: {  	[tilespmem:s22+$0x2850] =	vst v0  }
0x22: {  	[tilespmem:s22+$0x2860] =	vst v0;
	s22 =	sshra.s32 s23, $0x2;
	s23 =	sadd.s32 $0x200, s23  }
0x23: {  	[tilespmem:s22+$0x2870] =	vst v0  }
0x24: {  	[tilespmem:s22+$0x2800] =	vst v0  }
0x25: {  	[tilespmem:s22+$0x2810] =	vst v0  }
0x26: {  	[tilespmem:s22+$0x2820] =	vst v0  }
0x27: {  	[tilespmem:s22+$0x2830] =	vst v0  }
0x28: {  	[tilespmem:s22+$0x2840] =	vst v0  }
0x29: {  	[tilespmem:s22+$0x2850] =	vst v0  }
0x2a: {  	[tilespmem:s22+$0x2860] =	vst v0  }
0x2b: {  	[spmem:s5] =	stream.linear.scatter [tilespmem:s16], [sflag:$0x3], $0x4000, $0x38;
	[tilespmem:$0x1E400] =	vst v63  }
0x2c: {  	_ =	swait.ge [sflag:s17], $0x4000  }
0x2d: {  	[sflag:s17] =	ssyncset.done $0x0  }
0x2e: {  	[sflag:s17] =	ssyncadd.s32 $0xFFFFC000  }
0x2f: {  	[spmem:s6] =	stream.linear.scatter [tilespmem:s16], [sflag:$0x3], $0x4000, $0x38;
	[tilespmem:$0x1E400] =	vst v63  }
0x30: {  	_ =	swait.ge [sflag:s17], $0x4000  }
0x31: {  	[sflag:s17] =	ssyncset.done $0x0  }
0x32: {  	[sflag:s17] =	ssyncadd.s32 $0xFFFFC000  }
0x33: {  	[spmem:s7] =	stream.linear.scatter [tilespmem:s16], [sflag:$0x3], $0x4000, $0x38;
	[tilespmem:$0x1E400] =	vst v63  }
0x34: {  	_ =	swait.ge [sflag:s17], $0x4000  }
0x35: {  	[sflag:s17] =	ssyncset.done $0x0  }
0x36: {  	[sflag:s17] =	ssyncadd.s32 $0xFFFFC000  }
0x37: {  	[spmem:s8] =	stream.linear.scatter [tilespmem:s16], [sflag:$0x3], $0x4000, $0x38;
	[tilespmem:$0x1E400] =	vst v63  }
0x38: {  	_ =	swait.ge [sflag:s17], $0x4000  }
0x39: {  	[sflag:s17] =	ssyncset.done $0x0  }
0x3a: {  	[sflag:s17] =	ssyncadd.s32 $0xFFFFC000  }
0x3b: {  	[spmem:s9] =	stream.linear.scatter [tilespmem:s16], [sflag:$0x3], $0x4000, $0x38;
	[tilespmem:$0x1E400] =	vst v63  }
0x3c: {  	_ =	swait.ge [sflag:s17], $0x4000  }
0x3d: {  	[sflag:s17] =	ssyncset.done $0x0  }
0x3e: {  	[sflag:s17] =	ssyncadd.s32 $0xFFFFC000  }
0x3f: {  	s22 =	simm.s32 $0x0;
	[bflag:$0x0] =	sbarrier.arrive $0xFFFF  }
0x40: {  	[tilespmem:s22], [sflag:$0x3] =	stream.linear.gather [hbm4b:s10+s22], $0x1400, $0x38;
	[tilespmem:$0x1E400] =	vst v63  }
0x41: {  	_ =	swait.ge [sflag:s17], $0x1400  }
0x42: {  	[sflag:s17] =	ssyncset.done $0x0  }
0x43: {  	[sflag:s17] =	ssyncadd.s32 $0xFFFFEC00  }
0x44: {  	[tilespmem:s18], [sflag:$0x3] =	stream.linear.gather [hbm4b:s11+s22], $0x1400, $0x38;
	[tilespmem:$0x1E400] =	vst v63  }
.Ltmp3:
0x45: {  	_ = 	snop;
	(pc) =	sbr.rel .LBB2_4-.Ltmp3, $4  }
0x46: {  	_ =	swait.ge [sflag:s17], $0x1400  }
0x47: {  	[sflag:s17] =	ssyncset.done $0x0  }
0x48: {  	[sflag:s17] =	ssyncadd.s32 $0xFFFFEC00  }
0x49: {  	[tilespmem:s16], [sflag:$0x1] =	stream.indirect.gather [hbm4b:s4+s19], $0x80, s22, s19, $0xb8;
	[tilespmem:$0x1E400] =	vst v63  }
.LBB2_6:
0x4a: {  	p0 =	slt.u32 s23, $0x28  }
.Ltmp4:
0x4b: {  	_ =	swait.ge [sflag:s20], $0x4000;
	s22 =	sshll.u32 s22, $0x7;
	(pc) =	sbr.rel @!p0 .LBB2_7-.Ltmp4, $4  }
0x4c: {  	s24 =	sshll.u32 s24, $0xE;
	[sflag:s20] =	ssyncset.done $0x0;
	s22 =	sand.u32 $0x3FFFFF80, s22  }
0x4d: {  	s24 =	sor.u32 $0x2800, s24;
	[sflag:s20] =	ssyncadd.s32 $0xFFFFC000;
	s22 =	sadd.s32 $0x1400, s22  }
0x4e: {  	[spmem:s2] =	stream.indirect.scatter.add.f32 [tilespmem:s24], [sflag:$0x2], $0x80, s22, s19, $0xb8;
	[tilespmem:$0x1E400] =	vst v63  }
0x4f: {  	s22 =	smov.u32 s23  }
.LBB2_4:
0x50: {  	p0 =	seq.s32 s22, $0x0  }
0x51: {  	p1 =	seq.s32 @!p0 s22, $0x27  }
0x52: {  	p1 =	por p0, !p1  }
.Ltmp5:
0x53: {  	_ = 	snop;
	(pc) =	sbr.rel @!p1 .LBB2_6-.Ltmp5, $4  }
0x54: {  	s23 =	simm.s32 @!p0 $0x2  }
0x55: {  	_ =	swait.ge @!p0 [sflag:s23], $0x4000  }
0x56: {  	[sflag:s23] =	ssyncset.done @!p0 $0x0  }
0x57: {  	s24 =	sand.u32 $0x1, s22;
	[sflag:s23] =	ssyncadd.s32 @!p0 $0xFFFFC000;
	s23 =	simm.s32 @!p0 $0x28  }
.Ltmp6:
0x58: {  	s23 =	sadd.s32 @!p0 $0x1, s22;
	(pc) =	sbr.rel .LBB2_6-.Ltmp6, $4  }
0x59: {  	s23 =	simm.s32 @p0 $0x1  }
0x5a: {  	s25 =	sshll.u32 s24, $0xE;
	s26 =	sshll.u32 s23, $0x7  }
0x5b: {  	s25 =	sxor.u32 $0x6800, s25;
	s26 =	sand.u32 $0x3FFFFF80, s26  }
0x5c: {  	[tilespmem:s25], [sflag:$0x1] =	stream.indirect.gather [hbm4b:s4+s19], $0x80, s26, s19, $0xb8;
	[tilespmem:$0x1E400] =	vst v63  }
.LBB2_7:
0x5d: {  	_ =	swait.ge [sflag:s21], $0x4000  }
0x5e: {  	[sflag:s21] =	ssyncset.done $0x0  }
0x5f: {  	s22 =	simm.s32 $0x0;
	[sflag:s21] =	ssyncadd.s32 $0xFFFFC000  }
0x60: {  	[tilespmem:s22], [sflag:$0x3] =	stream.linear.gather [hbm4b:s12+s22], $0x1400, $0x38;
	[tilespmem:$0x1E400] =	vst v63  }
0x61: {  	_ =	swait.ge [sflag:s17], $0x1400  }
0x62: {  	[sflag:s17] =	ssyncset.done $0x0  }
0x63: {  	[sflag:s17] =	ssyncadd.s32 $0xFFFFEC00  }
0x64: {  	[tilespmem:s18], [sflag:$0x3] =	stream.linear.gather [hbm4b:s13+s22], $0x1400, $0x38;
	[tilespmem:$0x1E400] =	vst v63  }
.Ltmp7:
0x65: {  	_ = 	snop;
	(pc) =	sbr.rel .LBB2_8-.Ltmp7, $4  }
0x66: {  	_ =	swait.ge [sflag:s17], $0x1400  }
0x67: {  	[sflag:s17] =	ssyncset.done $0x0  }
0x68: {  	[sflag:s17] =	ssyncadd.s32 $0xFFFFEC00  }
0x69: {  	[tilespmem:s16], [sflag:$0x1] =	stream.indirect.gather [hbm4b:s4+s19], $0x80, s22, s19, $0xb8;
	[tilespmem:$0x1E400] =	vst v63  }
.LBB2_10:
0x6a: {  	p0 =	slt.u32 s23, $0x28  }
.Ltmp8:
0x6b: {  	_ =	swait.ge [sflag:s20], $0x4000;
	s22 =	sshll.u32 s22, $0x7;
	(pc) =	sbr.rel @!p0 .LBB2_11-.Ltmp8, $4  }
0x6c: {  	s24 =	sshll.u32 s24, $0xE;
	[sflag:s20] =	ssyncset.done $0x0;
	s22 =	sand.u32 $0x3FFFFF80, s22  }
0x6d: {  	s24 =	sor.u32 $0x2800, s24;
	[sflag:s20] =	ssyncadd.s32 $0xFFFFC000;
	s22 =	sadd.s32 $0x1400, s22  }
0x6e: {  	[spmem:s2] =	stream.indirect.scatter.add.f32 [tilespmem:s24], [sflag:$0x2], $0x80, s22, s19, $0xb8;
	[tilespmem:$0x1E400] =	vst v63  }
0x6f: {  	s22 =	smov.u32 s23  }
.LBB2_8:
0x70: {  	p0 =	seq.s32 s22, $0x0  }
0x71: {  	p1 =	seq.s32 @!p0 s22, $0x27  }
0x72: {  	p1 =	por p0, !p1  }
.Ltmp9:
0x73: {  	_ = 	snop;
	(pc) =	sbr.rel @!p1 .LBB2_10-.Ltmp9, $4  }
0x74: {  	s23 =	simm.s32 @!p0 $0x2  }
0x75: {  	_ =	swait.ge @!p0 [sflag:s23], $0x4000  }
0x76: {  	[sflag:s23] =	ssyncset.done @!p0 $0x0  }
0x77: {  	s24 =	sand.u32 $0x1, s22;
	[sflag:s23] =	ssyncadd.s32 @!p0 $0xFFFFC000;
	s23 =	simm.s32 @!p0 $0x28  }
.Ltmp10:
0x78: {  	s23 =	sadd.s32 @!p0 $0x1, s22;
	(pc) =	sbr.rel .LBB2_10-.Ltmp10, $4  }
0x79: {  	s23 =	simm.s32 @p0 $0x1  }
0x7a: {  	s25 =	sshll.u32 s24, $0xE;
	s26 =	sshll.u32 s23, $0x7  }
0x7b: {  	s25 =	sxor.u32 $0x6800, s25;
	s26 =	sand.u32 $0x3FFFFF80, s26  }
0x7c: {  	[tilespmem:s25], [sflag:$0x1] =	stream.indirect.gather [hbm4b:s4+s19], $0x80, s26, s19, $0xb8;
	[tilespmem:$0x1E400] =	vst v63  }
.LBB2_12:
0x7d: {  	_ =	sfence.sel $0x180000  }
0x7e: {  	[bflag:$0x0] =	sbarrier.arrive $0xFFFF  }
0x7f: {  	p0 =	sne.s32 s1, $0x0;
	_ =	strace $0x90000050  }
0x80: {  	s0 =	sadd.s32 @!p0 $0x100000, s0;
	[bflag:$0x2] =	sbarrier.arrive $0xFFFF  }
0x81: {  	[sflag:s0] =	ssyncadd.tile.s32 @!p0 $0x1;
	_ =	shalt  }
.Lfunc_end2:
_tile_overlayer_lowered:
.L_overlay_start_2:
0x82: {  	(tag) =	ssettag $0x2  }
0x83: {  	s0 =	rddreg [dreg:$0x0];
	s2 =	stileid.u32  }
0x84: {  	s1 =	rddreg [dreg:$0x1];
	p0 =	sne.s32 s2, $0x0  }
0x85: {  	s3 =	rddreg [dreg:$0x2];
	[bflag:$0x3] =	sbarrier.arrive $0xFFFF;
	s2 =	simm.s32 @!p0 $0x1C03  }
0x86: {  	[timem:s3], [sflag:s2] =	dma.local @!p0 [hbm:s0], s1  }
0x87: {  	s0 =	simm.s32 @!p0 $0x3  }
0x88: {  	_ =	swait.ge @!p0 [sflag:s0], s1  }
0x89: {  	s1 =	ssub.s32 @!p0 $0x0, s1;
	[sflag:s0] =	ssyncset.done @!p0 $0x0  }
0x8a: {  	[sflag:s0] =	ssyncadd.s32 @!p0 s1  }
0x8b: {  	[bflag:$0x3] =	sbarrier.arrive $0xFFFF  }
0x8c: {  	_ =	shalt  }

// kernel: kernel.27.cloned.1.call-start
scs
__scs_entry_jumppad:
0x0: {  	(pc) =	sbr.rel $0x88, $3  }
0x1: {  	(tag) =	ssettag $0x0;
	lr =	simm.s32 $0x1  }
0x2: {  	[smem:$0x3F97] =	sst lr;
	_ =	strace $0xD0000000  }
0x3: {  	_ = 	snop  }
0x4: {  	_ = 	snop  }
0x5: {  	_ = 	snop  }
0x6: {  	_ = 	snop  }
0x7: {  	_ = 	snop  }
__scs_overlays_trampoline_lowered:
0x8: {  	[smem:$0x3FA6] =	sst s0  }
0x9: {  	[smem:$0x3FA7] =	sst s1  }
0xa: {  	[smem:$0x3FA8] =	sst s2  }
0xb: {  	[smem:$0x3FA9] =	sst s3  }
0xc: {  	[smem:$0x3FAA] =	sst s4  }
0xd: {  	[smem:$0x3FAB] =	sst s5  }
0xe: {  	[smem:$0x3FAC] =	sst s6  }
0xf: {  	[smem:$0x3FAD] =	sst s7  }
0x10: {  	[smem:$0x3FAE] =	sst s8  }
0x11: {  	[smem:$0x3FAF] =	sst s9;
	s0 =	simm.s32 @!p0 $0x0  }
0x12: {  	s1 =	sld [smem:$0x3F95];
	s0 =	simm.s32 @p0 $0x1  }
0x13: {  	[smem:$0x3FB0] =	sst s0;
	s0 =	simm.s32 @!p1 $0x0  }
0x14: {  	s2 =	sld [smem:$0x3F94];
	s0 =	simm.s32 @p1 $0x1  }
0x15: {  	[smem:$0x3FB1] =	sst s0;
	s0 =	simm.s32 @!p2 $0x0  }
0x16: {  	s3 =	sld [smem:$0x3FDB];
	s0 =	simm.s32 @p2 $0x1  }
0x17: {  	s4 =	simm.s32 $0x1BF5;
	[smem:$0x3FB3] =	sst s0  }
0x18: {  	s0 =	sld [smem:$0x3F96];
	_ =	swait.ge [sflag:s4], $0x0  }
0x19: {  	s7 =	sld [smem:$0x3F97]  }
0x1a: {  	s8 =	sadd.s32 $0xFFFFE003, lr  }
0x1b: {  	s9 =	sadd.s32 $0xFFFFFEF7, lr;
	s5 =	simm.s32 $0xFFFFFFFF;
	p2 =	slt.u32 s8, $0xFFFFF086  }
0x1c: {  	p1 =	slt.u32 s9, $0xF7A;
	s5 =	simm.s32 @!p2 $0x0  }
0x1d: {  	s5 =	simm.s32 @p1 $0x1;
	p0 =	seq.s32 s7, s2  }
0x1e: {  	s7 =	smul.u32 @!p0 $0xF7A, s2;
	p2 =	seq.s32 @!p0 s5, $0x0  }
0x1f: {  	s9 =	smul.u32 $0xF7A, s1;
	s8 =	simm.s32 @!p0 $0x1BF5;
	p2 =	por !p2, p0  }
0x20: {  	[sflag:s8] =	ssyncset.s32 @!p0 $0xFFFFF086;
	s6 =	sadd.s32 @!p0 s3, s7;
	s7 =	simm.s32 @!p0 $0x108  }
0x21: {  	s3 =	sadd.s32 s3, s9;
	s6 =	sadd.s32 @!p0 $0x88, s6;
	s7 =	simm.s32 @p2 $0x1082  }
0x22: {  	[simem:s7], [sflag:s8] =	dma.local @!p0 [hbm:s6], $0xF7A  }
0x23: {  	s9 =	sor.u32 $0xD0000000, s2;
	s6 =	simm.s32 $0x108;
	_ =	swait.ge @!p0 [sflag:s8], $0x0  }
0x24: {  	s3 =	sadd.s32 $0x88, s3;
	s6 =	simm.s32 @!p1 $0x1082;
	[sflag:s4] =	ssyncset.s32 $0xFFFFF086  }
0x25: {  	[simem:s6], [sflag:s4] =	dma.local [hbm:s3], $0xF7A  }
0x26: {  	[smem:$0x3F97] =	sst s1;
	(tag) =	ssettag s2;
	_ =	strace s9  }
0x27: {  	s1 =	sld [smem:$0x3FA7]  }
0x28: {  	s2 =	sld [smem:$0x3FA8]  }
0x29: {  	s4 =	sld [smem:$0x3FAA]  }
0x2a: {  	p0 =	seq.s32 s5, $0x0;
	s5 =	sld [smem:$0x3FAB]  }
0x2b: {  	s6 =	sld [smem:$0x3FAC]  }
0x2c: {  	s7 =	sld [smem:$0x3FAD]  }
0x2d: {  	s3 =	simm.s32 $0x108;
	s8 =	sld [smem:$0x3FAE]  }
0x2e: {  	s3 =	simm.s32 @!p0 $0x1082;
	s9 =	sld [smem:$0x3FAF]  }
0x2f: {  	lr =	sadd.s32 s0, s3;
	s0 =	sld [smem:$0x3FA6]  }
0x30: {  	s3 =	sld [smem:$0x3FA9]  }
0x31: {  	[smem:$0x3FB2] =	sst s10  }
0x32: {  	s10 =	sld [smem:$0x3FB0];
	_ =	sdelay $0x3  }
0x33: {  	p0 =	seq.s32 s10, $0x1;
	s10 =	sld [smem:$0x3FB2];
	_ =	sdelay $0x3  }
0x34: {  	[smem:$0x3FB2] =	sst s10  }
0x35: {  	s10 =	sld [smem:$0x3FB1];
	_ =	sdelay $0x3  }
0x36: {  	p1 =	seq.s32 s10, $0x1;
	s10 =	sld [smem:$0x3FB2];
	_ =	sdelay $0x3  }
0x37: {  	[smem:$0x3FB2] =	sst s10  }
0x38: {  	s10 =	sld [smem:$0x3FB3]  }
0x39: {  	_ = 	snop;
	(pc) =	sbr.ind lr, $3  }
0x3a: {  	_ = 	snop  }
0x3b: {  	_ = 	snop  }
0x3c: {  	p2 =	seq.s32 s10, $0x1;
	s10 =	sld [smem:$0x3FB2]  }
0x3d: {  	_ =	shalt  }
0x3e: {  	_ =	shalt  }
0x3f: {  	_ =	shalt  }
0x40: {  	_ =	shalt  }
0x41: {  	_ =	shalt  }
0x42: {  	_ =	shalt  }
0x43: {  	_ =	shalt  }
0x44: {  	_ =	shalt  }
0x45: {  	_ =	shalt  }
0x46: {  	_ =	shalt  }
0x47: {  	_ =	shalt  }
0x48: {  	_ =	shalt  }
0x49: {  	_ =	shalt  }
0x4a: {  	_ =	shalt  }
0x4b: {  	_ =	shalt  }
0x4c: {  	_ =	shalt  }
0x4d: {  	_ =	shalt  }
0x4e: {  	_ =	shalt  }
0x4f: {  	_ =	shalt  }
0x50: {  	_ =	shalt  }
0x51: {  	_ =	shalt  }
0x52: {  	_ =	shalt  }
0x53: {  	_ =	shalt  }
0x54: {  	_ =	shalt  }
0x55: {  	_ =	shalt  }
0x56: {  	_ =	shalt  }
0x57: {  	_ =	shalt  }
0x58: {  	_ =	shalt  }
0x59: {  	_ =	shalt  }
0x5a: {  	_ =	shalt  }
0x5b: {  	_ =	shalt  }
0x5c: {  	_ =	shalt  }
0x5d: {  	_ =	shalt  }
0x5e: {  	_ =	shalt  }
0x5f: {  	_ =	shalt  }
0x60: {  	_ =	shalt  }
0x61: {  	_ =	shalt  }
0x62: {  	_ =	shalt  }
0x63: {  	_ =	shalt  }
0x64: {  	_ =	shalt  }
0x65: {  	_ =	shalt  }
0x66: {  	_ =	shalt  }
0x67: {  	_ =	shalt  }
0x68: {  	_ =	shalt  }
0x69: {  	_ =	shalt  }
0x6a: {  	_ =	shalt  }
0x6b: {  	_ =	shalt  }
0x6c: {  	_ =	shalt  }
0x6d: {  	_ =	shalt  }
0x6e: {  	_ =	shalt  }
0x6f: {  	_ =	shalt  }
0x70: {  	_ =	shalt  }
0x71: {  	_ =	shalt  }
0x72: {  	_ =	shalt  }
0x73: {  	_ =	shalt  }
0x74: {  	_ =	shalt  }
0x75: {  	_ =	shalt  }
0x76: {  	_ =	shalt  }
0x77: {  	_ =	shalt  }
0x78: {  	_ =	shalt  }
0x79: {  	_ =	shalt  }
0x7a: {  	_ =	shalt  }
0x7b: {  	_ =	shalt  }
0x7c: {  	_ =	shalt  }
0x7d: {  	_ =	shalt  }
0x7e: {  	_ =	shalt  }
0x7f: {  	_ =	shalt  }
0x80: {  	_ =	shalt  }
0x81: {  	_ =	shalt  }
0x82: {  	_ =	shalt  }
0x83: {  	_ =	shalt  }
0x84: {  	_ =	shalt  }
0x85: {  	_ =	shalt  }
0x86: {  	_ =	shalt  }
0x87: {  	_ =	shalt  }
.Lfunc_end0:
.L_simem_size_0:
called_computation.4_lowered:
.L_overlay_start_0:
0x88: {  	s2 =	sld [smem:$0x3FD9]  }
0x89: {  	s3 =	sld [smem:$0x3FFE];
	_ =	sdelay $0x1  }
0x8a: {  	s1 =	srdreg.scid  }
0x8b: {  	s0 =	sand.u32 $0x1, s1  }
0x8c: {  	s16 =	sshll.u32 s0, $0xA;
	s2 =	sadd.s32 s3, s2  }
0x8d: {  	s2 =	sadd.s32 s2, s16  }
0x8e: {  	[smem:$0x3FBE] =	sst s2  }
0x8f: {  	_ = 	snop  }
0x90: {  	(tm) =	ssettm $0x1  }
0x91: {  	s17 =	sld [smem:$0x3FFB];
	_ =	sdelay $0x3  }
0x92: {  	_ =	strace s17  }
0x93: {  	s2 =	sld [smem:$0x3FFC];
	_ =	sdelay $0x3  }
0x94: {  	_ =	strace s2  }
0x95: {  	s2 =	sld [smem:$0x3FFD];
	_ =	sdelay $0x3  }
0x96: {  	_ =	strace s2  }
0x97: {  	_ =	strace $0x8FFFFFFF  }
0x98: {  	s18 =	sld [smem:$0x3FDB];
	_ =	sdelay $0x1  }
0x99: {  	s19 =	simm.s32 $_scs_section_size  }
0x9a: {  	s4 =	simm.s32 $_size__tile_overlayer_lowered;
	s5 =	simm.s32 $_tile_overlayer_lowered  }
0x9b: {  	s22 =	simm.s32 $0x1BFF;
	s21 =	sshll.u32 s5, $0x1;
	s2 =	sadd.s32 s19, s18  }
0x9c: {  	s6 =	simm.s32 $0x0;
	s20 =	sshll.u32 s4, $0x1;
	s4 =	sadd.s32 s21, s2  }
0x9d: {  	[timem:s6], [sflag:s22] =	dma.local [hbm:s4], s20  }
0x9e: {  	_ =	swait.ge [sflag:s22], s20  }
0x9f: {  	s3 =	ssub.s32 $0x0, s20;
	[sflag:s22] =	ssyncset.done $0x0  }
0xa0: {  	[sflag:s22] =	ssyncadd.s32 s3;
	_ =	sdelay $0x1  }
0xa1: {  	s23 =	simm.s32 $0x1B8B  }
0xa2: {  	_ =	swait.ge [sflag:s23], $0x1  }
0xa3: {  	[sflag:s23] =	ssyncset.done $0x0  }
0xa4: {  	s25 =	simm.s32 $0x1B8E;
	s24 =	sld [smem:$0x3FFE];
	[sflag:s23] =	ssyncadd.s32 $0xFFFFFFFF  }
0xa5: {  	s26 =	simm.s32 $execute0_lowered;
	[smem:$0x3FD2] =	sst s25  }
0xa6: {  	s4 =	sshll.u32 s26, $0x1;
	_ =	strace $0x80000052;
	[dreg:$0x1] =	wrdreg $0xFFFFFFFF  }
0xa7: {  	s28 =	simm.s32 $_size_execute0_lowered;
	s2 =	sadd.s32 s2, s4;
	[dreg:$0x0] =	wrdreg $0x0  }
0xa8: {  	s4 =	sshll.u32 s28, $0x1;
	[dreg:$0x2] =	wrdreg s2  }
0xa9: {  	[dreg:$0x3] =	wrdreg s4  }
0xaa: {  	[dreg:$0x4] =	wrdreg $0xC0  }
0xab: {  	_ =	task [dreg:s6], $0x5FFFF  }
0xac: {  	[dreg:$0x1] =	wrdreg $0xFFFFFFFF  }
0xad: {  	[dreg:$0x0] =	wrdreg $0x60  }
0xae: {  	[dreg:$0x2] =	wrdreg s24  }
0xaf: {  	[dreg:$0x3] =	wrdreg $0xA8000  }
0xb0: {  	[dreg:$0x4] =	wrdreg $0x9  }
0xb1: {  	_ =	task.clear_ibuf [dreg:s6], $0x5FFFF;
	_ =	strace $0x90000052  }
0xb2: {  	s29 =	simm.s32 $0x9;
	_ =	strace $0x80000054  }
0xb3: {  	_ =	swait.ge [sflag:s29], $0x1  }
0xb4: {  	[sflag:s29] =	ssyncadd.s32 $0xFFFFFFFF  }
0xb5: {  	_ =	strace $0x90000054  }
0xb6: {  	_ =	sfence  }
0xb7: {  	s30 =	sld [smem:$0x0];
	_ =	sdelay $0x2  }
0xb8: {  	s31 =	sshll.u32 s1, $0xD;
	s1 =	sshrl.u32 s1, $0x2  }
0xb9: {  	s3 =	sand.u32 $0x4000, s31;
	s1 =	sadd.s32 s1, s30  }
0xba: {  	s0 =	sor.u32 s3, s0;
	s1 =	sshll.u32 s1, $0x11  }
0xbb: {  	s0 =	sor.u32 s1, s0  }
0xbc: {  	s0 =	sadd.s32 $0x8F2B, s0  }
0xbd: {  	[sflag:s0] =	ssyncadd.remote.s32 $0x1  }
0xbe: {  	_ =	sfence.sel $0xFFFF  }
0xbf: {  	[dreg:$0x0] =	wrdreg $0xFFFFFFFF;
	(pc) =	sbr.abs _section_cstart, $3  }
0xc0: {  	[dreg:$0x1] =	wrdreg $0xFFFFFFFF  }
0xc1: {  	_ =	task.clear_ibuf [dreg:s6], $0x2FFFF;
	_ =	strace $0x9FFFFFFF  }
0xc2: {  	(tm) =	ssettm $0x7FFFFFFF  }
0xc3: {  	_ =	shalt  }
tec
execute0_lowered:
.L_overlay_start_1:
0x0: {  	(tag) =	ssettag $0x1  }
0x1: {  	s6 =	rddreg [dreg:$0x0]  }
0x2: {  	s2 =	rddreg [dreg:$0x1]  }
0x3: {  	s0 =	rddreg [dreg:$0x2]  }
0x4: {  	s3 =	simm.s32 $0x0;
	s4 =	srdreg.scid;
	s1 =	stileid.u32  }
0x5: {  	s18 =	simm.s32 $0x1400;
	s19 =	simm.s32 $0x80;
	s20 =	simm.s32 $0x1  }
0x6: {  	s21 =	simm.s32 $0x2;
	[smem:$0x7FF] =	sst s3;
	s7 =	smul.u32 $0x2780, s1  }
0x7: {  	s5 =	sand.u32 $0x1, s4;
	s4 =	sadd.s32 $0x106000, s6;
	s9 =	smul.u32 $0x4F000, s1  }
0x8: {  	s12 =	sadd.s32 $0xDC00, s6;
	s13 =	sadd.s32 $0x3C00, s6;
	s8 =	smul.u32 $0x27800, s5  }
0x9: {  	_ =	strace $0x80000053;
	s28 =	sshll.u32 s5, $0x4;
	s10 =	ssub.s32 $0x2, s5  }
0xa: {  	s29 =	sshrl.u32 s9, $0x2;
	s7 =	sadd.s32 s7, s8;
	s8 =	sor.u32 s1, s28  }
0xb: {  	s30 =	sshrl.u32 s10, $0x1;
	s5 =	sadd.s32 s29, s2;
	s11 =	smul.u32 $0x2800, s8  }
0xc: {  	s15 =	ssub.s32 s10, s30;
	s14 =	sadd.s32 s7, s6;
	s16 =	smul.u32 $0x500, s8  }
.Ltmp0:
0xd: {  	s6 =	sadd.s32 $0x4000, s5;
	s7 =	sadd.s32 $0x8000, s5;
	(pc) =	sbr.rel .LBB2_1-.Ltmp0, $4  }
0xe: {  	s8 =	sadd.s32 $0xC000, s5;
	s9 =	sadd.s32 $0xFC00, s5;
	s15 =	smax.u32 s15, $0x1  }
0xf: {  	s14 =	sadd.s32 $0x8FE00, s14;
	s31 =	sshrl.u32 s11, $0x3;
	s10 =	sadd.s32 s12, s16  }
0x10: {  	s11 =	sadd.s32 s13, s16;
	s16 =	simm.s32 $0x2800;
	s17 =	sadd.s32 $0x280, s31  }
0x11: {  	v0 =	vimm.f32 $0.0e+00;
	s12 =	sadd.s32 s12, s17;
	s13 =	sadd.s32 s13, s17;
	s17 =	simm.s32 $0x3  }
.LBB2_11:
0x12: {  	_ =	swait.ge [sflag:s21], $0x4000  }
0x13: {  	s22 =	sshll.u32 s1, $0x6;
	s3 =	sadd.s32 $0x1, s3;
	[sflag:s21] =	ssyncset.done $0x0  }
0x14: {  	s23 =	sshrl.u32 s5, $0x3;
	p0 =	sne.s32 s3, s15;
	[sflag:s21] =	ssyncadd.s32 $0xFFFFC000  }
.Ltmp1:
0x15: {  	s22 =	sor.u32 $0x1C03, s22;
	[bflag:$0x0] =	sbarrier.arrive $0xFFFF;
	(pc) =	sbr.rel @!p0 .LBB2_12-.Ltmp1, $4  }
0x16: {  	[hbm:s14], [sflag:s22] =	dma.local [spmem:s23], $0x2780  }
0x17: {  	_ =	swait.ge [sflag:s17], $0x2780  }
0x18: {  	[sflag:s17] =	ssyncset.done $0x0  }
0x19: {  	[sflag:s17] =	ssyncadd.s32 $0xFFFFD880  }
.LBB2_1:
0x1a: {  	s22 =	simm.s32 $0x0;
	s23 =	simm.s32 $0x200  }
.LBB2_2:
0x1b: {  	p0 =	sne.s32 s23, $0xFE00;
	[tilespmem:s22+$0x2870] =	vst v0  }
0x1c: {  	[tilespmem:s22+$0x2800] =	vst v0  }
0x1d: {  	[tilespmem:s22+$0x2810] =	vst v0  }
.Ltmp2:
0x1e: {  	[tilespmem:s22+$0x2820] =	vst v0;
	(pc) =	sbr.rel @p0 .LBB2_2-.Ltmp2, $4  }
0x1f: {  	[tilespmem:s22+$0x2830] =	vst v0  }
0x20: {  	[tilespmem:s22+$0x2840] =	vst v0  }
0x21: {  	[tilespmem:s22+$0x2850] =	vst v0  }
0x22: {  	[tilespmem:s22+$0x2860] =	vst v0;
	s22 =	sshra.s32 s23, $0x2;
	s23 =	sadd.s32 $0x200, s23  }
0x23: {  	[tilespmem:s22+$0x2870] =	vst v0  }
0x24: {  	[tilespmem:s22+$0x2800] =	vst v0  }
0x25: {  	[tilespmem:s22+$0x2810] =	vst v0  }
0x26: {  	[tilespmem:s22+$0x2820] =	vst v0  }
0x27: {  	[tilespmem:s22+$0x2830] =	vst v0  }
0x28: {  	[tilespmem:s22+$0x2840] =	vst v0  }
0x29: {  	[tilespmem:s22+$0x2850] =	vst v0  }
0x2a: {  	[tilespmem:s22+$0x2860] =	vst v0  }
0x2b: {  	[spmem:s5] =	stream.linear.scatter [tilespmem:s16], [sflag:$0x3], $0x4000, $0x38;
	[tilespmem:$0x1E400] =	vst v63  }
0x2c: {  	_ =	swait.ge [sflag:s17], $0x4000  }
0x2d: {  	[sflag:s17] =	ssyncset.done $0x0  }
0x2e: {  	[sflag:s17] =	ssyncadd.s32 $0xFFFFC000  }
0x2f: {  	[spmem:s6] =	stream.linear.scatter [tilespmem:s16], [sflag:$0x3], $0x4000, $0x38;
	[tilespmem:$0x1E400] =	vst v63  }
0x30: {  	_ =	swait.ge [sflag:s17], $0x4000  }
0x31: {  	[sflag:s17] =	ssyncset.done $0x0  }
0x32: {  	[sflag:s17] =	ssyncadd.s32 $0xFFFFC000  }
0x33: {  	[spmem:s7] =	stream.linear.scatter [tilespmem:s16], [sflag:$0x3], $0x4000, $0x38;
	[tilespmem:$0x1E400] =	vst v63  }
0x34: {  	_ =	swait.ge [sflag:s17], $0x4000  }
0x35: {  	[sflag:s17] =	ssyncset.done $0x0  }
0x36: {  	[sflag:s17] =	ssyncadd.s32 $0xFFFFC000  }
0x37: {  	[spmem:s8] =	stream.linear.scatter [tilespmem:s16], [sflag:$0x3], $0x4000, $0x38;
	[tilespmem:$0x1E400] =	vst v63  }
0x38: {  	_ =	swait.ge [sflag:s17], $0x4000  }
0x39: {  	[sflag:s17] =	ssyncset.done $0x0  }
0x3a: {  	[sflag:s17] =	ssyncadd.s32 $0xFFFFC000  }
0x3b: {  	[spmem:s9] =	stream.linear.scatter [tilespmem:s16], [sflag:$0x3], $0x4000, $0x38;
	[tilespmem:$0x1E400] =	vst v63  }
0x3c: {  	_ =	swait.ge [sflag:s17], $0x4000  }
0x3d: {  	[sflag:s17] =	ssyncset.done $0x0  }
0x3e: {  	[sflag:s17] =	ssyncadd.s32 $0xFFFFC000  }
0x3f: {  	s22 =	simm.s32 $0x0;
	[bflag:$0x0] =	sbarrier.arrive $0xFFFF  }
0x40: {  	[tilespmem:s22], [sflag:$0x3] =	stream.linear.gather [hbm4b:s10+s22], $0x1400, $0x38;
	[tilespmem:$0x1E400] =	vst v63  }
0x41: {  	_ =	swait.ge [sflag:s17], $0x1400  }
0x42: {  	[sflag:s17] =	ssyncset.done $0x0  }
0x43: {  	[sflag:s17] =	ssyncadd.s32 $0xFFFFEC00  }
0x44: {  	[tilespmem:s18], [sflag:$0x3] =	stream.linear.gather [hbm4b:s11+s22], $0x1400, $0x38;
	[tilespmem:$0x1E400] =	vst v63  }
.Ltmp3:
0x45: {  	_ = 	snop;
	(pc) =	sbr.rel .LBB2_4-.Ltmp3, $4  }
0x46: {  	_ =	swait.ge [sflag:s17], $0x1400  }
0x47: {  	[sflag:s17] =	ssyncset.done $0x0  }
0x48: {  	[sflag:s17] =	ssyncadd.s32 $0xFFFFEC00  }
0x49: {  	[tilespmem:s16], [sflag:$0x1] =	stream.indirect.gather [hbm4b:s4+s19], $0x80, s22, s19, $0xb8;
	[tilespmem:$0x1E400] =	vst v63  }
.LBB2_6:
0x4a: {  	p0 =	slt.u32 s23, $0x28  }
.Ltmp4:
0x4b: {  	_ =	swait.ge [sflag:s20], $0x4000;
	s22 =	sshll.u32 s22, $0x7;
	(pc) =	sbr.rel @!p0 .LBB2_7-.Ltmp4, $4  }
0x4c: {  	s24 =	sshll.u32 s24, $0xE;
	[sflag:s20] =	ssyncset.done $0x0;
	s22 =	sand.u32 $0x3FFFFF80, s22  }
0x4d: {  	s24 =	sor.u32 $0x2800, s24;
	[sflag:s20] =	ssyncadd.s32 $0xFFFFC000;
	s22 =	sadd.s32 $0x1400, s22  }
0x4e: {  	[spmem:s2] =	stream.indirect.scatter.add.f32 [tilespmem:s24], [sflag:$0x2], $0x80, s22, s19, $0xb8;
	[tilespmem:$0x1E400] =	vst v63  }
0x4f: {  	s22 =	smov.u32 s23  }
.LBB2_4:
0x50: {  	p0 =	seq.s32 s22, $0x0  }
0x51: {  	p1 =	seq.s32 @!p0 s22, $0x27  }
0x52: {  	p1 =	por p0, !p1  }
.Ltmp5:
0x53: {  	_ = 	snop;
	(pc) =	sbr.rel @!p1 .LBB2_6-.Ltmp5, $4  }
0x54: {  	s23 =	simm.s32 @!p0 $0x2  }
0x55: {  	_ =	swait.ge @!p0 [sflag:s23], $0x4000  }
0x56: {  	[sflag:s23] =	ssyncset.done @!p0 $0x0  }
0x57: {  	s24 =	sand.u32 $0x1, s22;
	[sflag:s23] =	ssyncadd.s32 @!p0 $0xFFFFC000;
	s23 =	simm.s32 @!p0 $0x28  }
.Ltmp6:
0x58: {  	s23 =	sadd.s32 @!p0 $0x1, s22;
	(pc) =	sbr.rel .LBB2_6-.Ltmp6, $4  }
0x59: {  	s23 =	simm.s32 @p0 $0x1  }
0x5a: {  	s25 =	sshll.u32 s24, $0xE;
	s26 =	sshll.u32 s23, $0x7  }
0x5b: {  	s25 =	sxor.u32 $0x6800, s25;
	s26 =	sand.u32 $0x3FFFFF80, s26  }
0x5c: {  	[tilespmem:s25], [sflag:$0x1] =	stream.indirect.gather [hbm4b:s4+s19], $0x80, s26, s19, $0xb8;
	[tilespmem:$0x1E400] =	vst v63  }
.LBB2_7:
0x5d: {  	_ =	swait.ge [sflag:s21], $0x4000  }
0x5e: {  	[sflag:s21] =	ssyncset.done $0x0  }
0x5f: {  	s22 =	simm.s32 $0x0;
	[sflag:s21] =	ssyncadd.s32 $0xFFFFC000  }
0x60: {  	[tilespmem:s22], [sflag:$0x3] =	stream.linear.gather [hbm4b:s12+s22], $0x1400, $0x38;
	[tilespmem:$0x1E400] =	vst v63  }
0x61: {  	_ =	swait.ge [sflag:s17], $0x1400  }
0x62: {  	[sflag:s17] =	ssyncset.done $0x0  }
0x63: {  	[sflag:s17] =	ssyncadd.s32 $0xFFFFEC00  }
0x64: {  	[tilespmem:s18], [sflag:$0x3] =	stream.linear.gather [hbm4b:s13+s22], $0x1400, $0x38;
	[tilespmem:$0x1E400] =	vst v63  }
.Ltmp7:
0x65: {  	_ = 	snop;
	(pc) =	sbr.rel .LBB2_8-.Ltmp7, $4  }
0x66: {  	_ =	swait.ge [sflag:s17], $0x1400  }
0x67: {  	[sflag:s17] =	ssyncset.done $0x0  }
0x68: {  	[sflag:s17] =	ssyncadd.s32 $0xFFFFEC00  }
0x69: {  	[tilespmem:s16], [sflag:$0x1] =	stream.indirect.gather [hbm4b:s4+s19], $0x80, s22, s19, $0xb8;
	[tilespmem:$0x1E400] =	vst v63  }
.LBB2_10:
0x6a: {  	p0 =	slt.u32 s23, $0x28  }
.Ltmp8:
0x6b: {  	_ =	swait.ge [sflag:s20], $0x4000;
	s22 =	sshll.u32 s22, $0x7;
	(pc) =	sbr.rel @!p0 .LBB2_11-.Ltmp8, $4  }
0x6c: {  	s24 =	sshll.u32 s24, $0xE;
	[sflag:s20] =	ssyncset.done $0x0;
	s22 =	sand.u32 $0x3FFFFF80, s22  }
0x6d: {  	s24 =	sor.u32 $0x2800, s24;
	[sflag:s20] =	ssyncadd.s32 $0xFFFFC000;
	s22 =	sadd.s32 $0x1400, s22  }
0x6e: {  	[spmem:s2] =	stream.indirect.scatter.add.f32 [tilespmem:s24], [sflag:$0x2], $0x80, s22, s19, $0xb8;
	[tilespmem:$0x1E400] =	vst v63  }
0x6f: {  	s22 =	smov.u32 s23  }
.LBB2_8:
0x70: {  	p0 =	seq.s32 s22, $0x0  }
0x71: {  	p1 =	seq.s32 @!p0 s22, $0x27  }
0x72: {  	p1 =	por p0, !p1  }
.Ltmp9:
0x73: {  	_ = 	snop;
	(pc) =	sbr.rel @!p1 .LBB2_10-.Ltmp9, $4  }
0x74: {  	s23 =	simm.s32 @!p0 $0x2  }
0x75: {  	_ =	swait.ge @!p0 [sflag:s23], $0x4000  }
0x76: {  	[sflag:s23] =	ssyncset.done @!p0 $0x0  }
0x77: {  	s24 =	sand.u32 $0x1, s22;
	[sflag:s23] =	ssyncadd.s32 @!p0 $0xFFFFC000;
	s23 =	simm.s32 @!p0 $0x28  }
.Ltmp10:
0x78: {  	s23 =	sadd.s32 @!p0 $0x1, s22;
	(pc) =	sbr.rel .LBB2_10-.Ltmp10, $4  }
0x79: {  	s23 =	simm.s32 @p0 $0x1  }
0x7a: {  	s25 =	sshll.u32 s24, $0xE;
	s26 =	sshll.u32 s23, $0x7  }
0x7b: {  	s25 =	sxor.u32 $0x6800, s25;
	s26 =	sand.u32 $0x3FFFFF80, s26  }
0x7c: {  	[tilespmem:s25], [sflag:$0x1] =	stream.indirect.gather [hbm4b:s4+s19], $0x80, s26, s19, $0xb8;
	[tilespmem:$0x1E400] =	vst v63  }
.LBB2_12:
0x7d: {  	_ =	sfence.sel $0x180000  }
0x7e: {  	[bflag:$0x0] =	sbarrier.arrive $0xFFFF  }
0x7f: {  	p0 =	sne.s32 s1, $0x0;
	_ =	strace $0x90000053  }
0x80: {  	s0 =	sadd.s32 @!p0 $0x100000, s0;
	[bflag:$0x2] =	sbarrier.arrive $0xFFFF  }
0x81: {  	[sflag:s0] =	ssyncadd.tile.s32 @!p0 $0x1;
	_ =	shalt  }
.Lfunc_end2:
_tile_overlayer_lowered:
.L_overlay_start_2:
0x82: {  	(tag) =	ssettag $0x2  }
0x83: {  	s0 =	rddreg [dreg:$0x0];
	s2 =	stileid.u32  }
0x84: {  	s1 =	rddreg [dreg:$0x1];
	p0 =	sne.s32 s2, $0x0  }
0x85: {  	s3 =	rddreg [dreg:$0x2];
	[bflag:$0x3] =	sbarrier.arrive $0xFFFF;
	s2 =	simm.s32 @!p0 $0x1C03  }
0x86: {  	[timem:s3], [sflag:s2] =	dma.local @!p0 [hbm:s0], s1  }
0x87: {  	s0 =	simm.s32 @!p0 $0x3  }
0x88: {  	_ =	swait.ge @!p0 [sflag:s0], s1  }
0x89: {  	s1 =	ssub.s32 @!p0 $0x0, s1;
	[sflag:s0] =	ssyncset.done @!p0 $0x0  }
0x8a: {  	[sflag:s0] =	ssyncadd.s32 @!p0 s1  }
0x8b: {  	[bflag:$0x3] =	sbarrier.arrive $0xFFFF  }
0x8c: {  	_ =	shalt  }

// kernel: kernel.30.cloned.1.call-start
scs
__scs_entry_jumppad:
0x0: {  	(pc) =	sbr.rel $0x88, $3  }
0x1: {  	(tag) =	ssettag $0x0;
	lr =	simm.s32 $0x1  }
0x2: {  	[smem:$0x3F97] =	sst lr;
	_ =	strace $0xD0000000  }
0x3: {  	_ = 	snop  }
0x4: {  	_ = 	snop  }
0x5: {  	_ = 	snop  }
0x6: {  	_ = 	snop  }
0x7: {  	_ = 	snop  }
__scs_overlays_trampoline_lowered:
0x8: {  	[smem:$0x3FA6] =	sst s0  }
0x9: {  	[smem:$0x3FA7] =	sst s1  }
0xa: {  	[smem:$0x3FA8] =	sst s2  }
0xb: {  	[smem:$0x3FA9] =	sst s3  }
0xc: {  	[smem:$0x3FAA] =	sst s4  }
0xd: {  	[smem:$0x3FAB] =	sst s5  }
0xe: {  	[smem:$0x3FAC] =	sst s6  }
0xf: {  	[smem:$0x3FAD] =	sst s7  }
0x10: {  	[smem:$0x3FAE] =	sst s8  }
0x11: {  	[smem:$0x3FAF] =	sst s9;
	s0 =	simm.s32 @!p0 $0x0  }
0x12: {  	s1 =	sld [smem:$0x3F95];
	s0 =	simm.s32 @p0 $0x1  }
0x13: {  	[smem:$0x3FB0] =	sst s0;
	s0 =	simm.s32 @!p1 $0x0  }
0x14: {  	s2 =	sld [smem:$0x3F94];
	s0 =	simm.s32 @p1 $0x1  }
0x15: {  	[smem:$0x3FB1] =	sst s0;
	s0 =	simm.s32 @!p2 $0x0  }
0x16: {  	s3 =	sld [smem:$0x3FDB];
	s0 =	simm.s32 @p2 $0x1  }
0x17: {  	s4 =	simm.s32 $0x1BF5;
	[smem:$0x3FB3] =	sst s0  }
0x18: {  	s0 =	sld [smem:$0x3F96];
	_ =	swait.ge [sflag:s4], $0x0  }
0x19: {  	s7 =	sld [smem:$0x3F97]  }
0x1a: {  	s8 =	sadd.s32 $0xFFFFE003, lr  }
0x1b: {  	s9 =	sadd.s32 $0xFFFFFEF7, lr;
	s5 =	simm.s32 $0xFFFFFFFF;
	p2 =	slt.u32 s8, $0xFFFFF086  }
0x1c: {  	p1 =	slt.u32 s9, $0xF7A;
	s5 =	simm.s32 @!p2 $0x0  }
0x1d: {  	s5 =	simm.s32 @p1 $0x1;
	p0 =	seq.s32 s7, s2  }
0x1e: {  	s7 =	smul.u32 @!p0 $0xF7A, s2;
	p2 =	seq.s32 @!p0 s5, $0x0  }
0x1f: {  	s9 =	smul.u32 $0xF7A, s1;
	s8 =	simm.s32 @!p0 $0x1BF5;
	p2 =	por !p2, p0  }
0x20: {  	[sflag:s8] =	ssyncset.s32 @!p0 $0xFFFFF086;
	s6 =	sadd.s32 @!p0 s3, s7;
	s7 =	simm.s32 @!p0 $0x108  }
0x21: {  	s3 =	sadd.s32 s3, s9;
	s6 =	sadd.s32 @!p0 $0x88, s6;
	s7 =	simm.s32 @p2 $0x1082  }
0x22: {  	[simem:s7], [sflag:s8] =	dma.local @!p0 [hbm:s6], $0xF7A  }
0x23: {  	s9 =	sor.u32 $0xD0000000, s2;
	s6 =	simm.s32 $0x108;
	_ =	swait.ge @!p0 [sflag:s8], $0x0  }
0x24: {  	s3 =	sadd.s32 $0x88, s3;
	s6 =	simm.s32 @!p1 $0x1082;
	[sflag:s4] =	ssyncset.s32 $0xFFFFF086  }
0x25: {  	[simem:s6], [sflag:s4] =	dma.local [hbm:s3], $0xF7A  }
0x26: {  	[smem:$0x3F97] =	sst s1;
	(tag) =	ssettag s2;
	_ =	strace s9  }
0x27: {  	s1 =	sld [smem:$0x3FA7]  }
0x28: {  	s2 =	sld [smem:$0x3FA8]  }
0x29: {  	s4 =	sld [smem:$0x3FAA]  }
0x2a: {  	p0 =	seq.s32 s5, $0x0;
	s5 =	sld [smem:$0x3FAB]  }
0x2b: {  	s6 =	sld [smem:$0x3FAC]  }
0x2c: {  	s7 =	sld [smem:$0x3FAD]  }
0x2d: {  	s3 =	simm.s32 $0x108;
	s8 =	sld [smem:$0x3FAE]  }
0x2e: {  	s3 =	simm.s32 @!p0 $0x1082;
	s9 =	sld [smem:$0x3FAF]  }
0x2f: {  	lr =	sadd.s32 s0, s3;
	s0 =	sld [smem:$0x3FA6]  }
0x30: {  	s3 =	sld [smem:$0x3FA9]  }
0x31: {  	[smem:$0x3FB2] =	sst s10  }
0x32: {  	s10 =	sld [smem:$0x3FB0];
	_ =	sdelay $0x3  }
0x33: {  	p0 =	seq.s32 s10, $0x1;
	s10 =	sld [smem:$0x3FB2];
	_ =	sdelay $0x3  }
0x34: {  	[smem:$0x3FB2] =	sst s10  }
0x35: {  	s10 =	sld [smem:$0x3FB1];
	_ =	sdelay $0x3  }
0x36: {  	p1 =	seq.s32 s10, $0x1;
	s10 =	sld [smem:$0x3FB2];
	_ =	sdelay $0x3  }
0x37: {  	[smem:$0x3FB2] =	sst s10  }
0x38: {  	s10 =	sld [smem:$0x3FB3]  }
0x39: {  	_ = 	snop;
	(pc) =	sbr.ind lr, $3  }
0x3a: {  	_ = 	snop  }
0x3b: {  	_ = 	snop  }
0x3c: {  	p2 =	seq.s32 s10, $0x1;
	s10 =	sld [smem:$0x3FB2]  }
0x3d: {  	_ =	shalt  }
0x3e: {  	_ =	shalt  }
0x3f: {  	_ =	shalt  }
0x40: {  	_ =	shalt  }
0x41: {  	_ =	shalt  }
0x42: {  	_ =	shalt  }
0x43: {  	_ =	shalt  }
0x44: {  	_ =	shalt  }
0x45: {  	_ =	shalt  }
0x46: {  	_ =	shalt  }
0x47: {  	_ =	shalt  }
0x48: {  	_ =	shalt  }
0x49: {  	_ =	shalt  }
0x4a: {  	_ =	shalt  }
0x4b: {  	_ =	shalt  }
0x4c: {  	_ =	shalt  }
0x4d: {  	_ =	shalt  }
0x4e: {  	_ =	shalt  }
0x4f: {  	_ =	shalt  }
0x50: {  	_ =	shalt  }
0x51: {  	_ =	shalt  }
0x52: {  	_ =	shalt  }
0x53: {  	_ =	shalt  }
0x54: {  	_ =	shalt  }
0x55: {  	_ =	shalt  }
0x56: {  	_ =	shalt  }
0x57: {  	_ =	shalt  }
0x58: {  	_ =	shalt  }
0x59: {  	_ =	shalt  }
0x5a: {  	_ =	shalt  }
0x5b: {  	_ =	shalt  }
0x5c: {  	_ =	shalt  }
0x5d: {  	_ =	shalt  }
0x5e: {  	_ =	shalt  }
0x5f: {  	_ =	shalt  }
0x60: {  	_ =	shalt  }
0x61: {  	_ =	shalt  }
0x62: {  	_ =	shalt  }
0x63: {  	_ =	shalt  }
0x64: {  	_ =	shalt  }
0x65: {  	_ =	shalt  }
0x66: {  	_ =	shalt  }
0x67: {  	_ =	shalt  }
0x68: {  	_ =	shalt  }
0x69: {  	_ =	shalt  }
0x6a: {  	_ =	shalt  }
0x6b: {  	_ =	shalt  }
0x6c: {  	_ =	shalt  }
0x6d: {  	_ =	shalt  }
0x6e: {  	_ =	shalt  }
0x6f: {  	_ =	shalt  }
0x70: {  	_ =	shalt  }
0x71: {  	_ =	shalt  }
0x72: {  	_ =	shalt  }
0x73: {  	_ =	shalt  }
0x74: {  	_ =	shalt  }
0x75: {  	_ =	shalt  }
0x76: {  	_ =	shalt  }
0x77: {  	_ =	shalt  }
0x78: {  	_ =	shalt  }
0x79: {  	_ =	shalt  }
0x7a: {  	_ =	shalt  }
0x7b: {  	_ =	shalt  }
0x7c: {  	_ =	shalt  }
0x7d: {  	_ =	shalt  }
0x7e: {  	_ =	shalt  }
0x7f: {  	_ =	shalt  }
0x80: {  	_ =	shalt  }
0x81: {  	_ =	shalt  }
0x82: {  	_ =	shalt  }
0x83: {  	_ =	shalt  }
0x84: {  	_ =	shalt  }
0x85: {  	_ =	shalt  }
0x86: {  	_ =	shalt  }
0x87: {  	_ =	shalt  }
.Lfunc_end0:
.L_simem_size_0:
called_computation.5_lowered:
.L_overlay_start_0:
0x88: {  	s2 =	sld [smem:$0x3FD9]  }
0x89: {  	s3 =	sld [smem:$0x3FFE];
	_ =	sdelay $0x1  }
0x8a: {  	s1 =	srdreg.scid  }
0x8b: {  	s0 =	sand.u32 $0x1, s1  }
0x8c: {  	s16 =	sshll.u32 s0, $0xA;
	s2 =	sadd.s32 s3, s2  }
0x8d: {  	s2 =	sadd.s32 s2, s16  }
0x8e: {  	[smem:$0x3FBE] =	sst s2  }
0x8f: {  	_ = 	snop  }
0x90: {  	(tm) =	ssettm $0x1  }
0x91: {  	s17 =	sld [smem:$0x3FFB];
	_ =	sdelay $0x3  }
0x92: {  	_ =	strace s17  }
0x93: {  	s2 =	sld [smem:$0x3FFC];
	_ =	sdelay $0x3  }
0x94: {  	_ =	strace s2  }
0x95: {  	s2 =	sld [smem:$0x3FFD];
	_ =	sdelay $0x3  }
0x96: {  	_ =	strace s2  }
0x97: {  	_ =	strace $0x8FFFFFFF  }
0x98: {  	s18 =	sld [smem:$0x3FDB];
	_ =	sdelay $0x1  }
0x99: {  	s19 =	simm.s32 $_scs_section_size  }
0x9a: {  	s4 =	simm.s32 $_size__tile_overlayer_lowered;
	s5 =	simm.s32 $_tile_overlayer_lowered  }
0x9b: {  	s22 =	simm.s32 $0x1BFF;
	s21 =	sshll.u32 s5, $0x1;
	s2 =	sadd.s32 s19, s18  }
0x9c: {  	s6 =	simm.s32 $0x0;
	s20 =	sshll.u32 s4, $0x1;
	s4 =	sadd.s32 s21, s2  }
0x9d: {  	[timem:s6], [sflag:s22] =	dma.local [hbm:s4], s20  }
0x9e: {  	_ =	swait.ge [sflag:s22], s20  }
0x9f: {  	s3 =	ssub.s32 $0x0, s20;
	[sflag:s22] =	ssyncset.done $0x0  }
0xa0: {  	[sflag:s22] =	ssyncadd.s32 s3;
	_ =	sdelay $0x1  }
0xa1: {  	s23 =	simm.s32 $0x1B8B  }
0xa2: {  	_ =	swait.ge [sflag:s23], $0x1  }
0xa3: {  	[sflag:s23] =	ssyncset.done $0x0  }
0xa4: {  	s25 =	simm.s32 $0x1B8E;
	s24 =	sld [smem:$0x3FFE];
	[sflag:s23] =	ssyncadd.s32 $0xFFFFFFFF  }
0xa5: {  	s26 =	simm.s32 $execute0_lowered;
	[smem:$0x3FD2] =	sst s25  }
0xa6: {  	s4 =	sshll.u32 s26, $0x1;
	_ =	strace $0x80000055;
	[dreg:$0x1] =	wrdreg $0xFFFFFFFF  }
0xa7: {  	s28 =	simm.s32 $_size_execute0_lowered;
	s2 =	sadd.s32 s2, s4;
	[dreg:$0x0] =	wrdreg $0x0  }
0xa8: {  	s4 =	sshll.u32 s28, $0x1;
	[dreg:$0x2] =	wrdreg s2  }
0xa9: {  	[dreg:$0x3] =	wrdreg s4  }
0xaa: {  	[dreg:$0x4] =	wrdreg $0xC0  }
0xab: {  	_ =	task [dreg:s6], $0x5FFFF  }
0xac: {  	[dreg:$0x1] =	wrdreg $0xFFFFFFFF  }
0xad: {  	[dreg:$0x0] =	wrdreg $0x60  }
0xae: {  	[dreg:$0x2] =	wrdreg s24  }
0xaf: {  	[dreg:$0x3] =	wrdreg $0xA8000  }
0xb0: {  	[dreg:$0x4] =	wrdreg $0x9  }
0xb1: {  	_ =	task.clear_ibuf [dreg:s6], $0x5FFFF;
	_ =	strace $0x90000055  }
0xb2: {  	s29 =	simm.s32 $0x9;
	_ =	strace $0x80000057  }
0xb3: {  	_ =	swait.ge [sflag:s29], $0x1  }
0xb4: {  	[sflag:s29] =	ssyncadd.s32 $0xFFFFFFFF  }
0xb5: {  	_ =	strace $0x90000057  }
0xb6: {  	_ =	sfence  }
0xb7: {  	s30 =	sld [smem:$0x0];
	_ =	sdelay $0x2  }
0xb8: {  	s31 =	sshll.u32 s1, $0xD;
	s1 =	sshrl.u32 s1, $0x2  }
0xb9: {  	s3 =	sand.u32 $0x4000, s31;
	s1 =	sadd.s32 s1, s30  }
0xba: {  	s0 =	sor.u32 s3, s0;
	s1 =	sshll.u32 s1, $0x11  }
0xbb: {  	s0 =	sor.u32 s1, s0  }
0xbc: {  	s0 =	sadd.s32 $0x8F2B, s0  }
0xbd: {  	[sflag:s0] =	ssyncadd.remote.s32 $0x1  }
0xbe: {  	_ =	sfence.sel $0xFFFF  }
0xbf: {  	[dreg:$0x0] =	wrdreg $0xFFFFFFFF;
	(pc) =	sbr.abs _section_cstart, $3  }
0xc0: {  	[dreg:$0x1] =	wrdreg $0xFFFFFFFF  }
0xc1: {  	_ =	task.clear_ibuf [dreg:s6], $0x2FFFF;
	_ =	strace $0x9FFFFFFF  }
0xc2: {  	(tm) =	ssettm $0x7FFFFFFF  }
0xc3: {  	_ =	shalt  }
tec
execute0_lowered:
.L_overlay_start_1:
0x0: {  	(tag) =	ssettag $0x1  }
0x1: {  	s6 =	rddreg [dreg:$0x0]  }
0x2: {  	s2 =	rddreg [dreg:$0x1]  }
0x3: {  	s0 =	rddreg [dreg:$0x2]  }
0x4: {  	s3 =	simm.s32 $0x0;
	s4 =	srdreg.scid;
	s1 =	stileid.u32  }
0x5: {  	s18 =	simm.s32 $0x1400;
	s19 =	simm.s32 $0x80;
	s20 =	simm.s32 $0x1  }
0x6: {  	s21 =	simm.s32 $0x2;
	[smem:$0x7FF] =	sst s3;
	s7 =	smul.u32 $0x2780, s1  }
0x7: {  	s5 =	sand.u32 $0x1, s4;
	s4 =	sadd.s32 $0x67E00, s6;
	s9 =	smul.u32 $0x4F000, s1  }
0x8: {  	s12 =	sadd.s32 $0xDC00, s6;
	s13 =	sadd.s32 $0x3C00, s6;
	s8 =	smul.u32 $0x27800, s5  }
0x9: {  	_ =	strace $0x80000056;
	s28 =	sshll.u32 s5, $0x4;
	s10 =	ssub.s32 $0x2, s5  }
0xa: {  	s29 =	sshrl.u32 s9, $0x2;
	s7 =	sadd.s32 s7, s8;
	s8 =	sor.u32 s1, s28  }
0xb: {  	s30 =	sshrl.u32 s10, $0x1;
	s5 =	sadd.s32 s29, s2;
	s11 =	smul.u32 $0x2800, s8  }
0xc: {  	s15 =	ssub.s32 s10, s30;
	s14 =	sadd.s32 s7, s6;
	s16 =	smul.u32 $0x500, s8  }
.Ltmp0:
0xd: {  	s6 =	sadd.s32 $0x4000, s5;
	s7 =	sadd.s32 $0x8000, s5;
	(pc) =	sbr.rel .LBB2_1-.Ltmp0, $4  }
0xe: {  	s8 =	sadd.s32 $0xC000, s5;
	s9 =	sadd.s32 $0xFC00, s5;
	s15 =	smax.u32 s15, $0x1  }
0xf: {  	s14 =	sadd.s32 $0x8F000, s14;
	s31 =	sshrl.u32 s11, $0x3;
	s10 =	sadd.s32 s12, s16  }
0x10: {  	s11 =	sadd.s32 s13, s16;
	s16 =	simm.s32 $0x2800;
	s17 =	sadd.s32 $0x280, s31  }
0x11: {  	v0 =	vimm.f32 $0.0e+00;
	s12 =	sadd.s32 s12, s17;
	s13 =	sadd.s32 s13, s17;
	s17 =	simm.s32 $0x3  }
.LBB2_11:
0x12: {  	_ =	swait.ge [sflag:s21], $0x4000  }
0x13: {  	s22 =	sshll.u32 s1, $0x6;
	s3 =	sadd.s32 $0x1, s3;
	[sflag:s21] =	ssyncset.done $0x0  }
0x14: {  	s23 =	sshrl.u32 s5, $0x3;
	p0 =	sne.s32 s3, s15;
	[sflag:s21] =	ssyncadd.s32 $0xFFFFC000  }
.Ltmp1:
0x15: {  	s22 =	sor.u32 $0x1C03, s22;
	[bflag:$0x0] =	sbarrier.arrive $0xFFFF;
	(pc) =	sbr.rel @!p0 .LBB2_12-.Ltmp1, $4  }
0x16: {  	[hbm:s14], [sflag:s22] =	dma.local [spmem:s23], $0x2780  }
0x17: {  	_ =	swait.ge [sflag:s17], $0x2780  }
0x18: {  	[sflag:s17] =	ssyncset.done $0x0  }
0x19: {  	[sflag:s17] =	ssyncadd.s32 $0xFFFFD880  }
.LBB2_1:
0x1a: {  	s22 =	simm.s32 $0x0;
	s23 =	simm.s32 $0x200  }
.LBB2_2:
0x1b: {  	p0 =	sne.s32 s23, $0xFE00;
	[tilespmem:s22+$0x2870] =	vst v0  }
0x1c: {  	[tilespmem:s22+$0x2800] =	vst v0  }
0x1d: {  	[tilespmem:s22+$0x2810] =	vst v0  }
.Ltmp2:
0x1e: {  	[tilespmem:s22+$0x2820] =	vst v0;
	(pc) =	sbr.rel @p0 .LBB2_2-.Ltmp2, $4  }
0x1f: {  	[tilespmem:s22+$0x2830] =	vst v0  }
0x20: {  	[tilespmem:s22+$0x2840] =	vst v0  }
0x21: {  	[tilespmem:s22+$0x2850] =	vst v0  }
0x22: {  	[tilespmem:s22+$0x2860] =	vst v0;
	s22 =	sshra.s32 s23, $0x2;
	s23 =	sadd.s32 $0x200, s23  }
0x23: {  	[tilespmem:s22+$0x2870] =	vst v0  }
0x24: {  	[tilespmem:s22+$0x2800] =	vst v0  }
0x25: {  	[tilespmem:s22+$0x2810] =	vst v0  }
0x26: {  	[tilespmem:s22+$0x2820] =	vst v0  }
0x27: {  	[tilespmem:s22+$0x2830] =	vst v0  }
0x28: {  	[tilespmem:s22+$0x2840] =	vst v0  }
0x29: {  	[tilespmem:s22+$0x2850] =	vst v0  }
0x2a: {  	[tilespmem:s22+$0x2860] =	vst v0  }
0x2b: {  	[spmem:s5] =	stream.linear.scatter [tilespmem:s16], [sflag:$0x3], $0x4000, $0x38;
	[tilespmem:$0x1E400] =	vst v63  }
0x2c: {  	_ =	swait.ge [sflag:s17], $0x4000  }
0x2d: {  	[sflag:s17] =	ssyncset.done $0x0  }
0x2e: {  	[sflag:s17] =	ssyncadd.s32 $0xFFFFC000  }
0x2f: {  	[spmem:s6] =	stream.linear.scatter [tilespmem:s16], [sflag:$0x3], $0x4000, $0x38;
	[tilespmem:$0x1E400] =	vst v63  }
0x30: {  	_ =	swait.ge [sflag:s17], $0x4000  }
0x31: {  	[sflag:s17] =	ssyncset.done $0x0  }
0x32: {  	[sflag:s17] =	ssyncadd.s32 $0xFFFFC000  }
0x33: {  	[spmem:s7] =	stream.linear.scatter [tilespmem:s16], [sflag:$0x3], $0x4000, $0x38;
	[tilespmem:$0x1E400] =	vst v63  }
0x34: {  	_ =	swait.ge [sflag:s17], $0x4000  }
0x35: {  	[sflag:s17] =	ssyncset.done $0x0  }
0x36: {  	[sflag:s17] =	ssyncadd.s32 $0xFFFFC000  }
0x37: {  	[spmem:s8] =	stream.linear.scatter [tilespmem:s16], [sflag:$0x3], $0x4000, $0x38;
	[tilespmem:$0x1E400] =	vst v63  }
0x38: {  	_ =	swait.ge [sflag:s17], $0x4000  }
0x39: {  	[sflag:s17] =	ssyncset.done $0x0  }
0x3a: {  	[sflag:s17] =	ssyncadd.s32 $0xFFFFC000  }
0x3b: {  	[spmem:s9] =	stream.linear.scatter [tilespmem:s16], [sflag:$0x3], $0x4000, $0x38;
	[tilespmem:$0x1E400] =	vst v63  }
0x3c: {  	_ =	swait.ge [sflag:s17], $0x4000  }
0x3d: {  	[sflag:s17] =	ssyncset.done $0x0  }
0x3e: {  	[sflag:s17] =	ssyncadd.s32 $0xFFFFC000  }
0x3f: {  	s22 =	simm.s32 $0x0;
	[bflag:$0x0] =	sbarrier.arrive $0xFFFF  }
0x40: {  	[tilespmem:s22], [sflag:$0x3] =	stream.linear.gather [hbm4b:s10+s22], $0x1400, $0x38;
	[tilespmem:$0x1E400] =	vst v63  }
0x41: {  	_ =	swait.ge [sflag:s17], $0x1400  }
0x42: {  	[sflag:s17] =	ssyncset.done $0x0  }
0x43: {  	[sflag:s17] =	ssyncadd.s32 $0xFFFFEC00  }
0x44: {  	[tilespmem:s18], [sflag:$0x3] =	stream.linear.gather [hbm4b:s11+s22], $0x1400, $0x38;
	[tilespmem:$0x1E400] =	vst v63  }
.Ltmp3:
0x45: {  	_ = 	snop;
	(pc) =	sbr.rel .LBB2_4-.Ltmp3, $4  }
0x46: {  	_ =	swait.ge [sflag:s17], $0x1400  }
0x47: {  	[sflag:s17] =	ssyncset.done $0x0  }
0x48: {  	[sflag:s17] =	ssyncadd.s32 $0xFFFFEC00  }
0x49: {  	[tilespmem:s16], [sflag:$0x1] =	stream.indirect.gather [hbm4b:s4+s19], $0x80, s22, s19, $0xb8;
	[tilespmem:$0x1E400] =	vst v63  }
.LBB2_6:
0x4a: {  	p0 =	slt.u32 s23, $0x28  }
.Ltmp4:
0x4b: {  	_ =	swait.ge [sflag:s20], $0x4000;
	s22 =	sshll.u32 s22, $0x7;
	(pc) =	sbr.rel @!p0 .LBB2_7-.Ltmp4, $4  }
0x4c: {  	s24 =	sshll.u32 s24, $0xE;
	[sflag:s20] =	ssyncset.done $0x0;
	s22 =	sand.u32 $0x3FFFFF80, s22  }
0x4d: {  	s24 =	sor.u32 $0x2800, s24;
	[sflag:s20] =	ssyncadd.s32 $0xFFFFC000;
	s22 =	sadd.s32 $0x1400, s22  }
0x4e: {  	[spmem:s2] =	stream.indirect.scatter.add.f32 [tilespmem:s24], [sflag:$0x2], $0x80, s22, s19, $0xb8;
	[tilespmem:$0x1E400] =	vst v63  }
0x4f: {  	s22 =	smov.u32 s23  }
.LBB2_4:
0x50: {  	p0 =	seq.s32 s22, $0x0  }
0x51: {  	p1 =	seq.s32 @!p0 s22, $0x27  }
0x52: {  	p1 =	por p0, !p1  }
.Ltmp5:
0x53: {  	_ = 	snop;
	(pc) =	sbr.rel @!p1 .LBB2_6-.Ltmp5, $4  }
0x54: {  	s23 =	simm.s32 @!p0 $0x2  }
0x55: {  	_ =	swait.ge @!p0 [sflag:s23], $0x4000  }
0x56: {  	[sflag:s23] =	ssyncset.done @!p0 $0x0  }
0x57: {  	s24 =	sand.u32 $0x1, s22;
	[sflag:s23] =	ssyncadd.s32 @!p0 $0xFFFFC000;
	s23 =	simm.s32 @!p0 $0x28  }
.Ltmp6:
0x58: {  	s23 =	sadd.s32 @!p0 $0x1, s22;
	(pc) =	sbr.rel .LBB2_6-.Ltmp6, $4  }
0x59: {  	s23 =	simm.s32 @p0 $0x1  }
0x5a: {  	s25 =	sshll.u32 s24, $0xE;
	s26 =	sshll.u32 s23, $0x7  }
0x5b: {  	s25 =	sxor.u32 $0x6800, s25;
	s26 =	sand.u32 $0x3FFFFF80, s26  }
0x5c: {  	[tilespmem:s25], [sflag:$0x1] =	stream.indirect.gather [hbm4b:s4+s19], $0x80, s26, s19, $0xb8;
	[tilespmem:$0x1E400] =	vst v63  }
.LBB2_7:
0x5d: {  	_ =	swait.ge [sflag:s21], $0x4000  }
0x5e: {  	[sflag:s21] =	ssyncset.done $0x0  }
0x5f: {  	s22 =	simm.s32 $0x0;
	[sflag:s21] =	ssyncadd.s32 $0xFFFFC000  }
0x60: {  	[tilespmem:s22], [sflag:$0x3] =	stream.linear.gather [hbm4b:s12+s22], $0x1400, $0x38;
	[tilespmem:$0x1E400] =	vst v63  }
0x61: {  	_ =	swait.ge [sflag:s17], $0x1400  }
0x62: {  	[sflag:s17] =	ssyncset.done $0x0  }
0x63: {  	[sflag:s17] =	ssyncadd.s32 $0xFFFFEC00  }
0x64: {  	[tilespmem:s18], [sflag:$0x3] =	stream.linear.gather [hbm4b:s13+s22], $0x1400, $0x38;
	[tilespmem:$0x1E400] =	vst v63  }
.Ltmp7:
0x65: {  	_ = 	snop;
	(pc) =	sbr.rel .LBB2_8-.Ltmp7, $4  }
0x66: {  	_ =	swait.ge [sflag:s17], $0x1400  }
0x67: {  	[sflag:s17] =	ssyncset.done $0x0  }
0x68: {  	[sflag:s17] =	ssyncadd.s32 $0xFFFFEC00  }
0x69: {  	[tilespmem:s16], [sflag:$0x1] =	stream.indirect.gather [hbm4b:s4+s19], $0x80, s22, s19, $0xb8;
	[tilespmem:$0x1E400] =	vst v63  }
.LBB2_10:
0x6a: {  	p0 =	slt.u32 s23, $0x28  }
.Ltmp8:
0x6b: {  	_ =	swait.ge [sflag:s20], $0x4000;
	s22 =	sshll.u32 s22, $0x7;
	(pc) =	sbr.rel @!p0 .LBB2_11-.Ltmp8, $4  }
0x6c: {  	s24 =	sshll.u32 s24, $0xE;
	[sflag:s20] =	ssyncset.done $0x0;
	s22 =	sand.u32 $0x3FFFFF80, s22  }
0x6d: {  	s24 =	sor.u32 $0x2800, s24;
	[sflag:s20] =	ssyncadd.s32 $0xFFFFC000;
	s22 =	sadd.s32 $0x1400, s22  }
0x6e: {  	[spmem:s2] =	stream.indirect.scatter.add.f32 [tilespmem:s24], [sflag:$0x2], $0x80, s22, s19, $0xb8;
	[tilespmem:$0x1E400] =	vst v63  }
0x6f: {  	s22 =	smov.u32 s23  }
.LBB2_8:
0x70: {  	p0 =	seq.s32 s22, $0x0  }
0x71: {  	p1 =	seq.s32 @!p0 s22, $0x27  }
0x72: {  	p1 =	por p0, !p1  }
.Ltmp9:
0x73: {  	_ = 	snop;
	(pc) =	sbr.rel @!p1 .LBB2_10-.Ltmp9, $4  }
0x74: {  	s23 =	simm.s32 @!p0 $0x2  }
0x75: {  	_ =	swait.ge @!p0 [sflag:s23], $0x4000  }
0x76: {  	[sflag:s23] =	ssyncset.done @!p0 $0x0  }
0x77: {  	s24 =	sand.u32 $0x1, s22;
	[sflag:s23] =	ssyncadd.s32 @!p0 $0xFFFFC000;
	s23 =	simm.s32 @!p0 $0x28  }
.Ltmp10:
0x78: {  	s23 =	sadd.s32 @!p0 $0x1, s22;
	(pc) =	sbr.rel .LBB2_10-.Ltmp10, $4  }
0x79: {  	s23 =	simm.s32 @p0 $0x1  }
0x7a: {  	s25 =	sshll.u32 s24, $0xE;
	s26 =	sshll.u32 s23, $0x7  }
0x7b: {  	s25 =	sxor.u32 $0x6800, s25;
	s26 =	sand.u32 $0x3FFFFF80, s26  }
0x7c: {  	[tilespmem:s25], [sflag:$0x1] =	stream.indirect.gather [hbm4b:s4+s19], $0x80, s26, s19, $0xb8;
	[tilespmem:$0x1E400] =	vst v63  }
.LBB2_12:
0x7d: {  	_ =	sfence.sel $0x180000  }
0x7e: {  	[bflag:$0x0] =	sbarrier.arrive $0xFFFF  }
0x7f: {  	p0 =	sne.s32 s1, $0x0;
	_ =	strace $0x90000056  }
0x80: {  	s0 =	sadd.s32 @!p0 $0x100000, s0;
	[bflag:$0x2] =	sbarrier.arrive $0xFFFF  }
0x81: {  	[sflag:s0] =	ssyncadd.tile.s32 @!p0 $0x1;
	_ =	shalt  }
.Lfunc_end2:
_tile_overlayer_lowered:
.L_overlay_start_2:
0x82: {  	(tag) =	ssettag $0x2  }
0x83: {  	s0 =	rddreg [dreg:$0x0];
	s2 =	stileid.u32  }
0x84: {  	s1 =	rddreg [dreg:$0x1];
	p0 =	sne.s32 s2, $0x0  }
0x85: {  	s3 =	rddreg [dreg:$0x2];
	[bflag:$0x3] =	sbarrier.arrive $0xFFFF;
	s2 =	simm.s32 @!p0 $0x1C03  }
0x86: {  	[timem:s3], [sflag:s2] =	dma.local @!p0 [hbm:s0], s1  }
0x87: {  	s0 =	simm.s32 @!p0 $0x3  }
0x88: {  	_ =	swait.ge @!p0 [sflag:s0], s1  }
0x89: {  	s1 =	ssub.s32 @!p0 $0x0, s1;
	[sflag:s0] =	ssyncset.done @!p0 $0x0  }
0x8a: {  	[sflag:s0] =	ssyncadd.s32 @!p0 s1  }
0x8b: {  	[bflag:$0x3] =	sbarrier.arrive $0xFFFF  }
0x8c: {  	_ =	shalt  }

</sc_bundles>
